<compile_context>
chip_gen: v7x
topology: tpu7x:2x2x1
jax: 0.10.2.dev20260603
libtpu: 0.0.44.dev20260713+nightly
codegen_flags: <defaults>
</compile_context>

<pallas_src>
import functools

import jax
import jax.numpy as jnp
from jax import lax
from jax.experimental import pallas as pl
from jax.experimental.pallas import tpu as pltpu
from jax.experimental.pallas import tpu_sc as plsc

_B, _N, _E, _DIN, _H, _DOUT = 8, 1250, 40000, 128, 128, 64
_TOT = _B * _N
_NE = _B * _E
_NC, _NS = 2, 16
_NW = _NC * _NS
_CH = 128
_NE_PAD = -(-_NE // 2048) * 2048
_SCN = _TOT // _NC
_TPN = 320
_ACC = 5120
_RPT = _ACC // _NS
_LMAX = _NE + _CH
_LPAD = -(-_LMAX // _CH) * _CH
_SCAN = 2048


def _leaky(x):
    return jnp.where(x >= 0, x, 0.01 * x)


def _dot(a, b):
    return jnp.dot(a, b, preferred_element_type=jnp.float32)


def _sc_mesh():
    return plsc.VectorSubcoreMesh(
        core_axis_name="c", subcore_axis_name="s", num_cores=_NC, num_subcores=_NS
    )


@functools.lru_cache(maxsize=None)
def _build_partition():
    @functools.partial(
        pl.kernel,
        mesh=_sc_mesh(),
        out_type=(
            jax.ShapeDtypeStruct((_NW, 1, _LPAD), jnp.int32),
            jax.ShapeDtypeStruct((_NW, 1, _LPAD), jnp.int32),
            jax.ShapeDtypeStruct((_NW, 1, 16), jnp.int32),
        ),
        scratch_types=[
            pltpu.VMEM((_SCAN,), jnp.int32),
            pltpu.VMEM((_SCAN,), jnp.int32),
            pltpu.VMEM((_CH + 32,), jnp.int32),
            pltpu.VMEM((_CH + 32,), jnp.int32),
            pltpu.VMEM((16,), jnp.int32),
        ],
        compiler_params=pltpu.CompilerParams(needs_layout_passes=False),
    )
    def _part(src_hbm, dst_hbm, osrc, odst, ocnt, in_s, in_d, st_s, st_d, cnt_v):
        c = lax.axis_index("c")
        s = lax.axis_index("s")
        w = c * _NS + s
        lo = c * _SCN + s * _TPN
        hi = jnp.minimum(lo + _TPN, (c + 1) * _SCN)
        base = c * _SCN

        def _append(sv, dv, mi, off, nf):
            m = mi > 0
            csum = plsc.cumsum(mi)
            idx = jnp.where(m, off + csum - mi, _CH + 16)
            plsc.store_scatter(st_s, [idx], sv)
            plsc.store_scatter(st_d, [idx], dv)
            off = off + csum[15]
            fl = off >= _CH

            @pl.when(fl)
            def _():
                pltpu.sync_copy(st_s.at[pl.ds(0, _CH)],
                                osrc.at[w, 0, pl.ds(nf * _CH, _CH)])
                pltpu.sync_copy(st_d.at[pl.ds(0, _CH)],
                                odst.at[w, 0, pl.ds(nf * _CH, _CH)])
                st_s[pl.ds(0, 16)] = st_s[pl.ds(_CH, 16)]
                st_d[pl.ds(0, 16)] = st_d[pl.ds(_CH, 16)]

            off = jnp.where(fl, off - _CH, off)
            nf = jnp.where(fl, nf + 1, nf)
            return off, nf

        def _scan_chunk(g, carry):
            off, nf = carry
            pltpu.sync_copy(src_hbm.at[pl.ds(g * _SCAN, _SCAN)], in_s)
            pltpu.sync_copy(dst_hbm.at[pl.ds(g * _SCAN, _SCAN)], in_d)

            def _vreg(j, carry2):
                off2, nf2 = carry2
                sv = in_s[pl.ds(j * 16, 16)]
                dv = in_d[pl.ds(j * 16, 16)]
                mi = jnp.maximum(
                    jnp.minimum(jnp.minimum(dv - (lo - 1), hi - dv), 1), 0)
                return _append(sv, dv - base, mi, off2, nf2)

            return lax.fori_loop(0, _SCAN // 16, _vreg, (off, nf))

        off, nf = lax.fori_loop(0, _NE_PAD // _SCAN, _scan_chunk, (0, 0))

        dsv = jnp.zeros((16,), jnp.int32)
        ddv = jnp.broadcast_to(_SCN + s, (16,))
        ones = dsv + 1
        for _ in range(_CH // 16):
            off, nf = _append(dsv, ddv, ones, off, nf)

        cnt_v[...] = jnp.broadcast_to(nf, (16,))
        pltpu.sync_copy(cnt_v, ocnt.at[w, 0])

    return _part


def _partition_edges(src, dst):
    return _build_partition()(src, dst)


@functools.lru_cache(maxsize=None)
def _build_sc_segment_sum():
    @functools.partial(
        pl.kernel,
        mesh=_sc_mesh(),
        out_type=jax.ShapeDtypeStruct((_NC, _ACC, _H), jnp.float32),
        scratch_types=[
            pltpu.VMEM((16,), jnp.int32),
            pltpu.VMEM((_CH,), jnp.int32),
            pltpu.VMEM((_CH,), jnp.int32),
            pltpu.VMEM((_CH,), jnp.int32),
            pltpu.VMEM((_CH,), jnp.int32),
            pltpu.VMEM((_CH, _H), jnp.float32),
            pltpu.VMEM((_CH, _H), jnp.float32),
            pltpu.VMEM_SHARED((_ACC, _H), jnp.float32),
            pltpu.SemaphoreType.DMA,
            pltpu.SemaphoreType.DMA,
        ],
        compiler_params=pltpu.CompilerParams(needs_layout_passes=False),
    )
    def _seg(x_hbm, osrc, odst, ocnt, out_hbm, cnt_v, src_a, src_b, dst_a,
             dst_b, rows_a, rows_b, agg_sh, sem_a, sem_b):
        c = lax.axis_index("c")
        s = lax.axis_index("s")
        w = c * _NS + s

        zv = jnp.zeros((16,), jnp.float32)

        def _zrow(i, carry):
            def _zcol(j, carry2):
                rows_a[i, pl.ds(j * 16, 16)] = zv
                return carry2

            return lax.fori_loop(0, _H // 16, _zcol, carry)

        lax.fori_loop(0, _CH, _zrow, 0)
        pltpu.sync_copy(rows_a, agg_sh.at[pl.ds(s * _RPT, _CH)])
        pltpu.sync_copy(rows_a, agg_sh.at[pl.ds(s * _RPT + _CH, _CH)])
        pltpu.sync_copy(rows_a.at[pl.ds(0, _RPT - 2 * _CH)],
                        agg_sh.at[pl.ds(s * _RPT + 2 * _CH, _RPT - 2 * _CH)])
        plsc.subcore_barrier()

        pltpu.sync_copy(ocnt.at[w, 0], cnt_v)
        nch = jnp.max(cnt_v[...], axis=0)

        def _issue(i, src_x, rows_x, sem_x):
            pltpu.sync_copy(osrc.at[w, 0, pl.ds(i * _CH, _CH)], src_x)
            pltpu.async_copy(x_hbm.at[src_x], rows_x, sem_x)

        @pl.when(nch > 0)
        def _():
            _issue(0, src_a, rows_a, sem_a)

        def _consume(i, src_x, rows_x, sem_x, dst_x, src_y, rows_y, sem_y):
            pltpu.make_async_copy(x_hbm.at[src_x], rows_x, sem_x).wait()

            @pl.when(i + 1 < nch)
            def _():
                _issue(i + 1, src_y, rows_y, sem_y)

            pltpu.sync_copy(odst.at[w, 0, pl.ds(i * _CH, _CH)], dst_x)
            pltpu.sync_copy(rows_x, agg_sh.at[dst_x], add=True)

        def _body(i, carry):
            even = lax.rem(i, 2) == 0

            @pl.when(even)
            def _():
                _consume(i, src_a, rows_a, sem_a, dst_a, src_b, rows_b, sem_b)

            @pl.when(jnp.logical_not(even))
            def _():
                _consume(i, src_b, rows_b, sem_b, dst_b, src_a, rows_a, sem_a)

            return carry

        lax.fori_loop(0, nch, _body, 0)

        plsc.subcore_barrier()
        pltpu.sync_copy(
            agg_sh.at[pl.ds(s * _RPT, _RPT)], out_hbm.at[c, pl.ds(s * _RPT, _RPT)]
        )

    return _seg


def _sc_segment_sum(x, osrc, odst, ocnt):
    return _build_sc_segment_sum()(x, osrc, odst, ocnt)


def _conv_body(x_ref, agg_ref, e_ref, w1_ref, b1_ref, w2_ref, b2_ref, o_ref):
    h = e_ref[...] * x_ref[...] + agg_ref[0]
    h = _leaky(_dot(h, w1_ref[...]) + b1_ref[...])
    h = _leaky(_dot(h, w2_ref[...]) + b2_ref[...])
    o_ref[...] = _leaky(h)


_CROWS = 1000


def _tc_conv(x, agg, epsv, w1, b1, w2, b2):
    grid = (_TOT // _CROWS,)
    return pl.pallas_call(
        _conv_body,
        grid=grid,
        in_specs=[
            pl.BlockSpec((_CROWS, _H), lambda i: (i, 0)),
            pl.BlockSpec((1, _CROWS, _H), lambda i: (i // 5, i % 5, 0)),
            pl.BlockSpec((1, _H), lambda i: (0, 0)),
            pl.BlockSpec((_H, _H), lambda i: (0, 0)),
            pl.BlockSpec((1, _H), lambda i: (0, 0)),
            pl.BlockSpec((_H, _H), lambda i: (0, 0)),
            pl.BlockSpec((1, _H), lambda i: (0, 0)),
        ],
        out_specs=pl.BlockSpec((_CROWS, _H), lambda i: (i, 0)),
        out_shape=jax.ShapeDtypeStruct((_TOT, _H), jnp.float32),
    )(x, agg, epsv, w1, b1, w2, b2)


def _head_body(x_ref, m_ref, w1_ref, b1_ref, w2_ref, b2_ref, w3_ref, b3_ref, o_ref):
    xb = x_ref[0]
    h = _leaky(_dot(xb, w1_ref[...]) + b1_ref[...])
    h = _leaky(_dot(h, w2_ref[...]) + b2_ref[...])
    z = _dot(h, w3_ref[...]) + b3_ref[...]
    z = jnp.where(m_ref[0] != 0, z, -jnp.inf)
    zm = jnp.max(z, axis=0, keepdims=True)
    ez = jnp.exp(z - zm)
    o_ref[0] = ez / jnp.sum(ez, axis=0, keepdims=True)


def _tc_head(x3, m3, w1, b1, w2, b2, w3, b3):
    return pl.pallas_call(
        _head_body,
        grid=(_B,),
        in_specs=[
            pl.BlockSpec((1, _N, _H), lambda b: (b, 0, 0)),
            pl.BlockSpec((1, _N, 1), lambda b: (b, 0, 0)),
            pl.BlockSpec((_H, _H), lambda b: (0, 0)),
            pl.BlockSpec((1, _H), lambda b: (0, 0)),
            pl.BlockSpec((_H, _DOUT), lambda b: (0, 0)),
            pl.BlockSpec((1, _DOUT), lambda b: (0, 0)),
            pl.BlockSpec((_DOUT, 1), lambda b: (0, 0)),
            pl.BlockSpec((1, 1), lambda b: (0, 0)),
        ],
        out_specs=pl.BlockSpec((1, _N, 1), lambda b: (b, 0, 0)),
        out_shape=jax.ShapeDtypeStruct((_B, _N, 1), jnp.float32),
    )(x3, m3, w1, b1, w2, b2, w3, b3)


def kernel(graph_nodes, graph_edge_links, graph_edges, mask, params):
    del graph_edges
    links = graph_edge_links.astype(jnp.int32)
    offs = (jnp.arange(_B, dtype=jnp.int32) * _N)[:, None]
    src = (links[:, 0, :] + offs).reshape(-1)
    dst = (links[:, 1, :] + offs).reshape(-1)
    npad = _NE_PAD - _NE
    src = jnp.concatenate([src, jnp.zeros((npad,), jnp.int32)])
    dst = jnp.concatenate([dst, jnp.full((npad,), _TOT, jnp.int32)])
    osrc, odst, ocnt = _partition_edges(src, dst)

    x = graph_nodes.reshape(_TOT, _DIN)
    for li in range(4):
        p = params["conv%d" % li]
        agg = _sc_segment_sum(x, osrc, odst, ocnt)
        epsv = jnp.full((1, _H), 1.0, jnp.float32) + p["eps"]
        x = _tc_conv(x, agg, epsv, p["W1"], p["b1"].reshape(1, _H),
                     p["W2"], p["b2"].reshape(1, _H))

    m3 = mask.astype(jnp.int32).reshape(_B, _N, 1)
    probs = _tc_head(
        x.reshape(_B, _N, _H), m3,
        params["lin1"]["W"], params["lin1"]["b"].reshape(1, _H),
        params["lin2"]["W"], params["lin2"]["b"].reshape(1, _DOUT),
        params["lin3"]["W"], params["lin3"]["b"].reshape(1, 1),
    )
    return probs.reshape(_B, _N)

# --- scband reference (transcript-rebuilt; emitter-appended) ---
"""Pipeline reference for scband-ginnet-tianshou-ppo-actor-44976897524024 (READ-ONLY COPY).

The authoritative reference and input builder live on the scoring server;
editing this copy changes nothing except your own understanding.
"""

import jax, jax.numpy as jnp
import numpy as np

B, N, E, DIN, H, DOUT = 8, 1250, 40000, 128, 128, 64


def _lin_init(k, fan_in, fan_out):
    s = 1.0 / np.sqrt(fan_in)
    kw, kb = jax.random.split(k)
    W = jax.random.uniform(kw, (fan_in, fan_out), minval=-s, maxval=s, dtype=jnp.float32)
    b = jax.random.uniform(kb, (fan_out,), minval=-s, maxval=s, dtype=jnp.float32)
    return W, b


def setup_inputs(seed: int = 0) -> dict:
    key = jax.random.key(seed)
    ks = jax.random.split(key, 16)
    graph_nodes = jax.random.normal(ks[0], (B, N, DIN), dtype=jnp.float32)
    graph_edge_links = jax.random.randint(ks[1], (B, 2, E), 0, N)
    graph_edges = jax.random.normal(ks[2], (B, E, 4), dtype=jnp.float32)
    mask = jax.random.randint(ks[3], (B, N), 0, 2)
    params = {}
    idx = 4
    for li in range(4):
        d_in = DIN if li == 0 else H
        W1, b1 = _lin_init(ks[idx], d_in, H); idx += 1
        W2, b2 = _lin_init(ks[idx], H, H); idx += 1
        params['conv%d' % li] = {'W1': W1, 'b1': b1, 'W2': W2, 'b2': b2, 'eps': jnp.zeros((), jnp.float32)}
    W, b = _lin_init(ks[idx], H, H); idx += 1
    params['lin1'] = {'W': W, 'b': b}
    W, b = _lin_init(ks[idx], H, DOUT); idx += 1
    params['lin2'] = {'W': W, 'b': b}
    W, b = _lin_init(ks[idx], DOUT, 1); idx += 1
    params['lin3'] = {'W': W, 'b': b}
    return {'graph_nodes': graph_nodes, 'graph_edge_links': graph_edge_links,
            'graph_edges': graph_edges, 'mask': mask, 'params': params}


def _leaky(x):
    return jnp.where(x >= 0, x, 0.01 * x)


def _forward(graph_nodes, params, src, dst, mask):
    Bn, Nn, D = graph_nodes.shape
    total = Bn * Nn
    x = graph_nodes.reshape(total, D)
    for li in range(4):
        p = params['conv%d' % li]
        # GINConv: out = mlp((1+eps)*x + sum_{j in N(i)} x_j)
        agg = jax.ops.segment_sum(x[src], dst, num_segments=total)
        h = (1.0 + p['eps']) * x + agg
        h = _leaky(h @ p['W1'] + p['b1'])
        h = _leaky(h @ p['W2'] + p['b2'])
        x = _leaky(h)  # outer leaky_relu applied after each conv in forward
    x = _leaky(x @ params['lin1']['W'] + params['lin1']['b'])
    x = _leaky(x @ params['lin2']['W'] + params['lin2']['b'])
    x = x @ params['lin3']['W'] + params['lin3']['b']
    logits = x.reshape(Bn, Nn)
    logits = jnp.where(mask != 0, logits, -jnp.inf)
    return jax.nn.softmax(logits, axis=1)


def reference(graph_nodes, graph_edge_links, graph_edges, mask, params):
    Bn = graph_edges.shape[0]
    Nn = graph_nodes.shape[1]
    offsets = (jnp.arange(Bn) * Nn)[:, None]
    src = (graph_edge_links[:, 0, :] + offsets).reshape(-1)
    dst = (graph_edge_links[:, 1, :] + offsets).reshape(-1)
    return _forward(graph_nodes, params, src, dst, mask)

if __name__ == "__main__":
    import jax
    _d = setup_inputs()
    print(jax.jit(kernel)(*tuple(_d.values())))

</pallas_src>

<mosaic_0001>
#map = affine_map<(d0, d1) -> (0, 0)>
#map1 = affine_map<(d0, d1) -> (0, 0, 0)>
module attributes {stable_mosaic.version = 14 : i64} {
  func.func @_seg(%arg0: i32, %arg1: i32, %arg2: memref<10000x128xf32, #tpu.memory_space<hbm>>, %arg3: memref<32x1x320128xi32, #tpu.memory_space<hbm>>, %arg4: memref<32x1x320128xi32, #tpu.memory_space<hbm>>, %arg5: memref<32x1x16xi32, #tpu.memory_space<hbm>>, %arg6: memref<2x5120x128xf32, #tpu.memory_space<hbm>>, %arg7: memref<16xi32, #tpu.memory_space<vmem>>, %arg8: memref<128xi32, #tpu.memory_space<vmem>>, %arg9: memref<128xi32, #tpu.memory_space<vmem>>, %arg10: memref<128xi32, #tpu.memory_space<vmem>>, %arg11: memref<128xi32, #tpu.memory_space<vmem>>, %arg12: memref<128x128xf32, #tpu.memory_space<vmem>>, %arg13: memref<128x128xf32, #tpu.memory_space<vmem>>, %arg14: memref<5120x128xf32, #tpu.memory_space<vmem_shared>>, %arg15: memref<!tpu.dma_semaphore, #tpu.memory_space<semaphore_mem>>, %arg16: memref<!tpu.dma_semaphore, #tpu.memory_space<semaphore_mem>>) attributes {dimension_semantics = [#tpu.dimension_semantics<core_parallel>, #tpu.dimension_semantics<subcore_parallel>], iteration_bounds = array<i64: 2, 16>, scalar_prefetch = 0 : i64, scratch_operands = 10 : i64, tpu.core_type = #tpu.core_type<sc_vector_subcore>, window_params = [{transform_indices = #map}, {transform_indices = #map1}, {transform_indices = #map1}, {transform_indices = #map1}, {transform_indices = #map1}]} {
    %mul3A = arith.constant 16 : i32
    %mul3A_0 = arith.muli %arg0, %mul3A : i32
    %add3A = arith.addi %mul3A_0, %arg1 : i32
    %broadcast_in_dim3A = arith.constant 0.000000e+00 : f32
    %broadcast_in_dim3A_1 = vector.broadcast %broadcast_in_dim3A : f32 to vector<16xf32>
    %scan3A = arith.constant 0 : i32
    %scan3A_2 = arith.constant 0 : i32
    %scan3A_3 = arith.constant 128 : i32
    %scan3A_4 = arith.addi %scan3A_2, %scan3A_3 : i32
    %scan3A_5 = arith.constant 1 : i32
    scf.for %scan3A_41 = %scan3A_2 to %scan3A_4 step %scan3A_5  : i32 {
      %scan3A_42 = arith.constant 0 : i32
      %scan3A_43 = arith.constant 8 : i32
      %scan3A_44 = arith.addi %scan3A_42, %scan3A_43 : i32
      %scan3A_45 = arith.constant 1 : i32
      scf.for %scan3A_47 = %scan3A_42 to %scan3A_44 step %scan3A_45  : i32 {
        %mul3A_48 = arith.constant 16 : i32
        %mul3A_49 = arith.muli %scan3A_47, %mul3A_48 : i32
        %swap3A = arith.index_cast %scan3A_41 : i32 to index
        %swap3A_50 = arith.index_cast %mul3A_49 : i32 to index
        %swap3A_51 = tpu.vector_load %arg12[%swap3A, %swap3A_50] {strides = array<i32>} : memref<128x128xf32, #tpu.memory_space<vmem>>, vector<16xf32>,
        tpu.vector_store %arg12[%swap3A, %swap3A_50], %broadcast_in_dim3A_1 {strides = array<i32>} : memref<128x128xf32, #tpu.memory_space<vmem>>, vector<16xf32>,
      }
      %scan3A_46 = arith.constant 8 : i32
    }
    %scan3A_6 = arith.constant 128 : i32
    %mul3A_7 = arith.constant 320 : i32
    %mul3A_8 = arith.muli %arg1, %mul3A_7 : i32
    "tpu.region"() ({
      %run_scoped3A_41 = tpu.sem_alloc : memref<!tpu.dma_semaphore, #tpu.memory_space<semaphore_mem>>
      %dma_start3A = arith.constant 0 : i32
      %dma_start3A_42 = tpu.memref_slice %arg14[%mul3A_8, %dma_start3A] : memref<5120x128xf32, #tpu.memory_space<vmem_shared>> -> memref<128x128xf32, #tpu.memory_space<vmem_shared>>
      %dma_start3A_43 = arith.constant 0 : i32
      %dma_start3A_44 = tpu.memref_slice %arg14[%mul3A_8, %dma_start3A_43] : memref<5120x128xf32, #tpu.memory_space<vmem_shared>> -> memref<128x128xf32, #tpu.memory_space<vmem_shared>>
      tpu.enqueue_dma source(%arg12 : memref<128x128xf32, #tpu.memory_space<vmem>>) target(%dma_start3A_44 : memref<128x128xf32, #tpu.memory_space<vmem_shared>>) target_semaphore(%run_scoped3A_41 : memref<!tpu.dma_semaphore, #tpu.memory_space<semaphore_mem>>)
      %dma_wait3A = arith.constant 0 : i32
      %dma_wait3A_45 = tpu.memref_slice %arg14[%mul3A_8, %dma_wait3A] : memref<5120x128xf32, #tpu.memory_space<vmem_shared>> -> memref<128x128xf32, #tpu.memory_space<vmem_shared>>
      %dma_wait3A_46 = arith.constant 0 : i32
      %dma_wait3A_47 = tpu.memref_slice %arg14[%mul3A_8, %dma_wait3A_46] : memref<5120x128xf32, #tpu.memory_space<vmem_shared>> -> memref<128x128xf32, #tpu.memory_space<vmem_shared>>
      tpu.wait_dma2 semaphore(%run_scoped3A_41 : memref<!tpu.dma_semaphore, #tpu.memory_space<semaphore_mem>>) src(%arg12 : memref<128x128xf32, #tpu.memory_space<vmem>>) dst(%dma_wait3A_47 : memref<128x128xf32, #tpu.memory_space<vmem_shared>>)
      tpu.yield
    }) : () -> ()
    %mul3A_9 = arith.constant 320 : i32
    %mul3A_10 = arith.muli %arg1, %mul3A_9 : i32
    %add3A_11 = arith.constant 128 : i32
    %add3A_12 = arith.addi %mul3A_10, %add3A_11 : i32
    "tpu.region"() ({
      %run_scoped3A_41 = tpu.sem_alloc : memref<!tpu.dma_semaphore, #tpu.memory_space<semaphore_mem>>
      %dma_start3A = arith.constant 0 : i32
      %dma_start3A_42 = tpu.memref_slice %arg14[%add3A_12, %dma_start3A] : memref<5120x128xf32, #tpu.memory_space<vmem_shared>> -> memref<128x128xf32, #tpu.memory_space<vmem_shared>>
      %dma_start3A_43 = arith.constant 0 : i32
      %dma_start3A_44 = tpu.memref_slice %arg14[%add3A_12, %dma_start3A_43] : memref<5120x128xf32, #tpu.memory_space<vmem_shared>> -> memref<128x128xf32, #tpu.memory_space<vmem_shared>>
      tpu.enqueue_dma source(%arg12 : memref<128x128xf32, #tpu.memory_space<vmem>>) target(%dma_start3A_44 : memref<128x128xf32, #tpu.memory_space<vmem_shared>>) target_semaphore(%run_scoped3A_41 : memref<!tpu.dma_semaphore, #tpu.memory_space<semaphore_mem>>)
      %dma_wait3A = arith.constant 0 : i32
      %dma_wait3A_45 = tpu.memref_slice %arg14[%add3A_12, %dma_wait3A] : memref<5120x128xf32, #tpu.memory_space<vmem_shared>> -> memref<128x128xf32, #tpu.memory_space<vmem_shared>>
      %dma_wait3A_46 = arith.constant 0 : i32
      %dma_wait3A_47 = tpu.memref_slice %arg14[%add3A_12, %dma_wait3A_46] : memref<5120x128xf32, #tpu.memory_space<vmem_shared>> -> memref<128x128xf32, #tpu.memory_space<vmem_shared>>
      tpu.wait_dma2 semaphore(%run_scoped3A_41 : memref<!tpu.dma_semaphore, #tpu.memory_space<semaphore_mem>>) src(%arg12 : memref<128x128xf32, #tpu.memory_space<vmem>>) dst(%dma_wait3A_47 : memref<128x128xf32, #tpu.memory_space<vmem_shared>>)
      tpu.yield
    }) : () -> ()
    %mul3A_13 = arith.constant 320 : i32
    %mul3A_14 = arith.muli %arg1, %mul3A_13 : i32
    %add3A_15 = arith.constant 256 : i32
    %add3A_16 = arith.addi %mul3A_14, %add3A_15 : i32
    "tpu.region"() ({
      %run_scoped3A_41 = tpu.sem_alloc : memref<!tpu.dma_semaphore, #tpu.memory_space<semaphore_mem>>
      %dma_start3A = arith.constant 0 : i32
      %dma_start3A_42 = arith.constant 0 : i32
      %dma_start3A_43 = tpu.memref_slice %arg12[%dma_start3A, %dma_start3A_42] : memref<128x128xf32, #tpu.memory_space<vmem>> -> memref<64x128xf32, #tpu.memory_space<vmem>>
      %dma_start3A_44 = arith.constant 0 : i32
      %dma_start3A_45 = tpu.memref_slice %arg14[%add3A_16, %dma_start3A_44] : memref<5120x128xf32, #tpu.memory_space<vmem_shared>> -> memref<64x128xf32, #tpu.memory_space<vmem_shared>>
      %dma_start3A_46 = arith.constant 0 : i32
      %dma_start3A_47 = tpu.memref_slice %arg14[%add3A_16, %dma_start3A_46] : memref<5120x128xf32, #tpu.memory_space<vmem_shared>> -> memref<64x128xf32, #tpu.memory_space<vmem_shared>>
      %dma_start3A_48 = arith.constant 0 : i32
      %dma_start3A_49 = arith.constant 0 : i32
      %dma_start3A_50 = tpu.memref_slice %arg12[%dma_start3A_48, %dma_start3A_49] : memref<128x128xf32, #tpu.memory_space<vmem>> -> memref<64x128xf32, #tpu.memory_space<vmem>>
      tpu.enqueue_dma source(%dma_start3A_50 : memref<64x128xf32, #tpu.memory_space<vmem>>) target(%dma_start3A_47 : memref<64x128xf32, #tpu.memory_space<vmem_shared>>) target_semaphore(%run_scoped3A_41 : memref<!tpu.dma_semaphore, #tpu.memory_space<semaphore_mem>>)
      %dma_wait3A = arith.constant 0 : i32
      %dma_wait3A_51 = arith.constant 0 : i32
      %dma_wait3A_52 = tpu.memref_slice %arg12[%dma_wait3A, %dma_wait3A_51] : memref<128x128xf32, #tpu.memory_space<vmem>> -> memref<64x128xf32, #tpu.memory_space<vmem>>
      %dma_wait3A_53 = arith.constant 0 : i32
      %dma_wait3A_54 = tpu.memref_slice %arg14[%add3A_16, %dma_wait3A_53] : memref<5120x128xf32, #tpu.memory_space<vmem_shared>> -> memref<64x128xf32, #tpu.memory_space<vmem_shared>>
      %dma_wait3A_55 = arith.constant 0 : i32
      %dma_wait3A_56 = tpu.memref_slice %arg14[%add3A_16, %dma_wait3A_55] : memref<5120x128xf32, #tpu.memory_space<vmem_shared>> -> memref<64x128xf32, #tpu.memory_space<vmem_shared>>
      %dma_wait3A_57 = arith.constant 0 : i32
      %dma_wait3A_58 = arith.constant 0 : i32
      %dma_wait3A_59 = tpu.memref_slice %arg12[%dma_wait3A_57, %dma_wait3A_58] : memref<128x128xf32, #tpu.memory_space<vmem>> -> memref<64x128xf32, #tpu.memory_space<vmem>>
      tpu.wait_dma2 semaphore(%run_scoped3A_41 : memref<!tpu.dma_semaphore, #tpu.memory_space<semaphore_mem>>) src(%dma_wait3A_59 : memref<64x128xf32, #tpu.memory_space<vmem>>) dst(%dma_wait3A_56 : memref<64x128xf32, #tpu.memory_space<vmem_shared>>)
      tpu.yield
    }) : () -> ()
    %barrier3A = arith.constant 0 : index
    tpu.barrier barrier_id(%barrier3A)
    %run_scoped3A = arith.constant 0 : i32
    "tpu.region"() ({
      %run_scoped3A_41 = tpu.sem_alloc : memref<!tpu.dma_semaphore, #tpu.memory_space<semaphore_mem>>
      %dma_start3A = arith.constant 0 : i32
      %dma_start3A_42 = tpu.memref_slice %arg5[%add3A, %run_scoped3A, %dma_start3A] : memref<32x1x16xi32, #tpu.memory_space<hbm>> -> memref<1x1x16xi32, #tpu.memory_space<hbm>>
      %dma_start3A_43 = tpu.memref_squeeze %dma_start3A_42 : memref<1x1x16xi32, #tpu.memory_space<hbm>> -> memref<16xi32, #tpu.memory_space<hbm>>
      %dma_start3A_44 = arith.constant 0 : i32
      %dma_start3A_45 = tpu.memref_slice %arg5[%add3A, %run_scoped3A, %dma_start3A_44] : memref<32x1x16xi32, #tpu.memory_space<hbm>> -> memref<1x1x16xi32, #tpu.memory_space<hbm>>
      %dma_start3A_46 = tpu.memref_squeeze %dma_start3A_45 : memref<1x1x16xi32, #tpu.memory_space<hbm>> -> memref<16xi32, #tpu.memory_space<hbm>>
      tpu.enqueue_dma source(%dma_start3A_46 : memref<16xi32, #tpu.memory_space<hbm>>) target(%arg7 : memref<16xi32, #tpu.memory_space<vmem>>) target_semaphore(%run_scoped3A_41 : memref<!tpu.dma_semaphore, #tpu.memory_space<semaphore_mem>>)
      %dma_wait3A = arith.constant 0 : i32
      %dma_wait3A_47 = tpu.memref_slice %arg5[%add3A, %run_scoped3A, %dma_wait3A] : memref<32x1x16xi32, #tpu.memory_space<hbm>> -> memref<1x1x16xi32, #tpu.memory_space<hbm>>
      %dma_wait3A_48 = tpu.memref_squeeze %dma_wait3A_47 : memref<1x1x16xi32, #tpu.memory_space<hbm>> -> memref<16xi32, #tpu.memory_space<hbm>>
      %dma_wait3A_49 = arith.constant 0 : i32
      %dma_wait3A_50 = tpu.memref_slice %arg5[%add3A, %run_scoped3A, %dma_wait3A_49] : memref<32x1x16xi32, #tpu.memory_space<hbm>> -> memref<1x1x16xi32, #tpu.memory_space<hbm>>
      %dma_wait3A_51 = tpu.memref_squeeze %dma_wait3A_50 : memref<1x1x16xi32, #tpu.memory_space<hbm>> -> memref<16xi32, #tpu.memory_space<hbm>>
      tpu.wait_dma2 semaphore(%run_scoped3A_41 : memref<!tpu.dma_semaphore, #tpu.memory_space<semaphore_mem>>) src(%dma_wait3A_51 : memref<16xi32, #tpu.memory_space<hbm>>) dst(%arg7 : memref<16xi32, #tpu.memory_space<vmem>>)
      tpu.yield
    }) : () -> ()
    %get3A = arith.constant 0 : index
    %get3A_17 = tpu.vector_load %arg7[%get3A] {strides = array<i32>} : memref<16xi32, #tpu.memory_space<vmem>>, vector<16xi32>,
    %reduce_max3A = arith.constant true
    %reduce_max3A_18 = vector.broadcast %reduce_max3A : i1 to vector<16xi1>
    %reduce_max3A_19 = arith.constant -2147483648 : i32
    %reduce_max3A_20 = vector.broadcast %reduce_max3A_19 : i32 to vector<16xi32>
    %reduce_max3A_21 = arith.xori %get3A_17, %reduce_max3A_20 : vector<16xi32>
    %reduce_max3A_22 = tpu.scan <max>, %reduce_max3A_21 masked %reduce_max3A_18 : vector<16xi32>, vector<16xi1> -> vector<16xi32>
    %reduce_max3A_23 = arith.xori %reduce_max3A_22, %reduce_max3A_20 : vector<16xi32>
    %reduce_max3A_24 = vector.extract %reduce_max3A_23[15] : i32 from vector<16xi32>
    %gt3A = arith.constant 0 : i32
    %gt3A_25 = arith.cmpi sgt, %reduce_max3A_24, %gt3A : i32
    %convert_element_type3A = arith.extui %gt3A_25 : i1 to i32
    %cond3A = arith.constant 0 : i32
    %cond3A_26 = arith.cmpi ne, %convert_element_type3A, %cond3A : i32
    scf.if %cond3A_26 {
      %run_scoped3A_41 = arith.constant 0 : i32
      "tpu.region"() ({
        %run_scoped3A_44 = tpu.sem_alloc : memref<!tpu.dma_semaphore, #tpu.memory_space<semaphore_mem>>
        %dma_start3A_45 = arith.constant 0 : i32
        %dma_start3A_46 = tpu.memref_slice %arg3[%add3A, %run_scoped3A_41, %dma_start3A_45] : memref<32x1x320128xi32, #tpu.memory_space<hbm>> -> memref<1x1x128xi32, #tpu.memory_space<hbm>>
        %dma_start3A_47 = tpu.memref_squeeze %dma_start3A_46 : memref<1x1x128xi32, #tpu.memory_space<hbm>> -> memref<128xi32, #tpu.memory_space<hbm>>
        %dma_start3A_48 = arith.constant 0 : i32
        %dma_start3A_49 = tpu.memref_slice %arg3[%add3A, %run_scoped3A_41, %dma_start3A_48] : memref<32x1x320128xi32, #tpu.memory_space<hbm>> -> memref<1x1x128xi32, #tpu.memory_space<hbm>>
        %dma_start3A_50 = tpu.memref_squeeze %dma_start3A_49 : memref<1x1x128xi32, #tpu.memory_space<hbm>> -> memref<128xi32, #tpu.memory_space<hbm>>
        tpu.enqueue_dma source(%dma_start3A_50 : memref<128xi32, #tpu.memory_space<hbm>>) target(%arg8 : memref<128xi32, #tpu.memory_space<vmem>>) target_semaphore(%run_scoped3A_44 : memref<!tpu.dma_semaphore, #tpu.memory_space<semaphore_mem>>)
        %dma_wait3A = arith.constant 0 : i32
        %dma_wait3A_51 = tpu.memref_slice %arg3[%add3A, %run_scoped3A_41, %dma_wait3A] : memref<32x1x320128xi32, #tpu.memory_space<hbm>> -> memref<1x1x128xi32, #tpu.memory_space<hbm>>
        %dma_wait3A_52 = tpu.memref_squeeze %dma_wait3A_51 : memref<1x1x128xi32, #tpu.memory_space<hbm>> -> memref<128xi32, #tpu.memory_space<hbm>>
        %dma_wait3A_53 = arith.constant 0 : i32
        %dma_wait3A_54 = tpu.memref_slice %arg3[%add3A, %run_scoped3A_41, %dma_wait3A_53] : memref<32x1x320128xi32, #tpu.memory_space<hbm>> -> memref<1x1x128xi32, #tpu.memory_space<hbm>>
        %dma_wait3A_55 = tpu.memref_squeeze %dma_wait3A_54 : memref<1x1x128xi32, #tpu.memory_space<hbm>> -> memref<128xi32, #tpu.memory_space<hbm>>
        tpu.wait_dma2 semaphore(%run_scoped3A_44 : memref<!tpu.dma_semaphore, #tpu.memory_space<semaphore_mem>>) src(%dma_wait3A_55 : memref<128xi32, #tpu.memory_space<hbm>>) dst(%arg8 : memref<128xi32, #tpu.memory_space<vmem>>)
        tpu.yield
      }) : () -> ()
      %dma_start3A = arith.constant 0 : i32
      %dma_start3A_42 = arith.constant 0 : i32
      %dma_start3A_43 = tpu.memref_slice %arg2[%dma_start3A, %dma_start3A_42] : memref<10000x128xf32, #tpu.memory_space<hbm>> -> memref<10000x128xf32, #tpu.memory_space<hbm>>
      tpu.enqueue_indirect_dma source(%dma_start3A_43 : memref<10000x128xf32, #tpu.memory_space<hbm>>) target(%arg12 : memref<128x128xf32, #tpu.memory_space<vmem>>) offsets(%arg8 : memref<128xi32, #tpu.memory_space<vmem>>) semaphore(%arg15 : memref<!tpu.dma_semaphore, #tpu.memory_space<semaphore_mem>>)
    } else {
    }
    %while3A = arith.constant 0 : i32
    %while3A_27 = arith.constant 0 : i32
    %while3A_28 = arith.subi %reduce_max3A_24, %while3A_27 : i32
    %while3A_29 = arith.addi %while3A_27, %while3A_28 : i32
    %while3A_30 = arith.constant 1 : i32
    %while3A_31 = arith.divsi %while3A_28, %while3A_30 : i32
    %while3A_32 = arith.muli %while3A_31, %while3A_30 : i32
    %while3A_33 = arith.addi %while3A_27, %while3A_32 : i32
    %while3A_34 = arith.constant 1 : i32
    scf.for %while3A_41 = %while3A_27 to %while3A_33 step %while3A_34  : i32 {
      %rem3A = arith.constant 2 : i32
      %rem3A_42 = arith.remsi %while3A_41, %rem3A : i32
      %eq3A = arith.constant 0 : i32
      %eq3A_43 = arith.cmpi eq, %rem3A_42, %eq3A : i32
      %convert_element_type3A_44 = arith.extui %eq3A_43 : i1 to i32
      %cond3A_45 = arith.constant 0 : i32
      %cond3A_46 = arith.cmpi ne, %convert_element_type3A_44, %cond3A_45 : i32
      scf.if %cond3A_46 {
        %dma_wait3A = arith.constant 0 : i32
        %dma_wait3A_51 = arith.constant 0 : i32
        %dma_wait3A_52 = tpu.memref_slice %arg2[%dma_wait3A, %dma_wait3A_51] : memref<10000x128xf32, #tpu.memory_space<hbm>> -> memref<10000x128xf32, #tpu.memory_space<hbm>>
        tpu.wait_indirect_dma semaphore(%arg15 : memref<!tpu.dma_semaphore, #tpu.memory_space<semaphore_mem>>) src(%dma_wait3A_52 : memref<10000x128xf32, #tpu.memory_space<hbm>>) dst(%arg12 : memref<128x128xf32, #tpu.memory_space<vmem>>)
        %add3A_53 = arith.constant 1 : i32
        %add3A_54 = arith.addi %while3A_41, %add3A_53 : i32
        %lt3A = arith.cmpi slt, %add3A_54, %reduce_max3A_24 : i32
        %convert_element_type3A_55 = arith.extui %lt3A : i1 to i32
        %cond3A_56 = arith.constant 0 : i32
        %cond3A_57 = arith.cmpi ne, %convert_element_type3A_55, %cond3A_56 : i32
        scf.if %cond3A_57 {
          %add3A_61 = arith.constant 1 : i32
          %add3A_62 = arith.addi %while3A_41, %add3A_61 : i32
          %mul3A_63 = arith.constant 128 : i32
          %mul3A_64 = arith.muli %add3A_62, %mul3A_63 : i32
          %run_scoped3A_65 = arith.constant 0 : i32
          "tpu.region"() ({
            %run_scoped3A_68 = tpu.sem_alloc : memref<!tpu.dma_semaphore, #tpu.memory_space<semaphore_mem>>
            %dma_start3A_69 = tpu.memref_slice %arg3[%add3A, %run_scoped3A_65, %mul3A_64] : memref<32x1x320128xi32, #tpu.memory_space<hbm>> -> memref<1x1x128xi32, #tpu.memory_space<hbm>>
            %dma_start3A_70 = tpu.memref_squeeze %dma_start3A_69 : memref<1x1x128xi32, #tpu.memory_space<hbm>> -> memref<128xi32, #tpu.memory_space<hbm>>
            %dma_start3A_71 = tpu.memref_slice %arg3[%add3A, %run_scoped3A_65, %mul3A_64] : memref<32x1x320128xi32, #tpu.memory_space<hbm>> -> memref<1x1x128xi32, #tpu.memory_space<hbm>>
            %dma_start3A_72 = tpu.memref_squeeze %dma_start3A_71 : memref<1x1x128xi32, #tpu.memory_space<hbm>> -> memref<128xi32, #tpu.memory_space<hbm>>
            tpu.enqueue_dma source(%dma_start3A_72 : memref<128xi32, #tpu.memory_space<hbm>>) target(%arg9 : memref<128xi32, #tpu.memory_space<vmem>>) target_semaphore(%run_scoped3A_68 : memref<!tpu.dma_semaphore, #tpu.memory_space<semaphore_mem>>)
            %dma_wait3A_73 = tpu.memref_slice %arg3[%add3A, %run_scoped3A_65, %mul3A_64] : memref<32x1x320128xi32, #tpu.memory_space<hbm>> -> memref<1x1x128xi32, #tpu.memory_space<hbm>>
            %dma_wait3A_74 = tpu.memref_squeeze %dma_wait3A_73 : memref<1x1x128xi32, #tpu.memory_space<hbm>> -> memref<128xi32, #tpu.memory_space<hbm>>
            %dma_wait3A_75 = tpu.memref_slice %arg3[%add3A, %run_scoped3A_65, %mul3A_64] : memref<32x1x320128xi32, #tpu.memory_space<hbm>> -> memref<1x1x128xi32, #tpu.memory_space<hbm>>
            %dma_wait3A_76 = tpu.memref_squeeze %dma_wait3A_75 : memref<1x1x128xi32, #tpu.memory_space<hbm>> -> memref<128xi32, #tpu.memory_space<hbm>>
            tpu.wait_dma2 semaphore(%run_scoped3A_68 : memref<!tpu.dma_semaphore, #tpu.memory_space<semaphore_mem>>) src(%dma_wait3A_76 : memref<128xi32, #tpu.memory_space<hbm>>) dst(%arg9 : memref<128xi32, #tpu.memory_space<vmem>>)
            tpu.yield
          }) : () -> ()
          %dma_start3A = arith.constant 0 : i32
          %dma_start3A_66 = arith.constant 0 : i32
          %dma_start3A_67 = tpu.memref_slice %arg2[%dma_start3A, %dma_start3A_66] : memref<10000x128xf32, #tpu.memory_space<hbm>> -> memref<10000x128xf32, #tpu.memory_space<hbm>>
          tpu.enqueue_indirect_dma source(%dma_start3A_67 : memref<10000x128xf32, #tpu.memory_space<hbm>>) target(%arg13 : memref<128x128xf32, #tpu.memory_space<vmem>>) offsets(%arg9 : memref<128xi32, #tpu.memory_space<vmem>>) semaphore(%arg16 : memref<!tpu.dma_semaphore, #tpu.memory_space<semaphore_mem>>)
        } else {
        }
        %mul3A_58 = arith.constant 128 : i32
        %mul3A_59 = arith.muli %while3A_41, %mul3A_58 : i32
        %run_scoped3A_60 = arith.constant 0 : i32
        "tpu.region"() ({
          %run_scoped3A_61 = tpu.sem_alloc : memref<!tpu.dma_semaphore, #tpu.memory_space<semaphore_mem>>
          %dma_start3A = tpu.memref_slice %arg4[%add3A, %run_scoped3A_60, %mul3A_59] : memref<32x1x320128xi32, #tpu.memory_space<hbm>> -> memref<1x1x128xi32, #tpu.memory_space<hbm>>
          %dma_start3A_62 = tpu.memref_squeeze %dma_start3A : memref<1x1x128xi32, #tpu.memory_space<hbm>> -> memref<128xi32, #tpu.memory_space<hbm>>
          %dma_start3A_63 = tpu.memref_slice %arg4[%add3A, %run_scoped3A_60, %mul3A_59] : memref<32x1x320128xi32, #tpu.memory_space<hbm>> -> memref<1x1x128xi32, #tpu.memory_space<hbm>>
          %dma_start3A_64 = tpu.memref_squeeze %dma_start3A_63 : memref<1x1x128xi32, #tpu.memory_space<hbm>> -> memref<128xi32, #tpu.memory_space<hbm>>
          tpu.enqueue_dma source(%dma_start3A_64 : memref<128xi32, #tpu.memory_space<hbm>>) target(%arg10 : memref<128xi32, #tpu.memory_space<vmem>>) target_semaphore(%run_scoped3A_61 : memref<!tpu.dma_semaphore, #tpu.memory_space<semaphore_mem>>)
          %dma_wait3A_65 = tpu.memref_slice %arg4[%add3A, %run_scoped3A_60, %mul3A_59] : memref<32x1x320128xi32, #tpu.memory_space<hbm>> -> memref<1x1x128xi32, #tpu.memory_space<hbm>>
          %dma_wait3A_66 = tpu.memref_squeeze %dma_wait3A_65 : memref<1x1x128xi32, #tpu.memory_space<hbm>> -> memref<128xi32, #tpu.memory_space<hbm>>
          %dma_wait3A_67 = tpu.memref_slice %arg4[%add3A, %run_scoped3A_60, %mul3A_59] : memref<32x1x320128xi32, #tpu.memory_space<hbm>> -> memref<1x1x128xi32, #tpu.memory_space<hbm>>
          %dma_wait3A_68 = tpu.memref_squeeze %dma_wait3A_67 : memref<1x1x128xi32, #tpu.memory_space<hbm>> -> memref<128xi32, #tpu.memory_space<hbm>>
          tpu.wait_dma2 semaphore(%run_scoped3A_61 : memref<!tpu.dma_semaphore, #tpu.memory_space<semaphore_mem>>) src(%dma_wait3A_68 : memref<128xi32, #tpu.memory_space<hbm>>) dst(%arg10 : memref<128xi32, #tpu.memory_space<vmem>>)
          tpu.yield
        }) : () -> ()
        "tpu.region"() ({
          %run_scoped3A_61 = tpu.sem_alloc : memref<!tpu.dma_semaphore, #tpu.memory_space<semaphore_mem>>
          %dma_start3A = arith.constant 0 : i32
          %dma_start3A_62 = arith.constant 0 : i32
          %dma_start3A_63 = tpu.memref_slice %arg14[%dma_start3A, %dma_start3A_62] : memref<5120x128xf32, #tpu.memory_space<vmem_shared>> -> memref<5120x128xf32, #tpu.memory_space<vmem_shared>>
          tpu.enqueue_indirect_dma source(%arg12 : memref<128x128xf32, #tpu.memory_space<vmem>>) target(%dma_start3A_63 : memref<5120x128xf32, #tpu.memory_space<vmem_shared>>) offsets(%arg10 : memref<128xi32, #tpu.memory_space<vmem>>) semaphore(%run_scoped3A_61 : memref<!tpu.dma_semaphore, #tpu.memory_space<semaphore_mem>>) {add = true}
          %dma_wait3A_64 = arith.constant 0 : i32
          %dma_wait3A_65 = arith.constant 0 : i32
          %dma_wait3A_66 = tpu.memref_slice %arg14[%dma_wait3A_64, %dma_wait3A_65] : memref<5120x128xf32, #tpu.memory_space<vmem_shared>> -> memref<5120x128xf32, #tpu.memory_space<vmem_shared>>
          tpu.wait_indirect_dma semaphore(%run_scoped3A_61 : memref<!tpu.dma_semaphore, #tpu.memory_space<semaphore_mem>>) src(%arg12 : memref<128x128xf32, #tpu.memory_space<vmem>>) dst(%dma_wait3A_66 : memref<5120x128xf32, #tpu.memory_space<vmem_shared>>)
          tpu.yield
        }) : () -> ()
      } else {
      }
      %not3A = arith.constant true
      %not3A_47 = arith.xori %eq3A_43, %not3A : i1
      %convert_element_type3A_48 = arith.extui %not3A_47 : i1 to i32
      %cond3A_49 = arith.constant 0 : i32
      %cond3A_50 = arith.cmpi ne, %convert_element_type3A_48, %cond3A_49 : i32
      scf.if %cond3A_50 {
        %dma_wait3A = arith.constant 0 : i32
        %dma_wait3A_51 = arith.constant 0 : i32
        %dma_wait3A_52 = tpu.memref_slice %arg2[%dma_wait3A, %dma_wait3A_51] : memref<10000x128xf32, #tpu.memory_space<hbm>> -> memref<10000x128xf32, #tpu.memory_space<hbm>>
        tpu.wait_indirect_dma semaphore(%arg16 : memref<!tpu.dma_semaphore, #tpu.memory_space<semaphore_mem>>) src(%dma_wait3A_52 : memref<10000x128xf32, #tpu.memory_space<hbm>>) dst(%arg13 : memref<128x128xf32, #tpu.memory_space<vmem>>)
        %add3A_53 = arith.constant 1 : i32
        %add3A_54 = arith.addi %while3A_41, %add3A_53 : i32
        %lt3A = arith.cmpi slt, %add3A_54, %reduce_max3A_24 : i32
        %convert_element_type3A_55 = arith.extui %lt3A : i1 to i32
        %cond3A_56 = arith.constant 0 : i32
        %cond3A_57 = arith.cmpi ne, %convert_element_type3A_55, %cond3A_56 : i32
        scf.if %cond3A_57 {
          %add3A_61 = arith.constant 1 : i32
          %add3A_62 = arith.addi %while3A_41, %add3A_61 : i32
          %mul3A_63 = arith.constant 128 : i32
          %mul3A_64 = arith.muli %add3A_62, %mul3A_63 : i32
          %run_scoped3A_65 = arith.constant 0 : i32
          "tpu.region"() ({
            %run_scoped3A_68 = tpu.sem_alloc : memref<!tpu.dma_semaphore, #tpu.memory_space<semaphore_mem>>
            %dma_start3A_69 = tpu.memref_slice %arg3[%add3A, %run_scoped3A_65, %mul3A_64] : memref<32x1x320128xi32, #tpu.memory_space<hbm>> -> memref<1x1x128xi32, #tpu.memory_space<hbm>>
            %dma_start3A_70 = tpu.memref_squeeze %dma_start3A_69 : memref<1x1x128xi32, #tpu.memory_space<hbm>> -> memref<128xi32, #tpu.memory_space<hbm>>
            %dma_start3A_71 = tpu.memref_slice %arg3[%add3A, %run_scoped3A_65, %mul3A_64] : memref<32x1x320128xi32, #tpu.memory_space<hbm>> -> memref<1x1x128xi32, #tpu.memory_space<hbm>>
            %dma_start3A_72 = tpu.memref_squeeze %dma_start3A_71 : memref<1x1x128xi32, #tpu.memory_space<hbm>> -> memref<128xi32, #tpu.memory_space<hbm>>
            tpu.enqueue_dma source(%dma_start3A_72 : memref<128xi32, #tpu.memory_space<hbm>>) target(%arg8 : memref<128xi32, #tpu.memory_space<vmem>>) target_semaphore(%run_scoped3A_68 : memref<!tpu.dma_semaphore, #tpu.memory_space<semaphore_mem>>)
            %dma_wait3A_73 = tpu.memref_slice %arg3[%add3A, %run_scoped3A_65, %mul3A_64] : memref<32x1x320128xi32, #tpu.memory_space<hbm>> -> memref<1x1x128xi32, #tpu.memory_space<hbm>>
            %dma_wait3A_74 = tpu.memref_squeeze %dma_wait3A_73 : memref<1x1x128xi32, #tpu.memory_space<hbm>> -> memref<128xi32, #tpu.memory_space<hbm>>
            %dma_wait3A_75 = tpu.memref_slice %arg3[%add3A, %run_scoped3A_65, %mul3A_64] : memref<32x1x320128xi32, #tpu.memory_space<hbm>> -> memref<1x1x128xi32, #tpu.memory_space<hbm>>
            %dma_wait3A_76 = tpu.memref_squeeze %dma_wait3A_75 : memref<1x1x128xi32, #tpu.memory_space<hbm>> -> memref<128xi32, #tpu.memory_space<hbm>>
            tpu.wait_dma2 semaphore(%run_scoped3A_68 : memref<!tpu.dma_semaphore, #tpu.memory_space<semaphore_mem>>) src(%dma_wait3A_76 : memref<128xi32, #tpu.memory_space<hbm>>) dst(%arg8 : memref<128xi32, #tpu.memory_space<vmem>>)
            tpu.yield
          }) : () -> ()
          %dma_start3A = arith.constant 0 : i32
          %dma_start3A_66 = arith.constant 0 : i32
          %dma_start3A_67 = tpu.memref_slice %arg2[%dma_start3A, %dma_start3A_66] : memref<10000x128xf32, #tpu.memory_space<hbm>> -> memref<10000x128xf32, #tpu.memory_space<hbm>>
          tpu.enqueue_indirect_dma source(%dma_start3A_67 : memref<10000x128xf32, #tpu.memory_space<hbm>>) target(%arg12 : memref<128x128xf32, #tpu.memory_space<vmem>>) offsets(%arg8 : memref<128xi32, #tpu.memory_space<vmem>>) semaphore(%arg15 : memref<!tpu.dma_semaphore, #tpu.memory_space<semaphore_mem>>)
        } else {
        }
        %mul3A_58 = arith.constant 128 : i32
        %mul3A_59 = arith.muli %while3A_41, %mul3A_58 : i32
        %run_scoped3A_60 = arith.constant 0 : i32
        "tpu.region"() ({
          %run_scoped3A_61 = tpu.sem_alloc : memref<!tpu.dma_semaphore, #tpu.memory_space<semaphore_mem>>
          %dma_start3A = tpu.memref_slice %arg4[%add3A, %run_scoped3A_60, %mul3A_59] : memref<32x1x320128xi32, #tpu.memory_space<hbm>> -> memref<1x1x128xi32, #tpu.memory_space<hbm>>
          %dma_start3A_62 = tpu.memref_squeeze %dma_start3A : memref<1x1x128xi32, #tpu.memory_space<hbm>> -> memref<128xi32, #tpu.memory_space<hbm>>
          %dma_start3A_63 = tpu.memref_slice %arg4[%add3A, %run_scoped3A_60, %mul3A_59] : memref<32x1x320128xi32, #tpu.memory_space<hbm>> -> memref<1x1x128xi32, #tpu.memory_space<hbm>>
          %dma_start3A_64 = tpu.memref_squeeze %dma_start3A_63 : memref<1x1x128xi32, #tpu.memory_space<hbm>> -> memref<128xi32, #tpu.memory_space<hbm>>
          tpu.enqueue_dma source(%dma_start3A_64 : memref<128xi32, #tpu.memory_space<hbm>>) target(%arg11 : memref<128xi32, #tpu.memory_space<vmem>>) target_semaphore(%run_scoped3A_61 : memref<!tpu.dma_semaphore, #tpu.memory_space<semaphore_mem>>)
          %dma_wait3A_65 = tpu.memref_slice %arg4[%add3A, %run_scoped3A_60, %mul3A_59] : memref<32x1x320128xi32, #tpu.memory_space<hbm>> -> memref<1x1x128xi32, #tpu.memory_space<hbm>>
          %dma_wait3A_66 = tpu.memref_squeeze %dma_wait3A_65 : memref<1x1x128xi32, #tpu.memory_space<hbm>> -> memref<128xi32, #tpu.memory_space<hbm>>
          %dma_wait3A_67 = tpu.memref_slice %arg4[%add3A, %run_scoped3A_60, %mul3A_59] : memref<32x1x320128xi32, #tpu.memory_space<hbm>> -> memref<1x1x128xi32, #tpu.memory_space<hbm>>
          %dma_wait3A_68 = tpu.memref_squeeze %dma_wait3A_67 : memref<1x1x128xi32, #tpu.memory_space<hbm>> -> memref<128xi32, #tpu.memory_space<hbm>>
          tpu.wait_dma2 semaphore(%run_scoped3A_61 : memref<!tpu.dma_semaphore, #tpu.memory_space<semaphore_mem>>) src(%dma_wait3A_68 : memref<128xi32, #tpu.memory_space<hbm>>) dst(%arg11 : memref<128xi32, #tpu.memory_space<vmem>>)
          tpu.yield
        }) : () -> ()
        "tpu.region"() ({
          %run_scoped3A_61 = tpu.sem_alloc : memref<!tpu.dma_semaphore, #tpu.memory_space<semaphore_mem>>
          %dma_start3A = arith.constant 0 : i32
          %dma_start3A_62 = arith.constant 0 : i32
          %dma_start3A_63 = tpu.memref_slice %arg14[%dma_start3A, %dma_start3A_62] : memref<5120x128xf32, #tpu.memory_space<vmem_shared>> -> memref<5120x128xf32, #tpu.memory_space<vmem_shared>>
          tpu.enqueue_indirect_dma source(%arg13 : memref<128x128xf32, #tpu.memory_space<vmem>>) target(%dma_start3A_63 : memref<5120x128xf32, #tpu.memory_space<vmem_shared>>) offsets(%arg11 : memref<128xi32, #tpu.memory_space<vmem>>) semaphore(%run_scoped3A_61 : memref<!tpu.dma_semaphore, #tpu.memory_space<semaphore_mem>>) {add = true}
          %dma_wait3A_64 = arith.constant 0 : i32
          %dma_wait3A_65 = arith.constant 0 : i32
          %dma_wait3A_66 = tpu.memref_slice %arg14[%dma_wait3A_64, %dma_wait3A_65] : memref<5120x128xf32, #tpu.memory_space<vmem_shared>> -> memref<5120x128xf32, #tpu.memory_space<vmem_shared>>
          tpu.wait_indirect_dma semaphore(%run_scoped3A_61 : memref<!tpu.dma_semaphore, #tpu.memory_space<semaphore_mem>>) src(%arg13 : memref<128x128xf32, #tpu.memory_space<vmem>>) dst(%dma_wait3A_66 : memref<5120x128xf32, #tpu.memory_space<vmem_shared>>)
          tpu.yield
        }) : () -> ()
      } else {
      }
    }
    %while3A_35 = arith.constant 1 : i32
    scf.for %while3A_41 = %while3A_33 to %while3A_29 step %while3A_35  : i32 {
      %rem3A = arith.constant 2 : i32
      %rem3A_42 = arith.remsi %while3A_41, %rem3A : i32
      %eq3A = arith.constant 0 : i32
      %eq3A_43 = arith.cmpi eq, %rem3A_42, %eq3A : i32
      %convert_element_type3A_44 = arith.extui %eq3A_43 : i1 to i32
      %cond3A_45 = arith.constant 0 : i32
      %cond3A_46 = arith.cmpi ne, %convert_element_type3A_44, %cond3A_45 : i32
      scf.if %cond3A_46 {
        %dma_wait3A = arith.constant 0 : i32
        %dma_wait3A_51 = arith.constant 0 : i32
        %dma_wait3A_52 = tpu.memref_slice %arg2[%dma_wait3A, %dma_wait3A_51] : memref<10000x128xf32, #tpu.memory_space<hbm>> -> memref<10000x128xf32, #tpu.memory_space<hbm>>
        tpu.wait_indirect_dma semaphore(%arg15 : memref<!tpu.dma_semaphore, #tpu.memory_space<semaphore_mem>>) src(%dma_wait3A_52 : memref<10000x128xf32, #tpu.memory_space<hbm>>) dst(%arg12 : memref<128x128xf32, #tpu.memory_space<vmem>>)
        %add3A_53 = arith.constant 1 : i32
        %add3A_54 = arith.addi %while3A_41, %add3A_53 : i32
        %lt3A = arith.cmpi slt, %add3A_54, %reduce_max3A_24 : i32
        %convert_element_type3A_55 = arith.extui %lt3A : i1 to i32
        %cond3A_56 = arith.constant 0 : i32
        %cond3A_57 = arith.cmpi ne, %convert_element_type3A_55, %cond3A_56 : i32
        scf.if %cond3A_57 {
          %add3A_61 = arith.constant 1 : i32
          %add3A_62 = arith.addi %while3A_41, %add3A_61 : i32
          %mul3A_63 = arith.constant 128 : i32
          %mul3A_64 = arith.muli %add3A_62, %mul3A_63 : i32
          %run_scoped3A_65 = arith.constant 0 : i32
          "tpu.region"() ({
            %run_scoped3A_68 = tpu.sem_alloc : memref<!tpu.dma_semaphore, #tpu.memory_space<semaphore_mem>>
            %dma_start3A_69 = tpu.memref_slice %arg3[%add3A, %run_scoped3A_65, %mul3A_64] : memref<32x1x320128xi32, #tpu.memory_space<hbm>> -> memref<1x1x128xi32, #tpu.memory_space<hbm>>
            %dma_start3A_70 = tpu.memref_squeeze %dma_start3A_69 : memref<1x1x128xi32, #tpu.memory_space<hbm>> -> memref<128xi32, #tpu.memory_space<hbm>>
            %dma_start3A_71 = tpu.memref_slice %arg3[%add3A, %run_scoped3A_65, %mul3A_64] : memref<32x1x320128xi32, #tpu.memory_space<hbm>> -> memref<1x1x128xi32, #tpu.memory_space<hbm>>
            %dma_start3A_72 = tpu.memref_squeeze %dma_start3A_71 : memref<1x1x128xi32, #tpu.memory_space<hbm>> -> memref<128xi32, #tpu.memory_space<hbm>>
            tpu.enqueue_dma source(%dma_start3A_72 : memref<128xi32, #tpu.memory_space<hbm>>) target(%arg9 : memref<128xi32, #tpu.memory_space<vmem>>) target_semaphore(%run_scoped3A_68 : memref<!tpu.dma_semaphore, #tpu.memory_space<semaphore_mem>>)
            %dma_wait3A_73 = tpu.memref_slice %arg3[%add3A, %run_scoped3A_65, %mul3A_64] : memref<32x1x320128xi32, #tpu.memory_space<hbm>> -> memref<1x1x128xi32, #tpu.memory_space<hbm>>
            %dma_wait3A_74 = tpu.memref_squeeze %dma_wait3A_73 : memref<1x1x128xi32, #tpu.memory_space<hbm>> -> memref<128xi32, #tpu.memory_space<hbm>>
            %dma_wait3A_75 = tpu.memref_slice %arg3[%add3A, %run_scoped3A_65, %mul3A_64] : memref<32x1x320128xi32, #tpu.memory_space<hbm>> -> memref<1x1x128xi32, #tpu.memory_space<hbm>>
            %dma_wait3A_76 = tpu.memref_squeeze %dma_wait3A_75 : memref<1x1x128xi32, #tpu.memory_space<hbm>> -> memref<128xi32, #tpu.memory_space<hbm>>
            tpu.wait_dma2 semaphore(%run_scoped3A_68 : memref<!tpu.dma_semaphore, #tpu.memory_space<semaphore_mem>>) src(%dma_wait3A_76 : memref<128xi32, #tpu.memory_space<hbm>>) dst(%arg9 : memref<128xi32, #tpu.memory_space<vmem>>)
            tpu.yield
          }) : () -> ()
          %dma_start3A = arith.constant 0 : i32
          %dma_start3A_66 = arith.constant 0 : i32
          %dma_start3A_67 = tpu.memref_slice %arg2[%dma_start3A, %dma_start3A_66] : memref<10000x128xf32, #tpu.memory_space<hbm>> -> memref<10000x128xf32, #tpu.memory_space<hbm>>
          tpu.enqueue_indirect_dma source(%dma_start3A_67 : memref<10000x128xf32, #tpu.memory_space<hbm>>) target(%arg13 : memref<128x128xf32, #tpu.memory_space<vmem>>) offsets(%arg9 : memref<128xi32, #tpu.memory_space<vmem>>) semaphore(%arg16 : memref<!tpu.dma_semaphore, #tpu.memory_space<semaphore_mem>>)
        } else {
        }
        %mul3A_58 = arith.constant 128 : i32
        %mul3A_59 = arith.muli %while3A_41, %mul3A_58 : i32
        %run_scoped3A_60 = arith.constant 0 : i32
        "tpu.region"() ({
          %run_scoped3A_61 = tpu.sem_alloc : memref<!tpu.dma_semaphore, #tpu.memory_space<semaphore_mem>>
          %dma_start3A = tpu.memref_slice %arg4[%add3A, %run_scoped3A_60, %mul3A_59] : memref<32x1x320128xi32, #tpu.memory_space<hbm>> -> memref<1x1x128xi32, #tpu.memory_space<hbm>>
          %dma_start3A_62 = tpu.memref_squeeze %dma_start3A : memref<1x1x128xi32, #tpu.memory_space<hbm>> -> memref<128xi32, #tpu.memory_space<hbm>>
          %dma_start3A_63 = tpu.memref_slice %arg4[%add3A, %run_scoped3A_60, %mul3A_59] : memref<32x1x320128xi32, #tpu.memory_space<hbm>> -> memref<1x1x128xi32, #tpu.memory_space<hbm>>
          %dma_start3A_64 = tpu.memref_squeeze %dma_start3A_63 : memref<1x1x128xi32, #tpu.memory_space<hbm>> -> memref<128xi32, #tpu.memory_space<hbm>>
          tpu.enqueue_dma source(%dma_start3A_64 : memref<128xi32, #tpu.memory_space<hbm>>) target(%arg10 : memref<128xi32, #tpu.memory_space<vmem>>) target_semaphore(%run_scoped3A_61 : memref<!tpu.dma_semaphore, #tpu.memory_space<semaphore_mem>>)
          %dma_wait3A_65 = tpu.memref_slice %arg4[%add3A, %run_scoped3A_60, %mul3A_59] : memref<32x1x320128xi32, #tpu.memory_space<hbm>> -> memref<1x1x128xi32, #tpu.memory_space<hbm>>
          %dma_wait3A_66 = tpu.memref_squeeze %dma_wait3A_65 : memref<1x1x128xi32, #tpu.memory_space<hbm>> -> memref<128xi32, #tpu.memory_space<hbm>>
          %dma_wait3A_67 = tpu.memref_slice %arg4[%add3A, %run_scoped3A_60, %mul3A_59] : memref<32x1x320128xi32, #tpu.memory_space<hbm>> -> memref<1x1x128xi32, #tpu.memory_space<hbm>>
          %dma_wait3A_68 = tpu.memref_squeeze %dma_wait3A_67 : memref<1x1x128xi32, #tpu.memory_space<hbm>> -> memref<128xi32, #tpu.memory_space<hbm>>
          tpu.wait_dma2 semaphore(%run_scoped3A_61 : memref<!tpu.dma_semaphore, #tpu.memory_space<semaphore_mem>>) src(%dma_wait3A_68 : memref<128xi32, #tpu.memory_space<hbm>>) dst(%arg10 : memref<128xi32, #tpu.memory_space<vmem>>)
          tpu.yield
        }) : () -> ()
        "tpu.region"() ({
          %run_scoped3A_61 = tpu.sem_alloc : memref<!tpu.dma_semaphore, #tpu.memory_space<semaphore_mem>>
          %dma_start3A = arith.constant 0 : i32
          %dma_start3A_62 = arith.constant 0 : i32
          %dma_start3A_63 = tpu.memref_slice %arg14[%dma_start3A, %dma_start3A_62] : memref<5120x128xf32, #tpu.memory_space<vmem_shared>> -> memref<5120x128xf32, #tpu.memory_space<vmem_shared>>
          tpu.enqueue_indirect_dma source(%arg12 : memref<128x128xf32, #tpu.memory_space<vmem>>) target(%dma_start3A_63 : memref<5120x128xf32, #tpu.memory_space<vmem_shared>>) offsets(%arg10 : memref<128xi32, #tpu.memory_space<vmem>>) semaphore(%run_scoped3A_61 : memref<!tpu.dma_semaphore, #tpu.memory_space<semaphore_mem>>) {add = true}
          %dma_wait3A_64 = arith.constant 0 : i32
          %dma_wait3A_65 = arith.constant 0 : i32
          %dma_wait3A_66 = tpu.memref_slice %arg14[%dma_wait3A_64, %dma_wait3A_65] : memref<5120x128xf32, #tpu.memory_space<vmem_shared>> -> memref<5120x128xf32, #tpu.memory_space<vmem_shared>>
          tpu.wait_indirect_dma semaphore(%run_scoped3A_61 : memref<!tpu.dma_semaphore, #tpu.memory_space<semaphore_mem>>) src(%arg12 : memref<128x128xf32, #tpu.memory_space<vmem>>) dst(%dma_wait3A_66 : memref<5120x128xf32, #tpu.memory_space<vmem_shared>>)
          tpu.yield
        }) : () -> ()
      } else {
      }
      %not3A = arith.constant true
      %not3A_47 = arith.xori %eq3A_43, %not3A : i1
      %convert_element_type3A_48 = arith.extui %not3A_47 : i1 to i32
      %cond3A_49 = arith.constant 0 : i32
      %cond3A_50 = arith.cmpi ne, %convert_element_type3A_48, %cond3A_49 : i32
      scf.if %cond3A_50 {
        %dma_wait3A = arith.constant 0 : i32
        %dma_wait3A_51 = arith.constant 0 : i32
        %dma_wait3A_52 = tpu.memref_slice %arg2[%dma_wait3A, %dma_wait3A_51] : memref<10000x128xf32, #tpu.memory_space<hbm>> -> memref<10000x128xf32, #tpu.memory_space<hbm>>
        tpu.wait_indirect_dma semaphore(%arg16 : memref<!tpu.dma_semaphore, #tpu.memory_space<semaphore_mem>>) src(%dma_wait3A_52 : memref<10000x128xf32, #tpu.memory_space<hbm>>) dst(%arg13 : memref<128x128xf32, #tpu.memory_space<vmem>>)
        %add3A_53 = arith.constant 1 : i32
        %add3A_54 = arith.addi %while3A_41, %add3A_53 : i32
        %lt3A = arith.cmpi slt, %add3A_54, %reduce_max3A_24 : i32
        %convert_element_type3A_55 = arith.extui %lt3A : i1 to i32
        %cond3A_56 = arith.constant 0 : i32
        %cond3A_57 = arith.cmpi ne, %convert_element_type3A_55, %cond3A_56 : i32
        scf.if %cond3A_57 {
          %add3A_61 = arith.constant 1 : i32
          %add3A_62 = arith.addi %while3A_41, %add3A_61 : i32
          %mul3A_63 = arith.constant 128 : i32
          %mul3A_64 = arith.muli %add3A_62, %mul3A_63 : i32
          %run_scoped3A_65 = arith.constant 0 : i32
          "tpu.region"() ({
            %run_scoped3A_68 = tpu.sem_alloc : memref<!tpu.dma_semaphore, #tpu.memory_space<semaphore_mem>>
            %dma_start3A_69 = tpu.memref_slice %arg3[%add3A, %run_scoped3A_65, %mul3A_64] : memref<32x1x320128xi32, #tpu.memory_space<hbm>> -> memref<1x1x128xi32, #tpu.memory_space<hbm>>
            %dma_start3A_70 = tpu.memref_squeeze %dma_start3A_69 : memref<1x1x128xi32, #tpu.memory_space<hbm>> -> memref<128xi32, #tpu.memory_space<hbm>>
            %dma_start3A_71 = tpu.memref_slice %arg3[%add3A, %run_scoped3A_65, %mul3A_64] : memref<32x1x320128xi32, #tpu.memory_space<hbm>> -> memref<1x1x128xi32, #tpu.memory_space<hbm>>
            %dma_start3A_72 = tpu.memref_squeeze %dma_start3A_71 : memref<1x1x128xi32, #tpu.memory_space<hbm>> -> memref<128xi32, #tpu.memory_space<hbm>>
            tpu.enqueue_dma source(%dma_start3A_72 : memref<128xi32, #tpu.memory_space<hbm>>) target(%arg8 : memref<128xi32, #tpu.memory_space<vmem>>) target_semaphore(%run_scoped3A_68 : memref<!tpu.dma_semaphore, #tpu.memory_space<semaphore_mem>>)
            %dma_wait3A_73 = tpu.memref_slice %arg3[%add3A, %run_scoped3A_65, %mul3A_64] : memref<32x1x320128xi32, #tpu.memory_space<hbm>> -> memref<1x1x128xi32, #tpu.memory_space<hbm>>
            %dma_wait3A_74 = tpu.memref_squeeze %dma_wait3A_73 : memref<1x1x128xi32, #tpu.memory_space<hbm>> -> memref<128xi32, #tpu.memory_space<hbm>>
            %dma_wait3A_75 = tpu.memref_slice %arg3[%add3A, %run_scoped3A_65, %mul3A_64] : memref<32x1x320128xi32, #tpu.memory_space<hbm>> -> memref<1x1x128xi32, #tpu.memory_space<hbm>>
            %dma_wait3A_76 = tpu.memref_squeeze %dma_wait3A_75 : memref<1x1x128xi32, #tpu.memory_space<hbm>> -> memref<128xi32, #tpu.memory_space<hbm>>
            tpu.wait_dma2 semaphore(%run_scoped3A_68 : memref<!tpu.dma_semaphore, #tpu.memory_space<semaphore_mem>>) src(%dma_wait3A_76 : memref<128xi32, #tpu.memory_space<hbm>>) dst(%arg8 : memref<128xi32, #tpu.memory_space<vmem>>)
            tpu.yield
          }) : () -> ()
          %dma_start3A = arith.constant 0 : i32
          %dma_start3A_66 = arith.constant 0 : i32
          %dma_start3A_67 = tpu.memref_slice %arg2[%dma_start3A, %dma_start3A_66] : memref<10000x128xf32, #tpu.memory_space<hbm>> -> memref<10000x128xf32, #tpu.memory_space<hbm>>
          tpu.enqueue_indirect_dma source(%dma_start3A_67 : memref<10000x128xf32, #tpu.memory_space<hbm>>) target(%arg12 : memref<128x128xf32, #tpu.memory_space<vmem>>) offsets(%arg8 : memref<128xi32, #tpu.memory_space<vmem>>) semaphore(%arg15 : memref<!tpu.dma_semaphore, #tpu.memory_space<semaphore_mem>>)
        } else {
        }
        %mul3A_58 = arith.constant 128 : i32
        %mul3A_59 = arith.muli %while3A_41, %mul3A_58 : i32
        %run_scoped3A_60 = arith.constant 0 : i32
        "tpu.region"() ({
          %run_scoped3A_61 = tpu.sem_alloc : memref<!tpu.dma_semaphore, #tpu.memory_space<semaphore_mem>>
          %dma_start3A = tpu.memref_slice %arg4[%add3A, %run_scoped3A_60, %mul3A_59] : memref<32x1x320128xi32, #tpu.memory_space<hbm>> -> memref<1x1x128xi32, #tpu.memory_space<hbm>>
          %dma_start3A_62 = tpu.memref_squeeze %dma_start3A : memref<1x1x128xi32, #tpu.memory_space<hbm>> -> memref<128xi32, #tpu.memory_space<hbm>>
          %dma_start3A_63 = tpu.memref_slice %arg4[%add3A, %run_scoped3A_60, %mul3A_59] : memref<32x1x320128xi32, #tpu.memory_space<hbm>> -> memref<1x1x128xi32, #tpu.memory_space<hbm>>
          %dma_start3A_64 = tpu.memref_squeeze %dma_start3A_63 : memref<1x1x128xi32, #tpu.memory_space<hbm>> -> memref<128xi32, #tpu.memory_space<hbm>>
          tpu.enqueue_dma source(%dma_start3A_64 : memref<128xi32, #tpu.memory_space<hbm>>) target(%arg11 : memref<128xi32, #tpu.memory_space<vmem>>) target_semaphore(%run_scoped3A_61 : memref<!tpu.dma_semaphore, #tpu.memory_space<semaphore_mem>>)
          %dma_wait3A_65 = tpu.memref_slice %arg4[%add3A, %run_scoped3A_60, %mul3A_59] : memref<32x1x320128xi32, #tpu.memory_space<hbm>> -> memref<1x1x128xi32, #tpu.memory_space<hbm>>
          %dma_wait3A_66 = tpu.memref_squeeze %dma_wait3A_65 : memref<1x1x128xi32, #tpu.memory_space<hbm>> -> memref<128xi32, #tpu.memory_space<hbm>>
          %dma_wait3A_67 = tpu.memref_slice %arg4[%add3A, %run_scoped3A_60, %mul3A_59] : memref<32x1x320128xi32, #tpu.memory_space<hbm>> -> memref<1x1x128xi32, #tpu.memory_space<hbm>>
          %dma_wait3A_68 = tpu.memref_squeeze %dma_wait3A_67 : memref<1x1x128xi32, #tpu.memory_space<hbm>> -> memref<128xi32, #tpu.memory_space<hbm>>
          tpu.wait_dma2 semaphore(%run_scoped3A_61 : memref<!tpu.dma_semaphore, #tpu.memory_space<semaphore_mem>>) src(%dma_wait3A_68 : memref<128xi32, #tpu.memory_space<hbm>>) dst(%arg11 : memref<128xi32, #tpu.memory_space<vmem>>)
          tpu.yield
        }) : () -> ()
        "tpu.region"() ({
          %run_scoped3A_61 = tpu.sem_alloc : memref<!tpu.dma_semaphore, #tpu.memory_space<semaphore_mem>>
          %dma_start3A = arith.constant 0 : i32
          %dma_start3A_62 = arith.constant 0 : i32
          %dma_start3A_63 = tpu.memref_slice %arg14[%dma_start3A, %dma_start3A_62] : memref<5120x128xf32, #tpu.memory_space<vmem_shared>> -> memref<5120x128xf32, #tpu.memory_space<vmem_shared>>
          tpu.enqueue_indirect_dma source(%arg13 : memref<128x128xf32, #tpu.memory_space<vmem>>) target(%dma_start3A_63 : memref<5120x128xf32, #tpu.memory_space<vmem_shared>>) offsets(%arg11 : memref<128xi32, #tpu.memory_space<vmem>>) semaphore(%run_scoped3A_61 : memref<!tpu.dma_semaphore, #tpu.memory_space<semaphore_mem>>) {add = true}
          %dma_wait3A_64 = arith.constant 0 : i32
          %dma_wait3A_65 = arith.constant 0 : i32
          %dma_wait3A_66 = tpu.memref_slice %arg14[%dma_wait3A_64, %dma_wait3A_65] : memref<5120x128xf32, #tpu.memory_space<vmem_shared>> -> memref<5120x128xf32, #tpu.memory_space<vmem_shared>>
          tpu.wait_indirect_dma semaphore(%run_scoped3A_61 : memref<!tpu.dma_semaphore, #tpu.memory_space<semaphore_mem>>) src(%arg13 : memref<128x128xf32, #tpu.memory_space<vmem>>) dst(%dma_wait3A_66 : memref<5120x128xf32, #tpu.memory_space<vmem_shared>>)
          tpu.yield
        }) : () -> ()
      } else {
      }
    }
    %barrier3A_36 = arith.constant 0 : index
    tpu.barrier barrier_id(%barrier3A_36)
    %mul3A_37 = arith.constant 320 : i32
    %mul3A_38 = arith.muli %arg1, %mul3A_37 : i32
    %mul3A_39 = arith.constant 320 : i32
    %mul3A_40 = arith.muli %arg1, %mul3A_39 : i32
    "tpu.region"() ({
      %run_scoped3A_41 = tpu.sem_alloc : memref<!tpu.dma_semaphore, #tpu.memory_space<semaphore_mem>>
      %dma_start3A = arith.constant 0 : i32
      %dma_start3A_42 = tpu.memref_slice %arg6[%arg0, %mul3A_40, %dma_start3A] : memref<2x5120x128xf32, #tpu.memory_space<hbm>> -> memref<1x320x128xf32, #tpu.memory_space<hbm>>
      %dma_start3A_43 = tpu.memref_squeeze %dma_start3A_42 : memref<1x320x128xf32, #tpu.memory_space<hbm>> -> memref<320x128xf32, #tpu.memory_space<hbm>>
      %dma_start3A_44 = arith.constant 0 : i32
      %dma_start3A_45 = tpu.memref_slice %arg14[%mul3A_38, %dma_start3A_44] : memref<5120x128xf32, #tpu.memory_space<vmem_shared>> -> memref<320x128xf32, #tpu.memory_space<vmem_shared>>
      tpu.enqueue_dma source(%dma_start3A_45 : memref<320x128xf32, #tpu.memory_space<vmem_shared>>) target(%dma_start3A_43 : memref<320x128xf32, #tpu.memory_space<hbm>>) target_semaphore(%run_scoped3A_41 : memref<!tpu.dma_semaphore, #tpu.memory_space<semaphore_mem>>)
      %dma_wait3A = arith.constant 0 : i32
      %dma_wait3A_46 = tpu.memref_slice %arg6[%arg0, %mul3A_40, %dma_wait3A] : memref<2x5120x128xf32, #tpu.memory_space<hbm>> -> memref<1x320x128xf32, #tpu.memory_space<hbm>>
      %dma_wait3A_47 = tpu.memref_squeeze %dma_wait3A_46 : memref<1x320x128xf32, #tpu.memory_space<hbm>> -> memref<320x128xf32, #tpu.memory_space<hbm>>
      %dma_wait3A_48 = arith.constant 0 : i32
      %dma_wait3A_49 = tpu.memref_slice %arg14[%mul3A_38, %dma_wait3A_48] : memref<5120x128xf32, #tpu.memory_space<vmem_shared>> -> memref<320x128xf32, #tpu.memory_space<vmem_shared>>
      tpu.wait_dma2 semaphore(%run_scoped3A_41 : memref<!tpu.dma_semaphore, #tpu.memory_space<semaphore_mem>>) src(%dma_wait3A_49 : memref<320x128xf32, #tpu.memory_space<vmem_shared>>) dst(%dma_wait3A_47 : memref<320x128xf32, #tpu.memory_space<hbm>>)
      tpu.yield
    }) : () -> ()
    return
  }
}

#map = affine_map<(d0, d1) -> (0)>
#map1 = affine_map<(d0, d1) -> (0, 0, 0)>
module attributes {stable_mosaic.version = 14 : i64} {
  func.func @_part(%arg0: i32, %arg1: i32, %arg2: memref<321536xi32, #tpu.memory_space<hbm>>, %arg3: memref<321536xi32, #tpu.memory_space<hbm>>, %arg4: memref<32x1x320128xi32, #tpu.memory_space<hbm>>, %arg5: memref<32x1x320128xi32, #tpu.memory_space<hbm>>, %arg6: memref<32x1x16xi32, #tpu.memory_space<hbm>>, %arg7: memref<2048xi32, #tpu.memory_space<vmem>>, %arg8: memref<2048xi32, #tpu.memory_space<vmem>>, %arg9: memref<160xi32, #tpu.memory_space<vmem>>, %arg10: memref<160xi32, #tpu.memory_space<vmem>>, %arg11: memref<16xi32, #tpu.memory_space<vmem>>) attributes {dimension_semantics = [#tpu.dimension_semantics<core_parallel>, #tpu.dimension_semantics<subcore_parallel>], iteration_bounds = array<i64: 2, 16>, scalar_prefetch = 0 : i64, scratch_operands = 5 : i64, tpu.core_type = #tpu.core_type<sc_vector_subcore>, window_params = [{transform_indices = #map}, {transform_indices = #map}, {transform_indices = #map1}, {transform_indices = #map1}, {transform_indices = #map1}]} {
    %mul3A = arith.constant 16 : i32
    %mul3A_0 = arith.muli %arg0, %mul3A : i32
    %add3A = arith.addi %mul3A_0, %arg1 : i32
    %mul3A_1 = arith.constant 5000 : i32
    %mul3A_2 = arith.muli %arg0, %mul3A_1 : i32
    %mul3A_3 = arith.constant 320 : i32
    %mul3A_4 = arith.muli %arg1, %mul3A_3 : i32
    %add3A_5 = arith.addi %mul3A_2, %mul3A_4 : i32
    %add3A_6 = arith.constant 320 : i32
    %add3A_7 = arith.addi %add3A_5, %add3A_6 : i32
    %add3A_8 = arith.constant 1 : i32
    %add3A_9 = arith.addi %arg0, %add3A_8 : i32
    %mul3A_10 = arith.constant 5000 : i32
    %mul3A_11 = arith.muli %add3A_9, %mul3A_10 : i32
    %min3A = arith.minsi %add3A_7, %mul3A_11 : i32
    %mul3A_12 = arith.constant 5000 : i32
    %mul3A_13 = arith.muli %arg0, %mul3A_12 : i32
    %scan3A = arith.constant 0 : i32
    %scan3A_14 = arith.constant 0 : i32
    %scan3A_15 = arith.constant 0 : i32
    %scan3A_16 = arith.constant 157 : i32
    %scan3A_17 = arith.addi %scan3A_15, %scan3A_16 : i32
    %scan3A_18 = arith.constant 1 : i32
    %scan3A_19:2 = scf.for %scan3A_228 = %scan3A_15 to %scan3A_17 step %scan3A_18 iter_args(%scan3A_229 = %scan3A, %scan3A_230 = %scan3A_14) -> (i32, i32)  : i32 {
      %mul3A_231 = arith.constant 2048 : i32
      %mul3A_232 = arith.muli %scan3A_228, %mul3A_231 : i32
      "tpu.region"() ({
        %run_scoped3A_241 = tpu.sem_alloc : memref<!tpu.dma_semaphore, #tpu.memory_space<semaphore_mem>>
        %dma_start3A = tpu.memref_slice %arg2[%mul3A_232] : memref<321536xi32, #tpu.memory_space<hbm>> -> memref<2048xi32, #tpu.memory_space<hbm>>
        %dma_start3A_242 = tpu.memref_slice %arg2[%mul3A_232] : memref<321536xi32, #tpu.memory_space<hbm>> -> memref<2048xi32, #tpu.memory_space<hbm>>
        tpu.enqueue_dma source(%dma_start3A_242 : memref<2048xi32, #tpu.memory_space<hbm>>) target(%arg7 : memref<2048xi32, #tpu.memory_space<vmem>>) target_semaphore(%run_scoped3A_241 : memref<!tpu.dma_semaphore, #tpu.memory_space<semaphore_mem>>)
        %dma_wait3A = tpu.memref_slice %arg2[%mul3A_232] : memref<321536xi32, #tpu.memory_space<hbm>> -> memref<2048xi32, #tpu.memory_space<hbm>>
        %dma_wait3A_243 = tpu.memref_slice %arg2[%mul3A_232] : memref<321536xi32, #tpu.memory_space<hbm>> -> memref<2048xi32, #tpu.memory_space<hbm>>
        tpu.wait_dma2 semaphore(%run_scoped3A_241 : memref<!tpu.dma_semaphore, #tpu.memory_space<semaphore_mem>>) src(%dma_wait3A_243 : memref<2048xi32, #tpu.memory_space<hbm>>) dst(%arg7 : memref<2048xi32, #tpu.memory_space<vmem>>)
        tpu.yield
      }) : () -> ()
      %mul3A_233 = arith.constant 2048 : i32
      %mul3A_234 = arith.muli %scan3A_228, %mul3A_233 : i32
      "tpu.region"() ({
        %run_scoped3A_241 = tpu.sem_alloc : memref<!tpu.dma_semaphore, #tpu.memory_space<semaphore_mem>>
        %dma_start3A = tpu.memref_slice %arg3[%mul3A_234] : memref<321536xi32, #tpu.memory_space<hbm>> -> memref<2048xi32, #tpu.memory_space<hbm>>
        %dma_start3A_242 = tpu.memref_slice %arg3[%mul3A_234] : memref<321536xi32, #tpu.memory_space<hbm>> -> memref<2048xi32, #tpu.memory_space<hbm>>
        tpu.enqueue_dma source(%dma_start3A_242 : memref<2048xi32, #tpu.memory_space<hbm>>) target(%arg8 : memref<2048xi32, #tpu.memory_space<vmem>>) target_semaphore(%run_scoped3A_241 : memref<!tpu.dma_semaphore, #tpu.memory_space<semaphore_mem>>)
        %dma_wait3A = tpu.memref_slice %arg3[%mul3A_234] : memref<321536xi32, #tpu.memory_space<hbm>> -> memref<2048xi32, #tpu.memory_space<hbm>>
        %dma_wait3A_243 = tpu.memref_slice %arg3[%mul3A_234] : memref<321536xi32, #tpu.memory_space<hbm>> -> memref<2048xi32, #tpu.memory_space<hbm>>
        tpu.wait_dma2 semaphore(%run_scoped3A_241 : memref<!tpu.dma_semaphore, #tpu.memory_space<semaphore_mem>>) src(%dma_wait3A_243 : memref<2048xi32, #tpu.memory_space<hbm>>) dst(%arg8 : memref<2048xi32, #tpu.memory_space<vmem>>)
        tpu.yield
      }) : () -> ()
      %scan3A_235 = arith.constant 0 : i32
      %scan3A_236 = arith.constant 128 : i32
      %scan3A_237 = arith.addi %scan3A_235, %scan3A_236 : i32
      %scan3A_238 = arith.constant 1 : i32
      %scan3A_239:2 = scf.for %scan3A_241 = %scan3A_235 to %scan3A_237 step %scan3A_238 iter_args(%scan3A_242 = %scan3A_229, %scan3A_243 = %scan3A_230) -> (i32, i32)  : i32 {
        %mul3A_244 = arith.constant 16 : i32
        %mul3A_245 = arith.muli %scan3A_241, %mul3A_244 : i32
        %get3A = arith.index_cast %mul3A_245 : i32 to index
        %get3A_246 = tpu.vector_load %arg7[%get3A] {strides = array<i32>} : memref<2048xi32, #tpu.memory_space<vmem>>, vector<16xi32>,
        %mul3A_247 = arith.constant 16 : i32
        %mul3A_248 = arith.muli %scan3A_241, %mul3A_247 : i32
        %get3A_249 = arith.index_cast %mul3A_248 : i32 to index
        %get3A_250 = tpu.vector_load %arg8[%get3A_249] {strides = array<i32>} : memref<2048xi32, #tpu.memory_space<vmem>>, vector<16xi32>,
        %sub3A_251 = arith.constant 1 : i32
        %sub3A_252 = arith.subi %add3A_5, %sub3A_251 : i32
        %sub3A_253 = vector.broadcast %sub3A_252 : i32 to vector<16xi32>
        %sub3A_254 = arith.subi %get3A_250, %sub3A_253 : vector<16xi32>
        %sub3A_255 = vector.broadcast %min3A : i32 to vector<16xi32>
        %sub3A_256 = arith.subi %sub3A_255, %get3A_250 : vector<16xi32>
        %min3A_257 = arith.minsi %sub3A_254, %sub3A_256 : vector<16xi32>
        %min3A_258 = arith.constant 1 : i32
        %min3A_259 = vector.broadcast %min3A_258 : i32 to vector<16xi32>
        %min3A_260 = arith.minsi %min3A_257, %min3A_259 : vector<16xi32>
        %max3A = arith.constant 0 : i32
        %max3A_261 = vector.broadcast %max3A : i32 to vector<16xi32>
        %max3A_262 = arith.maxsi %min3A_260, %max3A_261 : vector<16xi32>
        %sub3A_263 = vector.broadcast %mul3A_13 : i32 to vector<16xi32>
        %sub3A_264 = arith.subi %get3A_250, %sub3A_263 : vector<16xi32>
        %gt3A_265 = arith.constant 0 : i32
        %gt3A_266 = vector.broadcast %gt3A_265 : i32 to vector<16xi32>
        %gt3A_267 = arith.cmpi sgt, %max3A_262, %gt3A_266 : vector<16xi32>
        %broadcast_in_dim3A_268 = arith.constant true
        %broadcast_in_dim3A_269 = vector.broadcast %broadcast_in_dim3A_268 : i1 to vector<16xi1>
        %masked_cumsum3A_270 = tpu.scan <sum>, %max3A_262 masked %broadcast_in_dim3A_269 : vector<16xi32>, vector<16xi1> -> vector<16xi32>
        %add3A_271 = vector.broadcast %scan3A_242 : i32 to vector<16xi32>
        %add3A_272 = arith.addi %add3A_271, %masked_cumsum3A_270 : vector<16xi32>
        %sub3A_273 = arith.subi %add3A_272, %max3A_262 : vector<16xi32>
        %jit3A_274 = arith.constant 144 : i32
        %broadcast_in_dim3A_275 = vector.broadcast %jit3A_274 : i32 to vector<16xi32>
        %select_n3A_276 = arith.select %gt3A_267, %sub3A_273, %broadcast_in_dim3A_275 : vector<16xi1>, vector<16xi32>
        tpu.vector_store_idx %arg9[%select_n3A_276], %get3A_246 : memref<160xi32, #tpu.memory_space<vmem>>[vector<16xi32>], vector<16xi32>,
        tpu.vector_store_idx %arg10[%select_n3A_276], %sub3A_264 : memref<160xi32, #tpu.memory_space<vmem>>[vector<16xi32>], vector<16xi32>,
        %slice3A_277 = vector.extract_strided_slice %masked_cumsum3A_270 {offsets = [15], sizes = [1], strides = [1]} : vector<16xi32> to vector<1xi32>
        %squeeze3A_278 = vector.extract %slice3A_277[0] : i32 from vector<1xi32>
        %add3A_279 = arith.addi %scan3A_242, %squeeze3A_278 : i32
        %ge3A_280 = arith.constant 128 : i32
        %ge3A_281 = arith.cmpi sge, %add3A_279, %ge3A_280 : i32
        %convert_element_type3A_282 = arith.extui %ge3A_281 : i1 to i32
        %cond3A_283 = arith.constant 0 : i32
        %cond3A_284 = arith.cmpi ne, %convert_element_type3A_282, %cond3A_283 : i32
        scf.if %cond3A_284 {
          %mul3A_291 = arith.constant 128 : i32
          %mul3A_292 = arith.muli %scan3A_243, %mul3A_291 : i32
          %run_scoped3A_293 = arith.constant 0 : i32
          "tpu.region"() ({
            %run_scoped3A_305 = tpu.sem_alloc : memref<!tpu.dma_semaphore, #tpu.memory_space<semaphore_mem>>
            %dma_start3A = arith.constant 0 : i32
            %dma_start3A_306 = tpu.memref_slice %arg9[%dma_start3A] : memref<160xi32, #tpu.memory_space<vmem>> -> memref<128xi32, #tpu.memory_space<vmem>>
            %dma_start3A_307 = tpu.memref_slice %arg4[%add3A, %run_scoped3A_293, %mul3A_292] : memref<32x1x320128xi32, #tpu.memory_space<hbm>> -> memref<1x1x128xi32, #tpu.memory_space<hbm>>
            %dma_start3A_308 = tpu.memref_squeeze %dma_start3A_307 : memref<1x1x128xi32, #tpu.memory_space<hbm>> -> memref<128xi32, #tpu.memory_space<hbm>>
            %dma_start3A_309 = tpu.memref_slice %arg4[%add3A, %run_scoped3A_293, %mul3A_292] : memref<32x1x320128xi32, #tpu.memory_space<hbm>> -> memref<1x1x128xi32, #tpu.memory_space<hbm>>
            %dma_start3A_310 = tpu.memref_squeeze %dma_start3A_309 : memref<1x1x128xi32, #tpu.memory_space<hbm>> -> memref<128xi32, #tpu.memory_space<hbm>>
            %dma_start3A_311 = arith.constant 0 : i32
            %dma_start3A_312 = tpu.memref_slice %arg9[%dma_start3A_311] : memref<160xi32, #tpu.memory_space<vmem>> -> memref<128xi32, #tpu.memory_space<vmem>>
            tpu.enqueue_dma source(%dma_start3A_312 : memref<128xi32, #tpu.memory_space<vmem>>) target(%dma_start3A_310 : memref<128xi32, #tpu.memory_space<hbm>>) target_semaphore(%run_scoped3A_305 : memref<!tpu.dma_semaphore, #tpu.memory_space<semaphore_mem>>)
            %dma_wait3A = arith.constant 0 : i32
            %dma_wait3A_313 = tpu.memref_slice %arg9[%dma_wait3A] : memref<160xi32, #tpu.memory_space<vmem>> -> memref<128xi32, #tpu.memory_space<vmem>>
            %dma_wait3A_314 = tpu.memref_slice %arg4[%add3A, %run_scoped3A_293, %mul3A_292] : memref<32x1x320128xi32, #tpu.memory_space<hbm>> -> memref<1x1x128xi32, #tpu.memory_space<hbm>>
            %dma_wait3A_315 = tpu.memref_squeeze %dma_wait3A_314 : memref<1x1x128xi32, #tpu.memory_space<hbm>> -> memref<128xi32, #tpu.memory_space<hbm>>
            %dma_wait3A_316 = tpu.memref_slice %arg4[%add3A, %run_scoped3A_293, %mul3A_292] : memref<32x1x320128xi32, #tpu.memory_space<hbm>> -> memref<1x1x128xi32, #tpu.memory_space<hbm>>
            %dma_wait3A_317 = tpu.memref_squeeze %dma_wait3A_316 : memref<1x1x128xi32, #tpu.memory_space<hbm>> -> memref<128xi32, #tpu.memory_space<hbm>>
            %dma_wait3A_318 = arith.constant 0 : i32
            %dma_wait3A_319 = tpu.memref_slice %arg9[%dma_wait3A_318] : memref<160xi32, #tpu.memory_space<vmem>> -> memref<128xi32, #tpu.memory_space<vmem>>
            tpu.wait_dma2 semaphore(%run_scoped3A_305 : memref<!tpu.dma_semaphore, #tpu.memory_space<semaphore_mem>>) src(%dma_wait3A_319 : memref<128xi32, #tpu.memory_space<vmem>>) dst(%dma_wait3A_317 : memref<128xi32, #tpu.memory_space<hbm>>)
            tpu.yield
          }) : () -> ()
          %mul3A_294 = arith.constant 128 : i32
          %mul3A_295 = arith.muli %scan3A_243, %mul3A_294 : i32
          %run_scoped3A_296 = arith.constant 0 : i32
          "tpu.region"() ({
            %run_scoped3A_305 = tpu.sem_alloc : memref<!tpu.dma_semaphore, #tpu.memory_space<semaphore_mem>>
            %dma_start3A = arith.constant 0 : i32
            %dma_start3A_306 = tpu.memref_slice %arg10[%dma_start3A] : memref<160xi32, #tpu.memory_space<vmem>> -> memref<128xi32, #tpu.memory_space<vmem>>
            %dma_start3A_307 = tpu.memref_slice %arg5[%add3A, %run_scoped3A_296, %mul3A_295] : memref<32x1x320128xi32, #tpu.memory_space<hbm>> -> memref<1x1x128xi32, #tpu.memory_space<hbm>>
            %dma_start3A_308 = tpu.memref_squeeze %dma_start3A_307 : memref<1x1x128xi32, #tpu.memory_space<hbm>> -> memref<128xi32, #tpu.memory_space<hbm>>
            %dma_start3A_309 = tpu.memref_slice %arg5[%add3A, %run_scoped3A_296, %mul3A_295] : memref<32x1x320128xi32, #tpu.memory_space<hbm>> -> memref<1x1x128xi32, #tpu.memory_space<hbm>>
            %dma_start3A_310 = tpu.memref_squeeze %dma_start3A_309 : memref<1x1x128xi32, #tpu.memory_space<hbm>> -> memref<128xi32, #tpu.memory_space<hbm>>
            %dma_start3A_311 = arith.constant 0 : i32
            %dma_start3A_312 = tpu.memref_slice %arg10[%dma_start3A_311] : memref<160xi32, #tpu.memory_space<vmem>> -> memref<128xi32, #tpu.memory_space<vmem>>
            tpu.enqueue_dma source(%dma_start3A_312 : memref<128xi32, #tpu.memory_space<vmem>>) target(%dma_start3A_310 : memref<128xi32, #tpu.memory_space<hbm>>) target_semaphore(%run_scoped3A_305 : memref<!tpu.dma_semaphore, #tpu.memory_space<semaphore_mem>>)
            %dma_wait3A = arith.constant 0 : i32
            %dma_wait3A_313 = tpu.memref_slice %arg10[%dma_wait3A] : memref<160xi32, #tpu.memory_space<vmem>> -> memref<128xi32, #tpu.memory_space<vmem>>
            %dma_wait3A_314 = tpu.memref_slice %arg5[%add3A, %run_scoped3A_296, %mul3A_295] : memref<32x1x320128xi32, #tpu.memory_space<hbm>> -> memref<1x1x128xi32, #tpu.memory_space<hbm>>
            %dma_wait3A_315 = tpu.memref_squeeze %dma_wait3A_314 : memref<1x1x128xi32, #tpu.memory_space<hbm>> -> memref<128xi32, #tpu.memory_space<hbm>>
            %dma_wait3A_316 = tpu.memref_slice %arg5[%add3A, %run_scoped3A_296, %mul3A_295] : memref<32x1x320128xi32, #tpu.memory_space<hbm>> -> memref<1x1x128xi32, #tpu.memory_space<hbm>>
            %dma_wait3A_317 = tpu.memref_squeeze %dma_wait3A_316 : memref<1x1x128xi32, #tpu.memory_space<hbm>> -> memref<128xi32, #tpu.memory_space<hbm>>
            %dma_wait3A_318 = arith.constant 0 : i32
            %dma_wait3A_319 = tpu.memref_slice %arg10[%dma_wait3A_318] : memref<160xi32, #tpu.memory_space<vmem>> -> memref<128xi32, #tpu.memory_space<vmem>>
            tpu.wait_dma2 semaphore(%run_scoped3A_305 : memref<!tpu.dma_semaphore, #tpu.memory_space<semaphore_mem>>) src(%dma_wait3A_319 : memref<128xi32, #tpu.memory_space<vmem>>) dst(%dma_wait3A_317 : memref<128xi32, #tpu.memory_space<hbm>>)
            tpu.yield
          }) : () -> ()
          %get3A_297 = arith.constant 128 : index
          %get3A_298 = tpu.vector_load %arg9[%get3A_297] {strides = array<i32>} : memref<160xi32, #tpu.memory_space<vmem>>, vector<16xi32>,
          %swap3A_299 = arith.constant 0 : index
          %swap3A_300 = tpu.vector_load %arg9[%swap3A_299] {strides = array<i32>} : memref<160xi32, #tpu.memory_space<vmem>>, vector<16xi32>,
          tpu.vector_store %arg9[%swap3A_299], %get3A_298 {strides = array<i32>} : memref<160xi32, #tpu.memory_space<vmem>>, vector<16xi32>,
          %get3A_301 = arith.constant 128 : index
          %get3A_302 = tpu.vector_load %arg10[%get3A_301] {strides = array<i32>} : memref<160xi32, #tpu.memory_space<vmem>>, vector<16xi32>,
          %swap3A_303 = arith.constant 0 : index
          %swap3A_304 = tpu.vector_load %arg10[%swap3A_303] {strides = array<i32>} : memref<160xi32, #tpu.memory_space<vmem>>, vector<16xi32>,
          tpu.vector_store %arg10[%swap3A_303], %get3A_302 {strides = array<i32>} : memref<160xi32, #tpu.memory_space<vmem>>, vector<16xi32>,
        } else {
        }
        %sub3A_285 = arith.constant 128 : i32
        %sub3A_286 = arith.subi %add3A_279, %sub3A_285 : i32
        %select_n3A_287 = arith.select %ge3A_281, %sub3A_286, %add3A_279 : i32
        %add3A_288 = arith.constant 1 : i32
        %add3A_289 = arith.addi %scan3A_243, %add3A_288 : i32
        %select_n3A_290 = arith.select %ge3A_281, %add3A_289, %scan3A_243 : i32
        scf.yield %select_n3A_287, %select_n3A_290 : i32, i32
      }
      %scan3A_240 = arith.constant 128 : i32
      scf.yield %scan3A_239#0, %scan3A_239#1 : i32, i32
    }
    %scan3A_20 = arith.constant 157 : i32
    %broadcast_in_dim3A = arith.constant 0 : i32
    %broadcast_in_dim3A_21 = vector.broadcast %broadcast_in_dim3A : i32 to vector<16xi32>
    %add3A_22 = arith.constant 5000 : i32
    %add3A_23 = arith.addi %add3A_22, %arg1 : i32
    %broadcast_in_dim3A_24 = vector.broadcast %add3A_23 : i32 to vector<16xi32>
    %add3A_25 = arith.constant 1 : i32
    %add3A_26 = vector.broadcast %add3A_25 : i32 to vector<16xi32>
    %add3A_27 = arith.addi %broadcast_in_dim3A_21, %add3A_26 : vector<16xi32>
    %gt3A = arith.constant 0 : i32
    %gt3A_28 = vector.broadcast %gt3A : i32 to vector<16xi32>
    %gt3A_29 = arith.cmpi sgt, %add3A_27, %gt3A_28 : vector<16xi32>
    %broadcast_in_dim3A_30 = arith.constant true
    %broadcast_in_dim3A_31 = vector.broadcast %broadcast_in_dim3A_30 : i1 to vector<16xi1>
    %masked_cumsum3A = tpu.scan <sum>, %add3A_27 masked %broadcast_in_dim3A_31 : vector<16xi32>, vector<16xi1> -> vector<16xi32>
    %add3A_32 = vector.broadcast %scan3A_19#0 : i32 to vector<16xi32>
    %add3A_33 = arith.addi %add3A_32, %masked_cumsum3A : vector<16xi32>
    %sub3A = arith.subi %add3A_33, %add3A_27 : vector<16xi32>
    %jit3A = arith.constant 144 : i32
    %broadcast_in_dim3A_34 = vector.broadcast %jit3A : i32 to vector<16xi32>
    %select_n3A = arith.select %gt3A_29, %sub3A, %broadcast_in_dim3A_34 : vector<16xi1>, vector<16xi32>
    tpu.vector_store_idx %arg9[%select_n3A], %broadcast_in_dim3A_21 : memref<160xi32, #tpu.memory_space<vmem>>[vector<16xi32>], vector<16xi32>,
    tpu.vector_store_idx %arg10[%select_n3A], %broadcast_in_dim3A_24 : memref<160xi32, #tpu.memory_space<vmem>>[vector<16xi32>], vector<16xi32>,
    %slice3A = vector.extract_strided_slice %masked_cumsum3A {offsets = [15], sizes = [1], strides = [1]} : vector<16xi32> to vector<1xi32>
    %squeeze3A = vector.extract %slice3A[0] : i32 from vector<1xi32>
    %add3A_35 = arith.addi %scan3A_19#0, %squeeze3A : i32
    %ge3A = arith.constant 128 : i32
    %ge3A_36 = arith.cmpi sge, %add3A_35, %ge3A : i32
    %convert_element_type3A = arith.extui %ge3A_36 : i1 to i32
    %cond3A = arith.constant 0 : i32
    %cond3A_37 = arith.cmpi ne, %convert_element_type3A, %cond3A : i32
    scf.if %cond3A_37 {
      %mul3A_228 = arith.constant 128 : i32
      %mul3A_229 = arith.muli %scan3A_19#1, %mul3A_228 : i32
      %run_scoped3A_230 = arith.constant 0 : i32
      "tpu.region"() ({
        %run_scoped3A_241 = tpu.sem_alloc : memref<!tpu.dma_semaphore, #tpu.memory_space<semaphore_mem>>
        %dma_start3A = arith.constant 0 : i32
        %dma_start3A_242 = tpu.memref_slice %arg9[%dma_start3A] : memref<160xi32, #tpu.memory_space<vmem>> -> memref<128xi32, #tpu.memory_space<vmem>>
        %dma_start3A_243 = tpu.memref_slice %arg4[%add3A, %run_scoped3A_230, %mul3A_229] : memref<32x1x320128xi32, #tpu.memory_space<hbm>> -> memref<1x1x128xi32, #tpu.memory_space<hbm>>
        %dma_start3A_244 = tpu.memref_squeeze %dma_start3A_243 : memref<1x1x128xi32, #tpu.memory_space<hbm>> -> memref<128xi32, #tpu.memory_space<hbm>>
        %dma_start3A_245 = tpu.memref_slice %arg4[%add3A, %run_scoped3A_230, %mul3A_229] : memref<32x1x320128xi32, #tpu.memory_space<hbm>> -> memref<1x1x128xi32, #tpu.memory_space<hbm>>
        %dma_start3A_246 = tpu.memref_squeeze %dma_start3A_245 : memref<1x1x128xi32, #tpu.memory_space<hbm>> -> memref<128xi32, #tpu.memory_space<hbm>>
        %dma_start3A_247 = arith.constant 0 : i32
        %dma_start3A_248 = tpu.memref_slice %arg9[%dma_start3A_247] : memref<160xi32, #tpu.memory_space<vmem>> -> memref<128xi32, #tpu.memory_space<vmem>>
        tpu.enqueue_dma source(%dma_start3A_248 : memref<128xi32, #tpu.memory_space<vmem>>) target(%dma_start3A_246 : memref<128xi32, #tpu.memory_space<hbm>>) target_semaphore(%run_scoped3A_241 : memref<!tpu.dma_semaphore, #tpu.memory_space<semaphore_mem>>)
        %dma_wait3A = arith.constant 0 : i32
        %dma_wait3A_249 = tpu.memref_slice %arg9[%dma_wait3A] : memref<160xi32, #tpu.memory_space<vmem>> -> memref<128xi32, #tpu.memory_space<vmem>>
        %dma_wait3A_250 = tpu.memref_slice %arg4[%add3A, %run_scoped3A_230, %mul3A_229] : memref<32x1x320128xi32, #tpu.memory_space<hbm>> -> memref<1x1x128xi32, #tpu.memory_space<hbm>>
        %dma_wait3A_251 = tpu.memref_squeeze %dma_wait3A_250 : memref<1x1x128xi32, #tpu.memory_space<hbm>> -> memref<128xi32, #tpu.memory_space<hbm>>
        %dma_wait3A_252 = tpu.memref_slice %arg4[%add3A, %run_scoped3A_230, %mul3A_229] : memref<32x1x320128xi32, #tpu.memory_space<hbm>> -> memref<1x1x128xi32, #tpu.memory_space<hbm>>
        %dma_wait3A_253 = tpu.memref_squeeze %dma_wait3A_252 : memref<1x1x128xi32, #tpu.memory_space<hbm>> -> memref<128xi32, #tpu.memory_space<hbm>>
        %dma_wait3A_254 = arith.constant 0 : i32
        %dma_wait3A_255 = tpu.memref_slice %arg9[%dma_wait3A_254] : memref<160xi32, #tpu.memory_space<vmem>> -> memref<128xi32, #tpu.memory_space<vmem>>
        tpu.wait_dma2 semaphore(%run_scoped3A_241 : memref<!tpu.dma_semaphore, #tpu.memory_space<semaphore_mem>>) src(%dma_wait3A_255 : memref<128xi32, #tpu.memory_space<vmem>>) dst(%dma_wait3A_253 : memref<128xi32, #tpu.memory_space<hbm>>)
        tpu.yield
      }) : () -> ()
      %mul3A_231 = arith.constant 128 : i32
      %mul3A_232 = arith.muli %scan3A_19#1, %mul3A_231 : i32
      %run_scoped3A_233 = arith.constant 0 : i32
      "tpu.region"() ({
        %run_scoped3A_241 = tpu.sem_alloc : memref<!tpu.dma_semaphore, #tpu.memory_space<semaphore_mem>>
        %dma_start3A = arith.constant 0 : i32
        %dma_start3A_242 = tpu.memref_slice %arg10[%dma_start3A] : memref<160xi32, #tpu.memory_space<vmem>> -> memref<128xi32, #tpu.memory_space<vmem>>
        %dma_start3A_243 = tpu.memref_slice %arg5[%add3A, %run_scoped3A_233, %mul3A_232] : memref<32x1x320128xi32, #tpu.memory_space<hbm>> -> memref<1x1x128xi32, #tpu.memory_space<hbm>>
        %dma_start3A_244 = tpu.memref_squeeze %dma_start3A_243 : memref<1x1x128xi32, #tpu.memory_space<hbm>> -> memref<128xi32, #tpu.memory_space<hbm>>
        %dma_start3A_245 = tpu.memref_slice %arg5[%add3A, %run_scoped3A_233, %mul3A_232] : memref<32x1x320128xi32, #tpu.memory_space<hbm>> -> memref<1x1x128xi32, #tpu.memory_space<hbm>>
        %dma_start3A_246 = tpu.memref_squeeze %dma_start3A_245 : memref<1x1x128xi32, #tpu.memory_space<hbm>> -> memref<128xi32, #tpu.memory_space<hbm>>
        %dma_start3A_247 = arith.constant 0 : i32
        %dma_start3A_248 = tpu.memref_slice %arg10[%dma_start3A_247] : memref<160xi32, #tpu.memory_space<vmem>> -> memref<128xi32, #tpu.memory_space<vmem>>
        tpu.enqueue_dma source(%dma_start3A_248 : memref<128xi32, #tpu.memory_space<vmem>>) target(%dma_start3A_246 : memref<128xi32, #tpu.memory_space<hbm>>) target_semaphore(%run_scoped3A_241 : memref<!tpu.dma_semaphore, #tpu.memory_space<semaphore_mem>>)
        %dma_wait3A = arith.constant 0 : i32
        %dma_wait3A_249 = tpu.memref_slice %arg10[%dma_wait3A] : memref<160xi32, #tpu.memory_space<vmem>> -> memref<128xi32, #tpu.memory_space<vmem>>
        %dma_wait3A_250 = tpu.memref_slice %arg5[%add3A, %run_scoped3A_233, %mul3A_232] : memref<32x1x320128xi32, #tpu.memory_space<hbm>> -> memref<1x1x128xi32, #tpu.memory_space<hbm>>
        %dma_wait3A_251 = tpu.memref_squeeze %dma_wait3A_250 : memref<1x1x128xi32, #tpu.memory_space<hbm>> -> memref<128xi32, #tpu.memory_space<hbm>>
        %dma_wait3A_252 = tpu.memref_slice %arg5[%add3A, %run_scoped3A_233, %mul3A_232] : memref<32x1x320128xi32, #tpu.memory_space<hbm>> -> memref<1x1x128xi32, #tpu.memory_space<hbm>>
        %dma_wait3A_253 = tpu.memref_squeeze %dma_wait3A_252 : memref<1x1x128xi32, #tpu.memory_space<hbm>> -> memref<128xi32, #tpu.memory_space<hbm>>
        %dma_wait3A_254 = arith.constant 0 : i32
        %dma_wait3A_255 = tpu.memref_slice %arg10[%dma_wait3A_254] : memref<160xi32, #tpu.memory_space<vmem>> -> memref<128xi32, #tpu.memory_space<vmem>>
        tpu.wait_dma2 semaphore(%run_scoped3A_241 : memref<!tpu.dma_semaphore, #tpu.memory_space<semaphore_mem>>) src(%dma_wait3A_255 : memref<128xi32, #tpu.memory_space<vmem>>) dst(%dma_wait3A_253 : memref<128xi32, #tpu.memory_space<hbm>>)
        tpu.yield
      }) : () -> ()
      %get3A = arith.constant 128 : index
      %get3A_234 = tpu.vector_load %arg9[%get3A] {strides = array<i32>} : memref<160xi32, #tpu.memory_space<vmem>>, vector<16xi32>,
      %swap3A_235 = arith.constant 0 : index
      %swap3A_236 = tpu.vector_load %arg9[%swap3A_235] {strides = array<i32>} : memref<160xi32, #tpu.memory_space<vmem>>, vector<16xi32>,
      tpu.vector_store %arg9[%swap3A_235], %get3A_234 {strides = array<i32>} : memref<160xi32, #tpu.memory_space<vmem>>, vector<16xi32>,
      %get3A_237 = arith.constant 128 : index
      %get3A_238 = tpu.vector_load %arg10[%get3A_237] {strides = array<i32>} : memref<160xi32, #tpu.memory_space<vmem>>, vector<16xi32>,
      %swap3A_239 = arith.constant 0 : index
      %swap3A_240 = tpu.vector_load %arg10[%swap3A_239] {strides = array<i32>} : memref<160xi32, #tpu.memory_space<vmem>>, vector<16xi32>,
      tpu.vector_store %arg10[%swap3A_239], %get3A_238 {strides = array<i32>} : memref<160xi32, #tpu.memory_space<vmem>>, vector<16xi32>,
    } else {
    }
    %sub3A_38 = arith.constant 128 : i32
    %sub3A_39 = arith.subi %add3A_35, %sub3A_38 : i32
    %select_n3A_40 = arith.select %ge3A_36, %sub3A_39, %add3A_35 : i32
    %add3A_41 = arith.constant 1 : i32
    %add3A_42 = arith.addi %scan3A_19#1, %add3A_41 : i32
    %select_n3A_43 = arith.select %ge3A_36, %add3A_42, %scan3A_19#1 : i32
    %gt3A_44 = arith.constant 0 : i32
    %gt3A_45 = vector.broadcast %gt3A_44 : i32 to vector<16xi32>
    %gt3A_46 = arith.cmpi sgt, %add3A_27, %gt3A_45 : vector<16xi32>
    %broadcast_in_dim3A_47 = arith.constant true
    %broadcast_in_dim3A_48 = vector.broadcast %broadcast_in_dim3A_47 : i1 to vector<16xi1>
    %masked_cumsum3A_49 = tpu.scan <sum>, %add3A_27 masked %broadcast_in_dim3A_48 : vector<16xi32>, vector<16xi1> -> vector<16xi32>
    %add3A_50 = vector.broadcast %select_n3A_40 : i32 to vector<16xi32>
    %add3A_51 = arith.addi %add3A_50, %masked_cumsum3A_49 : vector<16xi32>
    %sub3A_52 = arith.subi %add3A_51, %add3A_27 : vector<16xi32>
    %jit3A_53 = arith.constant 144 : i32
    %broadcast_in_dim3A_54 = vector.broadcast %jit3A_53 : i32 to vector<16xi32>
    %select_n3A_55 = arith.select %gt3A_46, %sub3A_52, %broadcast_in_dim3A_54 : vector<16xi1>, vector<16xi32>
    tpu.vector_store_idx %arg9[%select_n3A_55], %broadcast_in_dim3A_21 : memref<160xi32, #tpu.memory_space<vmem>>[vector<16xi32>], vector<16xi32>,
    tpu.vector_store_idx %arg10[%select_n3A_55], %broadcast_in_dim3A_24 : memref<160xi32, #tpu.memory_space<vmem>>[vector<16xi32>], vector<16xi32>,
    %slice3A_56 = vector.extract_strided_slice %masked_cumsum3A_49 {offsets = [15], sizes = [1], strides = [1]} : vector<16xi32> to vector<1xi32>
    %squeeze3A_57 = vector.extract %slice3A_56[0] : i32 from vector<1xi32>
    %add3A_58 = arith.addi %select_n3A_40, %squeeze3A_57 : i32
    %ge3A_59 = arith.constant 128 : i32
    %ge3A_60 = arith.cmpi sge, %add3A_58, %ge3A_59 : i32
    %convert_element_type3A_61 = arith.extui %ge3A_60 : i1 to i32
    %cond3A_62 = arith.constant 0 : i32
    %cond3A_63 = arith.cmpi ne, %convert_element_type3A_61, %cond3A_62 : i32
    scf.if %cond3A_63 {
      %mul3A_228 = arith.constant 128 : i32
      %mul3A_229 = arith.muli %select_n3A_43, %mul3A_228 : i32
      %run_scoped3A_230 = arith.constant 0 : i32
      "tpu.region"() ({
        %run_scoped3A_241 = tpu.sem_alloc : memref<!tpu.dma_semaphore, #tpu.memory_space<semaphore_mem>>
        %dma_start3A = arith.constant 0 : i32
        %dma_start3A_242 = tpu.memref_slice %arg9[%dma_start3A] : memref<160xi32, #tpu.memory_space<vmem>> -> memref<128xi32, #tpu.memory_space<vmem>>
        %dma_start3A_243 = tpu.memref_slice %arg4[%add3A, %run_scoped3A_230, %mul3A_229] : memref<32x1x320128xi32, #tpu.memory_space<hbm>> -> memref<1x1x128xi32, #tpu.memory_space<hbm>>
        %dma_start3A_244 = tpu.memref_squeeze %dma_start3A_243 : memref<1x1x128xi32, #tpu.memory_space<hbm>> -> memref<128xi32, #tpu.memory_space<hbm>>
        %dma_start3A_245 = tpu.memref_slice %arg4[%add3A, %run_scoped3A_230, %mul3A_229] : memref<32x1x320128xi32, #tpu.memory_space<hbm>> -> memref<1x1x128xi32, #tpu.memory_space<hbm>>
        %dma_start3A_246 = tpu.memref_squeeze %dma_start3A_245 : memref<1x1x128xi32, #tpu.memory_space<hbm>> -> memref<128xi32, #tpu.memory_space<hbm>>
        %dma_start3A_247 = arith.constant 0 : i32
        %dma_start3A_248 = tpu.memref_slice %arg9[%dma_start3A_247] : memref<160xi32, #tpu.memory_space<vmem>> -> memref<128xi32, #tpu.memory_space<vmem>>
        tpu.enqueue_dma source(%dma_start3A_248 : memref<128xi32, #tpu.memory_space<vmem>>) target(%dma_start3A_246 : memref<128xi32, #tpu.memory_space<hbm>>) target_semaphore(%run_scoped3A_241 : memref<!tpu.dma_semaphore, #tpu.memory_space<semaphore_mem>>)
        %dma_wait3A = arith.constant 0 : i32
        %dma_wait3A_249 = tpu.memref_slice %arg9[%dma_wait3A] : memref<160xi32, #tpu.memory_space<vmem>> -> memref<128xi32, #tpu.memory_space<vmem>>
        %dma_wait3A_250 = tpu.memref_slice %arg4[%add3A, %run_scoped3A_230, %mul3A_229] : memref<32x1x320128xi32, #tpu.memory_space<hbm>> -> memref<1x1x128xi32, #tpu.memory_space<hbm>>
        %dma_wait3A_251 = tpu.memref_squeeze %dma_wait3A_250 : memref<1x1x128xi32, #tpu.memory_space<hbm>> -> memref<128xi32, #tpu.memory_space<hbm>>
        %dma_wait3A_252 = tpu.memref_slice %arg4[%add3A, %run_scoped3A_230, %mul3A_229] : memref<32x1x320128xi32, #tpu.memory_space<hbm>> -> memref<1x1x128xi32, #tpu.memory_space<hbm>>
        %dma_wait3A_253 = tpu.memref_squeeze %dma_wait3A_252 : memref<1x1x128xi32, #tpu.memory_space<hbm>> -> memref<128xi32, #tpu.memory_space<hbm>>
        %dma_wait3A_254 = arith.constant 0 : i32
        %dma_wait3A_255 = tpu.memref_slice %arg9[%dma_wait3A_254] : memref<160xi32, #tpu.memory_space<vmem>> -> memref<128xi32, #tpu.memory_space<vmem>>
        tpu.wait_dma2 semaphore(%run_scoped3A_241 : memref<!tpu.dma_semaphore, #tpu.memory_space<semaphore_mem>>) src(%dma_wait3A_255 : memref<128xi32, #tpu.memory_space<vmem>>) dst(%dma_wait3A_253 : memref<128xi32, #tpu.memory_space<hbm>>)
        tpu.yield
      }) : () -> ()
      %mul3A_231 = arith.constant 128 : i32
      %mul3A_232 = arith.muli %select_n3A_43, %mul3A_231 : i32
      %run_scoped3A_233 = arith.constant 0 : i32
      "tpu.region"() ({
        %run_scoped3A_241 = tpu.sem_alloc : memref<!tpu.dma_semaphore, #tpu.memory_space<semaphore_mem>>
        %dma_start3A = arith.constant 0 : i32
        %dma_start3A_242 = tpu.memref_slice %arg10[%dma_start3A] : memref<160xi32, #tpu.memory_space<vmem>> -> memref<128xi32, #tpu.memory_space<vmem>>
        %dma_start3A_243 = tpu.memref_slice %arg5[%add3A, %run_scoped3A_233, %mul3A_232] : memref<32x1x320128xi32, #tpu.memory_space<hbm>> -> memref<1x1x128xi32, #tpu.memory_space<hbm>>
        %dma_start3A_244 = tpu.memref_squeeze %dma_start3A_243 : memref<1x1x128xi32, #tpu.memory_space<hbm>> -> memref<128xi32, #tpu.memory_space<hbm>>
        %dma_start3A_245 = tpu.memref_slice %arg5[%add3A, %run_scoped3A_233, %mul3A_232] : memref<32x1x320128xi32, #tpu.memory_space<hbm>> -> memref<1x1x128xi32, #tpu.memory_space<hbm>>
        %dma_start3A_246 = tpu.memref_squeeze %dma_start3A_245 : memref<1x1x128xi32, #tpu.memory_space<hbm>> -> memref<128xi32, #tpu.memory_space<hbm>>
        %dma_start3A_247 = arith.constant 0 : i32
        %dma_start3A_248 = tpu.memref_slice %arg10[%dma_start3A_247] : memref<160xi32, #tpu.memory_space<vmem>> -> memref<128xi32, #tpu.memory_space<vmem>>
        tpu.enqueue_dma source(%dma_start3A_248 : memref<128xi32, #tpu.memory_space<vmem>>) target(%dma_start3A_246 : memref<128xi32, #tpu.memory_space<hbm>>) target_semaphore(%run_scoped3A_241 : memref<!tpu.dma_semaphore, #tpu.memory_space<semaphore_mem>>)
        %dma_wait3A = arith.constant 0 : i32
        %dma_wait3A_249 = tpu.memref_slice %arg10[%dma_wait3A] : memref<160xi32, #tpu.memory_space<vmem>> -> memref<128xi32, #tpu.memory_space<vmem>>
        %dma_wait3A_250 = tpu.memref_slice %arg5[%add3A, %run_scoped3A_233, %mul3A_232] : memref<32x1x320128xi32, #tpu.memory_space<hbm>> -> memref<1x1x128xi32, #tpu.memory_space<hbm>>
        %dma_wait3A_251 = tpu.memref_squeeze %dma_wait3A_250 : memref<1x1x128xi32, #tpu.memory_space<hbm>> -> memref<128xi32, #tpu.memory_space<hbm>>
        %dma_wait3A_252 = tpu.memref_slice %arg5[%add3A, %run_scoped3A_233, %mul3A_232] : memref<32x1x320128xi32, #tpu.memory_space<hbm>> -> memref<1x1x128xi32, #tpu.memory_space<hbm>>
        %dma_wait3A_253 = tpu.memref_squeeze %dma_wait3A_252 : memref<1x1x128xi32, #tpu.memory_space<hbm>> -> memref<128xi32, #tpu.memory_space<hbm>>
        %dma_wait3A_254 = arith.constant 0 : i32
        %dma_wait3A_255 = tpu.memref_slice %arg10[%dma_wait3A_254] : memref<160xi32, #tpu.memory_space<vmem>> -> memref<128xi32, #tpu.memory_space<vmem>>
        tpu.wait_dma2 semaphore(%run_scoped3A_241 : memref<!tpu.dma_semaphore, #tpu.memory_space<semaphore_mem>>) src(%dma_wait3A_255 : memref<128xi32, #tpu.memory_space<vmem>>) dst(%dma_wait3A_253 : memref<128xi32, #tpu.memory_space<hbm>>)
        tpu.yield
      }) : () -> ()
      %get3A = arith.constant 128 : index
      %get3A_234 = tpu.vector_load %arg9[%get3A] {strides = array<i32>} : memref<160xi32, #tpu.memory_space<vmem>>, vector<16xi32>,
      %swap3A_235 = arith.constant 0 : index
      %swap3A_236 = tpu.vector_load %arg9[%swap3A_235] {strides = array<i32>} : memref<160xi32, #tpu.memory_space<vmem>>, vector<16xi32>,
      tpu.vector_store %arg9[%swap3A_235], %get3A_234 {strides = array<i32>} : memref<160xi32, #tpu.memory_space<vmem>>, vector<16xi32>,
      %get3A_237 = arith.constant 128 : index
      %get3A_238 = tpu.vector_load %arg10[%get3A_237] {strides = array<i32>} : memref<160xi32, #tpu.memory_space<vmem>>, vector<16xi32>,
      %swap3A_239 = arith.constant 0 : index
      %swap3A_240 = tpu.vector_load %arg10[%swap3A_239] {strides = array<i32>} : memref<160xi32, #tpu.memory_space<vmem>>, vector<16xi32>,
      tpu.vector_store %arg10[%swap3A_239], %get3A_238 {strides = array<i32>} : memref<160xi32, #tpu.memory_space<vmem>>, vector<16xi32>,
    } else {
    }
    %sub3A_64 = arith.constant 128 : i32
    %sub3A_65 = arith.subi %add3A_58, %sub3A_64 : i32
    %select_n3A_66 = arith.select %ge3A_60, %sub3A_65, %add3A_58 : i32
    %add3A_67 = arith.constant 1 : i32
    %add3A_68 = arith.addi %select_n3A_43, %add3A_67 : i32
    %select_n3A_69 = arith.select %ge3A_60, %add3A_68, %select_n3A_43 : i32
    %gt3A_70 = arith.constant 0 : i32
    %gt3A_71 = vector.broadcast %gt3A_70 : i32 to vector<16xi32>
    %gt3A_72 = arith.cmpi sgt, %add3A_27, %gt3A_71 : vector<16xi32>
    %broadcast_in_dim3A_73 = arith.constant true
    %broadcast_in_dim3A_74 = vector.broadcast %broadcast_in_dim3A_73 : i1 to vector<16xi1>
    %masked_cumsum3A_75 = tpu.scan <sum>, %add3A_27 masked %broadcast_in_dim3A_74 : vector<16xi32>, vector<16xi1> -> vector<16xi32>
    %add3A_76 = vector.broadcast %select_n3A_66 : i32 to vector<16xi32>
    %add3A_77 = arith.addi %add3A_76, %masked_cumsum3A_75 : vector<16xi32>
    %sub3A_78 = arith.subi %add3A_77, %add3A_27 : vector<16xi32>
    %jit3A_79 = arith.constant 144 : i32
    %broadcast_in_dim3A_80 = vector.broadcast %jit3A_79 : i32 to vector<16xi32>
    %select_n3A_81 = arith.select %gt3A_72, %sub3A_78, %broadcast_in_dim3A_80 : vector<16xi1>, vector<16xi32>
    tpu.vector_store_idx %arg9[%select_n3A_81], %broadcast_in_dim3A_21 : memref<160xi32, #tpu.memory_space<vmem>>[vector<16xi32>], vector<16xi32>,
    tpu.vector_store_idx %arg10[%select_n3A_81], %broadcast_in_dim3A_24 : memref<160xi32, #tpu.memory_space<vmem>>[vector<16xi32>], vector<16xi32>,
    %slice3A_82 = vector.extract_strided_slice %masked_cumsum3A_75 {offsets = [15], sizes = [1], strides = [1]} : vector<16xi32> to vector<1xi32>
    %squeeze3A_83 = vector.extract %slice3A_82[0] : i32 from vector<1xi32>
    %add3A_84 = arith.addi %select_n3A_66, %squeeze3A_83 : i32
    %ge3A_85 = arith.constant 128 : i32
    %ge3A_86 = arith.cmpi sge, %add3A_84, %ge3A_85 : i32
    %convert_element_type3A_87 = arith.extui %ge3A_86 : i1 to i32
    %cond3A_88 = arith.constant 0 : i32
    %cond3A_89 = arith.cmpi ne, %convert_element_type3A_87, %cond3A_88 : i32
    scf.if %cond3A_89 {
      %mul3A_228 = arith.constant 128 : i32
      %mul3A_229 = arith.muli %select_n3A_69, %mul3A_228 : i32
      %run_scoped3A_230 = arith.constant 0 : i32
      "tpu.region"() ({
        %run_scoped3A_241 = tpu.sem_alloc : memref<!tpu.dma_semaphore, #tpu.memory_space<semaphore_mem>>
        %dma_start3A = arith.constant 0 : i32
        %dma_start3A_242 = tpu.memref_slice %arg9[%dma_start3A] : memref<160xi32, #tpu.memory_space<vmem>> -> memref<128xi32, #tpu.memory_space<vmem>>
        %dma_start3A_243 = tpu.memref_slice %arg4[%add3A, %run_scoped3A_230, %mul3A_229] : memref<32x1x320128xi32, #tpu.memory_space<hbm>> -> memref<1x1x128xi32, #tpu.memory_space<hbm>>
        %dma_start3A_244 = tpu.memref_squeeze %dma_start3A_243 : memref<1x1x128xi32, #tpu.memory_space<hbm>> -> memref<128xi32, #tpu.memory_space<hbm>>
        %dma_start3A_245 = tpu.memref_slice %arg4[%add3A, %run_scoped3A_230, %mul3A_229] : memref<32x1x320128xi32, #tpu.memory_space<hbm>> -> memref<1x1x128xi32, #tpu.memory_space<hbm>>
        %dma_start3A_246 = tpu.memref_squeeze %dma_start3A_245 : memref<1x1x128xi32, #tpu.memory_space<hbm>> -> memref<128xi32, #tpu.memory_space<hbm>>
        %dma_start3A_247 = arith.constant 0 : i32
        %dma_start3A_248 = tpu.memref_slice %arg9[%dma_start3A_247] : memref<160xi32, #tpu.memory_space<vmem>> -> memref<128xi32, #tpu.memory_space<vmem>>
        tpu.enqueue_dma source(%dma_start3A_248 : memref<128xi32, #tpu.memory_space<vmem>>) target(%dma_start3A_246 : memref<128xi32, #tpu.memory_space<hbm>>) target_semaphore(%run_scoped3A_241 : memref<!tpu.dma_semaphore, #tpu.memory_space<semaphore_mem>>)
        %dma_wait3A = arith.constant 0 : i32
        %dma_wait3A_249 = tpu.memref_slice %arg9[%dma_wait3A] : memref<160xi32, #tpu.memory_space<vmem>> -> memref<128xi32, #tpu.memory_space<vmem>>
        %dma_wait3A_250 = tpu.memref_slice %arg4[%add3A, %run_scoped3A_230, %mul3A_229] : memref<32x1x320128xi32, #tpu.memory_space<hbm>> -> memref<1x1x128xi32, #tpu.memory_space<hbm>>
        %dma_wait3A_251 = tpu.memref_squeeze %dma_wait3A_250 : memref<1x1x128xi32, #tpu.memory_space<hbm>> -> memref<128xi32, #tpu.memory_space<hbm>>
        %dma_wait3A_252 = tpu.memref_slice %arg4[%add3A, %run_scoped3A_230, %mul3A_229] : memref<32x1x320128xi32, #tpu.memory_space<hbm>> -> memref<1x1x128xi32, #tpu.memory_space<hbm>>
        %dma_wait3A_253 = tpu.memref_squeeze %dma_wait3A_252 : memref<1x1x128xi32, #tpu.memory_space<hbm>> -> memref<128xi32, #tpu.memory_space<hbm>>
        %dma_wait3A_254 = arith.constant 0 : i32
        %dma_wait3A_255 = tpu.memref_slice %arg9[%dma_wait3A_254] : memref<160xi32, #tpu.memory_space<vmem>> -> memref<128xi32, #tpu.memory_space<vmem>>
        tpu.wait_dma2 semaphore(%run_scoped3A_241 : memref<!tpu.dma_semaphore, #tpu.memory_space<semaphore_mem>>) src(%dma_wait3A_255 : memref<128xi32, #tpu.memory_space<vmem>>) dst(%dma_wait3A_253 : memref<128xi32, #tpu.memory_space<hbm>>)
        tpu.yield
      }) : () -> ()
      %mul3A_231 = arith.constant 128 : i32
      %mul3A_232 = arith.muli %select_n3A_69, %mul3A_231 : i32
      %run_scoped3A_233 = arith.constant 0 : i32
      "tpu.region"() ({
        %run_scoped3A_241 = tpu.sem_alloc : memref<!tpu.dma_semaphore, #tpu.memory_space<semaphore_mem>>
        %dma_start3A = arith.constant 0 : i32
        %dma_start3A_242 = tpu.memref_slice %arg10[%dma_start3A] : memref<160xi32, #tpu.memory_space<vmem>> -> memref<128xi32, #tpu.memory_space<vmem>>
        %dma_start3A_243 = tpu.memref_slice %arg5[%add3A, %run_scoped3A_233, %mul3A_232] : memref<32x1x320128xi32, #tpu.memory_space<hbm>> -> memref<1x1x128xi32, #tpu.memory_space<hbm>>
        %dma_start3A_244 = tpu.memref_squeeze %dma_start3A_243 : memref<1x1x128xi32, #tpu.memory_space<hbm>> -> memref<128xi32, #tpu.memory_space<hbm>>
        %dma_start3A_245 = tpu.memref_slice %arg5[%add3A, %run_scoped3A_233, %mul3A_232] : memref<32x1x320128xi32, #tpu.memory_space<hbm>> -> memref<1x1x128xi32, #tpu.memory_space<hbm>>
        %dma_start3A_246 = tpu.memref_squeeze %dma_start3A_245 : memref<1x1x128xi32, #tpu.memory_space<hbm>> -> memref<128xi32, #tpu.memory_space<hbm>>
        %dma_start3A_247 = arith.constant 0 : i32
        %dma_start3A_248 = tpu.memref_slice %arg10[%dma_start3A_247] : memref<160xi32, #tpu.memory_space<vmem>> -> memref<128xi32, #tpu.memory_space<vmem>>
        tpu.enqueue_dma source(%dma_start3A_248 : memref<128xi32, #tpu.memory_space<vmem>>) target(%dma_start3A_246 : memref<128xi32, #tpu.memory_space<hbm>>) target_semaphore(%run_scoped3A_241 : memref<!tpu.dma_semaphore, #tpu.memory_space<semaphore_mem>>)
        %dma_wait3A = arith.constant 0 : i32
        %dma_wait3A_249 = tpu.memref_slice %arg10[%dma_wait3A] : memref<160xi32, #tpu.memory_space<vmem>> -> memref<128xi32, #tpu.memory_space<vmem>>
        %dma_wait3A_250 = tpu.memref_slice %arg5[%add3A, %run_scoped3A_233, %mul3A_232] : memref<32x1x320128xi32, #tpu.memory_space<hbm>> -> memref<1x1x128xi32, #tpu.memory_space<hbm>>
        %dma_wait3A_251 = tpu.memref_squeeze %dma_wait3A_250 : memref<1x1x128xi32, #tpu.memory_space<hbm>> -> memref<128xi32, #tpu.memory_space<hbm>>
        %dma_wait3A_252 = tpu.memref_slice %arg5[%add3A, %run_scoped3A_233, %mul3A_232] : memref<32x1x320128xi32, #tpu.memory_space<hbm>> -> memref<1x1x128xi32, #tpu.memory_space<hbm>>
        %dma_wait3A_253 = tpu.memref_squeeze %dma_wait3A_252 : memref<1x1x128xi32, #tpu.memory_space<hbm>> -> memref<128xi32, #tpu.memory_space<hbm>>
        %dma_wait3A_254 = arith.constant 0 : i32
        %dma_wait3A_255 = tpu.memref_slice %arg10[%dma_wait3A_254] : memref<160xi32, #tpu.memory_space<vmem>> -> memref<128xi32, #tpu.memory_space<vmem>>
        tpu.wait_dma2 semaphore(%run_scoped3A_241 : memref<!tpu.dma_semaphore, #tpu.memory_space<semaphore_mem>>) src(%dma_wait3A_255 : memref<128xi32, #tpu.memory_space<vmem>>) dst(%dma_wait3A_253 : memref<128xi32, #tpu.memory_space<hbm>>)
        tpu.yield
      }) : () -> ()
      %get3A = arith.constant 128 : index
      %get3A_234 = tpu.vector_load %arg9[%get3A] {strides = array<i32>} : memref<160xi32, #tpu.memory_space<vmem>>, vector<16xi32>,
      %swap3A_235 = arith.constant 0 : index
      %swap3A_236 = tpu.vector_load %arg9[%swap3A_235] {strides = array<i32>} : memref<160xi32, #tpu.memory_space<vmem>>, vector<16xi32>,
      tpu.vector_store %arg9[%swap3A_235], %get3A_234 {strides = array<i32>} : memref<160xi32, #tpu.memory_space<vmem>>, vector<16xi32>,
      %get3A_237 = arith.constant 128 : index
      %get3A_238 = tpu.vector_load %arg10[%get3A_237] {strides = array<i32>} : memref<160xi32, #tpu.memory_space<vmem>>, vector<16xi32>,
      %swap3A_239 = arith.constant 0 : index
      %swap3A_240 = tpu.vector_load %arg10[%swap3A_239] {strides = array<i32>} : memref<160xi32, #tpu.memory_space<vmem>>, vector<16xi32>,
      tpu.vector_store %arg10[%swap3A_239], %get3A_238 {strides = array<i32>} : memref<160xi32, #tpu.memory_space<vmem>>, vector<16xi32>,
    } else {
    }
    %sub3A_90 = arith.constant 128 : i32
    %sub3A_91 = arith.subi %add3A_84, %sub3A_90 : i32
    %select_n3A_92 = arith.select %ge3A_86, %sub3A_91, %add3A_84 : i32
    %add3A_93 = arith.constant 1 : i32
    %add3A_94 = arith.addi %select_n3A_69, %add3A_93 : i32
    %select_n3A_95 = arith.select %ge3A_86, %add3A_94, %select_n3A_69 : i32
    %gt3A_96 = arith.constant 0 : i32
    %gt3A_97 = vector.broadcast %gt3A_96 : i32 to vector<16xi32>
    %gt3A_98 = arith.cmpi sgt, %add3A_27, %gt3A_97 : vector<16xi32>
    %broadcast_in_dim3A_99 = arith.constant true
    %broadcast_in_dim3A_100 = vector.broadcast %broadcast_in_dim3A_99 : i1 to vector<16xi1>
    %masked_cumsum3A_101 = tpu.scan <sum>, %add3A_27 masked %broadcast_in_dim3A_100 : vector<16xi32>, vector<16xi1> -> vector<16xi32>
    %add3A_102 = vector.broadcast %select_n3A_92 : i32 to vector<16xi32>
    %add3A_103 = arith.addi %add3A_102, %masked_cumsum3A_101 : vector<16xi32>
    %sub3A_104 = arith.subi %add3A_103, %add3A_27 : vector<16xi32>
    %jit3A_105 = arith.constant 144 : i32
    %broadcast_in_dim3A_106 = vector.broadcast %jit3A_105 : i32 to vector<16xi32>
    %select_n3A_107 = arith.select %gt3A_98, %sub3A_104, %broadcast_in_dim3A_106 : vector<16xi1>, vector<16xi32>
    tpu.vector_store_idx %arg9[%select_n3A_107], %broadcast_in_dim3A_21 : memref<160xi32, #tpu.memory_space<vmem>>[vector<16xi32>], vector<16xi32>,
    tpu.vector_store_idx %arg10[%select_n3A_107], %broadcast_in_dim3A_24 : memref<160xi32, #tpu.memory_space<vmem>>[vector<16xi32>], vector<16xi32>,
    %slice3A_108 = vector.extract_strided_slice %masked_cumsum3A_101 {offsets = [15], sizes = [1], strides = [1]} : vector<16xi32> to vector<1xi32>
    %squeeze3A_109 = vector.extract %slice3A_108[0] : i32 from vector<1xi32>
    %add3A_110 = arith.addi %select_n3A_92, %squeeze3A_109 : i32
    %ge3A_111 = arith.constant 128 : i32
    %ge3A_112 = arith.cmpi sge, %add3A_110, %ge3A_111 : i32
    %convert_element_type3A_113 = arith.extui %ge3A_112 : i1 to i32
    %cond3A_114 = arith.constant 0 : i32
    %cond3A_115 = arith.cmpi ne, %convert_element_type3A_113, %cond3A_114 : i32
    scf.if %cond3A_115 {
      %mul3A_228 = arith.constant 128 : i32
      %mul3A_229 = arith.muli %select_n3A_95, %mul3A_228 : i32
      %run_scoped3A_230 = arith.constant 0 : i32
      "tpu.region"() ({
        %run_scoped3A_241 = tpu.sem_alloc : memref<!tpu.dma_semaphore, #tpu.memory_space<semaphore_mem>>
        %dma_start3A = arith.constant 0 : i32
        %dma_start3A_242 = tpu.memref_slice %arg9[%dma_start3A] : memref<160xi32, #tpu.memory_space<vmem>> -> memref<128xi32, #tpu.memory_space<vmem>>
        %dma_start3A_243 = tpu.memref_slice %arg4[%add3A, %run_scoped3A_230, %mul3A_229] : memref<32x1x320128xi32, #tpu.memory_space<hbm>> -> memref<1x1x128xi32, #tpu.memory_space<hbm>>
        %dma_start3A_244 = tpu.memref_squeeze %dma_start3A_243 : memref<1x1x128xi32, #tpu.memory_space<hbm>> -> memref<128xi32, #tpu.memory_space<hbm>>
        %dma_start3A_245 = tpu.memref_slice %arg4[%add3A, %run_scoped3A_230, %mul3A_229] : memref<32x1x320128xi32, #tpu.memory_space<hbm>> -> memref<1x1x128xi32, #tpu.memory_space<hbm>>
        %dma_start3A_246 = tpu.memref_squeeze %dma_start3A_245 : memref<1x1x128xi32, #tpu.memory_space<hbm>> -> memref<128xi32, #tpu.memory_space<hbm>>
        %dma_start3A_247 = arith.constant 0 : i32
        %dma_start3A_248 = tpu.memref_slice %arg9[%dma_start3A_247] : memref<160xi32, #tpu.memory_space<vmem>> -> memref<128xi32, #tpu.memory_space<vmem>>
        tpu.enqueue_dma source(%dma_start3A_248 : memref<128xi32, #tpu.memory_space<vmem>>) target(%dma_start3A_246 : memref<128xi32, #tpu.memory_space<hbm>>) target_semaphore(%run_scoped3A_241 : memref<!tpu.dma_semaphore, #tpu.memory_space<semaphore_mem>>)
        %dma_wait3A = arith.constant 0 : i32
        %dma_wait3A_249 = tpu.memref_slice %arg9[%dma_wait3A] : memref<160xi32, #tpu.memory_space<vmem>> -> memref<128xi32, #tpu.memory_space<vmem>>
        %dma_wait3A_250 = tpu.memref_slice %arg4[%add3A, %run_scoped3A_230, %mul3A_229] : memref<32x1x320128xi32, #tpu.memory_space<hbm>> -> memref<1x1x128xi32, #tpu.memory_space<hbm>>
        %dma_wait3A_251 = tpu.memref_squeeze %dma_wait3A_250 : memref<1x1x128xi32, #tpu.memory_space<hbm>> -> memref<128xi32, #tpu.memory_space<hbm>>
        %dma_wait3A_252 = tpu.memref_slice %arg4[%add3A, %run_scoped3A_230, %mul3A_229] : memref<32x1x320128xi32, #tpu.memory_space<hbm>> -> memref<1x1x128xi32, #tpu.memory_space<hbm>>
        %dma_wait3A_253 = tpu.memref_squeeze %dma_wait3A_252 : memref<1x1x128xi32, #tpu.memory_space<hbm>> -> memref<128xi32, #tpu.memory_space<hbm>>
        %dma_wait3A_254 = arith.constant 0 : i32
        %dma_wait3A_255 = tpu.memref_slice %arg9[%dma_wait3A_254] : memref<160xi32, #tpu.memory_space<vmem>> -> memref<128xi32, #tpu.memory_space<vmem>>
        tpu.wait_dma2 semaphore(%run_scoped3A_241 : memref<!tpu.dma_semaphore, #tpu.memory_space<semaphore_mem>>) src(%dma_wait3A_255 : memref<128xi32, #tpu.memory_space<vmem>>) dst(%dma_wait3A_253 : memref<128xi32, #tpu.memory_space<hbm>>)
        tpu.yield
      }) : () -> ()
      %mul3A_231 = arith.constant 128 : i32
      %mul3A_232 = arith.muli %select_n3A_95, %mul3A_231 : i32
      %run_scoped3A_233 = arith.constant 0 : i32
      "tpu.region"() ({
        %run_scoped3A_241 = tpu.sem_alloc : memref<!tpu.dma_semaphore, #tpu.memory_space<semaphore_mem>>
        %dma_start3A = arith.constant 0 : i32
        %dma_start3A_242 = tpu.memref_slice %arg10[%dma_start3A] : memref<160xi32, #tpu.memory_space<vmem>> -> memref<128xi32, #tpu.memory_space<vmem>>
        %dma_start3A_243 = tpu.memref_slice %arg5[%add3A, %run_scoped3A_233, %mul3A_232] : memref<32x1x320128xi32, #tpu.memory_space<hbm>> -> memref<1x1x128xi32, #tpu.memory_space<hbm>>
        %dma_start3A_244 = tpu.memref_squeeze %dma_start3A_243 : memref<1x1x128xi32, #tpu.memory_space<hbm>> -> memref<128xi32, #tpu.memory_space<hbm>>
        %dma_start3A_245 = tpu.memref_slice %arg5[%add3A, %run_scoped3A_233, %mul3A_232] : memref<32x1x320128xi32, #tpu.memory_space<hbm>> -> memref<1x1x128xi32, #tpu.memory_space<hbm>>
        %dma_start3A_246 = tpu.memref_squeeze %dma_start3A_245 : memref<1x1x128xi32, #tpu.memory_space<hbm>> -> memref<128xi32, #tpu.memory_space<hbm>>
        %dma_start3A_247 = arith.constant 0 : i32
        %dma_start3A_248 = tpu.memref_slice %arg10[%dma_start3A_247] : memref<160xi32, #tpu.memory_space<vmem>> -> memref<128xi32, #tpu.memory_space<vmem>>
        tpu.enqueue_dma source(%dma_start3A_248 : memref<128xi32, #tpu.memory_space<vmem>>) target(%dma_start3A_246 : memref<128xi32, #tpu.memory_space<hbm>>) target_semaphore(%run_scoped3A_241 : memref<!tpu.dma_semaphore, #tpu.memory_space<semaphore_mem>>)
        %dma_wait3A = arith.constant 0 : i32
        %dma_wait3A_249 = tpu.memref_slice %arg10[%dma_wait3A] : memref<160xi32, #tpu.memory_space<vmem>> -> memref<128xi32, #tpu.memory_space<vmem>>
        %dma_wait3A_250 = tpu.memref_slice %arg5[%add3A, %run_scoped3A_233, %mul3A_232] : memref<32x1x320128xi32, #tpu.memory_space<hbm>> -> memref<1x1x128xi32, #tpu.memory_space<hbm>>
        %dma_wait3A_251 = tpu.memref_squeeze %dma_wait3A_250 : memref<1x1x128xi32, #tpu.memory_space<hbm>> -> memref<128xi32, #tpu.memory_space<hbm>>
        %dma_wait3A_252 = tpu.memref_slice %arg5[%add3A, %run_scoped3A_233, %mul3A_232] : memref<32x1x320128xi32, #tpu.memory_space<hbm>> -> memref<1x1x128xi32, #tpu.memory_space<hbm>>
        %dma_wait3A_253 = tpu.memref_squeeze %dma_wait3A_252 : memref<1x1x128xi32, #tpu.memory_space<hbm>> -> memref<128xi32, #tpu.memory_space<hbm>>
        %dma_wait3A_254 = arith.constant 0 : i32
        %dma_wait3A_255 = tpu.memref_slice %arg10[%dma_wait3A_254] : memref<160xi32, #tpu.memory_space<vmem>> -> memref<128xi32, #tpu.memory_space<vmem>>
        tpu.wait_dma2 semaphore(%run_scoped3A_241 : memref<!tpu.dma_semaphore, #tpu.memory_space<semaphore_mem>>) src(%dma_wait3A_255 : memref<128xi32, #tpu.memory_space<vmem>>) dst(%dma_wait3A_253 : memref<128xi32, #tpu.memory_space<hbm>>)
        tpu.yield
      }) : () -> ()
      %get3A = arith.constant 128 : index
      %get3A_234 = tpu.vector_load %arg9[%get3A] {strides = array<i32>} : memref<160xi32, #tpu.memory_space<vmem>>, vector<16xi32>,
      %swap3A_235 = arith.constant 0 : index
      %swap3A_236 = tpu.vector_load %arg9[%swap3A_235] {strides = array<i32>} : memref<160xi32, #tpu.memory_space<vmem>>, vector<16xi32>,
      tpu.vector_store %arg9[%swap3A_235], %get3A_234 {strides = array<i32>} : memref<160xi32, #tpu.memory_space<vmem>>, vector<16xi32>,
      %get3A_237 = arith.constant 128 : index
      %get3A_238 = tpu.vector_load %arg10[%get3A_237] {strides = array<i32>} : memref<160xi32, #tpu.memory_space<vmem>>, vector<16xi32>,
      %swap3A_239 = arith.constant 0 : index
      %swap3A_240 = tpu.vector_load %arg10[%swap3A_239] {strides = array<i32>} : memref<160xi32, #tpu.memory_space<vmem>>, vector<16xi32>,
      tpu.vector_store %arg10[%swap3A_239], %get3A_238 {strides = array<i32>} : memref<160xi32, #tpu.memory_space<vmem>>, vector<16xi32>,
    } else {
    }
    %sub3A_116 = arith.constant 128 : i32
    %sub3A_117 = arith.subi %add3A_110, %sub3A_116 : i32
    %select_n3A_118 = arith.select %ge3A_112, %sub3A_117, %add3A_110 : i32
    %add3A_119 = arith.constant 1 : i32
    %add3A_120 = arith.addi %select_n3A_95, %add3A_119 : i32
    %select_n3A_121 = arith.select %ge3A_112, %add3A_120, %select_n3A_95 : i32
    %gt3A_122 = arith.constant 0 : i32
    %gt3A_123 = vector.broadcast %gt3A_122 : i32 to vector<16xi32>
    %gt3A_124 = arith.cmpi sgt, %add3A_27, %gt3A_123 : vector<16xi32>
    %broadcast_in_dim3A_125 = arith.constant true
    %broadcast_in_dim3A_126 = vector.broadcast %broadcast_in_dim3A_125 : i1 to vector<16xi1>
    %masked_cumsum3A_127 = tpu.scan <sum>, %add3A_27 masked %broadcast_in_dim3A_126 : vector<16xi32>, vector<16xi1> -> vector<16xi32>
    %add3A_128 = vector.broadcast %select_n3A_118 : i32 to vector<16xi32>
    %add3A_129 = arith.addi %add3A_128, %masked_cumsum3A_127 : vector<16xi32>
    %sub3A_130 = arith.subi %add3A_129, %add3A_27 : vector<16xi32>
    %jit3A_131 = arith.constant 144 : i32
    %broadcast_in_dim3A_132 = vector.broadcast %jit3A_131 : i32 to vector<16xi32>
    %select_n3A_133 = arith.select %gt3A_124, %sub3A_130, %broadcast_in_dim3A_132 : vector<16xi1>, vector<16xi32>
    tpu.vector_store_idx %arg9[%select_n3A_133], %broadcast_in_dim3A_21 : memref<160xi32, #tpu.memory_space<vmem>>[vector<16xi32>], vector<16xi32>,
    tpu.vector_store_idx %arg10[%select_n3A_133], %broadcast_in_dim3A_24 : memref<160xi32, #tpu.memory_space<vmem>>[vector<16xi32>], vector<16xi32>,
    %slice3A_134 = vector.extract_strided_slice %masked_cumsum3A_127 {offsets = [15], sizes = [1], strides = [1]} : vector<16xi32> to vector<1xi32>
    %squeeze3A_135 = vector.extract %slice3A_134[0] : i32 from vector<1xi32>
    %add3A_136 = arith.addi %select_n3A_118, %squeeze3A_135 : i32
    %ge3A_137 = arith.constant 128 : i32
    %ge3A_138 = arith.cmpi sge, %add3A_136, %ge3A_137 : i32
    %convert_element_type3A_139 = arith.extui %ge3A_138 : i1 to i32
    %cond3A_140 = arith.constant 0 : i32
    %cond3A_141 = arith.cmpi ne, %convert_element_type3A_139, %cond3A_140 : i32
    scf.if %cond3A_141 {
      %mul3A_228 = arith.constant 128 : i32
      %mul3A_229 = arith.muli %select_n3A_121, %mul3A_228 : i32
      %run_scoped3A_230 = arith.constant 0 : i32
      "tpu.region"() ({
        %run_scoped3A_241 = tpu.sem_alloc : memref<!tpu.dma_semaphore, #tpu.memory_space<semaphore_mem>>
        %dma_start3A = arith.constant 0 : i32
        %dma_start3A_242 = tpu.memref_slice %arg9[%dma_start3A] : memref<160xi32, #tpu.memory_space<vmem>> -> memref<128xi32, #tpu.memory_space<vmem>>
        %dma_start3A_243 = tpu.memref_slice %arg4[%add3A, %run_scoped3A_230, %mul3A_229] : memref<32x1x320128xi32, #tpu.memory_space<hbm>> -> memref<1x1x128xi32, #tpu.memory_space<hbm>>
        %dma_start3A_244 = tpu.memref_squeeze %dma_start3A_243 : memref<1x1x128xi32, #tpu.memory_space<hbm>> -> memref<128xi32, #tpu.memory_space<hbm>>
        %dma_start3A_245 = tpu.memref_slice %arg4[%add3A, %run_scoped3A_230, %mul3A_229] : memref<32x1x320128xi32, #tpu.memory_space<hbm>> -> memref<1x1x128xi32, #tpu.memory_space<hbm>>
        %dma_start3A_246 = tpu.memref_squeeze %dma_start3A_245 : memref<1x1x128xi32, #tpu.memory_space<hbm>> -> memref<128xi32, #tpu.memory_space<hbm>>
        %dma_start3A_247 = arith.constant 0 : i32
        %dma_start3A_248 = tpu.memref_slice %arg9[%dma_start3A_247] : memref<160xi32, #tpu.memory_space<vmem>> -> memref<128xi32, #tpu.memory_space<vmem>>
        tpu.enqueue_dma source(%dma_start3A_248 : memref<128xi32, #tpu.memory_space<vmem>>) target(%dma_start3A_246 : memref<128xi32, #tpu.memory_space<hbm>>) target_semaphore(%run_scoped3A_241 : memref<!tpu.dma_semaphore, #tpu.memory_space<semaphore_mem>>)
        %dma_wait3A = arith.constant 0 : i32
        %dma_wait3A_249 = tpu.memref_slice %arg9[%dma_wait3A] : memref<160xi32, #tpu.memory_space<vmem>> -> memref<128xi32, #tpu.memory_space<vmem>>
        %dma_wait3A_250 = tpu.memref_slice %arg4[%add3A, %run_scoped3A_230, %mul3A_229] : memref<32x1x320128xi32, #tpu.memory_space<hbm>> -> memref<1x1x128xi32, #tpu.memory_space<hbm>>
        %dma_wait3A_251 = tpu.memref_squeeze %dma_wait3A_250 : memref<1x1x128xi32, #tpu.memory_space<hbm>> -> memref<128xi32, #tpu.memory_space<hbm>>
        %dma_wait3A_252 = tpu.memref_slice %arg4[%add3A, %run_scoped3A_230, %mul3A_229] : memref<32x1x320128xi32, #tpu.memory_space<hbm>> -> memref<1x1x128xi32, #tpu.memory_space<hbm>>
        %dma_wait3A_253 = tpu.memref_squeeze %dma_wait3A_252 : memref<1x1x128xi32, #tpu.memory_space<hbm>> -> memref<128xi32, #tpu.memory_space<hbm>>
        %dma_wait3A_254 = arith.constant 0 : i32
        %dma_wait3A_255 = tpu.memref_slice %arg9[%dma_wait3A_254] : memref<160xi32, #tpu.memory_space<vmem>> -> memref<128xi32, #tpu.memory_space<vmem>>
        tpu.wait_dma2 semaphore(%run_scoped3A_241 : memref<!tpu.dma_semaphore, #tpu.memory_space<semaphore_mem>>) src(%dma_wait3A_255 : memref<128xi32, #tpu.memory_space<vmem>>) dst(%dma_wait3A_253 : memref<128xi32, #tpu.memory_space<hbm>>)
        tpu.yield
      }) : () -> ()
      %mul3A_231 = arith.constant 128 : i32
      %mul3A_232 = arith.muli %select_n3A_121, %mul3A_231 : i32
      %run_scoped3A_233 = arith.constant 0 : i32
      "tpu.region"() ({
        %run_scoped3A_241 = tpu.sem_alloc : memref<!tpu.dma_semaphore, #tpu.memory_space<semaphore_mem>>
        %dma_start3A = arith.constant 0 : i32
        %dma_start3A_242 = tpu.memref_slice %arg10[%dma_start3A] : memref<160xi32, #tpu.memory_space<vmem>> -> memref<128xi32, #tpu.memory_space<vmem>>
        %dma_start3A_243 = tpu.memref_slice %arg5[%add3A, %run_scoped3A_233, %mul3A_232] : memref<32x1x320128xi32, #tpu.memory_space<hbm>> -> memref<1x1x128xi32, #tpu.memory_space<hbm>>
        %dma_start3A_244 = tpu.memref_squeeze %dma_start3A_243 : memref<1x1x128xi32, #tpu.memory_space<hbm>> -> memref<128xi32, #tpu.memory_space<hbm>>
        %dma_start3A_245 = tpu.memref_slice %arg5[%add3A, %run_scoped3A_233, %mul3A_232] : memref<32x1x320128xi32, #tpu.memory_space<hbm>> -> memref<1x1x128xi32, #tpu.memory_space<hbm>>
        %dma_start3A_246 = tpu.memref_squeeze %dma_start3A_245 : memref<1x1x128xi32, #tpu.memory_space<hbm>> -> memref<128xi32, #tpu.memory_space<hbm>>
        %dma_start3A_247 = arith.constant 0 : i32
        %dma_start3A_248 = tpu.memref_slice %arg10[%dma_start3A_247] : memref<160xi32, #tpu.memory_space<vmem>> -> memref<128xi32, #tpu.memory_space<vmem>>
        tpu.enqueue_dma source(%dma_start3A_248 : memref<128xi32, #tpu.memory_space<vmem>>) target(%dma_start3A_246 : memref<128xi32, #tpu.memory_space<hbm>>) target_semaphore(%run_scoped3A_241 : memref<!tpu.dma_semaphore, #tpu.memory_space<semaphore_mem>>)
        %dma_wait3A = arith.constant 0 : i32
        %dma_wait3A_249 = tpu.memref_slice %arg10[%dma_wait3A] : memref<160xi32, #tpu.memory_space<vmem>> -> memref<128xi32, #tpu.memory_space<vmem>>
        %dma_wait3A_250 = tpu.memref_slice %arg5[%add3A, %run_scoped3A_233, %mul3A_232] : memref<32x1x320128xi32, #tpu.memory_space<hbm>> -> memref<1x1x128xi32, #tpu.memory_space<hbm>>
        %dma_wait3A_251 = tpu.memref_squeeze %dma_wait3A_250 : memref<1x1x128xi32, #tpu.memory_space<hbm>> -> memref<128xi32, #tpu.memory_space<hbm>>
        %dma_wait3A_252 = tpu.memref_slice %arg5[%add3A, %run_scoped3A_233, %mul3A_232] : memref<32x1x320128xi32, #tpu.memory_space<hbm>> -> memref<1x1x128xi32, #tpu.memory_space<hbm>>
        %dma_wait3A_253 = tpu.memref_squeeze %dma_wait3A_252 : memref<1x1x128xi32, #tpu.memory_space<hbm>> -> memref<128xi32, #tpu.memory_space<hbm>>
        %dma_wait3A_254 = arith.constant 0 : i32
        %dma_wait3A_255 = tpu.memref_slice %arg10[%dma_wait3A_254] : memref<160xi32, #tpu.memory_space<vmem>> -> memref<128xi32, #tpu.memory_space<vmem>>
        tpu.wait_dma2 semaphore(%run_scoped3A_241 : memref<!tpu.dma_semaphore, #tpu.memory_space<semaphore_mem>>) src(%dma_wait3A_255 : memref<128xi32, #tpu.memory_space<vmem>>) dst(%dma_wait3A_253 : memref<128xi32, #tpu.memory_space<hbm>>)
        tpu.yield
      }) : () -> ()
      %get3A = arith.constant 128 : index
      %get3A_234 = tpu.vector_load %arg9[%get3A] {strides = array<i32>} : memref<160xi32, #tpu.memory_space<vmem>>, vector<16xi32>,
      %swap3A_235 = arith.constant 0 : index
      %swap3A_236 = tpu.vector_load %arg9[%swap3A_235] {strides = array<i32>} : memref<160xi32, #tpu.memory_space<vmem>>, vector<16xi32>,
      tpu.vector_store %arg9[%swap3A_235], %get3A_234 {strides = array<i32>} : memref<160xi32, #tpu.memory_space<vmem>>, vector<16xi32>,
      %get3A_237 = arith.constant 128 : index
      %get3A_238 = tpu.vector_load %arg10[%get3A_237] {strides = array<i32>} : memref<160xi32, #tpu.memory_space<vmem>>, vector<16xi32>,
      %swap3A_239 = arith.constant 0 : index
      %swap3A_240 = tpu.vector_load %arg10[%swap3A_239] {strides = array<i32>} : memref<160xi32, #tpu.memory_space<vmem>>, vector<16xi32>,
      tpu.vector_store %arg10[%swap3A_239], %get3A_238 {strides = array<i32>} : memref<160xi32, #tpu.memory_space<vmem>>, vector<16xi32>,
    } else {
    }
    %sub3A_142 = arith.constant 128 : i32
    %sub3A_143 = arith.subi %add3A_136, %sub3A_142 : i32
    %select_n3A_144 = arith.select %ge3A_138, %sub3A_143, %add3A_136 : i32
    %add3A_145 = arith.constant 1 : i32
    %add3A_146 = arith.addi %select_n3A_121, %add3A_145 : i32
    %select_n3A_147 = arith.select %ge3A_138, %add3A_146, %select_n3A_121 : i32
    %gt3A_148 = arith.constant 0 : i32
    %gt3A_149 = vector.broadcast %gt3A_148 : i32 to vector<16xi32>
    %gt3A_150 = arith.cmpi sgt, %add3A_27, %gt3A_149 : vector<16xi32>
    %broadcast_in_dim3A_151 = arith.constant true
    %broadcast_in_dim3A_152 = vector.broadcast %broadcast_in_dim3A_151 : i1 to vector<16xi1>
    %masked_cumsum3A_153 = tpu.scan <sum>, %add3A_27 masked %broadcast_in_dim3A_152 : vector<16xi32>, vector<16xi1> -> vector<16xi32>
    %add3A_154 = vector.broadcast %select_n3A_144 : i32 to vector<16xi32>
    %add3A_155 = arith.addi %add3A_154, %masked_cumsum3A_153 : vector<16xi32>
    %sub3A_156 = arith.subi %add3A_155, %add3A_27 : vector<16xi32>
    %jit3A_157 = arith.constant 144 : i32
    %broadcast_in_dim3A_158 = vector.broadcast %jit3A_157 : i32 to vector<16xi32>
    %select_n3A_159 = arith.select %gt3A_150, %sub3A_156, %broadcast_in_dim3A_158 : vector<16xi1>, vector<16xi32>
    tpu.vector_store_idx %arg9[%select_n3A_159], %broadcast_in_dim3A_21 : memref<160xi32, #tpu.memory_space<vmem>>[vector<16xi32>], vector<16xi32>,
    tpu.vector_store_idx %arg10[%select_n3A_159], %broadcast_in_dim3A_24 : memref<160xi32, #tpu.memory_space<vmem>>[vector<16xi32>], vector<16xi32>,
    %slice3A_160 = vector.extract_strided_slice %masked_cumsum3A_153 {offsets = [15], sizes = [1], strides = [1]} : vector<16xi32> to vector<1xi32>
    %squeeze3A_161 = vector.extract %slice3A_160[0] : i32 from vector<1xi32>
    %add3A_162 = arith.addi %select_n3A_144, %squeeze3A_161 : i32
    %ge3A_163 = arith.constant 128 : i32
    %ge3A_164 = arith.cmpi sge, %add3A_162, %ge3A_163 : i32
    %convert_element_type3A_165 = arith.extui %ge3A_164 : i1 to i32
    %cond3A_166 = arith.constant 0 : i32
    %cond3A_167 = arith.cmpi ne, %convert_element_type3A_165, %cond3A_166 : i32
    scf.if %cond3A_167 {
      %mul3A_228 = arith.constant 128 : i32
      %mul3A_229 = arith.muli %select_n3A_147, %mul3A_228 : i32
      %run_scoped3A_230 = arith.constant 0 : i32
      "tpu.region"() ({
        %run_scoped3A_241 = tpu.sem_alloc : memref<!tpu.dma_semaphore, #tpu.memory_space<semaphore_mem>>
        %dma_start3A = arith.constant 0 : i32
        %dma_start3A_242 = tpu.memref_slice %arg9[%dma_start3A] : memref<160xi32, #tpu.memory_space<vmem>> -> memref<128xi32, #tpu.memory_space<vmem>>
        %dma_start3A_243 = tpu.memref_slice %arg4[%add3A, %run_scoped3A_230, %mul3A_229] : memref<32x1x320128xi32, #tpu.memory_space<hbm>> -> memref<1x1x128xi32, #tpu.memory_space<hbm>>
        %dma_start3A_244 = tpu.memref_squeeze %dma_start3A_243 : memref<1x1x128xi32, #tpu.memory_space<hbm>> -> memref<128xi32, #tpu.memory_space<hbm>>
        %dma_start3A_245 = tpu.memref_slice %arg4[%add3A, %run_scoped3A_230, %mul3A_229] : memref<32x1x320128xi32, #tpu.memory_space<hbm>> -> memref<1x1x128xi32, #tpu.memory_space<hbm>>
        %dma_start3A_246 = tpu.memref_squeeze %dma_start3A_245 : memref<1x1x128xi32, #tpu.memory_space<hbm>> -> memref<128xi32, #tpu.memory_space<hbm>>
        %dma_start3A_247 = arith.constant 0 : i32
        %dma_start3A_248 = tpu.memref_slice %arg9[%dma_start3A_247] : memref<160xi32, #tpu.memory_space<vmem>> -> memref<128xi32, #tpu.memory_space<vmem>>
        tpu.enqueue_dma source(%dma_start3A_248 : memref<128xi32, #tpu.memory_space<vmem>>) target(%dma_start3A_246 : memref<128xi32, #tpu.memory_space<hbm>>) target_semaphore(%run_scoped3A_241 : memref<!tpu.dma_semaphore, #tpu.memory_space<semaphore_mem>>)
        %dma_wait3A = arith.constant 0 : i32
        %dma_wait3A_249 = tpu.memref_slice %arg9[%dma_wait3A] : memref<160xi32, #tpu.memory_space<vmem>> -> memref<128xi32, #tpu.memory_space<vmem>>
        %dma_wait3A_250 = tpu.memref_slice %arg4[%add3A, %run_scoped3A_230, %mul3A_229] : memref<32x1x320128xi32, #tpu.memory_space<hbm>> -> memref<1x1x128xi32, #tpu.memory_space<hbm>>
        %dma_wait3A_251 = tpu.memref_squeeze %dma_wait3A_250 : memref<1x1x128xi32, #tpu.memory_space<hbm>> -> memref<128xi32, #tpu.memory_space<hbm>>
        %dma_wait3A_252 = tpu.memref_slice %arg4[%add3A, %run_scoped3A_230, %mul3A_229] : memref<32x1x320128xi32, #tpu.memory_space<hbm>> -> memref<1x1x128xi32, #tpu.memory_space<hbm>>
        %dma_wait3A_253 = tpu.memref_squeeze %dma_wait3A_252 : memref<1x1x128xi32, #tpu.memory_space<hbm>> -> memref<128xi32, #tpu.memory_space<hbm>>
        %dma_wait3A_254 = arith.constant 0 : i32
        %dma_wait3A_255 = tpu.memref_slice %arg9[%dma_wait3A_254] : memref<160xi32, #tpu.memory_space<vmem>> -> memref<128xi32, #tpu.memory_space<vmem>>
        tpu.wait_dma2 semaphore(%run_scoped3A_241 : memref<!tpu.dma_semaphore, #tpu.memory_space<semaphore_mem>>) src(%dma_wait3A_255 : memref<128xi32, #tpu.memory_space<vmem>>) dst(%dma_wait3A_253 : memref<128xi32, #tpu.memory_space<hbm>>)
        tpu.yield
      }) : () -> ()
      %mul3A_231 = arith.constant 128 : i32
      %mul3A_232 = arith.muli %select_n3A_147, %mul3A_231 : i32
      %run_scoped3A_233 = arith.constant 0 : i32
      "tpu.region"() ({
        %run_scoped3A_241 = tpu.sem_alloc : memref<!tpu.dma_semaphore, #tpu.memory_space<semaphore_mem>>
        %dma_start3A = arith.constant 0 : i32
        %dma_start3A_242 = tpu.memref_slice %arg10[%dma_start3A] : memref<160xi32, #tpu.memory_space<vmem>> -> memref<128xi32, #tpu.memory_space<vmem>>
        %dma_start3A_243 = tpu.memref_slice %arg5[%add3A, %run_scoped3A_233, %mul3A_232] : memref<32x1x320128xi32, #tpu.memory_space<hbm>> -> memref<1x1x128xi32, #tpu.memory_space<hbm>>
        %dma_start3A_244 = tpu.memref_squeeze %dma_start3A_243 : memref<1x1x128xi32, #tpu.memory_space<hbm>> -> memref<128xi32, #tpu.memory_space<hbm>>
        %dma_start3A_245 = tpu.memref_slice %arg5[%add3A, %run_scoped3A_233, %mul3A_232] : memref<32x1x320128xi32, #tpu.memory_space<hbm>> -> memref<1x1x128xi32, #tpu.memory_space<hbm>>
        %dma_start3A_246 = tpu.memref_squeeze %dma_start3A_245 : memref<1x1x128xi32, #tpu.memory_space<hbm>> -> memref<128xi32, #tpu.memory_space<hbm>>
        %dma_start3A_247 = arith.constant 0 : i32
        %dma_start3A_248 = tpu.memref_slice %arg10[%dma_start3A_247] : memref<160xi32, #tpu.memory_space<vmem>> -> memref<128xi32, #tpu.memory_space<vmem>>
        tpu.enqueue_dma source(%dma_start3A_248 : memref<128xi32, #tpu.memory_space<vmem>>) target(%dma_start3A_246 : memref<128xi32, #tpu.memory_space<hbm>>) target_semaphore(%run_scoped3A_241 : memref<!tpu.dma_semaphore, #tpu.memory_space<semaphore_mem>>)
        %dma_wait3A = arith.constant 0 : i32
        %dma_wait3A_249 = tpu.memref_slice %arg10[%dma_wait3A] : memref<160xi32, #tpu.memory_space<vmem>> -> memref<128xi32, #tpu.memory_space<vmem>>
        %dma_wait3A_250 = tpu.memref_slice %arg5[%add3A, %run_scoped3A_233, %mul3A_232] : memref<32x1x320128xi32, #tpu.memory_space<hbm>> -> memref<1x1x128xi32, #tpu.memory_space<hbm>>
        %dma_wait3A_251 = tpu.memref_squeeze %dma_wait3A_250 : memref<1x1x128xi32, #tpu.memory_space<hbm>> -> memref<128xi32, #tpu.memory_space<hbm>>
        %dma_wait3A_252 = tpu.memref_slice %arg5[%add3A, %run_scoped3A_233, %mul3A_232] : memref<32x1x320128xi32, #tpu.memory_space<hbm>> -> memref<1x1x128xi32, #tpu.memory_space<hbm>>
        %dma_wait3A_253 = tpu.memref_squeeze %dma_wait3A_252 : memref<1x1x128xi32, #tpu.memory_space<hbm>> -> memref<128xi32, #tpu.memory_space<hbm>>
        %dma_wait3A_254 = arith.constant 0 : i32
        %dma_wait3A_255 = tpu.memref_slice %arg10[%dma_wait3A_254] : memref<160xi32, #tpu.memory_space<vmem>> -> memref<128xi32, #tpu.memory_space<vmem>>
        tpu.wait_dma2 semaphore(%run_scoped3A_241 : memref<!tpu.dma_semaphore, #tpu.memory_space<semaphore_mem>>) src(%dma_wait3A_255 : memref<128xi32, #tpu.memory_space<vmem>>) dst(%dma_wait3A_253 : memref<128xi32, #tpu.memory_space<hbm>>)
        tpu.yield
      }) : () -> ()
      %get3A = arith.constant 128 : index
      %get3A_234 = tpu.vector_load %arg9[%get3A] {strides = array<i32>} : memref<160xi32, #tpu.memory_space<vmem>>, vector<16xi32>,
      %swap3A_235 = arith.constant 0 : index
      %swap3A_236 = tpu.vector_load %arg9[%swap3A_235] {strides = array<i32>} : memref<160xi32, #tpu.memory_space<vmem>>, vector<16xi32>,
      tpu.vector_store %arg9[%swap3A_235], %get3A_234 {strides = array<i32>} : memref<160xi32, #tpu.memory_space<vmem>>, vector<16xi32>,
      %get3A_237 = arith.constant 128 : index
      %get3A_238 = tpu.vector_load %arg10[%get3A_237] {strides = array<i32>} : memref<160xi32, #tpu.memory_space<vmem>>, vector<16xi32>,
      %swap3A_239 = arith.constant 0 : index
      %swap3A_240 = tpu.vector_load %arg10[%swap3A_239] {strides = array<i32>} : memref<160xi32, #tpu.memory_space<vmem>>, vector<16xi32>,
      tpu.vector_store %arg10[%swap3A_239], %get3A_238 {strides = array<i32>} : memref<160xi32, #tpu.memory_space<vmem>>, vector<16xi32>,
    } else {
    }
    %sub3A_168 = arith.constant 128 : i32
    %sub3A_169 = arith.subi %add3A_162, %sub3A_168 : i32
    %select_n3A_170 = arith.select %ge3A_164, %sub3A_169, %add3A_162 : i32
    %add3A_171 = arith.constant 1 : i32
    %add3A_172 = arith.addi %select_n3A_147, %add3A_171 : i32
    %select_n3A_173 = arith.select %ge3A_164, %add3A_172, %select_n3A_147 : i32
    %gt3A_174 = arith.constant 0 : i32
    %gt3A_175 = vector.broadcast %gt3A_174 : i32 to vector<16xi32>
    %gt3A_176 = arith.cmpi sgt, %add3A_27, %gt3A_175 : vector<16xi32>
    %broadcast_in_dim3A_177 = arith.constant true
    %broadcast_in_dim3A_178 = vector.broadcast %broadcast_in_dim3A_177 : i1 to vector<16xi1>
    %masked_cumsum3A_179 = tpu.scan <sum>, %add3A_27 masked %broadcast_in_dim3A_178 : vector<16xi32>, vector<16xi1> -> vector<16xi32>
    %add3A_180 = vector.broadcast %select_n3A_170 : i32 to vector<16xi32>
    %add3A_181 = arith.addi %add3A_180, %masked_cumsum3A_179 : vector<16xi32>
    %sub3A_182 = arith.subi %add3A_181, %add3A_27 : vector<16xi32>
    %jit3A_183 = arith.constant 144 : i32
    %broadcast_in_dim3A_184 = vector.broadcast %jit3A_183 : i32 to vector<16xi32>
    %select_n3A_185 = arith.select %gt3A_176, %sub3A_182, %broadcast_in_dim3A_184 : vector<16xi1>, vector<16xi32>
    tpu.vector_store_idx %arg9[%select_n3A_185], %broadcast_in_dim3A_21 : memref<160xi32, #tpu.memory_space<vmem>>[vector<16xi32>], vector<16xi32>,
    tpu.vector_store_idx %arg10[%select_n3A_185], %broadcast_in_dim3A_24 : memref<160xi32, #tpu.memory_space<vmem>>[vector<16xi32>], vector<16xi32>,
    %slice3A_186 = vector.extract_strided_slice %masked_cumsum3A_179 {offsets = [15], sizes = [1], strides = [1]} : vector<16xi32> to vector<1xi32>
    %squeeze3A_187 = vector.extract %slice3A_186[0] : i32 from vector<1xi32>
    %add3A_188 = arith.addi %select_n3A_170, %squeeze3A_187 : i32
    %ge3A_189 = arith.constant 128 : i32
    %ge3A_190 = arith.cmpi sge, %add3A_188, %ge3A_189 : i32
    %convert_element_type3A_191 = arith.extui %ge3A_190 : i1 to i32
    %cond3A_192 = arith.constant 0 : i32
    %cond3A_193 = arith.cmpi ne, %convert_element_type3A_191, %cond3A_192 : i32
    scf.if %cond3A_193 {
      %mul3A_228 = arith.constant 128 : i32
      %mul3A_229 = arith.muli %select_n3A_173, %mul3A_228 : i32
      %run_scoped3A_230 = arith.constant 0 : i32
      "tpu.region"() ({
        %run_scoped3A_241 = tpu.sem_alloc : memref<!tpu.dma_semaphore, #tpu.memory_space<semaphore_mem>>
        %dma_start3A = arith.constant 0 : i32
        %dma_start3A_242 = tpu.memref_slice %arg9[%dma_start3A] : memref<160xi32, #tpu.memory_space<vmem>> -> memref<128xi32, #tpu.memory_space<vmem>>
        %dma_start3A_243 = tpu.memref_slice %arg4[%add3A, %run_scoped3A_230, %mul3A_229] : memref<32x1x320128xi32, #tpu.memory_space<hbm>> -> memref<1x1x128xi32, #tpu.memory_space<hbm>>
        %dma_start3A_244 = tpu.memref_squeeze %dma_start3A_243 : memref<1x1x128xi32, #tpu.memory_space<hbm>> -> memref<128xi32, #tpu.memory_space<hbm>>
        %dma_start3A_245 = tpu.memref_slice %arg4[%add3A, %run_scoped3A_230, %mul3A_229] : memref<32x1x320128xi32, #tpu.memory_space<hbm>> -> memref<1x1x128xi32, #tpu.memory_space<hbm>>
        %dma_start3A_246 = tpu.memref_squeeze %dma_start3A_245 : memref<1x1x128xi32, #tpu.memory_space<hbm>> -> memref<128xi32, #tpu.memory_space<hbm>>
        %dma_start3A_247 = arith.constant 0 : i32
        %dma_start3A_248 = tpu.memref_slice %arg9[%dma_start3A_247] : memref<160xi32, #tpu.memory_space<vmem>> -> memref<128xi32, #tpu.memory_space<vmem>>
        tpu.enqueue_dma source(%dma_start3A_248 : memref<128xi32, #tpu.memory_space<vmem>>) target(%dma_start3A_246 : memref<128xi32, #tpu.memory_space<hbm>>) target_semaphore(%run_scoped3A_241 : memref<!tpu.dma_semaphore, #tpu.memory_space<semaphore_mem>>)
        %dma_wait3A = arith.constant 0 : i32
        %dma_wait3A_249 = tpu.memref_slice %arg9[%dma_wait3A] : memref<160xi32, #tpu.memory_space<vmem>> -> memref<128xi32, #tpu.memory_space<vmem>>
        %dma_wait3A_250 = tpu.memref_slice %arg4[%add3A, %run_scoped3A_230, %mul3A_229] : memref<32x1x320128xi32, #tpu.memory_space<hbm>> -> memref<1x1x128xi32, #tpu.memory_space<hbm>>
        %dma_wait3A_251 = tpu.memref_squeeze %dma_wait3A_250 : memref<1x1x128xi32, #tpu.memory_space<hbm>> -> memref<128xi32, #tpu.memory_space<hbm>>
        %dma_wait3A_252 = tpu.memref_slice %arg4[%add3A, %run_scoped3A_230, %mul3A_229] : memref<32x1x320128xi32, #tpu.memory_space<hbm>> -> memref<1x1x128xi32, #tpu.memory_space<hbm>>
        %dma_wait3A_253 = tpu.memref_squeeze %dma_wait3A_252 : memref<1x1x128xi32, #tpu.memory_space<hbm>> -> memref<128xi32, #tpu.memory_space<hbm>>
        %dma_wait3A_254 = arith.constant 0 : i32
        %dma_wait3A_255 = tpu.memref_slice %arg9[%dma_wait3A_254] : memref<160xi32, #tpu.memory_space<vmem>> -> memref<128xi32, #tpu.memory_space<vmem>>
        tpu.wait_dma2 semaphore(%run_scoped3A_241 : memref<!tpu.dma_semaphore, #tpu.memory_space<semaphore_mem>>) src(%dma_wait3A_255 : memref<128xi32, #tpu.memory_space<vmem>>) dst(%dma_wait3A_253 : memref<128xi32, #tpu.memory_space<hbm>>)
        tpu.yield
      }) : () -> ()
      %mul3A_231 = arith.constant 128 : i32
      %mul3A_232 = arith.muli %select_n3A_173, %mul3A_231 : i32
      %run_scoped3A_233 = arith.constant 0 : i32
      "tpu.region"() ({
        %run_scoped3A_241 = tpu.sem_alloc : memref<!tpu.dma_semaphore, #tpu.memory_space<semaphore_mem>>
        %dma_start3A = arith.constant 0 : i32
        %dma_start3A_242 = tpu.memref_slice %arg10[%dma_start3A] : memref<160xi32, #tpu.memory_space<vmem>> -> memref<128xi32, #tpu.memory_space<vmem>>
        %dma_start3A_243 = tpu.memref_slice %arg5[%add3A, %run_scoped3A_233, %mul3A_232] : memref<32x1x320128xi32, #tpu.memory_space<hbm>> -> memref<1x1x128xi32, #tpu.memory_space<hbm>>
        %dma_start3A_244 = tpu.memref_squeeze %dma_start3A_243 : memref<1x1x128xi32, #tpu.memory_space<hbm>> -> memref<128xi32, #tpu.memory_space<hbm>>
        %dma_start3A_245 = tpu.memref_slice %arg5[%add3A, %run_scoped3A_233, %mul3A_232] : memref<32x1x320128xi32, #tpu.memory_space<hbm>> -> memref<1x1x128xi32, #tpu.memory_space<hbm>>
        %dma_start3A_246 = tpu.memref_squeeze %dma_start3A_245 : memref<1x1x128xi32, #tpu.memory_space<hbm>> -> memref<128xi32, #tpu.memory_space<hbm>>
        %dma_start3A_247 = arith.constant 0 : i32
        %dma_start3A_248 = tpu.memref_slice %arg10[%dma_start3A_247] : memref<160xi32, #tpu.memory_space<vmem>> -> memref<128xi32, #tpu.memory_space<vmem>>
        tpu.enqueue_dma source(%dma_start3A_248 : memref<128xi32, #tpu.memory_space<vmem>>) target(%dma_start3A_246 : memref<128xi32, #tpu.memory_space<hbm>>) target_semaphore(%run_scoped3A_241 : memref<!tpu.dma_semaphore, #tpu.memory_space<semaphore_mem>>)
        %dma_wait3A = arith.constant 0 : i32
        %dma_wait3A_249 = tpu.memref_slice %arg10[%dma_wait3A] : memref<160xi32, #tpu.memory_space<vmem>> -> memref<128xi32, #tpu.memory_space<vmem>>
        %dma_wait3A_250 = tpu.memref_slice %arg5[%add3A, %run_scoped3A_233, %mul3A_232] : memref<32x1x320128xi32, #tpu.memory_space<hbm>> -> memref<1x1x128xi32, #tpu.memory_space<hbm>>
        %dma_wait3A_251 = tpu.memref_squeeze %dma_wait3A_250 : memref<1x1x128xi32, #tpu.memory_space<hbm>> -> memref<128xi32, #tpu.memory_space<hbm>>
        %dma_wait3A_252 = tpu.memref_slice %arg5[%add3A, %run_scoped3A_233, %mul3A_232] : memref<32x1x320128xi32, #tpu.memory_space<hbm>> -> memref<1x1x128xi32, #tpu.memory_space<hbm>>
        %dma_wait3A_253 = tpu.memref_squeeze %dma_wait3A_252 : memref<1x1x128xi32, #tpu.memory_space<hbm>> -> memref<128xi32, #tpu.memory_space<hbm>>
        %dma_wait3A_254 = arith.constant 0 : i32
        %dma_wait3A_255 = tpu.memref_slice %arg10[%dma_wait3A_254] : memref<160xi32, #tpu.memory_space<vmem>> -> memref<128xi32, #tpu.memory_space<vmem>>
        tpu.wait_dma2 semaphore(%run_scoped3A_241 : memref<!tpu.dma_semaphore, #tpu.memory_space<semaphore_mem>>) src(%dma_wait3A_255 : memref<128xi32, #tpu.memory_space<vmem>>) dst(%dma_wait3A_253 : memref<128xi32, #tpu.memory_space<hbm>>)
        tpu.yield
      }) : () -> ()
      %get3A = arith.constant 128 : index
      %get3A_234 = tpu.vector_load %arg9[%get3A] {strides = array<i32>} : memref<160xi32, #tpu.memory_space<vmem>>, vector<16xi32>,
      %swap3A_235 = arith.constant 0 : index
      %swap3A_236 = tpu.vector_load %arg9[%swap3A_235] {strides = array<i32>} : memref<160xi32, #tpu.memory_space<vmem>>, vector<16xi32>,
      tpu.vector_store %arg9[%swap3A_235], %get3A_234 {strides = array<i32>} : memref<160xi32, #tpu.memory_space<vmem>>, vector<16xi32>,
      %get3A_237 = arith.constant 128 : index
      %get3A_238 = tpu.vector_load %arg10[%get3A_237] {strides = array<i32>} : memref<160xi32, #tpu.memory_space<vmem>>, vector<16xi32>,
      %swap3A_239 = arith.constant 0 : index
      %swap3A_240 = tpu.vector_load %arg10[%swap3A_239] {strides = array<i32>} : memref<160xi32, #tpu.memory_space<vmem>>, vector<16xi32>,
      tpu.vector_store %arg10[%swap3A_239], %get3A_238 {strides = array<i32>} : memref<160xi32, #tpu.memory_space<vmem>>, vector<16xi32>,
    } else {
    }
    %sub3A_194 = arith.constant 128 : i32
    %sub3A_195 = arith.subi %add3A_188, %sub3A_194 : i32
    %select_n3A_196 = arith.select %ge3A_190, %sub3A_195, %add3A_188 : i32
    %add3A_197 = arith.constant 1 : i32
    %add3A_198 = arith.addi %select_n3A_173, %add3A_197 : i32
    %select_n3A_199 = arith.select %ge3A_190, %add3A_198, %select_n3A_173 : i32
    %gt3A_200 = arith.constant 0 : i32
    %gt3A_201 = vector.broadcast %gt3A_200 : i32 to vector<16xi32>
    %gt3A_202 = arith.cmpi sgt, %add3A_27, %gt3A_201 : vector<16xi32>
    %broadcast_in_dim3A_203 = arith.constant true
    %broadcast_in_dim3A_204 = vector.broadcast %broadcast_in_dim3A_203 : i1 to vector<16xi1>
    %masked_cumsum3A_205 = tpu.scan <sum>, %add3A_27 masked %broadcast_in_dim3A_204 : vector<16xi32>, vector<16xi1> -> vector<16xi32>
    %add3A_206 = vector.broadcast %select_n3A_196 : i32 to vector<16xi32>
    %add3A_207 = arith.addi %add3A_206, %masked_cumsum3A_205 : vector<16xi32>
    %sub3A_208 = arith.subi %add3A_207, %add3A_27 : vector<16xi32>
    %jit3A_209 = arith.constant 144 : i32
    %broadcast_in_dim3A_210 = vector.broadcast %jit3A_209 : i32 to vector<16xi32>
    %select_n3A_211 = arith.select %gt3A_202, %sub3A_208, %broadcast_in_dim3A_210 : vector<16xi1>, vector<16xi32>
    tpu.vector_store_idx %arg9[%select_n3A_211], %broadcast_in_dim3A_21 : memref<160xi32, #tpu.memory_space<vmem>>[vector<16xi32>], vector<16xi32>,
    tpu.vector_store_idx %arg10[%select_n3A_211], %broadcast_in_dim3A_24 : memref<160xi32, #tpu.memory_space<vmem>>[vector<16xi32>], vector<16xi32>,
    %slice3A_212 = vector.extract_strided_slice %masked_cumsum3A_205 {offsets = [15], sizes = [1], strides = [1]} : vector<16xi32> to vector<1xi32>
    %squeeze3A_213 = vector.extract %slice3A_212[0] : i32 from vector<1xi32>
    %add3A_214 = arith.addi %select_n3A_196, %squeeze3A_213 : i32
    %ge3A_215 = arith.constant 128 : i32
    %ge3A_216 = arith.cmpi sge, %add3A_214, %ge3A_215 : i32
    %convert_element_type3A_217 = arith.extui %ge3A_216 : i1 to i32
    %cond3A_218 = arith.constant 0 : i32
    %cond3A_219 = arith.cmpi ne, %convert_element_type3A_217, %cond3A_218 : i32
    scf.if %cond3A_219 {
      %mul3A_228 = arith.constant 128 : i32
      %mul3A_229 = arith.muli %select_n3A_199, %mul3A_228 : i32
      %run_scoped3A_230 = arith.constant 0 : i32
      "tpu.region"() ({
        %run_scoped3A_241 = tpu.sem_alloc : memref<!tpu.dma_semaphore, #tpu.memory_space<semaphore_mem>>
        %dma_start3A = arith.constant 0 : i32
        %dma_start3A_242 = tpu.memref_slice %arg9[%dma_start3A] : memref<160xi32, #tpu.memory_space<vmem>> -> memref<128xi32, #tpu.memory_space<vmem>>
        %dma_start3A_243 = tpu.memref_slice %arg4[%add3A, %run_scoped3A_230, %mul3A_229] : memref<32x1x320128xi32, #tpu.memory_space<hbm>> -> memref<1x1x128xi32, #tpu.memory_space<hbm>>
        %dma_start3A_244 = tpu.memref_squeeze %dma_start3A_243 : memref<1x1x128xi32, #tpu.memory_space<hbm>> -> memref<128xi32, #tpu.memory_space<hbm>>
        %dma_start3A_245 = tpu.memref_slice %arg4[%add3A, %run_scoped3A_230, %mul3A_229] : memref<32x1x320128xi32, #tpu.memory_space<hbm>> -> memref<1x1x128xi32, #tpu.memory_space<hbm>>
        %dma_start3A_246 = tpu.memref_squeeze %dma_start3A_245 : memref<1x1x128xi32, #tpu.memory_space<hbm>> -> memref<128xi32, #tpu.memory_space<hbm>>
        %dma_start3A_247 = arith.constant 0 : i32
        %dma_start3A_248 = tpu.memref_slice %arg9[%dma_start3A_247] : memref<160xi32, #tpu.memory_space<vmem>> -> memref<128xi32, #tpu.memory_space<vmem>>
        tpu.enqueue_dma source(%dma_start3A_248 : memref<128xi32, #tpu.memory_space<vmem>>) target(%dma_start3A_246 : memref<128xi32, #tpu.memory_space<hbm>>) target_semaphore(%run_scoped3A_241 : memref<!tpu.dma_semaphore, #tpu.memory_space<semaphore_mem>>)
        %dma_wait3A = arith.constant 0 : i32
        %dma_wait3A_249 = tpu.memref_slice %arg9[%dma_wait3A] : memref<160xi32, #tpu.memory_space<vmem>> -> memref<128xi32, #tpu.memory_space<vmem>>
        %dma_wait3A_250 = tpu.memref_slice %arg4[%add3A, %run_scoped3A_230, %mul3A_229] : memref<32x1x320128xi32, #tpu.memory_space<hbm>> -> memref<1x1x128xi32, #tpu.memory_space<hbm>>
        %dma_wait3A_251 = tpu.memref_squeeze %dma_wait3A_250 : memref<1x1x128xi32, #tpu.memory_space<hbm>> -> memref<128xi32, #tpu.memory_space<hbm>>
        %dma_wait3A_252 = tpu.memref_slice %arg4[%add3A, %run_scoped3A_230, %mul3A_229] : memref<32x1x320128xi32, #tpu.memory_space<hbm>> -> memref<1x1x128xi32, #tpu.memory_space<hbm>>
        %dma_wait3A_253 = tpu.memref_squeeze %dma_wait3A_252 : memref<1x1x128xi32, #tpu.memory_space<hbm>> -> memref<128xi32, #tpu.memory_space<hbm>>
        %dma_wait3A_254 = arith.constant 0 : i32
        %dma_wait3A_255 = tpu.memref_slice %arg9[%dma_wait3A_254] : memref<160xi32, #tpu.memory_space<vmem>> -> memref<128xi32, #tpu.memory_space<vmem>>
        tpu.wait_dma2 semaphore(%run_scoped3A_241 : memref<!tpu.dma_semaphore, #tpu.memory_space<semaphore_mem>>) src(%dma_wait3A_255 : memref<128xi32, #tpu.memory_space<vmem>>) dst(%dma_wait3A_253 : memref<128xi32, #tpu.memory_space<hbm>>)
        tpu.yield
      }) : () -> ()
      %mul3A_231 = arith.constant 128 : i32
      %mul3A_232 = arith.muli %select_n3A_199, %mul3A_231 : i32
      %run_scoped3A_233 = arith.constant 0 : i32
      "tpu.region"() ({
        %run_scoped3A_241 = tpu.sem_alloc : memref<!tpu.dma_semaphore, #tpu.memory_space<semaphore_mem>>
        %dma_start3A = arith.constant 0 : i32
        %dma_start3A_242 = tpu.memref_slice %arg10[%dma_start3A] : memref<160xi32, #tpu.memory_space<vmem>> -> memref<128xi32, #tpu.memory_space<vmem>>
        %dma_start3A_243 = tpu.memref_slice %arg5[%add3A, %run_scoped3A_233, %mul3A_232] : memref<32x1x320128xi32, #tpu.memory_space<hbm>> -> memref<1x1x128xi32, #tpu.memory_space<hbm>>
        %dma_start3A_244 = tpu.memref_squeeze %dma_start3A_243 : memref<1x1x128xi32, #tpu.memory_space<hbm>> -> memref<128xi32, #tpu.memory_space<hbm>>
        %dma_start3A_245 = tpu.memref_slice %arg5[%add3A, %run_scoped3A_233, %mul3A_232] : memref<32x1x320128xi32, #tpu.memory_space<hbm>> -> memref<1x1x128xi32, #tpu.memory_space<hbm>>
        %dma_start3A_246 = tpu.memref_squeeze %dma_start3A_245 : memref<1x1x128xi32, #tpu.memory_space<hbm>> -> memref<128xi32, #tpu.memory_space<hbm>>
        %dma_start3A_247 = arith.constant 0 : i32
        %dma_start3A_248 = tpu.memref_slice %arg10[%dma_start3A_247] : memref<160xi32, #tpu.memory_space<vmem>> -> memref<128xi32, #tpu.memory_space<vmem>>
        tpu.enqueue_dma source(%dma_start3A_248 : memref<128xi32, #tpu.memory_space<vmem>>) target(%dma_start3A_246 : memref<128xi32, #tpu.memory_space<hbm>>) target_semaphore(%run_scoped3A_241 : memref<!tpu.dma_semaphore, #tpu.memory_space<semaphore_mem>>)
        %dma_wait3A = arith.constant 0 : i32
        %dma_wait3A_249 = tpu.memref_slice %arg10[%dma_wait3A] : memref<160xi32, #tpu.memory_space<vmem>> -> memref<128xi32, #tpu.memory_space<vmem>>
        %dma_wait3A_250 = tpu.memref_slice %arg5[%add3A, %run_scoped3A_233, %mul3A_232] : memref<32x1x320128xi32, #tpu.memory_space<hbm>> -> memref<1x1x128xi32, #tpu.memory_space<hbm>>
        %dma_wait3A_251 = tpu.memref_squeeze %dma_wait3A_250 : memref<1x1x128xi32, #tpu.memory_space<hbm>> -> memref<128xi32, #tpu.memory_space<hbm>>
        %dma_wait3A_252 = tpu.memref_slice %arg5[%add3A, %run_scoped3A_233, %mul3A_232] : memref<32x1x320128xi32, #tpu.memory_space<hbm>> -> memref<1x1x128xi32, #tpu.memory_space<hbm>>
        %dma_wait3A_253 = tpu.memref_squeeze %dma_wait3A_252 : memref<1x1x128xi32, #tpu.memory_space<hbm>> -> memref<128xi32, #tpu.memory_space<hbm>>
        %dma_wait3A_254 = arith.constant 0 : i32
        %dma_wait3A_255 = tpu.memref_slice %arg10[%dma_wait3A_254] : memref<160xi32, #tpu.memory_space<vmem>> -> memref<128xi32, #tpu.memory_space<vmem>>
        tpu.wait_dma2 semaphore(%run_scoped3A_241 : memref<!tpu.dma_semaphore, #tpu.memory_space<semaphore_mem>>) src(%dma_wait3A_255 : memref<128xi32, #tpu.memory_space<vmem>>) dst(%dma_wait3A_253 : memref<128xi32, #tpu.memory_space<hbm>>)
        tpu.yield
      }) : () -> ()
      %get3A = arith.constant 128 : index
      %get3A_234 = tpu.vector_load %arg9[%get3A] {strides = array<i32>} : memref<160xi32, #tpu.memory_space<vmem>>, vector<16xi32>,
      %swap3A_235 = arith.constant 0 : index
      %swap3A_236 = tpu.vector_load %arg9[%swap3A_235] {strides = array<i32>} : memref<160xi32, #tpu.memory_space<vmem>>, vector<16xi32>,
      tpu.vector_store %arg9[%swap3A_235], %get3A_234 {strides = array<i32>} : memref<160xi32, #tpu.memory_space<vmem>>, vector<16xi32>,
      %get3A_237 = arith.constant 128 : index
      %get3A_238 = tpu.vector_load %arg10[%get3A_237] {strides = array<i32>} : memref<160xi32, #tpu.memory_space<vmem>>, vector<16xi32>,
      %swap3A_239 = arith.constant 0 : index
      %swap3A_240 = tpu.vector_load %arg10[%swap3A_239] {strides = array<i32>} : memref<160xi32, #tpu.memory_space<vmem>>, vector<16xi32>,
      tpu.vector_store %arg10[%swap3A_239], %get3A_238 {strides = array<i32>} : memref<160xi32, #tpu.memory_space<vmem>>, vector<16xi32>,
    } else {
    }
    %sub3A_220 = arith.constant 128 : i32
    %sub3A_221 = arith.subi %add3A_214, %sub3A_220 : i32
    %select_n3A_222 = arith.select %ge3A_216, %sub3A_221, %add3A_214 : i32
    %add3A_223 = arith.constant 1 : i32
    %add3A_224 = arith.addi %select_n3A_199, %add3A_223 : i32
    %select_n3A_225 = arith.select %ge3A_216, %add3A_224, %select_n3A_199 : i32
    %broadcast_in_dim3A_226 = vector.broadcast %select_n3A_225 : i32 to vector<16xi32>
    %swap3A = arith.constant 0 : index
    %swap3A_227 = tpu.vector_load %arg11[%swap3A] {strides = array<i32>} : memref<16xi32, #tpu.memory_space<vmem>>, vector<16xi32>,
    tpu.vector_store %arg11[%swap3A], %broadcast_in_dim3A_226 {strides = array<i32>} : memref<16xi32, #tpu.memory_space<vmem>>, vector<16xi32>,
    %run_scoped3A = arith.constant 0 : i32
    "tpu.region"() ({
      %run_scoped3A_228 = tpu.sem_alloc : memref<!tpu.dma_semaphore, #tpu.memory_space<semaphore_mem>>
      %dma_start3A = arith.constant 0 : i32
      %dma_start3A_229 = tpu.memref_slice %arg6[%add3A, %run_scoped3A, %dma_start3A] : memref<32x1x16xi32, #tpu.memory_space<hbm>> -> memref<1x1x16xi32, #tpu.memory_space<hbm>>
      %dma_start3A_230 = tpu.memref_squeeze %dma_start3A_229 : memref<1x1x16xi32, #tpu.memory_space<hbm>> -> memref<16xi32, #tpu.memory_space<hbm>>
      %dma_start3A_231 = arith.constant 0 : i32
      %dma_start3A_232 = tpu.memref_slice %arg6[%add3A, %run_scoped3A, %dma_start3A_231] : memref<32x1x16xi32, #tpu.memory_space<hbm>> -> memref<1x1x16xi32, #tpu.memory_space<hbm>>
      %dma_start3A_233 = tpu.memref_squeeze %dma_start3A_232 : memref<1x1x16xi32, #tpu.memory_space<hbm>> -> memref<16xi32, #tpu.memory_space<hbm>>
      tpu.enqueue_dma source(%arg11 : memref<16xi32, #tpu.memory_space<vmem>>) target(%dma_start3A_233 : memref<16xi32, #tpu.memory_space<hbm>>) target_semaphore(%run_scoped3A_228 : memref<!tpu.dma_semaphore, #tpu.memory_space<semaphore_mem>>)
      %dma_wait3A = arith.constant 0 : i32
      %dma_wait3A_234 = tpu.memref_slice %arg6[%add3A, %run_scoped3A, %dma_wait3A] : memref<32x1x16xi32, #tpu.memory_space<hbm>> -> memref<1x1x16xi32, #tpu.memory_space<hbm>>
      %dma_wait3A_235 = tpu.memref_squeeze %dma_wait3A_234 : memref<1x1x16xi32, #tpu.memory_space<hbm>> -> memref<16xi32, #tpu.memory_space<hbm>>
      %dma_wait3A_236 = arith.constant 0 : i32
      %dma_wait3A_237 = tpu.memref_slice %arg6[%add3A, %run_scoped3A, %dma_wait3A_236] : memref<32x1x16xi32, #tpu.memory_space<hbm>> -> memref<1x1x16xi32, #tpu.memory_space<hbm>>
      %dma_wait3A_238 = tpu.memref_squeeze %dma_wait3A_237 : memref<1x1x16xi32, #tpu.memory_space<hbm>> -> memref<16xi32, #tpu.memory_space<hbm>>
      tpu.wait_dma2 semaphore(%run_scoped3A_228 : memref<!tpu.dma_semaphore, #tpu.memory_space<semaphore_mem>>) src(%arg11 : memref<16xi32, #tpu.memory_space<vmem>>) dst(%dma_wait3A_238 : memref<16xi32, #tpu.memory_space<hbm>>)
      tpu.yield
    }) : () -> ()
    return
  }
}

#map = affine_map<(d0, d1) -> (0, 0)>
#map1 = affine_map<(d0, d1) -> (0, 0, 0)>
module attributes {stable_mosaic.version = 14 : i64} {
  func.func @_seg(%arg0: i32, %arg1: i32, %arg2: memref<10000x128xf32, #tpu.memory_space<hbm>>, %arg3: memref<32x1x320128xi32, #tpu.memory_space<hbm>>, %arg4: memref<32x1x320128xi32, #tpu.memory_space<hbm>>, %arg5: memref<32x1x16xi32, #tpu.memory_space<hbm>>, %arg6: memref<2x5120x128xf32, #tpu.memory_space<hbm>>, %arg7: memref<16xi32, #tpu.memory_space<vmem>>, %arg8: memref<128xi32, #tpu.memory_space<vmem>>, %arg9: memref<128xi32, #tpu.memory_space<vmem>>, %arg10: memref<128xi32, #tpu.memory_space<vmem>>, %arg11: memref<128xi32, #tpu.memory_space<vmem>>, %arg12: memref<128x128xf32, #tpu.memory_space<vmem>>, %arg13: memref<128x128xf32, #tpu.memory_space<vmem>>, %arg14: memref<5120x128xf32, #tpu.memory_space<vmem_shared>>, %arg15: memref<!tpu.dma_semaphore, #tpu.memory_space<semaphore_mem>>, %arg16: memref<!tpu.dma_semaphore, #tpu.memory_space<semaphore_mem>>) attributes {dimension_semantics = [#tpu.dimension_semantics<core_parallel>, #tpu.dimension_semantics<subcore_parallel>], iteration_bounds = array<i64: 2, 16>, scalar_prefetch = 0 : i64, scratch_operands = 10 : i64, tpu.core_type = #tpu.core_type<sc_vector_subcore>, window_params = [{transform_indices = #map}, {transform_indices = #map1}, {transform_indices = #map1}, {transform_indices = #map1}, {transform_indices = #map1}]} {
    %mul3A = arith.constant 16 : i32
    %mul3A_0 = arith.muli %arg0, %mul3A : i32
    %add3A = arith.addi %mul3A_0, %arg1 : i32
    %broadcast_in_dim3A = arith.constant 0.000000e+00 : f32
    %broadcast_in_dim3A_1 = vector.broadcast %broadcast_in_dim3A : f32 to vector<16xf32>
    %scan3A = arith.constant 0 : i32
    %scan3A_2 = arith.constant 0 : i32
    %scan3A_3 = arith.constant 128 : i32
    %scan3A_4 = arith.addi %scan3A_2, %scan3A_3 : i32
    %scan3A_5 = arith.constant 1 : i32
    scf.for %scan3A_41 = %scan3A_2 to %scan3A_4 step %scan3A_5  : i32 {
      %scan3A_42 = arith.constant 0 : i32
      %scan3A_43 = arith.constant 8 : i32
      %scan3A_44 = arith.addi %scan3A_42, %scan3A_43 : i32
      %scan3A_45 = arith.constant 1 : i32
      scf.for %scan3A_47 = %scan3A_42 to %scan3A_44 step %scan3A_45  : i32 {
        %mul3A_48 = arith.constant 16 : i32
        %mul3A_49 = arith.muli %scan3A_47, %mul3A_48 : i32
        %swap3A = arith.index_cast %scan3A_41 : i32 to index
        %swap3A_50 = arith.index_cast %mul3A_49 : i32 to index
        %swap3A_51 = tpu.vector_load %arg12[%swap3A, %swap3A_50] {strides = array<i32>} : memref<128x128xf32, #tpu.memory_space<vmem>>, vector<16xf32>,
        tpu.vector_store %arg12[%swap3A, %swap3A_50], %broadcast_in_dim3A_1 {strides = array<i32>} : memref<128x128xf32, #tpu.memory_space<vmem>>, vector<16xf32>,
      }
      %scan3A_46 = arith.constant 8 : i32
    }
    %scan3A_6 = arith.constant 128 : i32
    %mul3A_7 = arith.constant 320 : i32
    %mul3A_8 = arith.muli %arg1, %mul3A_7 : i32
    "tpu.region"() ({
      %run_scoped3A_41 = tpu.sem_alloc : memref<!tpu.dma_semaphore, #tpu.memory_space<semaphore_mem>>
      %dma_start3A = arith.constant 0 : i32
      %dma_start3A_42 = tpu.memref_slice %arg14[%mul3A_8, %dma_start3A] : memref<5120x128xf32, #tpu.memory_space<vmem_shared>> -> memref<128x128xf32, #tpu.memory_space<vmem_shared>>
      %dma_start3A_43 = arith.constant 0 : i32
      %dma_start3A_44 = tpu.memref_slice %arg14[%mul3A_8, %dma_start3A_43] : memref<5120x128xf32, #tpu.memory_space<vmem_shared>> -> memref<128x128xf32, #tpu.memory_space<vmem_shared>>
      tpu.enqueue_dma source(%arg12 : memref<128x128xf32, #tpu.memory_space<vmem>>) target(%dma_start3A_44 : memref<128x128xf32, #tpu.memory_space<vmem_shared>>) target_semaphore(%run_scoped3A_41 : memref<!tpu.dma_semaphore, #tpu.memory_space<semaphore_mem>>)
      %dma_wait3A = arith.constant 0 : i32
      %dma_wait3A_45 = tpu.memref_slice %arg14[%mul3A_8, %dma_wait3A] : memref<5120x128xf32, #tpu.memory_space<vmem_shared>> -> memref<128x128xf32, #tpu.memory_space<vmem_shared>>
      %dma_wait3A_46 = arith.constant 0 : i32
      %dma_wait3A_47 = tpu.memref_slice %arg14[%mul3A_8, %dma_wait3A_46] : memref<5120x128xf32, #tpu.memory_space<vmem_shared>> -> memref<128x128xf32, #tpu.memory_space<vmem_shared>>
      tpu.wait_dma2 semaphore(%run_scoped3A_41 : memref<!tpu.dma_semaphore, #tpu.memory_space<semaphore_mem>>) src(%arg12 : memref<128x128xf32, #tpu.memory_space<vmem>>) dst(%dma_wait3A_47 : memref<128x128xf32, #tpu.memory_space<vmem_shared>>)
      tpu.yield
    }) : () -> ()
    %mul3A_9 = arith.constant 320 : i32
    %mul3A_10 = arith.muli %arg1, %mul3A_9 : i32
    %add3A_11 = arith.constant 128 : i32
    %add3A_12 = arith.addi %mul3A_10, %add3A_11 : i32
    "tpu.region"() ({
      %run_scoped3A_41 = tpu.sem_alloc : memref<!tpu.dma_semaphore, #tpu.memory_space<semaphore_mem>>
      %dma_start3A = arith.constant 0 : i32
      %dma_start3A_42 = tpu.memref_slice %arg14[%add3A_12, %dma_start3A] : memref<5120x128xf32, #tpu.memory_space<vmem_shared>> -> memref<128x128xf32, #tpu.memory_space<vmem_shared>>
      %dma_start3A_43 = arith.constant 0 : i32
      %dma_start3A_44 = tpu.memref_slice %arg14[%add3A_12, %dma_start3A_43] : memref<5120x128xf32, #tpu.memory_space<vmem_shared>> -> memref<128x128xf32, #tpu.memory_space<vmem_shared>>
      tpu.enqueue_dma source(%arg12 : memref<128x128xf32, #tpu.memory_space<vmem>>) target(%dma_start3A_44 : memref<128x128xf32, #tpu.memory_space<vmem_shared>>) target_semaphore(%run_scoped3A_41 : memref<!tpu.dma_semaphore, #tpu.memory_space<semaphore_mem>>)
      %dma_wait3A = arith.constant 0 : i32
      %dma_wait3A_45 = tpu.memref_slice %arg14[%add3A_12, %dma_wait3A] : memref<5120x128xf32, #tpu.memory_space<vmem_shared>> -> memref<128x128xf32, #tpu.memory_space<vmem_shared>>
      %dma_wait3A_46 = arith.constant 0 : i32
      %dma_wait3A_47 = tpu.memref_slice %arg14[%add3A_12, %dma_wait3A_46] : memref<5120x128xf32, #tpu.memory_space<vmem_shared>> -> memref<128x128xf32, #tpu.memory_space<vmem_shared>>
      tpu.wait_dma2 semaphore(%run_scoped3A_41 : memref<!tpu.dma_semaphore, #tpu.memory_space<semaphore_mem>>) src(%arg12 : memref<128x128xf32, #tpu.memory_space<vmem>>) dst(%dma_wait3A_47 : memref<128x128xf32, #tpu.memory_space<vmem_shared>>)
      tpu.yield
    }) : () -> ()
    %mul3A_13 = arith.constant 320 : i32
    %mul3A_14 = arith.muli %arg1, %mul3A_13 : i32
    %add3A_15 = arith.constant 256 : i32
    %add3A_16 = arith.addi %mul3A_14, %add3A_15 : i32
    "tpu.region"() ({
      %run_scoped3A_41 = tpu.sem_alloc : memref<!tpu.dma_semaphore, #tpu.memory_space<semaphore_mem>>
      %dma_start3A = arith.constant 0 : i32
      %dma_start3A_42 = arith.constant 0 : i32
      %dma_start3A_43 = tpu.memref_slice %arg12[%dma_start3A, %dma_start3A_42] : memref<128x128xf32, #tpu.memory_space<vmem>> -> memref<64x128xf32, #tpu.memory_space<vmem>>
      %dma_start3A_44 = arith.constant 0 : i32
      %dma_start3A_45 = tpu.memref_slice %arg14[%add3A_16, %dma_start3A_44] : memref<5120x128xf32, #tpu.memory_space<vmem_shared>> -> memref<64x128xf32, #tpu.memory_space<vmem_shared>>
      %dma_start3A_46 = arith.constant 0 : i32
      %dma_start3A_47 = tpu.memref_slice %arg14[%add3A_16, %dma_start3A_46] : memref<5120x128xf32, #tpu.memory_space<vmem_shared>> -> memref<64x128xf32, #tpu.memory_space<vmem_shared>>
      %dma_start3A_48 = arith.constant 0 : i32
      %dma_start3A_49 = arith.constant 0 : i32
      %dma_start3A_50 = tpu.memref_slice %arg12[%dma_start3A_48, %dma_start3A_49] : memref<128x128xf32, #tpu.memory_space<vmem>> -> memref<64x128xf32, #tpu.memory_space<vmem>>
      tpu.enqueue_dma source(%dma_start3A_50 : memref<64x128xf32, #tpu.memory_space<vmem>>) target(%dma_start3A_47 : memref<64x128xf32, #tpu.memory_space<vmem_shared>>) target_semaphore(%run_scoped3A_41 : memref<!tpu.dma_semaphore, #tpu.memory_space<semaphore_mem>>)
      %dma_wait3A = arith.constant 0 : i32
      %dma_wait3A_51 = arith.constant 0 : i32
      %dma_wait3A_52 = tpu.memref_slice %arg12[%dma_wait3A, %dma_wait3A_51] : memref<128x128xf32, #tpu.memory_space<vmem>> -> memref<64x128xf32, #tpu.memory_space<vmem>>
      %dma_wait3A_53 = arith.constant 0 : i32
      %dma_wait3A_54 = tpu.memref_slice %arg14[%add3A_16, %dma_wait3A_53] : memref<5120x128xf32, #tpu.memory_space<vmem_shared>> -> memref<64x128xf32, #tpu.memory_space<vmem_shared>>
      %dma_wait3A_55 = arith.constant 0 : i32
      %dma_wait3A_56 = tpu.memref_slice %arg14[%add3A_16, %dma_wait3A_55] : memref<5120x128xf32, #tpu.memory_space<vmem_shared>> -> memref<64x128xf32, #tpu.memory_space<vmem_shared>>
      %dma_wait3A_57 = arith.constant 0 : i32
      %dma_wait3A_58 = arith.constant 0 : i32
      %dma_wait3A_59 = tpu.memref_slice %arg12[%dma_wait3A_57, %dma_wait3A_58] : memref<128x128xf32, #tpu.memory_space<vmem>> -> memref<64x128xf32, #tpu.memory_space<vmem>>
      tpu.wait_dma2 semaphore(%run_scoped3A_41 : memref<!tpu.dma_semaphore, #tpu.memory_space<semaphore_mem>>) src(%dma_wait3A_59 : memref<64x128xf32, #tpu.memory_space<vmem>>) dst(%dma_wait3A_56 : memref<64x128xf32, #tpu.memory_space<vmem_shared>>)
      tpu.yield
    }) : () -> ()
    %barrier3A = arith.constant 0 : index
    tpu.barrier barrier_id(%barrier3A)
    %run_scoped3A = arith.constant 0 : i32
    "tpu.region"() ({
      %run_scoped3A_41 = tpu.sem_alloc : memref<!tpu.dma_semaphore, #tpu.memory_space<semaphore_mem>>
      %dma_start3A = arith.constant 0 : i32
      %dma_start3A_42 = tpu.memref_slice %arg5[%add3A, %run_scoped3A, %dma_start3A] : memref<32x1x16xi32, #tpu.memory_space<hbm>> -> memref<1x1x16xi32, #tpu.memory_space<hbm>>
      %dma_start3A_43 = tpu.memref_squeeze %dma_start3A_42 : memref<1x1x16xi32, #tpu.memory_space<hbm>> -> memref<16xi32, #tpu.memory_space<hbm>>
      %dma_start3A_44 = arith.constant 0 : i32
      %dma_start3A_45 = tpu.memref_slice %arg5[%add3A, %run_scoped3A, %dma_start3A_44] : memref<32x1x16xi32, #tpu.memory_space<hbm>> -> memref<1x1x16xi32, #tpu.memory_space<hbm>>
      %dma_start3A_46 = tpu.memref_squeeze %dma_start3A_45 : memref<1x1x16xi32, #tpu.memory_space<hbm>> -> memref<16xi32, #tpu.memory_space<hbm>>
      tpu.enqueue_dma source(%dma_start3A_46 : memref<16xi32, #tpu.memory_space<hbm>>) target(%arg7 : memref<16xi32, #tpu.memory_space<vmem>>) target_semaphore(%run_scoped3A_41 : memref<!tpu.dma_semaphore, #tpu.memory_space<semaphore_mem>>)
      %dma_wait3A = arith.constant 0 : i32
      %dma_wait3A_47 = tpu.memref_slice %arg5[%add3A, %run_scoped3A, %dma_wait3A] : memref<32x1x16xi32, #tpu.memory_space<hbm>> -> memref<1x1x16xi32, #tpu.memory_space<hbm>>
      %dma_wait3A_48 = tpu.memref_squeeze %dma_wait3A_47 : memref<1x1x16xi32, #tpu.memory_space<hbm>> -> memref<16xi32, #tpu.memory_space<hbm>>
      %dma_wait3A_49 = arith.constant 0 : i32
      %dma_wait3A_50 = tpu.memref_slice %arg5[%add3A, %run_scoped3A, %dma_wait3A_49] : memref<32x1x16xi32, #tpu.memory_space<hbm>> -> memref<1x1x16xi32, #tpu.memory_space<hbm>>
      %dma_wait3A_51 = tpu.memref_squeeze %dma_wait3A_50 : memref<1x1x16xi32, #tpu.memory_space<hbm>> -> memref<16xi32, #tpu.memory_space<hbm>>
      tpu.wait_dma2 semaphore(%run_scoped3A_41 : memref<!tpu.dma_semaphore, #tpu.memory_space<semaphore_mem>>) src(%dma_wait3A_51 : memref<16xi32, #tpu.memory_space<hbm>>) dst(%arg7 : memref<16xi32, #tpu.memory_space<vmem>>)
      tpu.yield
    }) : () -> ()
    %get3A = arith.constant 0 : index
    %get3A_17 = tpu.vector_load %arg7[%get3A] {strides = array<i32>} : memref<16xi32, #tpu.memory_space<vmem>>, vector<16xi32>,
    %reduce_max3A = arith.constant true
    %reduce_max3A_18 = vector.broadcast %reduce_max3A : i1 to vector<16xi1>
    %reduce_max3A_19 = arith.constant -2147483648 : i32
    %reduce_max3A_20 = vector.broadcast %reduce_max3A_19 : i32 to vector<16xi32>
    %reduce_max3A_21 = arith.xori %get3A_17, %reduce_max3A_20 : vector<16xi32>
    %reduce_max3A_22 = tpu.scan <max>, %reduce_max3A_21 masked %reduce_max3A_18 : vector<16xi32>, vector<16xi1> -> vector<16xi32>
    %reduce_max3A_23 = arith.xori %reduce_max3A_22, %reduce_max3A_20 : vector<16xi32>
    %reduce_max3A_24 = vector.extract %reduce_max3A_23[15] : i32 from vector<16xi32>
    %gt3A = arith.constant 0 : i32
    %gt3A_25 = arith.cmpi sgt, %reduce_max3A_24, %gt3A : i32
    %convert_element_type3A = arith.extui %gt3A_25 : i1 to i32
    %cond3A = arith.constant 0 : i32
    %cond3A_26 = arith.cmpi ne, %convert_element_type3A, %cond3A : i32
    scf.if %cond3A_26 {
      %run_scoped3A_41 = arith.constant 0 : i32
      "tpu.region"() ({
        %run_scoped3A_44 = tpu.sem_alloc : memref<!tpu.dma_semaphore, #tpu.memory_space<semaphore_mem>>
        %dma_start3A_45 = arith.constant 0 : i32
        %dma_start3A_46 = tpu.memref_slice %arg3[%add3A, %run_scoped3A_41, %dma_start3A_45] : memref<32x1x320128xi32, #tpu.memory_space<hbm>> -> memref<1x1x128xi32, #tpu.memory_space<hbm>>
        %dma_start3A_47 = tpu.memref_squeeze %dma_start3A_46 : memref<1x1x128xi32, #tpu.memory_space<hbm>> -> memref<128xi32, #tpu.memory_space<hbm>>
        %dma_start3A_48 = arith.constant 0 : i32
        %dma_start3A_49 = tpu.memref_slice %arg3[%add3A, %run_scoped3A_41, %dma_start3A_48] : memref<32x1x320128xi32, #tpu.memory_space<hbm>> -> memref<1x1x128xi32, #tpu.memory_space<hbm>>
        %dma_start3A_50 = tpu.memref_squeeze %dma_start3A_49 : memref<1x1x128xi32, #tpu.memory_space<hbm>> -> memref<128xi32, #tpu.memory_space<hbm>>
        tpu.enqueue_dma source(%dma_start3A_50 : memref<128xi32, #tpu.memory_space<hbm>>) target(%arg8 : memref<128xi32, #tpu.memory_space<vmem>>) target_semaphore(%run_scoped3A_44 : memref<!tpu.dma_semaphore, #tpu.memory_space<semaphore_mem>>)
        %dma_wait3A = arith.constant 0 : i32
        %dma_wait3A_51 = tpu.memref_slice %arg3[%add3A, %run_scoped3A_41, %dma_wait3A] : memref<32x1x320128xi32, #tpu.memory_space<hbm>> -> memref<1x1x128xi32, #tpu.memory_space<hbm>>
        %dma_wait3A_52 = tpu.memref_squeeze %dma_wait3A_51 : memref<1x1x128xi32, #tpu.memory_space<hbm>> -> memref<128xi32, #tpu.memory_space<hbm>>
        %dma_wait3A_53 = arith.constant 0 : i32
        %dma_wait3A_54 = tpu.memref_slice %arg3[%add3A, %run_scoped3A_41, %dma_wait3A_53] : memref<32x1x320128xi32, #tpu.memory_space<hbm>> -> memref<1x1x128xi32, #tpu.memory_space<hbm>>
        %dma_wait3A_55 = tpu.memref_squeeze %dma_wait3A_54 : memref<1x1x128xi32, #tpu.memory_space<hbm>> -> memref<128xi32, #tpu.memory_space<hbm>>
        tpu.wait_dma2 semaphore(%run_scoped3A_44 : memref<!tpu.dma_semaphore, #tpu.memory_space<semaphore_mem>>) src(%dma_wait3A_55 : memref<128xi32, #tpu.memory_space<hbm>>) dst(%arg8 : memref<128xi32, #tpu.memory_space<vmem>>)
        tpu.yield
      }) : () -> ()
      %dma_start3A = arith.constant 0 : i32
      %dma_start3A_42 = arith.constant 0 : i32
      %dma_start3A_43 = tpu.memref_slice %arg2[%dma_start3A, %dma_start3A_42] : memref<10000x128xf32, #tpu.memory_space<hbm>> -> memref<10000x128xf32, #tpu.memory_space<hbm>>
      tpu.enqueue_indirect_dma source(%dma_start3A_43 : memref<10000x128xf32, #tpu.memory_space<hbm>>) target(%arg12 : memref<128x128xf32, #tpu.memory_space<vmem>>) offsets(%arg8 : memref<128xi32, #tpu.memory_space<vmem>>) semaphore(%arg15 : memref<!tpu.dma_semaphore, #tpu.memory_space<semaphore_mem>>)
    } else {
    }
    %while3A = arith.constant 0 : i32
    %while3A_27 = arith.constant 0 : i32
    %while3A_28 = arith.subi %reduce_max3A_24, %while3A_27 : i32
    %while3A_29 = arith.addi %while3A_27, %while3A_28 : i32
    %while3A_30 = arith.constant 1 : i32
    %while3A_31 = arith.divsi %while3A_28, %while3A_30 : i32
    %while3A_32 = arith.muli %while3A_31, %while3A_30 : i32
    %while3A_33 = arith.addi %while3A_27, %while3A_32 : i32
    %while3A_34 = arith.constant 1 : i32
    scf.for %while3A_41 = %while3A_27 to %while3A_33 step %while3A_34  : i32 {
      %rem3A = arith.constant 2 : i32
      %rem3A_42 = arith.remsi %while3A_41, %rem3A : i32
      %eq3A = arith.constant 0 : i32
      %eq3A_43 = arith.cmpi eq, %rem3A_42, %eq3A : i32
      %convert_element_type3A_44 = arith.extui %eq3A_43 : i1 to i32
      %cond3A_45 = arith.constant 0 : i32
      %cond3A_46 = arith.cmpi ne, %convert_element_type3A_44, %cond3A_45 : i32
      scf.if %cond3A_46 {
        %dma_wait3A = arith.constant 0 : i32
        %dma_wait3A_51 = arith.constant 0 : i32
        %dma_wait3A_52 = tpu.memref_slice %arg2[%dma_wait3A, %dma_wait3A_51] : memref<10000x128xf32, #tpu.memory_space<hbm>> -> memref<10000x128xf32, #tpu.memory_space<hbm>>
        tpu.wait_indirect_dma semaphore(%arg15 : memref<!tpu.dma_semaphore, #tpu.memory_space<semaphore_mem>>) src(%dma_wait3A_52 : memref<10000x128xf32, #tpu.memory_space<hbm>>) dst(%arg12 : memref<128x128xf32, #tpu.memory_space<vmem>>)
        %add3A_53 = arith.constant 1 : i32
        %add3A_54 = arith.addi %while3A_41, %add3A_53 : i32
        %lt3A = arith.cmpi slt, %add3A_54, %reduce_max3A_24 : i32
        %convert_element_type3A_55 = arith.extui %lt3A : i1 to i32
        %cond3A_56 = arith.constant 0 : i32
        %cond3A_57 = arith.cmpi ne, %convert_element_type3A_55, %cond3A_56 : i32
        scf.if %cond3A_57 {
          %add3A_61 = arith.constant 1 : i32
          %add3A_62 = arith.addi %while3A_41, %add3A_61 : i32
          %mul3A_63 = arith.constant 128 : i32
          %mul3A_64 = arith.muli %add3A_62, %mul3A_63 : i32
          %run_scoped3A_65 = arith.constant 0 : i32
          "tpu.region"() ({
            %run_scoped3A_68 = tpu.sem_alloc : memref<!tpu.dma_semaphore, #tpu.memory_space<semaphore_mem>>
            %dma_start3A_69 = tpu.memref_slice %arg3[%add3A, %run_scoped3A_65, %mul3A_64] : memref<32x1x320128xi32, #tpu.memory_space<hbm>> -> memref<1x1x128xi32, #tpu.memory_space<hbm>>
            %dma_start3A_70 = tpu.memref_squeeze %dma_start3A_69 : memref<1x1x128xi32, #tpu.memory_space<hbm>> -> memref<128xi32, #tpu.memory_space<hbm>>
            %dma_start3A_71 = tpu.memref_slice %arg3[%add3A, %run_scoped3A_65, %mul3A_64] : memref<32x1x320128xi32, #tpu.memory_space<hbm>> -> memref<1x1x128xi32, #tpu.memory_space<hbm>>
            %dma_start3A_72 = tpu.memref_squeeze %dma_start3A_71 : memref<1x1x128xi32, #tpu.memory_space<hbm>> -> memref<128xi32, #tpu.memory_space<hbm>>
            tpu.enqueue_dma source(%dma_start3A_72 : memref<128xi32, #tpu.memory_space<hbm>>) target(%arg9 : memref<128xi32, #tpu.memory_space<vmem>>) target_semaphore(%run_scoped3A_68 : memref<!tpu.dma_semaphore, #tpu.memory_space<semaphore_mem>>)
            %dma_wait3A_73 = tpu.memref_slice %arg3[%add3A, %run_scoped3A_65, %mul3A_64] : memref<32x1x320128xi32, #tpu.memory_space<hbm>> -> memref<1x1x128xi32, #tpu.memory_space<hbm>>
            %dma_wait3A_74 = tpu.memref_squeeze %dma_wait3A_73 : memref<1x1x128xi32, #tpu.memory_space<hbm>> -> memref<128xi32, #tpu.memory_space<hbm>>
            %dma_wait3A_75 = tpu.memref_slice %arg3[%add3A, %run_scoped3A_65, %mul3A_64] : memref<32x1x320128xi32, #tpu.memory_space<hbm>> -> memref<1x1x128xi32, #tpu.memory_space<hbm>>
            %dma_wait3A_76 = tpu.memref_squeeze %dma_wait3A_75 : memref<1x1x128xi32, #tpu.memory_space<hbm>> -> memref<128xi32, #tpu.memory_space<hbm>>
            tpu.wait_dma2 semaphore(%run_scoped3A_68 : memref<!tpu.dma_semaphore, #tpu.memory_space<semaphore_mem>>) src(%dma_wait3A_76 : memref<128xi32, #tpu.memory_space<hbm>>) dst(%arg9 : memref<128xi32, #tpu.memory_space<vmem>>)
            tpu.yield
          }) : () -> ()
          %dma_start3A = arith.constant 0 : i32
          %dma_start3A_66 = arith.constant 0 : i32
          %dma_start3A_67 = tpu.memref_slice %arg2[%dma_start3A, %dma_start3A_66] : memref<10000x128xf32, #tpu.memory_space<hbm>> -> memref<10000x128xf32, #tpu.memory_space<hbm>>
          tpu.enqueue_indirect_dma source(%dma_start3A_67 : memref<10000x128xf32, #tpu.memory_space<hbm>>) target(%arg13 : memref<128x128xf32, #tpu.memory_space<vmem>>) offsets(%arg9 : memref<128xi32, #tpu.memory_space<vmem>>) semaphore(%arg16 : memref<!tpu.dma_semaphore, #tpu.memory_space<semaphore_mem>>)
        } else {
        }
        %mul3A_58 = arith.constant 128 : i32
        %mul3A_59 = arith.muli %while3A_41, %mul3A_58 : i32
        %run_scoped3A_60 = arith.constant 0 : i32
        "tpu.region"() ({
          %run_scoped3A_61 = tpu.sem_alloc : memref<!tpu.dma_semaphore, #tpu.memory_space<semaphore_mem>>
          %dma_start3A = tpu.memref_slice %arg4[%add3A, %run_scoped3A_60, %mul3A_59] : memref<32x1x320128xi32, #tpu.memory_space<hbm>> -> memref<1x1x128xi32, #tpu.memory_space<hbm>>
          %dma_start3A_62 = tpu.memref_squeeze %dma_start3A : memref<1x1x128xi32, #tpu.memory_space<hbm>> -> memref<128xi32, #tpu.memory_space<hbm>>
          %dma_start3A_63 = tpu.memref_slice %arg4[%add3A, %run_scoped3A_60, %mul3A_59] : memref<32x1x320128xi32, #tpu.memory_space<hbm>> -> memref<1x1x128xi32, #tpu.memory_space<hbm>>
          %dma_start3A_64 = tpu.memref_squeeze %dma_start3A_63 : memref<1x1x128xi32, #tpu.memory_space<hbm>> -> memref<128xi32, #tpu.memory_space<hbm>>
          tpu.enqueue_dma source(%dma_start3A_64 : memref<128xi32, #tpu.memory_space<hbm>>) target(%arg10 : memref<128xi32, #tpu.memory_space<vmem>>) target_semaphore(%run_scoped3A_61 : memref<!tpu.dma_semaphore, #tpu.memory_space<semaphore_mem>>)
          %dma_wait3A_65 = tpu.memref_slice %arg4[%add3A, %run_scoped3A_60, %mul3A_59] : memref<32x1x320128xi32, #tpu.memory_space<hbm>> -> memref<1x1x128xi32, #tpu.memory_space<hbm>>
          %dma_wait3A_66 = tpu.memref_squeeze %dma_wait3A_65 : memref<1x1x128xi32, #tpu.memory_space<hbm>> -> memref<128xi32, #tpu.memory_space<hbm>>
          %dma_wait3A_67 = tpu.memref_slice %arg4[%add3A, %run_scoped3A_60, %mul3A_59] : memref<32x1x320128xi32, #tpu.memory_space<hbm>> -> memref<1x1x128xi32, #tpu.memory_space<hbm>>
          %dma_wait3A_68 = tpu.memref_squeeze %dma_wait3A_67 : memref<1x1x128xi32, #tpu.memory_space<hbm>> -> memref<128xi32, #tpu.memory_space<hbm>>
          tpu.wait_dma2 semaphore(%run_scoped3A_61 : memref<!tpu.dma_semaphore, #tpu.memory_space<semaphore_mem>>) src(%dma_wait3A_68 : memref<128xi32, #tpu.memory_space<hbm>>) dst(%arg10 : memref<128xi32, #tpu.memory_space<vmem>>)
          tpu.yield
        }) : () -> ()
        "tpu.region"() ({
          %run_scoped3A_61 = tpu.sem_alloc : memref<!tpu.dma_semaphore, #tpu.memory_space<semaphore_mem>>
          %dma_start3A = arith.constant 0 : i32
          %dma_start3A_62 = arith.constant 0 : i32
          %dma_start3A_63 = tpu.memref_slice %arg14[%dma_start3A, %dma_start3A_62] : memref<5120x128xf32, #tpu.memory_space<vmem_shared>> -> memref<5120x128xf32, #tpu.memory_space<vmem_shared>>
          tpu.enqueue_indirect_dma source(%arg12 : memref<128x128xf32, #tpu.memory_space<vmem>>) target(%dma_start3A_63 : memref<5120x128xf32, #tpu.memory_space<vmem_shared>>) offsets(%arg10 : memref<128xi32, #tpu.memory_space<vmem>>) semaphore(%run_scoped3A_61 : memref<!tpu.dma_semaphore, #tpu.memory_space<semaphore_mem>>) {add = true}
          %dma_wait3A_64 = arith.constant 0 : i32
          %dma_wait3A_65 = arith.constant 0 : i32
          %dma_wait3A_66 = tpu.memref_slice %arg14[%dma_wait3A_64, %dma_wait3A_65] : memref<5120x128xf32, #tpu.memory_space<vmem_shared>> -> memref<5120x128xf32, #tpu.memory_space<vmem_shared>>
          tpu.wait_indirect_dma semaphore(%run_scoped3A_61 : memref<!tpu.dma_semaphore, #tpu.memory_space<semaphore_mem>>) src(%arg12 : memref<128x128xf32, #tpu.memory_space<vmem>>) dst(%dma_wait3A_66 : memref<5120x128xf32, #tpu.memory_space<vmem_shared>>)
          tpu.yield
        }) : () -> ()
      } else {
      }
      %not3A = arith.constant true
      %not3A_47 = arith.xori %eq3A_43, %not3A : i1
      %convert_element_type3A_48 = arith.extui %not3A_47 : i1 to i32
      %cond3A_49 = arith.constant 0 : i32
      %cond3A_50 = arith.cmpi ne, %convert_element_type3A_48, %cond3A_49 : i32
      scf.if %cond3A_50 {
        %dma_wait3A = arith.constant 0 : i32
        %dma_wait3A_51 = arith.constant 0 : i32
        %dma_wait3A_52 = tpu.memref_slice %arg2[%dma_wait3A, %dma_wait3A_51] : memref<10000x128xf32, #tpu.memory_space<hbm>> -> memref<10000x128xf32, #tpu.memory_space<hbm>>
        tpu.wait_indirect_dma semaphore(%arg16 : memref<!tpu.dma_semaphore, #tpu.memory_space<semaphore_mem>>) src(%dma_wait3A_52 : memref<10000x128xf32, #tpu.memory_space<hbm>>) dst(%arg13 : memref<128x128xf32, #tpu.memory_space<vmem>>)
        %add3A_53 = arith.constant 1 : i32
        %add3A_54 = arith.addi %while3A_41, %add3A_53 : i32
        %lt3A = arith.cmpi slt, %add3A_54, %reduce_max3A_24 : i32
        %convert_element_type3A_55 = arith.extui %lt3A : i1 to i32
        %cond3A_56 = arith.constant 0 : i32
        %cond3A_57 = arith.cmpi ne, %convert_element_type3A_55, %cond3A_56 : i32
        scf.if %cond3A_57 {
          %add3A_61 = arith.constant 1 : i32
          %add3A_62 = arith.addi %while3A_41, %add3A_61 : i32
          %mul3A_63 = arith.constant 128 : i32
          %mul3A_64 = arith.muli %add3A_62, %mul3A_63 : i32
          %run_scoped3A_65 = arith.constant 0 : i32
          "tpu.region"() ({
            %run_scoped3A_68 = tpu.sem_alloc : memref<!tpu.dma_semaphore, #tpu.memory_space<semaphore_mem>>
            %dma_start3A_69 = tpu.memref_slice %arg3[%add3A, %run_scoped3A_65, %mul3A_64] : memref<32x1x320128xi32, #tpu.memory_space<hbm>> -> memref<1x1x128xi32, #tpu.memory_space<hbm>>
            %dma_start3A_70 = tpu.memref_squeeze %dma_start3A_69 : memref<1x1x128xi32, #tpu.memory_space<hbm>> -> memref<128xi32, #tpu.memory_space<hbm>>
            %dma_start3A_71 = tpu.memref_slice %arg3[%add3A, %run_scoped3A_65, %mul3A_64] : memref<32x1x320128xi32, #tpu.memory_space<hbm>> -> memref<1x1x128xi32, #tpu.memory_space<hbm>>
            %dma_start3A_72 = tpu.memref_squeeze %dma_start3A_71 : memref<1x1x128xi32, #tpu.memory_space<hbm>> -> memref<128xi32, #tpu.memory_space<hbm>>
            tpu.enqueue_dma source(%dma_start3A_72 : memref<128xi32, #tpu.memory_space<hbm>>) target(%arg8 : memref<128xi32, #tpu.memory_space<vmem>>) target_semaphore(%run_scoped3A_68 : memref<!tpu.dma_semaphore, #tpu.memory_space<semaphore_mem>>)
            %dma_wait3A_73 = tpu.memref_slice %arg3[%add3A, %run_scoped3A_65, %mul3A_64] : memref<32x1x320128xi32, #tpu.memory_space<hbm>> -> memref<1x1x128xi32, #tpu.memory_space<hbm>>
            %dma_wait3A_74 = tpu.memref_squeeze %dma_wait3A_73 : memref<1x1x128xi32, #tpu.memory_space<hbm>> -> memref<128xi32, #tpu.memory_space<hbm>>
            %dma_wait3A_75 = tpu.memref_slice %arg3[%add3A, %run_scoped3A_65, %mul3A_64] : memref<32x1x320128xi32, #tpu.memory_space<hbm>> -> memref<1x1x128xi32, #tpu.memory_space<hbm>>
            %dma_wait3A_76 = tpu.memref_squeeze %dma_wait3A_75 : memref<1x1x128xi32, #tpu.memory_space<hbm>> -> memref<128xi32, #tpu.memory_space<hbm>>
            tpu.wait_dma2 semaphore(%run_scoped3A_68 : memref<!tpu.dma_semaphore, #tpu.memory_space<semaphore_mem>>) src(%dma_wait3A_76 : memref<128xi32, #tpu.memory_space<hbm>>) dst(%arg8 : memref<128xi32, #tpu.memory_space<vmem>>)
            tpu.yield
          }) : () -> ()
          %dma_start3A = arith.constant 0 : i32
          %dma_start3A_66 = arith.constant 0 : i32
          %dma_start3A_67 = tpu.memref_slice %arg2[%dma_start3A, %dma_start3A_66] : memref<10000x128xf32, #tpu.memory_space<hbm>> -> memref<10000x128xf32, #tpu.memory_space<hbm>>
          tpu.enqueue_indirect_dma source(%dma_start3A_67 : memref<10000x128xf32, #tpu.memory_space<hbm>>) target(%arg12 : memref<128x128xf32, #tpu.memory_space<vmem>>) offsets(%arg8 : memref<128xi32, #tpu.memory_space<vmem>>) semaphore(%arg15 : memref<!tpu.dma_semaphore, #tpu.memory_space<semaphore_mem>>)
        } else {
        }
        %mul3A_58 = arith.constant 128 : i32
        %mul3A_59 = arith.muli %while3A_41, %mul3A_58 : i32
        %run_scoped3A_60 = arith.constant 0 : i32
        "tpu.region"() ({
          %run_scoped3A_61 = tpu.sem_alloc : memref<!tpu.dma_semaphore, #tpu.memory_space<semaphore_mem>>
          %dma_start3A = tpu.memref_slice %arg4[%add3A, %run_scoped3A_60, %mul3A_59] : memref<32x1x320128xi32, #tpu.memory_space<hbm>> -> memref<1x1x128xi32, #tpu.memory_space<hbm>>
          %dma_start3A_62 = tpu.memref_squeeze %dma_start3A : memref<1x1x128xi32, #tpu.memory_space<hbm>> -> memref<128xi32, #tpu.memory_space<hbm>>
          %dma_start3A_63 = tpu.memref_slice %arg4[%add3A, %run_scoped3A_60, %mul3A_59] : memref<32x1x320128xi32, #tpu.memory_space<hbm>> -> memref<1x1x128xi32, #tpu.memory_space<hbm>>
          %dma_start3A_64 = tpu.memref_squeeze %dma_start3A_63 : memref<1x1x128xi32, #tpu.memory_space<hbm>> -> memref<128xi32, #tpu.memory_space<hbm>>
          tpu.enqueue_dma source(%dma_start3A_64 : memref<128xi32, #tpu.memory_space<hbm>>) target(%arg11 : memref<128xi32, #tpu.memory_space<vmem>>) target_semaphore(%run_scoped3A_61 : memref<!tpu.dma_semaphore, #tpu.memory_space<semaphore_mem>>)
          %dma_wait3A_65 = tpu.memref_slice %arg4[%add3A, %run_scoped3A_60, %mul3A_59] : memref<32x1x320128xi32, #tpu.memory_space<hbm>> -> memref<1x1x128xi32, #tpu.memory_space<hbm>>
          %dma_wait3A_66 = tpu.memref_squeeze %dma_wait3A_65 : memref<1x1x128xi32, #tpu.memory_space<hbm>> -> memref<128xi32, #tpu.memory_space<hbm>>
          %dma_wait3A_67 = tpu.memref_slice %arg4[%add3A, %run_scoped3A_60, %mul3A_59] : memref<32x1x320128xi32, #tpu.memory_space<hbm>> -> memref<1x1x128xi32, #tpu.memory_space<hbm>>
          %dma_wait3A_68 = tpu.memref_squeeze %dma_wait3A_67 : memref<1x1x128xi32, #tpu.memory_space<hbm>> -> memref<128xi32, #tpu.memory_space<hbm>>
          tpu.wait_dma2 semaphore(%run_scoped3A_61 : memref<!tpu.dma_semaphore, #tpu.memory_space<semaphore_mem>>) src(%dma_wait3A_68 : memref<128xi32, #tpu.memory_space<hbm>>) dst(%arg11 : memref<128xi32, #tpu.memory_space<vmem>>)
          tpu.yield
        }) : () -> ()
        "tpu.region"() ({
          %run_scoped3A_61 = tpu.sem_alloc : memref<!tpu.dma_semaphore, #tpu.memory_space<semaphore_mem>>
          %dma_start3A = arith.constant 0 : i32
          %dma_start3A_62 = arith.constant 0 : i32
          %dma_start3A_63 = tpu.memref_slice %arg14[%dma_start3A, %dma_start3A_62] : memref<5120x128xf32, #tpu.memory_space<vmem_shared>> -> memref<5120x128xf32, #tpu.memory_space<vmem_shared>>
          tpu.enqueue_indirect_dma source(%arg13 : memref<128x128xf32, #tpu.memory_space<vmem>>) target(%dma_start3A_63 : memref<5120x128xf32, #tpu.memory_space<vmem_shared>>) offsets(%arg11 : memref<128xi32, #tpu.memory_space<vmem>>) semaphore(%run_scoped3A_61 : memref<!tpu.dma_semaphore, #tpu.memory_space<semaphore_mem>>) {add = true}
          %dma_wait3A_64 = arith.constant 0 : i32
          %dma_wait3A_65 = arith.constant 0 : i32
          %dma_wait3A_66 = tpu.memref_slice %arg14[%dma_wait3A_64, %dma_wait3A_65] : memref<5120x128xf32, #tpu.memory_space<vmem_shared>> -> memref<5120x128xf32, #tpu.memory_space<vmem_shared>>
          tpu.wait_indirect_dma semaphore(%run_scoped3A_61 : memref<!tpu.dma_semaphore, #tpu.memory_space<semaphore_mem>>) src(%arg13 : memref<128x128xf32, #tpu.memory_space<vmem>>) dst(%dma_wait3A_66 : memref<5120x128xf32, #tpu.memory_space<vmem_shared>>)
          tpu.yield
        }) : () -> ()
      } else {
      }
    }
    %while3A_35 = arith.constant 1 : i32
    scf.for %while3A_41 = %while3A_33 to %while3A_29 step %while3A_35  : i32 {
      %rem3A = arith.constant 2 : i32
      %rem3A_42 = arith.remsi %while3A_41, %rem3A : i32
      %eq3A = arith.constant 0 : i32
      %eq3A_43 = arith.cmpi eq, %rem3A_42, %eq3A : i32
      %convert_element_type3A_44 = arith.extui %eq3A_43 : i1 to i32
      %cond3A_45 = arith.constant 0 : i32
      %cond3A_46 = arith.cmpi ne, %convert_element_type3A_44, %cond3A_45 : i32
      scf.if %cond3A_46 {
        %dma_wait3A = arith.constant 0 : i32
        %dma_wait3A_51 = arith.constant 0 : i32
        %dma_wait3A_52 = tpu.memref_slice %arg2[%dma_wait3A, %dma_wait3A_51] : memref<10000x128xf32, #tpu.memory_space<hbm>> -> memref<10000x128xf32, #tpu.memory_space<hbm>>
        tpu.wait_indirect_dma semaphore(%arg15 : memref<!tpu.dma_semaphore, #tpu.memory_space<semaphore_mem>>) src(%dma_wait3A_52 : memref<10000x128xf32, #tpu.memory_space<hbm>>) dst(%arg12 : memref<128x128xf32, #tpu.memory_space<vmem>>)
        %add3A_53 = arith.constant 1 : i32
        %add3A_54 = arith.addi %while3A_41, %add3A_53 : i32
        %lt3A = arith.cmpi slt, %add3A_54, %reduce_max3A_24 : i32
        %convert_element_type3A_55 = arith.extui %lt3A : i1 to i32
        %cond3A_56 = arith.constant 0 : i32
        %cond3A_57 = arith.cmpi ne, %convert_element_type3A_55, %cond3A_56 : i32
        scf.if %cond3A_57 {
          %add3A_61 = arith.constant 1 : i32
          %add3A_62 = arith.addi %while3A_41, %add3A_61 : i32
          %mul3A_63 = arith.constant 128 : i32
          %mul3A_64 = arith.muli %add3A_62, %mul3A_63 : i32
          %run_scoped3A_65 = arith.constant 0 : i32
          "tpu.region"() ({
            %run_scoped3A_68 = tpu.sem_alloc : memref<!tpu.dma_semaphore, #tpu.memory_space<semaphore_mem>>
            %dma_start3A_69 = tpu.memref_slice %arg3[%add3A, %run_scoped3A_65, %mul3A_64] : memref<32x1x320128xi32, #tpu.memory_space<hbm>> -> memref<1x1x128xi32, #tpu.memory_space<hbm>>
            %dma_start3A_70 = tpu.memref_squeeze %dma_start3A_69 : memref<1x1x128xi32, #tpu.memory_space<hbm>> -> memref<128xi32, #tpu.memory_space<hbm>>
            %dma_start3A_71 = tpu.memref_slice %arg3[%add3A, %run_scoped3A_65, %mul3A_64] : memref<32x1x320128xi32, #tpu.memory_space<hbm>> -> memref<1x1x128xi32, #tpu.memory_space<hbm>>
            %dma_start3A_72 = tpu.memref_squeeze %dma_start3A_71 : memref<1x1x128xi32, #tpu.memory_space<hbm>> -> memref<128xi32, #tpu.memory_space<hbm>>
            tpu.enqueue_dma source(%dma_start3A_72 : memref<128xi32, #tpu.memory_space<hbm>>) target(%arg9 : memref<128xi32, #tpu.memory_space<vmem>>) target_semaphore(%run_scoped3A_68 : memref<!tpu.dma_semaphore, #tpu.memory_space<semaphore_mem>>)
            %dma_wait3A_73 = tpu.memref_slice %arg3[%add3A, %run_scoped3A_65, %mul3A_64] : memref<32x1x320128xi32, #tpu.memory_space<hbm>> -> memref<1x1x128xi32, #tpu.memory_space<hbm>>
            %dma_wait3A_74 = tpu.memref_squeeze %dma_wait3A_73 : memref<1x1x128xi32, #tpu.memory_space<hbm>> -> memref<128xi32, #tpu.memory_space<hbm>>
            %dma_wait3A_75 = tpu.memref_slice %arg3[%add3A, %run_scoped3A_65, %mul3A_64] : memref<32x1x320128xi32, #tpu.memory_space<hbm>> -> memref<1x1x128xi32, #tpu.memory_space<hbm>>
            %dma_wait3A_76 = tpu.memref_squeeze %dma_wait3A_75 : memref<1x1x128xi32, #tpu.memory_space<hbm>> -> memref<128xi32, #tpu.memory_space<hbm>>
            tpu.wait_dma2 semaphore(%run_scoped3A_68 : memref<!tpu.dma_semaphore, #tpu.memory_space<semaphore_mem>>) src(%dma_wait3A_76 : memref<128xi32, #tpu.memory_space<hbm>>) dst(%arg9 : memref<128xi32, #tpu.memory_space<vmem>>)
            tpu.yield
          }) : () -> ()
          %dma_start3A = arith.constant 0 : i32
          %dma_start3A_66 = arith.constant 0 : i32
          %dma_start3A_67 = tpu.memref_slice %arg2[%dma_start3A, %dma_start3A_66] : memref<10000x128xf32, #tpu.memory_space<hbm>> -> memref<10000x128xf32, #tpu.memory_space<hbm>>
          tpu.enqueue_indirect_dma source(%dma_start3A_67 : memref<10000x128xf32, #tpu.memory_space<hbm>>) target(%arg13 : memref<128x128xf32, #tpu.memory_space<vmem>>) offsets(%arg9 : memref<128xi32, #tpu.memory_space<vmem>>) semaphore(%arg16 : memref<!tpu.dma_semaphore, #tpu.memory_space<semaphore_mem>>)
        } else {
        }
        %mul3A_58 = arith.constant 128 : i32
        %mul3A_59 = arith.muli %while3A_41, %mul3A_58 : i32
        %run_scoped3A_60 = arith.constant 0 : i32
        "tpu.region"() ({
          %run_scoped3A_61 = tpu.sem_alloc : memref<!tpu.dma_semaphore, #tpu.memory_space<semaphore_mem>>
          %dma_start3A = tpu.memref_slice %arg4[%add3A, %run_scoped3A_60, %mul3A_59] : memref<32x1x320128xi32, #tpu.memory_space<hbm>> -> memref<1x1x128xi32, #tpu.memory_space<hbm>>
          %dma_start3A_62 = tpu.memref_squeeze %dma_start3A : memref<1x1x128xi32, #tpu.memory_space<hbm>> -> memref<128xi32, #tpu.memory_space<hbm>>
          %dma_start3A_63 = tpu.memref_slice %arg4[%add3A, %run_scoped3A_60, %mul3A_59] : memref<32x1x320128xi32, #tpu.memory_space<hbm>> -> memref<1x1x128xi32, #tpu.memory_space<hbm>>
          %dma_start3A_64 = tpu.memref_squeeze %dma_start3A_63 : memref<1x1x128xi32, #tpu.memory_space<hbm>> -> memref<128xi32, #tpu.memory_space<hbm>>
          tpu.enqueue_dma source(%dma_start3A_64 : memref<128xi32, #tpu.memory_space<hbm>>) target(%arg10 : memref<128xi32, #tpu.memory_space<vmem>>) target_semaphore(%run_scoped3A_61 : memref<!tpu.dma_semaphore, #tpu.memory_space<semaphore_mem>>)
          %dma_wait3A_65 = tpu.memref_slice %arg4[%add3A, %run_scoped3A_60, %mul3A_59] : memref<32x1x320128xi32, #tpu.memory_space<hbm>> -> memref<1x1x128xi32, #tpu.memory_space<hbm>>
          %dma_wait3A_66 = tpu.memref_squeeze %dma_wait3A_65 : memref<1x1x128xi32, #tpu.memory_space<hbm>> -> memref<128xi32, #tpu.memory_space<hbm>>
          %dma_wait3A_67 = tpu.memref_slice %arg4[%add3A, %run_scoped3A_60, %mul3A_59] : memref<32x1x320128xi32, #tpu.memory_space<hbm>> -> memref<1x1x128xi32, #tpu.memory_space<hbm>>
          %dma_wait3A_68 = tpu.memref_squeeze %dma_wait3A_67 : memref<1x1x128xi32, #tpu.memory_space<hbm>> -> memref<128xi32, #tpu.memory_space<hbm>>
          tpu.wait_dma2 semaphore(%run_scoped3A_61 : memref<!tpu.dma_semaphore, #tpu.memory_space<semaphore_mem>>) src(%dma_wait3A_68 : memref<128xi32, #tpu.memory_space<hbm>>) dst(%arg10 : memref<128xi32, #tpu.memory_space<vmem>>)
          tpu.yield
        }) : () -> ()
        "tpu.region"() ({
          %run_scoped3A_61 = tpu.sem_alloc : memref<!tpu.dma_semaphore, #tpu.memory_space<semaphore_mem>>
          %dma_start3A = arith.constant 0 : i32
          %dma_start3A_62 = arith.constant 0 : i32
          %dma_start3A_63 = tpu.memref_slice %arg14[%dma_start3A, %dma_start3A_62] : memref<5120x128xf32, #tpu.memory_space<vmem_shared>> -> memref<5120x128xf32, #tpu.memory_space<vmem_shared>>
          tpu.enqueue_indirect_dma source(%arg12 : memref<128x128xf32, #tpu.memory_space<vmem>>) target(%dma_start3A_63 : memref<5120x128xf32, #tpu.memory_space<vmem_shared>>) offsets(%arg10 : memref<128xi32, #tpu.memory_space<vmem>>) semaphore(%run_scoped3A_61 : memref<!tpu.dma_semaphore, #tpu.memory_space<semaphore_mem>>) {add = true}
          %dma_wait3A_64 = arith.constant 0 : i32
          %dma_wait3A_65 = arith.constant 0 : i32
          %dma_wait3A_66 = tpu.memref_slice %arg14[%dma_wait3A_64, %dma_wait3A_65] : memref<5120x128xf32, #tpu.memory_space<vmem_shared>> -> memref<5120x128xf32, #tpu.memory_space<vmem_shared>>
          tpu.wait_indirect_dma semaphore(%run_scoped3A_61 : memref<!tpu.dma_semaphore, #tpu.memory_space<semaphore_mem>>) src(%arg12 : memref<128x128xf32, #tpu.memory_space<vmem>>) dst(%dma_wait3A_66 : memref<5120x128xf32, #tpu.memory_space<vmem_shared>>)
          tpu.yield
        }) : () -> ()
      } else {
      }
      %not3A = arith.constant true
      %not3A_47 = arith.xori %eq3A_43, %not3A : i1
      %convert_element_type3A_48 = arith.extui %not3A_47 : i1 to i32
      %cond3A_49 = arith.constant 0 : i32
      %cond3A_50 = arith.cmpi ne, %convert_element_type3A_48, %cond3A_49 : i32
      scf.if %cond3A_50 {
        %dma_wait3A = arith.constant 0 : i32
        %dma_wait3A_51 = arith.constant 0 : i32
        %dma_wait3A_52 = tpu.memref_slice %arg2[%dma_wait3A, %dma_wait3A_51] : memref<10000x128xf32, #tpu.memory_space<hbm>> -> memref<10000x128xf32, #tpu.memory_space<hbm>>
        tpu.wait_indirect_dma semaphore(%arg16 : memref<!tpu.dma_semaphore, #tpu.memory_space<semaphore_mem>>) src(%dma_wait3A_52 : memref<10000x128xf32, #tpu.memory_space<hbm>>) dst(%arg13 : memref<128x128xf32, #tpu.memory_space<vmem>>)
        %add3A_53 = arith.constant 1 : i32
        %add3A_54 = arith.addi %while3A_41, %add3A_53 : i32
        %lt3A = arith.cmpi slt, %add3A_54, %reduce_max3A_24 : i32
        %convert_element_type3A_55 = arith.extui %lt3A : i1 to i32
        %cond3A_56 = arith.constant 0 : i32
        %cond3A_57 = arith.cmpi ne, %convert_element_type3A_55, %cond3A_56 : i32
        scf.if %cond3A_57 {
          %add3A_61 = arith.constant 1 : i32
          %add3A_62 = arith.addi %while3A_41, %add3A_61 : i32
          %mul3A_63 = arith.constant 128 : i32
          %mul3A_64 = arith.muli %add3A_62, %mul3A_63 : i32
          %run_scoped3A_65 = arith.constant 0 : i32
          "tpu.region"() ({
            %run_scoped3A_68 = tpu.sem_alloc : memref<!tpu.dma_semaphore, #tpu.memory_space<semaphore_mem>>
            %dma_start3A_69 = tpu.memref_slice %arg3[%add3A, %run_scoped3A_65, %mul3A_64] : memref<32x1x320128xi32, #tpu.memory_space<hbm>> -> memref<1x1x128xi32, #tpu.memory_space<hbm>>
            %dma_start3A_70 = tpu.memref_squeeze %dma_start3A_69 : memref<1x1x128xi32, #tpu.memory_space<hbm>> -> memref<128xi32, #tpu.memory_space<hbm>>
            %dma_start3A_71 = tpu.memref_slice %arg3[%add3A, %run_scoped3A_65, %mul3A_64] : memref<32x1x320128xi32, #tpu.memory_space<hbm>> -> memref<1x1x128xi32, #tpu.memory_space<hbm>>
            %dma_start3A_72 = tpu.memref_squeeze %dma_start3A_71 : memref<1x1x128xi32, #tpu.memory_space<hbm>> -> memref<128xi32, #tpu.memory_space<hbm>>
            tpu.enqueue_dma source(%dma_start3A_72 : memref<128xi32, #tpu.memory_space<hbm>>) target(%arg8 : memref<128xi32, #tpu.memory_space<vmem>>) target_semaphore(%run_scoped3A_68 : memref<!tpu.dma_semaphore, #tpu.memory_space<semaphore_mem>>)
            %dma_wait3A_73 = tpu.memref_slice %arg3[%add3A, %run_scoped3A_65, %mul3A_64] : memref<32x1x320128xi32, #tpu.memory_space<hbm>> -> memref<1x1x128xi32, #tpu.memory_space<hbm>>
            %dma_wait3A_74 = tpu.memref_squeeze %dma_wait3A_73 : memref<1x1x128xi32, #tpu.memory_space<hbm>> -> memref<128xi32, #tpu.memory_space<hbm>>
            %dma_wait3A_75 = tpu.memref_slice %arg3[%add3A, %run_scoped3A_65, %mul3A_64] : memref<32x1x320128xi32, #tpu.memory_space<hbm>> -> memref<1x1x128xi32, #tpu.memory_space<hbm>>
            %dma_wait3A_76 = tpu.memref_squeeze %dma_wait3A_75 : memref<1x1x128xi32, #tpu.memory_space<hbm>> -> memref<128xi32, #tpu.memory_space<hbm>>
            tpu.wait_dma2 semaphore(%run_scoped3A_68 : memref<!tpu.dma_semaphore, #tpu.memory_space<semaphore_mem>>) src(%dma_wait3A_76 : memref<128xi32, #tpu.memory_space<hbm>>) dst(%arg8 : memref<128xi32, #tpu.memory_space<vmem>>)
            tpu.yield
          }) : () -> ()
          %dma_start3A = arith.constant 0 : i32
          %dma_start3A_66 = arith.constant 0 : i32
          %dma_start3A_67 = tpu.memref_slice %arg2[%dma_start3A, %dma_start3A_66] : memref<10000x128xf32, #tpu.memory_space<hbm>> -> memref<10000x128xf32, #tpu.memory_space<hbm>>
          tpu.enqueue_indirect_dma source(%dma_start3A_67 : memref<10000x128xf32, #tpu.memory_space<hbm>>) target(%arg12 : memref<128x128xf32, #tpu.memory_space<vmem>>) offsets(%arg8 : memref<128xi32, #tpu.memory_space<vmem>>) semaphore(%arg15 : memref<!tpu.dma_semaphore, #tpu.memory_space<semaphore_mem>>)
        } else {
        }
        %mul3A_58 = arith.constant 128 : i32
        %mul3A_59 = arith.muli %while3A_41, %mul3A_58 : i32
        %run_scoped3A_60 = arith.constant 0 : i32
        "tpu.region"() ({
          %run_scoped3A_61 = tpu.sem_alloc : memref<!tpu.dma_semaphore, #tpu.memory_space<semaphore_mem>>
          %dma_start3A = tpu.memref_slice %arg4[%add3A, %run_scoped3A_60, %mul3A_59] : memref<32x1x320128xi32, #tpu.memory_space<hbm>> -> memref<1x1x128xi32, #tpu.memory_space<hbm>>
          %dma_start3A_62 = tpu.memref_squeeze %dma_start3A : memref<1x1x128xi32, #tpu.memory_space<hbm>> -> memref<128xi32, #tpu.memory_space<hbm>>
          %dma_start3A_63 = tpu.memref_slice %arg4[%add3A, %run_scoped3A_60, %mul3A_59] : memref<32x1x320128xi32, #tpu.memory_space<hbm>> -> memref<1x1x128xi32, #tpu.memory_space<hbm>>
          %dma_start3A_64 = tpu.memref_squeeze %dma_start3A_63 : memref<1x1x128xi32, #tpu.memory_space<hbm>> -> memref<128xi32, #tpu.memory_space<hbm>>
          tpu.enqueue_dma source(%dma_start3A_64 : memref<128xi32, #tpu.memory_space<hbm>>) target(%arg11 : memref<128xi32, #tpu.memory_space<vmem>>) target_semaphore(%run_scoped3A_61 : memref<!tpu.dma_semaphore, #tpu.memory_space<semaphore_mem>>)
          %dma_wait3A_65 = tpu.memref_slice %arg4[%add3A, %run_scoped3A_60, %mul3A_59] : memref<32x1x320128xi32, #tpu.memory_space<hbm>> -> memref<1x1x128xi32, #tpu.memory_space<hbm>>
          %dma_wait3A_66 = tpu.memref_squeeze %dma_wait3A_65 : memref<1x1x128xi32, #tpu.memory_space<hbm>> -> memref<128xi32, #tpu.memory_space<hbm>>
          %dma_wait3A_67 = tpu.memref_slice %arg4[%add3A, %run_scoped3A_60, %mul3A_59] : memref<32x1x320128xi32, #tpu.memory_space<hbm>> -> memref<1x1x128xi32, #tpu.memory_space<hbm>>
          %dma_wait3A_68 = tpu.memref_squeeze %dma_wait3A_67 : memref<1x1x128xi32, #tpu.memory_space<hbm>> -> memref<128xi32, #tpu.memory_space<hbm>>
          tpu.wait_dma2 semaphore(%run_scoped3A_61 : memref<!tpu.dma_semaphore, #tpu.memory_space<semaphore_mem>>) src(%dma_wait3A_68 : memref<128xi32, #tpu.memory_space<hbm>>) dst(%arg11 : memref<128xi32, #tpu.memory_space<vmem>>)
          tpu.yield
        }) : () -> ()
        "tpu.region"() ({
          %run_scoped3A_61 = tpu.sem_alloc : memref<!tpu.dma_semaphore, #tpu.memory_space<semaphore_mem>>
          %dma_start3A = arith.constant 0 : i32
          %dma_start3A_62 = arith.constant 0 : i32
          %dma_start3A_63 = tpu.memref_slice %arg14[%dma_start3A, %dma_start3A_62] : memref<5120x128xf32, #tpu.memory_space<vmem_shared>> -> memref<5120x128xf32, #tpu.memory_space<vmem_shared>>
          tpu.enqueue_indirect_dma source(%arg13 : memref<128x128xf32, #tpu.memory_space<vmem>>) target(%dma_start3A_63 : memref<5120x128xf32, #tpu.memory_space<vmem_shared>>) offsets(%arg11 : memref<128xi32, #tpu.memory_space<vmem>>) semaphore(%run_scoped3A_61 : memref<!tpu.dma_semaphore, #tpu.memory_space<semaphore_mem>>) {add = true}
          %dma_wait3A_64 = arith.constant 0 : i32
          %dma_wait3A_65 = arith.constant 0 : i32
          %dma_wait3A_66 = tpu.memref_slice %arg14[%dma_wait3A_64, %dma_wait3A_65] : memref<5120x128xf32, #tpu.memory_space<vmem_shared>> -> memref<5120x128xf32, #tpu.memory_space<vmem_shared>>
          tpu.wait_indirect_dma semaphore(%run_scoped3A_61 : memref<!tpu.dma_semaphore, #tpu.memory_space<semaphore_mem>>) src(%arg13 : memref<128x128xf32, #tpu.memory_space<vmem>>) dst(%dma_wait3A_66 : memref<5120x128xf32, #tpu.memory_space<vmem_shared>>)
          tpu.yield
        }) : () -> ()
      } else {
      }
    }
    %barrier3A_36 = arith.constant 0 : index
    tpu.barrier barrier_id(%barrier3A_36)
    %mul3A_37 = arith.constant 320 : i32
    %mul3A_38 = arith.muli %arg1, %mul3A_37 : i32
    %mul3A_39 = arith.constant 320 : i32
    %mul3A_40 = arith.muli %arg1, %mul3A_39 : i32
    "tpu.region"() ({
      %run_scoped3A_41 = tpu.sem_alloc : memref<!tpu.dma_semaphore, #tpu.memory_space<semaphore_mem>>
      %dma_start3A = arith.constant 0 : i32
      %dma_start3A_42 = tpu.memref_slice %arg6[%arg0, %mul3A_40, %dma_start3A] : memref<2x5120x128xf32, #tpu.memory_space<hbm>> -> memref<1x320x128xf32, #tpu.memory_space<hbm>>
      %dma_start3A_43 = tpu.memref_squeeze %dma_start3A_42 : memref<1x320x128xf32, #tpu.memory_space<hbm>> -> memref<320x128xf32, #tpu.memory_space<hbm>>
      %dma_start3A_44 = arith.constant 0 : i32
      %dma_start3A_45 = tpu.memref_slice %arg14[%mul3A_38, %dma_start3A_44] : memref<5120x128xf32, #tpu.memory_space<vmem_shared>> -> memref<320x128xf32, #tpu.memory_space<vmem_shared>>
      tpu.enqueue_dma source(%dma_start3A_45 : memref<320x128xf32, #tpu.memory_space<vmem_shared>>) target(%dma_start3A_43 : memref<320x128xf32, #tpu.memory_space<hbm>>) target_semaphore(%run_scoped3A_41 : memref<!tpu.dma_semaphore, #tpu.memory_space<semaphore_mem>>)
      %dma_wait3A = arith.constant 0 : i32
      %dma_wait3A_46 = tpu.memref_slice %arg6[%arg0, %mul3A_40, %dma_wait3A] : memref<2x5120x128xf32, #tpu.memory_space<hbm>> -> memref<1x320x128xf32, #tpu.memory_space<hbm>>
      %dma_wait3A_47 = tpu.memref_squeeze %dma_wait3A_46 : memref<1x320x128xf32, #tpu.memory_space<hbm>> -> memref<320x128xf32, #tpu.memory_space<hbm>>
      %dma_wait3A_48 = arith.constant 0 : i32
      %dma_wait3A_49 = tpu.memref_slice %arg14[%mul3A_38, %dma_wait3A_48] : memref<5120x128xf32, #tpu.memory_space<vmem_shared>> -> memref<320x128xf32, #tpu.memory_space<vmem_shared>>
      tpu.wait_dma2 semaphore(%run_scoped3A_41 : memref<!tpu.dma_semaphore, #tpu.memory_space<semaphore_mem>>) src(%dma_wait3A_49 : memref<320x128xf32, #tpu.memory_space<vmem_shared>>) dst(%dma_wait3A_47 : memref<320x128xf32, #tpu.memory_space<hbm>>)
      tpu.yield
    }) : () -> ()
    return
  }
}

#map = affine_map<(d0, d1) -> (0, 0)>
#map1 = affine_map<(d0, d1) -> (0, 0, 0)>
module attributes {stable_mosaic.version = 14 : i64} {
  func.func @_seg(%arg0: i32, %arg1: i32, %arg2: memref<10000x128xf32, #tpu.memory_space<hbm>>, %arg3: memref<32x1x320128xi32, #tpu.memory_space<hbm>>, %arg4: memref<32x1x320128xi32, #tpu.memory_space<hbm>>, %arg5: memref<32x1x16xi32, #tpu.memory_space<hbm>>, %arg6: memref<2x5120x128xf32, #tpu.memory_space<hbm>>, %arg7: memref<16xi32, #tpu.memory_space<vmem>>, %arg8: memref<128xi32, #tpu.memory_space<vmem>>, %arg9: memref<128xi32, #tpu.memory_space<vmem>>, %arg10: memref<128xi32, #tpu.memory_space<vmem>>, %arg11: memref<128xi32, #tpu.memory_space<vmem>>, %arg12: memref<128x128xf32, #tpu.memory_space<vmem>>, %arg13: memref<128x128xf32, #tpu.memory_space<vmem>>, %arg14: memref<5120x128xf32, #tpu.memory_space<vmem_shared>>, %arg15: memref<!tpu.dma_semaphore, #tpu.memory_space<semaphore_mem>>, %arg16: memref<!tpu.dma_semaphore, #tpu.memory_space<semaphore_mem>>) attributes {dimension_semantics = [#tpu.dimension_semantics<core_parallel>, #tpu.dimension_semantics<subcore_parallel>], iteration_bounds = array<i64: 2, 16>, scalar_prefetch = 0 : i64, scratch_operands = 10 : i64, tpu.core_type = #tpu.core_type<sc_vector_subcore>, window_params = [{transform_indices = #map}, {transform_indices = #map1}, {transform_indices = #map1}, {transform_indices = #map1}, {transform_indices = #map1}]} {
    %mul3A = arith.constant 16 : i32
    %mul3A_0 = arith.muli %arg0, %mul3A : i32
    %add3A = arith.addi %mul3A_0, %arg1 : i32
    %broadcast_in_dim3A = arith.constant 0.000000e+00 : f32
    %broadcast_in_dim3A_1 = vector.broadcast %broadcast_in_dim3A : f32 to vector<16xf32>
    %scan3A = arith.constant 0 : i32
    %scan3A_2 = arith.constant 0 : i32
    %scan3A_3 = arith.constant 128 : i32
    %scan3A_4 = arith.addi %scan3A_2, %scan3A_3 : i32
    %scan3A_5 = arith.constant 1 : i32
    scf.for %scan3A_41 = %scan3A_2 to %scan3A_4 step %scan3A_5  : i32 {
      %scan3A_42 = arith.constant 0 : i32
      %scan3A_43 = arith.constant 8 : i32
      %scan3A_44 = arith.addi %scan3A_42, %scan3A_43 : i32
      %scan3A_45 = arith.constant 1 : i32
      scf.for %scan3A_47 = %scan3A_42 to %scan3A_44 step %scan3A_45  : i32 {
        %mul3A_48 = arith.constant 16 : i32
        %mul3A_49 = arith.muli %scan3A_47, %mul3A_48 : i32
        %swap3A = arith.index_cast %scan3A_41 : i32 to index
        %swap3A_50 = arith.index_cast %mul3A_49 : i32 to index
        %swap3A_51 = tpu.vector_load %arg12[%swap3A, %swap3A_50] {strides = array<i32>} : memref<128x128xf32, #tpu.memory_space<vmem>>, vector<16xf32>,
        tpu.vector_store %arg12[%swap3A, %swap3A_50], %broadcast_in_dim3A_1 {strides = array<i32>} : memref<128x128xf32, #tpu.memory_space<vmem>>, vector<16xf32>,
      }
      %scan3A_46 = arith.constant 8 : i32
    }
    %scan3A_6 = arith.constant 128 : i32
    %mul3A_7 = arith.constant 320 : i32
    %mul3A_8 = arith.muli %arg1, %mul3A_7 : i32
    "tpu.region"() ({
      %run_scoped3A_41 = tpu.sem_alloc : memref<!tpu.dma_semaphore, #tpu.memory_space<semaphore_mem>>
      %dma_start3A = arith.constant 0 : i32
      %dma_start3A_42 = tpu.memref_slice %arg14[%mul3A_8, %dma_start3A] : memref<5120x128xf32, #tpu.memory_space<vmem_shared>> -> memref<128x128xf32, #tpu.memory_space<vmem_shared>>
      %dma_start3A_43 = arith.constant 0 : i32
      %dma_start3A_44 = tpu.memref_slice %arg14[%mul3A_8, %dma_start3A_43] : memref<5120x128xf32, #tpu.memory_space<vmem_shared>> -> memref<128x128xf32, #tpu.memory_space<vmem_shared>>
      tpu.enqueue_dma source(%arg12 : memref<128x128xf32, #tpu.memory_space<vmem>>) target(%dma_start3A_44 : memref<128x128xf32, #tpu.memory_space<vmem_shared>>) target_semaphore(%run_scoped3A_41 : memref<!tpu.dma_semaphore, #tpu.memory_space<semaphore_mem>>)
      %dma_wait3A = arith.constant 0 : i32
      %dma_wait3A_45 = tpu.memref_slice %arg14[%mul3A_8, %dma_wait3A] : memref<5120x128xf32, #tpu.memory_space<vmem_shared>> -> memref<128x128xf32, #tpu.memory_space<vmem_shared>>
      %dma_wait3A_46 = arith.constant 0 : i32
      %dma_wait3A_47 = tpu.memref_slice %arg14[%mul3A_8, %dma_wait3A_46] : memref<5120x128xf32, #tpu.memory_space<vmem_shared>> -> memref<128x128xf32, #tpu.memory_space<vmem_shared>>
      tpu.wait_dma2 semaphore(%run_scoped3A_41 : memref<!tpu.dma_semaphore, #tpu.memory_space<semaphore_mem>>) src(%arg12 : memref<128x128xf32, #tpu.memory_space<vmem>>) dst(%dma_wait3A_47 : memref<128x128xf32, #tpu.memory_space<vmem_shared>>)
      tpu.yield
    }) : () -> ()
    %mul3A_9 = arith.constant 320 : i32
    %mul3A_10 = arith.muli %arg1, %mul3A_9 : i32
    %add3A_11 = arith.constant 128 : i32
    %add3A_12 = arith.addi %mul3A_10, %add3A_11 : i32
    "tpu.region"() ({
      %run_scoped3A_41 = tpu.sem_alloc : memref<!tpu.dma_semaphore, #tpu.memory_space<semaphore_mem>>
      %dma_start3A = arith.constant 0 : i32
      %dma_start3A_42 = tpu.memref_slice %arg14[%add3A_12, %dma_start3A] : memref<5120x128xf32, #tpu.memory_space<vmem_shared>> -> memref<128x128xf32, #tpu.memory_space<vmem_shared>>
      %dma_start3A_43 = arith.constant 0 : i32
      %dma_start3A_44 = tpu.memref_slice %arg14[%add3A_12, %dma_start3A_43] : memref<5120x128xf32, #tpu.memory_space<vmem_shared>> -> memref<128x128xf32, #tpu.memory_space<vmem_shared>>
      tpu.enqueue_dma source(%arg12 : memref<128x128xf32, #tpu.memory_space<vmem>>) target(%dma_start3A_44 : memref<128x128xf32, #tpu.memory_space<vmem_shared>>) target_semaphore(%run_scoped3A_41 : memref<!tpu.dma_semaphore, #tpu.memory_space<semaphore_mem>>)
      %dma_wait3A = arith.constant 0 : i32
      %dma_wait3A_45 = tpu.memref_slice %arg14[%add3A_12, %dma_wait3A] : memref<5120x128xf32, #tpu.memory_space<vmem_shared>> -> memref<128x128xf32, #tpu.memory_space<vmem_shared>>
      %dma_wait3A_46 = arith.constant 0 : i32
      %dma_wait3A_47 = tpu.memref_slice %arg14[%add3A_12, %dma_wait3A_46] : memref<5120x128xf32, #tpu.memory_space<vmem_shared>> -> memref<128x128xf32, #tpu.memory_space<vmem_shared>>
      tpu.wait_dma2 semaphore(%run_scoped3A_41 : memref<!tpu.dma_semaphore, #tpu.memory_space<semaphore_mem>>) src(%arg12 : memref<128x128xf32, #tpu.memory_space<vmem>>) dst(%dma_wait3A_47 : memref<128x128xf32, #tpu.memory_space<vmem_shared>>)
      tpu.yield
    }) : () -> ()
    %mul3A_13 = arith.constant 320 : i32
    %mul3A_14 = arith.muli %arg1, %mul3A_13 : i32
    %add3A_15 = arith.constant 256 : i32
    %add3A_16 = arith.addi %mul3A_14, %add3A_15 : i32
    "tpu.region"() ({
      %run_scoped3A_41 = tpu.sem_alloc : memref<!tpu.dma_semaphore, #tpu.memory_space<semaphore_mem>>
      %dma_start3A = arith.constant 0 : i32
      %dma_start3A_42 = arith.constant 0 : i32
      %dma_start3A_43 = tpu.memref_slice %arg12[%dma_start3A, %dma_start3A_42] : memref<128x128xf32, #tpu.memory_space<vmem>> -> memref<64x128xf32, #tpu.memory_space<vmem>>
      %dma_start3A_44 = arith.constant 0 : i32
      %dma_start3A_45 = tpu.memref_slice %arg14[%add3A_16, %dma_start3A_44] : memref<5120x128xf32, #tpu.memory_space<vmem_shared>> -> memref<64x128xf32, #tpu.memory_space<vmem_shared>>
      %dma_start3A_46 = arith.constant 0 : i32
      %dma_start3A_47 = tpu.memref_slice %arg14[%add3A_16, %dma_start3A_46] : memref<5120x128xf32, #tpu.memory_space<vmem_shared>> -> memref<64x128xf32, #tpu.memory_space<vmem_shared>>
      %dma_start3A_48 = arith.constant 0 : i32
      %dma_start3A_49 = arith.constant 0 : i32
      %dma_start3A_50 = tpu.memref_slice %arg12[%dma_start3A_48, %dma_start3A_49] : memref<128x128xf32, #tpu.memory_space<vmem>> -> memref<64x128xf32, #tpu.memory_space<vmem>>
      tpu.enqueue_dma source(%dma_start3A_50 : memref<64x128xf32, #tpu.memory_space<vmem>>) target(%dma_start3A_47 : memref<64x128xf32, #tpu.memory_space<vmem_shared>>) target_semaphore(%run_scoped3A_41 : memref<!tpu.dma_semaphore, #tpu.memory_space<semaphore_mem>>)
      %dma_wait3A = arith.constant 0 : i32
      %dma_wait3A_51 = arith.constant 0 : i32
      %dma_wait3A_52 = tpu.memref_slice %arg12[%dma_wait3A, %dma_wait3A_51] : memref<128x128xf32, #tpu.memory_space<vmem>> -> memref<64x128xf32, #tpu.memory_space<vmem>>
      %dma_wait3A_53 = arith.constant 0 : i32
      %dma_wait3A_54 = tpu.memref_slice %arg14[%add3A_16, %dma_wait3A_53] : memref<5120x128xf32, #tpu.memory_space<vmem_shared>> -> memref<64x128xf32, #tpu.memory_space<vmem_shared>>
      %dma_wait3A_55 = arith.constant 0 : i32
      %dma_wait3A_56 = tpu.memref_slice %arg14[%add3A_16, %dma_wait3A_55] : memref<5120x128xf32, #tpu.memory_space<vmem_shared>> -> memref<64x128xf32, #tpu.memory_space<vmem_shared>>
      %dma_wait3A_57 = arith.constant 0 : i32
      %dma_wait3A_58 = arith.constant 0 : i32
      %dma_wait3A_59 = tpu.memref_slice %arg12[%dma_wait3A_57, %dma_wait3A_58] : memref<128x128xf32, #tpu.memory_space<vmem>> -> memref<64x128xf32, #tpu.memory_space<vmem>>
      tpu.wait_dma2 semaphore(%run_scoped3A_41 : memref<!tpu.dma_semaphore, #tpu.memory_space<semaphore_mem>>) src(%dma_wait3A_59 : memref<64x128xf32, #tpu.memory_space<vmem>>) dst(%dma_wait3A_56 : memref<64x128xf32, #tpu.memory_space<vmem_shared>>)
      tpu.yield
    }) : () -> ()
    %barrier3A = arith.constant 0 : index
    tpu.barrier barrier_id(%barrier3A)
    %run_scoped3A = arith.constant 0 : i32
    "tpu.region"() ({
      %run_scoped3A_41 = tpu.sem_alloc : memref<!tpu.dma_semaphore, #tpu.memory_space<semaphore_mem>>
      %dma_start3A = arith.constant 0 : i32
      %dma_start3A_42 = tpu.memref_slice %arg5[%add3A, %run_scoped3A, %dma_start3A] : memref<32x1x16xi32, #tpu.memory_space<hbm>> -> memref<1x1x16xi32, #tpu.memory_space<hbm>>
      %dma_start3A_43 = tpu.memref_squeeze %dma_start3A_42 : memref<1x1x16xi32, #tpu.memory_space<hbm>> -> memref<16xi32, #tpu.memory_space<hbm>>
      %dma_start3A_44 = arith.constant 0 : i32
      %dma_start3A_45 = tpu.memref_slice %arg5[%add3A, %run_scoped3A, %dma_start3A_44] : memref<32x1x16xi32, #tpu.memory_space<hbm>> -> memref<1x1x16xi32, #tpu.memory_space<hbm>>
      %dma_start3A_46 = tpu.memref_squeeze %dma_start3A_45 : memref<1x1x16xi32, #tpu.memory_space<hbm>> -> memref<16xi32, #tpu.memory_space<hbm>>
      tpu.enqueue_dma source(%dma_start3A_46 : memref<16xi32, #tpu.memory_space<hbm>>) target(%arg7 : memref<16xi32, #tpu.memory_space<vmem>>) target_semaphore(%run_scoped3A_41 : memref<!tpu.dma_semaphore, #tpu.memory_space<semaphore_mem>>)
      %dma_wait3A = arith.constant 0 : i32
      %dma_wait3A_47 = tpu.memref_slice %arg5[%add3A, %run_scoped3A, %dma_wait3A] : memref<32x1x16xi32, #tpu.memory_space<hbm>> -> memref<1x1x16xi32, #tpu.memory_space<hbm>>
      %dma_wait3A_48 = tpu.memref_squeeze %dma_wait3A_47 : memref<1x1x16xi32, #tpu.memory_space<hbm>> -> memref<16xi32, #tpu.memory_space<hbm>>
      %dma_wait3A_49 = arith.constant 0 : i32
      %dma_wait3A_50 = tpu.memref_slice %arg5[%add3A, %run_scoped3A, %dma_wait3A_49] : memref<32x1x16xi32, #tpu.memory_space<hbm>> -> memref<1x1x16xi32, #tpu.memory_space<hbm>>
      %dma_wait3A_51 = tpu.memref_squeeze %dma_wait3A_50 : memref<1x1x16xi32, #tpu.memory_space<hbm>> -> memref<16xi32, #tpu.memory_space<hbm>>
      tpu.wait_dma2 semaphore(%run_scoped3A_41 : memref<!tpu.dma_semaphore, #tpu.memory_space<semaphore_mem>>) src(%dma_wait3A_51 : memref<16xi32, #tpu.memory_space<hbm>>) dst(%arg7 : memref<16xi32, #tpu.memory_space<vmem>>)
      tpu.yield
    }) : () -> ()
    %get3A = arith.constant 0 : index
    %get3A_17 = tpu.vector_load %arg7[%get3A] {strides = array<i32>} : memref<16xi32, #tpu.memory_space<vmem>>, vector<16xi32>,
    %reduce_max3A = arith.constant true
    %reduce_max3A_18 = vector.broadcast %reduce_max3A : i1 to vector<16xi1>
    %reduce_max3A_19 = arith.constant -2147483648 : i32
    %reduce_max3A_20 = vector.broadcast %reduce_max3A_19 : i32 to vector<16xi32>
    %reduce_max3A_21 = arith.xori %get3A_17, %reduce_max3A_20 : vector<16xi32>
    %reduce_max3A_22 = tpu.scan <max>, %reduce_max3A_21 masked %reduce_max3A_18 : vector<16xi32>, vector<16xi1> -> vector<16xi32>
    %reduce_max3A_23 = arith.xori %reduce_max3A_22, %reduce_max3A_20 : vector<16xi32>
    %reduce_max3A_24 = vector.extract %reduce_max3A_23[15] : i32 from vector<16xi32>
    %gt3A = arith.constant 0 : i32
    %gt3A_25 = arith.cmpi sgt, %reduce_max3A_24, %gt3A : i32
    %convert_element_type3A = arith.extui %gt3A_25 : i1 to i32
    %cond3A = arith.constant 0 : i32
    %cond3A_26 = arith.cmpi ne, %convert_element_type3A, %cond3A : i32
    scf.if %cond3A_26 {
      %run_scoped3A_41 = arith.constant 0 : i32
      "tpu.region"() ({
        %run_scoped3A_44 = tpu.sem_alloc : memref<!tpu.dma_semaphore, #tpu.memory_space<semaphore_mem>>
        %dma_start3A_45 = arith.constant 0 : i32
        %dma_start3A_46 = tpu.memref_slice %arg3[%add3A, %run_scoped3A_41, %dma_start3A_45] : memref<32x1x320128xi32, #tpu.memory_space<hbm>> -> memref<1x1x128xi32, #tpu.memory_space<hbm>>
        %dma_start3A_47 = tpu.memref_squeeze %dma_start3A_46 : memref<1x1x128xi32, #tpu.memory_space<hbm>> -> memref<128xi32, #tpu.memory_space<hbm>>
        %dma_start3A_48 = arith.constant 0 : i32
        %dma_start3A_49 = tpu.memref_slice %arg3[%add3A, %run_scoped3A_41, %dma_start3A_48] : memref<32x1x320128xi32, #tpu.memory_space<hbm>> -> memref<1x1x128xi32, #tpu.memory_space<hbm>>
        %dma_start3A_50 = tpu.memref_squeeze %dma_start3A_49 : memref<1x1x128xi32, #tpu.memory_space<hbm>> -> memref<128xi32, #tpu.memory_space<hbm>>
        tpu.enqueue_dma source(%dma_start3A_50 : memref<128xi32, #tpu.memory_space<hbm>>) target(%arg8 : memref<128xi32, #tpu.memory_space<vmem>>) target_semaphore(%run_scoped3A_44 : memref<!tpu.dma_semaphore, #tpu.memory_space<semaphore_mem>>)
        %dma_wait3A = arith.constant 0 : i32
        %dma_wait3A_51 = tpu.memref_slice %arg3[%add3A, %run_scoped3A_41, %dma_wait3A] : memref<32x1x320128xi32, #tpu.memory_space<hbm>> -> memref<1x1x128xi32, #tpu.memory_space<hbm>>
        %dma_wait3A_52 = tpu.memref_squeeze %dma_wait3A_51 : memref<1x1x128xi32, #tpu.memory_space<hbm>> -> memref<128xi32, #tpu.memory_space<hbm>>
        %dma_wait3A_53 = arith.constant 0 : i32
        %dma_wait3A_54 = tpu.memref_slice %arg3[%add3A, %run_scoped3A_41, %dma_wait3A_53] : memref<32x1x320128xi32, #tpu.memory_space<hbm>> -> memref<1x1x128xi32, #tpu.memory_space<hbm>>
        %dma_wait3A_55 = tpu.memref_squeeze %dma_wait3A_54 : memref<1x1x128xi32, #tpu.memory_space<hbm>> -> memref<128xi32, #tpu.memory_space<hbm>>
        tpu.wait_dma2 semaphore(%run_scoped3A_44 : memref<!tpu.dma_semaphore, #tpu.memory_space<semaphore_mem>>) src(%dma_wait3A_55 : memref<128xi32, #tpu.memory_space<hbm>>) dst(%arg8 : memref<128xi32, #tpu.memory_space<vmem>>)
        tpu.yield
      }) : () -> ()
      %dma_start3A = arith.constant 0 : i32
      %dma_start3A_42 = arith.constant 0 : i32
      %dma_start3A_43 = tpu.memref_slice %arg2[%dma_start3A, %dma_start3A_42] : memref<10000x128xf32, #tpu.memory_space<hbm>> -> memref<10000x128xf32, #tpu.memory_space<hbm>>
      tpu.enqueue_indirect_dma source(%dma_start3A_43 : memref<10000x128xf32, #tpu.memory_space<hbm>>) target(%arg12 : memref<128x128xf32, #tpu.memory_space<vmem>>) offsets(%arg8 : memref<128xi32, #tpu.memory_space<vmem>>) semaphore(%arg15 : memref<!tpu.dma_semaphore, #tpu.memory_space<semaphore_mem>>)
    } else {
    }
    %while3A = arith.constant 0 : i32
    %while3A_27 = arith.constant 0 : i32
    %while3A_28 = arith.subi %reduce_max3A_24, %while3A_27 : i32
    %while3A_29 = arith.addi %while3A_27, %while3A_28 : i32
    %while3A_30 = arith.constant 1 : i32
    %while3A_31 = arith.divsi %while3A_28, %while3A_30 : i32
    %while3A_32 = arith.muli %while3A_31, %while3A_30 : i32
    %while3A_33 = arith.addi %while3A_27, %while3A_32 : i32
    %while3A_34 = arith.constant 1 : i32
    scf.for %while3A_41 = %while3A_27 to %while3A_33 step %while3A_34  : i32 {
      %rem3A = arith.constant 2 : i32
      %rem3A_42 = arith.remsi %while3A_41, %rem3A : i32
      %eq3A = arith.constant 0 : i32
      %eq3A_43 = arith.cmpi eq, %rem3A_42, %eq3A : i32
      %convert_element_type3A_44 = arith.extui %eq3A_43 : i1 to i32
      %cond3A_45 = arith.constant 0 : i32
      %cond3A_46 = arith.cmpi ne, %convert_element_type3A_44, %cond3A_45 : i32
      scf.if %cond3A_46 {
        %dma_wait3A = arith.constant 0 : i32
        %dma_wait3A_51 = arith.constant 0 : i32
        %dma_wait3A_52 = tpu.memref_slice %arg2[%dma_wait3A, %dma_wait3A_51] : memref<10000x128xf32, #tpu.memory_space<hbm>> -> memref<10000x128xf32, #tpu.memory_space<hbm>>
        tpu.wait_indirect_dma semaphore(%arg15 : memref<!tpu.dma_semaphore, #tpu.memory_space<semaphore_mem>>) src(%dma_wait3A_52 : memref<10000x128xf32, #tpu.memory_space<hbm>>) dst(%arg12 : memref<128x128xf32, #tpu.memory_space<vmem>>)
        %add3A_53 = arith.constant 1 : i32
        %add3A_54 = arith.addi %while3A_41, %add3A_53 : i32
        %lt3A = arith.cmpi slt, %add3A_54, %reduce_max3A_24 : i32
        %convert_element_type3A_55 = arith.extui %lt3A : i1 to i32
        %cond3A_56 = arith.constant 0 : i32
        %cond3A_57 = arith.cmpi ne, %convert_element_type3A_55, %cond3A_56 : i32
        scf.if %cond3A_57 {
          %add3A_61 = arith.constant 1 : i32
          %add3A_62 = arith.addi %while3A_41, %add3A_61 : i32
          %mul3A_63 = arith.constant 128 : i32
          %mul3A_64 = arith.muli %add3A_62, %mul3A_63 : i32
          %run_scoped3A_65 = arith.constant 0 : i32
          "tpu.region"() ({
            %run_scoped3A_68 = tpu.sem_alloc : memref<!tpu.dma_semaphore, #tpu.memory_space<semaphore_mem>>
            %dma_start3A_69 = tpu.memref_slice %arg3[%add3A, %run_scoped3A_65, %mul3A_64] : memref<32x1x320128xi32, #tpu.memory_space<hbm>> -> memref<1x1x128xi32, #tpu.memory_space<hbm>>
            %dma_start3A_70 = tpu.memref_squeeze %dma_start3A_69 : memref<1x1x128xi32, #tpu.memory_space<hbm>> -> memref<128xi32, #tpu.memory_space<hbm>>
            %dma_start3A_71 = tpu.memref_slice %arg3[%add3A, %run_scoped3A_65, %mul3A_64] : memref<32x1x320128xi32, #tpu.memory_space<hbm>> -> memref<1x1x128xi32, #tpu.memory_space<hbm>>
            %dma_start3A_72 = tpu.memref_squeeze %dma_start3A_71 : memref<1x1x128xi32, #tpu.memory_space<hbm>> -> memref<128xi32, #tpu.memory_space<hbm>>
            tpu.enqueue_dma source(%dma_start3A_72 : memref<128xi32, #tpu.memory_space<hbm>>) target(%arg9 : memref<128xi32, #tpu.memory_space<vmem>>) target_semaphore(%run_scoped3A_68 : memref<!tpu.dma_semaphore, #tpu.memory_space<semaphore_mem>>)
            %dma_wait3A_73 = tpu.memref_slice %arg3[%add3A, %run_scoped3A_65, %mul3A_64] : memref<32x1x320128xi32, #tpu.memory_space<hbm>> -> memref<1x1x128xi32, #tpu.memory_space<hbm>>
            %dma_wait3A_74 = tpu.memref_squeeze %dma_wait3A_73 : memref<1x1x128xi32, #tpu.memory_space<hbm>> -> memref<128xi32, #tpu.memory_space<hbm>>
            %dma_wait3A_75 = tpu.memref_slice %arg3[%add3A, %run_scoped3A_65, %mul3A_64] : memref<32x1x320128xi32, #tpu.memory_space<hbm>> -> memref<1x1x128xi32, #tpu.memory_space<hbm>>
            %dma_wait3A_76 = tpu.memref_squeeze %dma_wait3A_75 : memref<1x1x128xi32, #tpu.memory_space<hbm>> -> memref<128xi32, #tpu.memory_space<hbm>>
            tpu.wait_dma2 semaphore(%run_scoped3A_68 : memref<!tpu.dma_semaphore, #tpu.memory_space<semaphore_mem>>) src(%dma_wait3A_76 : memref<128xi32, #tpu.memory_space<hbm>>) dst(%arg9 : memref<128xi32, #tpu.memory_space<vmem>>)
            tpu.yield
          }) : () -> ()
          %dma_start3A = arith.constant 0 : i32
          %dma_start3A_66 = arith.constant 0 : i32
          %dma_start3A_67 = tpu.memref_slice %arg2[%dma_start3A, %dma_start3A_66] : memref<10000x128xf32, #tpu.memory_space<hbm>> -> memref<10000x128xf32, #tpu.memory_space<hbm>>
          tpu.enqueue_indirect_dma source(%dma_start3A_67 : memref<10000x128xf32, #tpu.memory_space<hbm>>) target(%arg13 : memref<128x128xf32, #tpu.memory_space<vmem>>) offsets(%arg9 : memref<128xi32, #tpu.memory_space<vmem>>) semaphore(%arg16 : memref<!tpu.dma_semaphore, #tpu.memory_space<semaphore_mem>>)
        } else {
        }
        %mul3A_58 = arith.constant 128 : i32
        %mul3A_59 = arith.muli %while3A_41, %mul3A_58 : i32
        %run_scoped3A_60 = arith.constant 0 : i32
        "tpu.region"() ({
          %run_scoped3A_61 = tpu.sem_alloc : memref<!tpu.dma_semaphore, #tpu.memory_space<semaphore_mem>>
          %dma_start3A = tpu.memref_slice %arg4[%add3A, %run_scoped3A_60, %mul3A_59] : memref<32x1x320128xi32, #tpu.memory_space<hbm>> -> memref<1x1x128xi32, #tpu.memory_space<hbm>>
          %dma_start3A_62 = tpu.memref_squeeze %dma_start3A : memref<1x1x128xi32, #tpu.memory_space<hbm>> -> memref<128xi32, #tpu.memory_space<hbm>>
          %dma_start3A_63 = tpu.memref_slice %arg4[%add3A, %run_scoped3A_60, %mul3A_59] : memref<32x1x320128xi32, #tpu.memory_space<hbm>> -> memref<1x1x128xi32, #tpu.memory_space<hbm>>
          %dma_start3A_64 = tpu.memref_squeeze %dma_start3A_63 : memref<1x1x128xi32, #tpu.memory_space<hbm>> -> memref<128xi32, #tpu.memory_space<hbm>>
          tpu.enqueue_dma source(%dma_start3A_64 : memref<128xi32, #tpu.memory_space<hbm>>) target(%arg10 : memref<128xi32, #tpu.memory_space<vmem>>) target_semaphore(%run_scoped3A_61 : memref<!tpu.dma_semaphore, #tpu.memory_space<semaphore_mem>>)
          %dma_wait3A_65 = tpu.memref_slice %arg4[%add3A, %run_scoped3A_60, %mul3A_59] : memref<32x1x320128xi32, #tpu.memory_space<hbm>> -> memref<1x1x128xi32, #tpu.memory_space<hbm>>
          %dma_wait3A_66 = tpu.memref_squeeze %dma_wait3A_65 : memref<1x1x128xi32, #tpu.memory_space<hbm>> -> memref<128xi32, #tpu.memory_space<hbm>>
          %dma_wait3A_67 = tpu.memref_slice %arg4[%add3A, %run_scoped3A_60, %mul3A_59] : memref<32x1x320128xi32, #tpu.memory_space<hbm>> -> memref<1x1x128xi32, #tpu.memory_space<hbm>>
          %dma_wait3A_68 = tpu.memref_squeeze %dma_wait3A_67 : memref<1x1x128xi32, #tpu.memory_space<hbm>> -> memref<128xi32, #tpu.memory_space<hbm>>
          tpu.wait_dma2 semaphore(%run_scoped3A_61 : memref<!tpu.dma_semaphore, #tpu.memory_space<semaphore_mem>>) src(%dma_wait3A_68 : memref<128xi32, #tpu.memory_space<hbm>>) dst(%arg10 : memref<128xi32, #tpu.memory_space<vmem>>)
          tpu.yield
        }) : () -> ()
        "tpu.region"() ({
          %run_scoped3A_61 = tpu.sem_alloc : memref<!tpu.dma_semaphore, #tpu.memory_space<semaphore_mem>>
          %dma_start3A = arith.constant 0 : i32
          %dma_start3A_62 = arith.constant 0 : i32
          %dma_start3A_63 = tpu.memref_slice %arg14[%dma_start3A, %dma_start3A_62] : memref<5120x128xf32, #tpu.memory_space<vmem_shared>> -> memref<5120x128xf32, #tpu.memory_space<vmem_shared>>
          tpu.enqueue_indirect_dma source(%arg12 : memref<128x128xf32, #tpu.memory_space<vmem>>) target(%dma_start3A_63 : memref<5120x128xf32, #tpu.memory_space<vmem_shared>>) offsets(%arg10 : memref<128xi32, #tpu.memory_space<vmem>>) semaphore(%run_scoped3A_61 : memref<!tpu.dma_semaphore, #tpu.memory_space<semaphore_mem>>) {add = true}
          %dma_wait3A_64 = arith.constant 0 : i32
          %dma_wait3A_65 = arith.constant 0 : i32
          %dma_wait3A_66 = tpu.memref_slice %arg14[%dma_wait3A_64, %dma_wait3A_65] : memref<5120x128xf32, #tpu.memory_space<vmem_shared>> -> memref<5120x128xf32, #tpu.memory_space<vmem_shared>>
          tpu.wait_indirect_dma semaphore(%run_scoped3A_61 : memref<!tpu.dma_semaphore, #tpu.memory_space<semaphore_mem>>) src(%arg12 : memref<128x128xf32, #tpu.memory_space<vmem>>) dst(%dma_wait3A_66 : memref<5120x128xf32, #tpu.memory_space<vmem_shared>>)
          tpu.yield
        }) : () -> ()
      } else {
      }
      %not3A = arith.constant true
      %not3A_47 = arith.xori %eq3A_43, %not3A : i1
      %convert_element_type3A_48 = arith.extui %not3A_47 : i1 to i32
      %cond3A_49 = arith.constant 0 : i32
      %cond3A_50 = arith.cmpi ne, %convert_element_type3A_48, %cond3A_49 : i32
      scf.if %cond3A_50 {
        %dma_wait3A = arith.constant 0 : i32
        %dma_wait3A_51 = arith.constant 0 : i32
        %dma_wait3A_52 = tpu.memref_slice %arg2[%dma_wait3A, %dma_wait3A_51] : memref<10000x128xf32, #tpu.memory_space<hbm>> -> memref<10000x128xf32, #tpu.memory_space<hbm>>
        tpu.wait_indirect_dma semaphore(%arg16 : memref<!tpu.dma_semaphore, #tpu.memory_space<semaphore_mem>>) src(%dma_wait3A_52 : memref<10000x128xf32, #tpu.memory_space<hbm>>) dst(%arg13 : memref<128x128xf32, #tpu.memory_space<vmem>>)
        %add3A_53 = arith.constant 1 : i32
        %add3A_54 = arith.addi %while3A_41, %add3A_53 : i32
        %lt3A = arith.cmpi slt, %add3A_54, %reduce_max3A_24 : i32
        %convert_element_type3A_55 = arith.extui %lt3A : i1 to i32
        %cond3A_56 = arith.constant 0 : i32
        %cond3A_57 = arith.cmpi ne, %convert_element_type3A_55, %cond3A_56 : i32
        scf.if %cond3A_57 {
          %add3A_61 = arith.constant 1 : i32
          %add3A_62 = arith.addi %while3A_41, %add3A_61 : i32
          %mul3A_63 = arith.constant 128 : i32
          %mul3A_64 = arith.muli %add3A_62, %mul3A_63 : i32
          %run_scoped3A_65 = arith.constant 0 : i32
          "tpu.region"() ({
            %run_scoped3A_68 = tpu.sem_alloc : memref<!tpu.dma_semaphore, #tpu.memory_space<semaphore_mem>>
            %dma_start3A_69 = tpu.memref_slice %arg3[%add3A, %run_scoped3A_65, %mul3A_64] : memref<32x1x320128xi32, #tpu.memory_space<hbm>> -> memref<1x1x128xi32, #tpu.memory_space<hbm>>
            %dma_start3A_70 = tpu.memref_squeeze %dma_start3A_69 : memref<1x1x128xi32, #tpu.memory_space<hbm>> -> memref<128xi32, #tpu.memory_space<hbm>>
            %dma_start3A_71 = tpu.memref_slice %arg3[%add3A, %run_scoped3A_65, %mul3A_64] : memref<32x1x320128xi32, #tpu.memory_space<hbm>> -> memref<1x1x128xi32, #tpu.memory_space<hbm>>
            %dma_start3A_72 = tpu.memref_squeeze %dma_start3A_71 : memref<1x1x128xi32, #tpu.memory_space<hbm>> -> memref<128xi32, #tpu.memory_space<hbm>>
            tpu.enqueue_dma source(%dma_start3A_72 : memref<128xi32, #tpu.memory_space<hbm>>) target(%arg8 : memref<128xi32, #tpu.memory_space<vmem>>) target_semaphore(%run_scoped3A_68 : memref<!tpu.dma_semaphore, #tpu.memory_space<semaphore_mem>>)
            %dma_wait3A_73 = tpu.memref_slice %arg3[%add3A, %run_scoped3A_65, %mul3A_64] : memref<32x1x320128xi32, #tpu.memory_space<hbm>> -> memref<1x1x128xi32, #tpu.memory_space<hbm>>
            %dma_wait3A_74 = tpu.memref_squeeze %dma_wait3A_73 : memref<1x1x128xi32, #tpu.memory_space<hbm>> -> memref<128xi32, #tpu.memory_space<hbm>>
            %dma_wait3A_75 = tpu.memref_slice %arg3[%add3A, %run_scoped3A_65, %mul3A_64] : memref<32x1x320128xi32, #tpu.memory_space<hbm>> -> memref<1x1x128xi32, #tpu.memory_space<hbm>>
            %dma_wait3A_76 = tpu.memref_squeeze %dma_wait3A_75 : memref<1x1x128xi32, #tpu.memory_space<hbm>> -> memref<128xi32, #tpu.memory_space<hbm>>
            tpu.wait_dma2 semaphore(%run_scoped3A_68 : memref<!tpu.dma_semaphore, #tpu.memory_space<semaphore_mem>>) src(%dma_wait3A_76 : memref<128xi32, #tpu.memory_space<hbm>>) dst(%arg8 : memref<128xi32, #tpu.memory_space<vmem>>)
            tpu.yield
          }) : () -> ()
          %dma_start3A = arith.constant 0 : i32
          %dma_start3A_66 = arith.constant 0 : i32
          %dma_start3A_67 = tpu.memref_slice %arg2[%dma_start3A, %dma_start3A_66] : memref<10000x128xf32, #tpu.memory_space<hbm>> -> memref<10000x128xf32, #tpu.memory_space<hbm>>
          tpu.enqueue_indirect_dma source(%dma_start3A_67 : memref<10000x128xf32, #tpu.memory_space<hbm>>) target(%arg12 : memref<128x128xf32, #tpu.memory_space<vmem>>) offsets(%arg8 : memref<128xi32, #tpu.memory_space<vmem>>) semaphore(%arg15 : memref<!tpu.dma_semaphore, #tpu.memory_space<semaphore_mem>>)
        } else {
        }
        %mul3A_58 = arith.constant 128 : i32
        %mul3A_59 = arith.muli %while3A_41, %mul3A_58 : i32
        %run_scoped3A_60 = arith.constant 0 : i32
        "tpu.region"() ({
          %run_scoped3A_61 = tpu.sem_alloc : memref<!tpu.dma_semaphore, #tpu.memory_space<semaphore_mem>>
          %dma_start3A = tpu.memref_slice %arg4[%add3A, %run_scoped3A_60, %mul3A_59] : memref<32x1x320128xi32, #tpu.memory_space<hbm>> -> memref<1x1x128xi32, #tpu.memory_space<hbm>>
          %dma_start3A_62 = tpu.memref_squeeze %dma_start3A : memref<1x1x128xi32, #tpu.memory_space<hbm>> -> memref<128xi32, #tpu.memory_space<hbm>>
          %dma_start3A_63 = tpu.memref_slice %arg4[%add3A, %run_scoped3A_60, %mul3A_59] : memref<32x1x320128xi32, #tpu.memory_space<hbm>> -> memref<1x1x128xi32, #tpu.memory_space<hbm>>
          %dma_start3A_64 = tpu.memref_squeeze %dma_start3A_63 : memref<1x1x128xi32, #tpu.memory_space<hbm>> -> memref<128xi32, #tpu.memory_space<hbm>>
          tpu.enqueue_dma source(%dma_start3A_64 : memref<128xi32, #tpu.memory_space<hbm>>) target(%arg11 : memref<128xi32, #tpu.memory_space<vmem>>) target_semaphore(%run_scoped3A_61 : memref<!tpu.dma_semaphore, #tpu.memory_space<semaphore_mem>>)
          %dma_wait3A_65 = tpu.memref_slice %arg4[%add3A, %run_scoped3A_60, %mul3A_59] : memref<32x1x320128xi32, #tpu.memory_space<hbm>> -> memref<1x1x128xi32, #tpu.memory_space<hbm>>
          %dma_wait3A_66 = tpu.memref_squeeze %dma_wait3A_65 : memref<1x1x128xi32, #tpu.memory_space<hbm>> -> memref<128xi32, #tpu.memory_space<hbm>>
          %dma_wait3A_67 = tpu.memref_slice %arg4[%add3A, %run_scoped3A_60, %mul3A_59] : memref<32x1x320128xi32, #tpu.memory_space<hbm>> -> memref<1x1x128xi32, #tpu.memory_space<hbm>>
          %dma_wait3A_68 = tpu.memref_squeeze %dma_wait3A_67 : memref<1x1x128xi32, #tpu.memory_space<hbm>> -> memref<128xi32, #tpu.memory_space<hbm>>
          tpu.wait_dma2 semaphore(%run_scoped3A_61 : memref<!tpu.dma_semaphore, #tpu.memory_space<semaphore_mem>>) src(%dma_wait3A_68 : memref<128xi32, #tpu.memory_space<hbm>>) dst(%arg11 : memref<128xi32, #tpu.memory_space<vmem>>)
          tpu.yield
        }) : () -> ()
        "tpu.region"() ({
          %run_scoped3A_61 = tpu.sem_alloc : memref<!tpu.dma_semaphore, #tpu.memory_space<semaphore_mem>>
          %dma_start3A = arith.constant 0 : i32
          %dma_start3A_62 = arith.constant 0 : i32
          %dma_start3A_63 = tpu.memref_slice %arg14[%dma_start3A, %dma_start3A_62] : memref<5120x128xf32, #tpu.memory_space<vmem_shared>> -> memref<5120x128xf32, #tpu.memory_space<vmem_shared>>
          tpu.enqueue_indirect_dma source(%arg13 : memref<128x128xf32, #tpu.memory_space<vmem>>) target(%dma_start3A_63 : memref<5120x128xf32, #tpu.memory_space<vmem_shared>>) offsets(%arg11 : memref<128xi32, #tpu.memory_space<vmem>>) semaphore(%run_scoped3A_61 : memref<!tpu.dma_semaphore, #tpu.memory_space<semaphore_mem>>) {add = true}
          %dma_wait3A_64 = arith.constant 0 : i32
          %dma_wait3A_65 = arith.constant 0 : i32
          %dma_wait3A_66 = tpu.memref_slice %arg14[%dma_wait3A_64, %dma_wait3A_65] : memref<5120x128xf32, #tpu.memory_space<vmem_shared>> -> memref<5120x128xf32, #tpu.memory_space<vmem_shared>>
          tpu.wait_indirect_dma semaphore(%run_scoped3A_61 : memref<!tpu.dma_semaphore, #tpu.memory_space<semaphore_mem>>) src(%arg13 : memref<128x128xf32, #tpu.memory_space<vmem>>) dst(%dma_wait3A_66 : memref<5120x128xf32, #tpu.memory_space<vmem_shared>>)
          tpu.yield
        }) : () -> ()
      } else {
      }
    }
    %while3A_35 = arith.constant 1 : i32
    scf.for %while3A_41 = %while3A_33 to %while3A_29 step %while3A_35  : i32 {
      %rem3A = arith.constant 2 : i32
      %rem3A_42 = arith.remsi %while3A_41, %rem3A : i32
      %eq3A = arith.constant 0 : i32
      %eq3A_43 = arith.cmpi eq, %rem3A_42, %eq3A : i32
      %convert_element_type3A_44 = arith.extui %eq3A_43 : i1 to i32
      %cond3A_45 = arith.constant 0 : i32
      %cond3A_46 = arith.cmpi ne, %convert_element_type3A_44, %cond3A_45 : i32
      scf.if %cond3A_46 {
        %dma_wait3A = arith.constant 0 : i32
        %dma_wait3A_51 = arith.constant 0 : i32
        %dma_wait3A_52 = tpu.memref_slice %arg2[%dma_wait3A, %dma_wait3A_51] : memref<10000x128xf32, #tpu.memory_space<hbm>> -> memref<10000x128xf32, #tpu.memory_space<hbm>>
        tpu.wait_indirect_dma semaphore(%arg15 : memref<!tpu.dma_semaphore, #tpu.memory_space<semaphore_mem>>) src(%dma_wait3A_52 : memref<10000x128xf32, #tpu.memory_space<hbm>>) dst(%arg12 : memref<128x128xf32, #tpu.memory_space<vmem>>)
        %add3A_53 = arith.constant 1 : i32
        %add3A_54 = arith.addi %while3A_41, %add3A_53 : i32
        %lt3A = arith.cmpi slt, %add3A_54, %reduce_max3A_24 : i32
        %convert_element_type3A_55 = arith.extui %lt3A : i1 to i32
        %cond3A_56 = arith.constant 0 : i32
        %cond3A_57 = arith.cmpi ne, %convert_element_type3A_55, %cond3A_56 : i32
        scf.if %cond3A_57 {
          %add3A_61 = arith.constant 1 : i32
          %add3A_62 = arith.addi %while3A_41, %add3A_61 : i32
          %mul3A_63 = arith.constant 128 : i32
          %mul3A_64 = arith.muli %add3A_62, %mul3A_63 : i32
          %run_scoped3A_65 = arith.constant 0 : i32
          "tpu.region"() ({
            %run_scoped3A_68 = tpu.sem_alloc : memref<!tpu.dma_semaphore, #tpu.memory_space<semaphore_mem>>
            %dma_start3A_69 = tpu.memref_slice %arg3[%add3A, %run_scoped3A_65, %mul3A_64] : memref<32x1x320128xi32, #tpu.memory_space<hbm>> -> memref<1x1x128xi32, #tpu.memory_space<hbm>>
            %dma_start3A_70 = tpu.memref_squeeze %dma_start3A_69 : memref<1x1x128xi32, #tpu.memory_space<hbm>> -> memref<128xi32, #tpu.memory_space<hbm>>
            %dma_start3A_71 = tpu.memref_slice %arg3[%add3A, %run_scoped3A_65, %mul3A_64] : memref<32x1x320128xi32, #tpu.memory_space<hbm>> -> memref<1x1x128xi32, #tpu.memory_space<hbm>>
            %dma_start3A_72 = tpu.memref_squeeze %dma_start3A_71 : memref<1x1x128xi32, #tpu.memory_space<hbm>> -> memref<128xi32, #tpu.memory_space<hbm>>
            tpu.enqueue_dma source(%dma_start3A_72 : memref<128xi32, #tpu.memory_space<hbm>>) target(%arg9 : memref<128xi32, #tpu.memory_space<vmem>>) target_semaphore(%run_scoped3A_68 : memref<!tpu.dma_semaphore, #tpu.memory_space<semaphore_mem>>)
            %dma_wait3A_73 = tpu.memref_slice %arg3[%add3A, %run_scoped3A_65, %mul3A_64] : memref<32x1x320128xi32, #tpu.memory_space<hbm>> -> memref<1x1x128xi32, #tpu.memory_space<hbm>>
            %dma_wait3A_74 = tpu.memref_squeeze %dma_wait3A_73 : memref<1x1x128xi32, #tpu.memory_space<hbm>> -> memref<128xi32, #tpu.memory_space<hbm>>
            %dma_wait3A_75 = tpu.memref_slice %arg3[%add3A, %run_scoped3A_65, %mul3A_64] : memref<32x1x320128xi32, #tpu.memory_space<hbm>> -> memref<1x1x128xi32, #tpu.memory_space<hbm>>
            %dma_wait3A_76 = tpu.memref_squeeze %dma_wait3A_75 : memref<1x1x128xi32, #tpu.memory_space<hbm>> -> memref<128xi32, #tpu.memory_space<hbm>>
            tpu.wait_dma2 semaphore(%run_scoped3A_68 : memref<!tpu.dma_semaphore, #tpu.memory_space<semaphore_mem>>) src(%dma_wait3A_76 : memref<128xi32, #tpu.memory_space<hbm>>) dst(%arg9 : memref<128xi32, #tpu.memory_space<vmem>>)
            tpu.yield
          }) : () -> ()
          %dma_start3A = arith.constant 0 : i32
          %dma_start3A_66 = arith.constant 0 : i32
          %dma_start3A_67 = tpu.memref_slice %arg2[%dma_start3A, %dma_start3A_66] : memref<10000x128xf32, #tpu.memory_space<hbm>> -> memref<10000x128xf32, #tpu.memory_space<hbm>>
          tpu.enqueue_indirect_dma source(%dma_start3A_67 : memref<10000x128xf32, #tpu.memory_space<hbm>>) target(%arg13 : memref<128x128xf32, #tpu.memory_space<vmem>>) offsets(%arg9 : memref<128xi32, #tpu.memory_space<vmem>>) semaphore(%arg16 : memref<!tpu.dma_semaphore, #tpu.memory_space<semaphore_mem>>)
        } else {
        }
        %mul3A_58 = arith.constant 128 : i32
        %mul3A_59 = arith.muli %while3A_41, %mul3A_58 : i32
        %run_scoped3A_60 = arith.constant 0 : i32
        "tpu.region"() ({
          %run_scoped3A_61 = tpu.sem_alloc : memref<!tpu.dma_semaphore, #tpu.memory_space<semaphore_mem>>
          %dma_start3A = tpu.memref_slice %arg4[%add3A, %run_scoped3A_60, %mul3A_59] : memref<32x1x320128xi32, #tpu.memory_space<hbm>> -> memref<1x1x128xi32, #tpu.memory_space<hbm>>
          %dma_start3A_62 = tpu.memref_squeeze %dma_start3A : memref<1x1x128xi32, #tpu.memory_space<hbm>> -> memref<128xi32, #tpu.memory_space<hbm>>
          %dma_start3A_63 = tpu.memref_slice %arg4[%add3A, %run_scoped3A_60, %mul3A_59] : memref<32x1x320128xi32, #tpu.memory_space<hbm>> -> memref<1x1x128xi32, #tpu.memory_space<hbm>>
          %dma_start3A_64 = tpu.memref_squeeze %dma_start3A_63 : memref<1x1x128xi32, #tpu.memory_space<hbm>> -> memref<128xi32, #tpu.memory_space<hbm>>
          tpu.enqueue_dma source(%dma_start3A_64 : memref<128xi32, #tpu.memory_space<hbm>>) target(%arg10 : memref<128xi32, #tpu.memory_space<vmem>>) target_semaphore(%run_scoped3A_61 : memref<!tpu.dma_semaphore, #tpu.memory_space<semaphore_mem>>)
          %dma_wait3A_65 = tpu.memref_slice %arg4[%add3A, %run_scoped3A_60, %mul3A_59] : memref<32x1x320128xi32, #tpu.memory_space<hbm>> -> memref<1x1x128xi32, #tpu.memory_space<hbm>>
          %dma_wait3A_66 = tpu.memref_squeeze %dma_wait3A_65 : memref<1x1x128xi32, #tpu.memory_space<hbm>> -> memref<128xi32, #tpu.memory_space<hbm>>
          %dma_wait3A_67 = tpu.memref_slice %arg4[%add3A, %run_scoped3A_60, %mul3A_59] : memref<32x1x320128xi32, #tpu.memory_space<hbm>> -> memref<1x1x128xi32, #tpu.memory_space<hbm>>
          %dma_wait3A_68 = tpu.memref_squeeze %dma_wait3A_67 : memref<1x1x128xi32, #tpu.memory_space<hbm>> -> memref<128xi32, #tpu.memory_space<hbm>>
          tpu.wait_dma2 semaphore(%run_scoped3A_61 : memref<!tpu.dma_semaphore, #tpu.memory_space<semaphore_mem>>) src(%dma_wait3A_68 : memref<128xi32, #tpu.memory_space<hbm>>) dst(%arg10 : memref<128xi32, #tpu.memory_space<vmem>>)
          tpu.yield
        }) : () -> ()
        "tpu.region"() ({
          %run_scoped3A_61 = tpu.sem_alloc : memref<!tpu.dma_semaphore, #tpu.memory_space<semaphore_mem>>
          %dma_start3A = arith.constant 0 : i32
          %dma_start3A_62 = arith.constant 0 : i32
          %dma_start3A_63 = tpu.memref_slice %arg14[%dma_start3A, %dma_start3A_62] : memref<5120x128xf32, #tpu.memory_space<vmem_shared>> -> memref<5120x128xf32, #tpu.memory_space<vmem_shared>>
          tpu.enqueue_indirect_dma source(%arg12 : memref<128x128xf32, #tpu.memory_space<vmem>>) target(%dma_start3A_63 : memref<5120x128xf32, #tpu.memory_space<vmem_shared>>) offsets(%arg10 : memref<128xi32, #tpu.memory_space<vmem>>) semaphore(%run_scoped3A_61 : memref<!tpu.dma_semaphore, #tpu.memory_space<semaphore_mem>>) {add = true}
          %dma_wait3A_64 = arith.constant 0 : i32
          %dma_wait3A_65 = arith.constant 0 : i32
          %dma_wait3A_66 = tpu.memref_slice %arg14[%dma_wait3A_64, %dma_wait3A_65] : memref<5120x128xf32, #tpu.memory_space<vmem_shared>> -> memref<5120x128xf32, #tpu.memory_space<vmem_shared>>
          tpu.wait_indirect_dma semaphore(%run_scoped3A_61 : memref<!tpu.dma_semaphore, #tpu.memory_space<semaphore_mem>>) src(%arg12 : memref<128x128xf32, #tpu.memory_space<vmem>>) dst(%dma_wait3A_66 : memref<5120x128xf32, #tpu.memory_space<vmem_shared>>)
          tpu.yield
        }) : () -> ()
      } else {
      }
      %not3A = arith.constant true
      %not3A_47 = arith.xori %eq3A_43, %not3A : i1
      %convert_element_type3A_48 = arith.extui %not3A_47 : i1 to i32
      %cond3A_49 = arith.constant 0 : i32
      %cond3A_50 = arith.cmpi ne, %convert_element_type3A_48, %cond3A_49 : i32
      scf.if %cond3A_50 {
        %dma_wait3A = arith.constant 0 : i32
        %dma_wait3A_51 = arith.constant 0 : i32
        %dma_wait3A_52 = tpu.memref_slice %arg2[%dma_wait3A, %dma_wait3A_51] : memref<10000x128xf32, #tpu.memory_space<hbm>> -> memref<10000x128xf32, #tpu.memory_space<hbm>>
        tpu.wait_indirect_dma semaphore(%arg16 : memref<!tpu.dma_semaphore, #tpu.memory_space<semaphore_mem>>) src(%dma_wait3A_52 : memref<10000x128xf32, #tpu.memory_space<hbm>>) dst(%arg13 : memref<128x128xf32, #tpu.memory_space<vmem>>)
        %add3A_53 = arith.constant 1 : i32
        %add3A_54 = arith.addi %while3A_41, %add3A_53 : i32
        %lt3A = arith.cmpi slt, %add3A_54, %reduce_max3A_24 : i32
        %convert_element_type3A_55 = arith.extui %lt3A : i1 to i32
        %cond3A_56 = arith.constant 0 : i32
        %cond3A_57 = arith.cmpi ne, %convert_element_type3A_55, %cond3A_56 : i32
        scf.if %cond3A_57 {
          %add3A_61 = arith.constant 1 : i32
          %add3A_62 = arith.addi %while3A_41, %add3A_61 : i32
          %mul3A_63 = arith.constant 128 : i32
          %mul3A_64 = arith.muli %add3A_62, %mul3A_63 : i32
          %run_scoped3A_65 = arith.constant 0 : i32
          "tpu.region"() ({
            %run_scoped3A_68 = tpu.sem_alloc : memref<!tpu.dma_semaphore, #tpu.memory_space<semaphore_mem>>
            %dma_start3A_69 = tpu.memref_slice %arg3[%add3A, %run_scoped3A_65, %mul3A_64] : memref<32x1x320128xi32, #tpu.memory_space<hbm>> -> memref<1x1x128xi32, #tpu.memory_space<hbm>>
            %dma_start3A_70 = tpu.memref_squeeze %dma_start3A_69 : memref<1x1x128xi32, #tpu.memory_space<hbm>> -> memref<128xi32, #tpu.memory_space<hbm>>
            %dma_start3A_71 = tpu.memref_slice %arg3[%add3A, %run_scoped3A_65, %mul3A_64] : memref<32x1x320128xi32, #tpu.memory_space<hbm>> -> memref<1x1x128xi32, #tpu.memory_space<hbm>>
            %dma_start3A_72 = tpu.memref_squeeze %dma_start3A_71 : memref<1x1x128xi32, #tpu.memory_space<hbm>> -> memref<128xi32, #tpu.memory_space<hbm>>
            tpu.enqueue_dma source(%dma_start3A_72 : memref<128xi32, #tpu.memory_space<hbm>>) target(%arg8 : memref<128xi32, #tpu.memory_space<vmem>>) target_semaphore(%run_scoped3A_68 : memref<!tpu.dma_semaphore, #tpu.memory_space<semaphore_mem>>)
            %dma_wait3A_73 = tpu.memref_slice %arg3[%add3A, %run_scoped3A_65, %mul3A_64] : memref<32x1x320128xi32, #tpu.memory_space<hbm>> -> memref<1x1x128xi32, #tpu.memory_space<hbm>>
            %dma_wait3A_74 = tpu.memref_squeeze %dma_wait3A_73 : memref<1x1x128xi32, #tpu.memory_space<hbm>> -> memref<128xi32, #tpu.memory_space<hbm>>
            %dma_wait3A_75 = tpu.memref_slice %arg3[%add3A, %run_scoped3A_65, %mul3A_64] : memref<32x1x320128xi32, #tpu.memory_space<hbm>> -> memref<1x1x128xi32, #tpu.memory_space<hbm>>
            %dma_wait3A_76 = tpu.memref_squeeze %dma_wait3A_75 : memref<1x1x128xi32, #tpu.memory_space<hbm>> -> memref<128xi32, #tpu.memory_space<hbm>>
            tpu.wait_dma2 semaphore(%run_scoped3A_68 : memref<!tpu.dma_semaphore, #tpu.memory_space<semaphore_mem>>) src(%dma_wait3A_76 : memref<128xi32, #tpu.memory_space<hbm>>) dst(%arg8 : memref<128xi32, #tpu.memory_space<vmem>>)
            tpu.yield
          }) : () -> ()
          %dma_start3A = arith.constant 0 : i32
          %dma_start3A_66 = arith.constant 0 : i32
          %dma_start3A_67 = tpu.memref_slice %arg2[%dma_start3A, %dma_start3A_66] : memref<10000x128xf32, #tpu.memory_space<hbm>> -> memref<10000x128xf32, #tpu.memory_space<hbm>>
          tpu.enqueue_indirect_dma source(%dma_start3A_67 : memref<10000x128xf32, #tpu.memory_space<hbm>>) target(%arg12 : memref<128x128xf32, #tpu.memory_space<vmem>>) offsets(%arg8 : memref<128xi32, #tpu.memory_space<vmem>>) semaphore(%arg15 : memref<!tpu.dma_semaphore, #tpu.memory_space<semaphore_mem>>)
        } else {
        }
        %mul3A_58 = arith.constant 128 : i32
        %mul3A_59 = arith.muli %while3A_41, %mul3A_58 : i32
        %run_scoped3A_60 = arith.constant 0 : i32
        "tpu.region"() ({
          %run_scoped3A_61 = tpu.sem_alloc : memref<!tpu.dma_semaphore, #tpu.memory_space<semaphore_mem>>
          %dma_start3A = tpu.memref_slice %arg4[%add3A, %run_scoped3A_60, %mul3A_59] : memref<32x1x320128xi32, #tpu.memory_space<hbm>> -> memref<1x1x128xi32, #tpu.memory_space<hbm>>
          %dma_start3A_62 = tpu.memref_squeeze %dma_start3A : memref<1x1x128xi32, #tpu.memory_space<hbm>> -> memref<128xi32, #tpu.memory_space<hbm>>
          %dma_start3A_63 = tpu.memref_slice %arg4[%add3A, %run_scoped3A_60, %mul3A_59] : memref<32x1x320128xi32, #tpu.memory_space<hbm>> -> memref<1x1x128xi32, #tpu.memory_space<hbm>>
          %dma_start3A_64 = tpu.memref_squeeze %dma_start3A_63 : memref<1x1x128xi32, #tpu.memory_space<hbm>> -> memref<128xi32, #tpu.memory_space<hbm>>
          tpu.enqueue_dma source(%dma_start3A_64 : memref<128xi32, #tpu.memory_space<hbm>>) target(%arg11 : memref<128xi32, #tpu.memory_space<vmem>>) target_semaphore(%run_scoped3A_61 : memref<!tpu.dma_semaphore, #tpu.memory_space<semaphore_mem>>)
          %dma_wait3A_65 = tpu.memref_slice %arg4[%add3A, %run_scoped3A_60, %mul3A_59] : memref<32x1x320128xi32, #tpu.memory_space<hbm>> -> memref<1x1x128xi32, #tpu.memory_space<hbm>>
          %dma_wait3A_66 = tpu.memref_squeeze %dma_wait3A_65 : memref<1x1x128xi32, #tpu.memory_space<hbm>> -> memref<128xi32, #tpu.memory_space<hbm>>
          %dma_wait3A_67 = tpu.memref_slice %arg4[%add3A, %run_scoped3A_60, %mul3A_59] : memref<32x1x320128xi32, #tpu.memory_space<hbm>> -> memref<1x1x128xi32, #tpu.memory_space<hbm>>
          %dma_wait3A_68 = tpu.memref_squeeze %dma_wait3A_67 : memref<1x1x128xi32, #tpu.memory_space<hbm>> -> memref<128xi32, #tpu.memory_space<hbm>>
          tpu.wait_dma2 semaphore(%run_scoped3A_61 : memref<!tpu.dma_semaphore, #tpu.memory_space<semaphore_mem>>) src(%dma_wait3A_68 : memref<128xi32, #tpu.memory_space<hbm>>) dst(%arg11 : memref<128xi32, #tpu.memory_space<vmem>>)
          tpu.yield
        }) : () -> ()
        "tpu.region"() ({
          %run_scoped3A_61 = tpu.sem_alloc : memref<!tpu.dma_semaphore, #tpu.memory_space<semaphore_mem>>
          %dma_start3A = arith.constant 0 : i32
          %dma_start3A_62 = arith.constant 0 : i32
          %dma_start3A_63 = tpu.memref_slice %arg14[%dma_start3A, %dma_start3A_62] : memref<5120x128xf32, #tpu.memory_space<vmem_shared>> -> memref<5120x128xf32, #tpu.memory_space<vmem_shared>>
          tpu.enqueue_indirect_dma source(%arg13 : memref<128x128xf32, #tpu.memory_space<vmem>>) target(%dma_start3A_63 : memref<5120x128xf32, #tpu.memory_space<vmem_shared>>) offsets(%arg11 : memref<128xi32, #tpu.memory_space<vmem>>) semaphore(%run_scoped3A_61 : memref<!tpu.dma_semaphore, #tpu.memory_space<semaphore_mem>>) {add = true}
          %dma_wait3A_64 = arith.constant 0 : i32
          %dma_wait3A_65 = arith.constant 0 : i32
          %dma_wait3A_66 = tpu.memref_slice %arg14[%dma_wait3A_64, %dma_wait3A_65] : memref<5120x128xf32, #tpu.memory_space<vmem_shared>> -> memref<5120x128xf32, #tpu.memory_space<vmem_shared>>
          tpu.wait_indirect_dma semaphore(%run_scoped3A_61 : memref<!tpu.dma_semaphore, #tpu.memory_space<semaphore_mem>>) src(%arg13 : memref<128x128xf32, #tpu.memory_space<vmem>>) dst(%dma_wait3A_66 : memref<5120x128xf32, #tpu.memory_space<vmem_shared>>)
          tpu.yield
        }) : () -> ()
      } else {
      }
    }
    %barrier3A_36 = arith.constant 0 : index
    tpu.barrier barrier_id(%barrier3A_36)
    %mul3A_37 = arith.constant 320 : i32
    %mul3A_38 = arith.muli %arg1, %mul3A_37 : i32
    %mul3A_39 = arith.constant 320 : i32
    %mul3A_40 = arith.muli %arg1, %mul3A_39 : i32
    "tpu.region"() ({
      %run_scoped3A_41 = tpu.sem_alloc : memref<!tpu.dma_semaphore, #tpu.memory_space<semaphore_mem>>
      %dma_start3A = arith.constant 0 : i32
      %dma_start3A_42 = tpu.memref_slice %arg6[%arg0, %mul3A_40, %dma_start3A] : memref<2x5120x128xf32, #tpu.memory_space<hbm>> -> memref<1x320x128xf32, #tpu.memory_space<hbm>>
      %dma_start3A_43 = tpu.memref_squeeze %dma_start3A_42 : memref<1x320x128xf32, #tpu.memory_space<hbm>> -> memref<320x128xf32, #tpu.memory_space<hbm>>
      %dma_start3A_44 = arith.constant 0 : i32
      %dma_start3A_45 = tpu.memref_slice %arg14[%mul3A_38, %dma_start3A_44] : memref<5120x128xf32, #tpu.memory_space<vmem_shared>> -> memref<320x128xf32, #tpu.memory_space<vmem_shared>>
      tpu.enqueue_dma source(%dma_start3A_45 : memref<320x128xf32, #tpu.memory_space<vmem_shared>>) target(%dma_start3A_43 : memref<320x128xf32, #tpu.memory_space<hbm>>) target_semaphore(%run_scoped3A_41 : memref<!tpu.dma_semaphore, #tpu.memory_space<semaphore_mem>>)
      %dma_wait3A = arith.constant 0 : i32
      %dma_wait3A_46 = tpu.memref_slice %arg6[%arg0, %mul3A_40, %dma_wait3A] : memref<2x5120x128xf32, #tpu.memory_space<hbm>> -> memref<1x320x128xf32, #tpu.memory_space<hbm>>
      %dma_wait3A_47 = tpu.memref_squeeze %dma_wait3A_46 : memref<1x320x128xf32, #tpu.memory_space<hbm>> -> memref<320x128xf32, #tpu.memory_space<hbm>>
      %dma_wait3A_48 = arith.constant 0 : i32
      %dma_wait3A_49 = tpu.memref_slice %arg14[%mul3A_38, %dma_wait3A_48] : memref<5120x128xf32, #tpu.memory_space<vmem_shared>> -> memref<320x128xf32, #tpu.memory_space<vmem_shared>>
      tpu.wait_dma2 semaphore(%run_scoped3A_41 : memref<!tpu.dma_semaphore, #tpu.memory_space<semaphore_mem>>) src(%dma_wait3A_49 : memref<320x128xf32, #tpu.memory_space<vmem_shared>>) dst(%dma_wait3A_47 : memref<320x128xf32, #tpu.memory_space<hbm>>)
      tpu.yield
    }) : () -> ()
    return
  }
}

#map = affine_map<(d0, d1) -> (0, 0)>
#map1 = affine_map<(d0, d1) -> (0, 0, 0)>
module attributes {stable_mosaic.version = 14 : i64} {
  func.func @_seg(%arg0: i32, %arg1: i32, %arg2: memref<10000x128xf32, #tpu.memory_space<hbm>>, %arg3: memref<32x1x320128xi32, #tpu.memory_space<hbm>>, %arg4: memref<32x1x320128xi32, #tpu.memory_space<hbm>>, %arg5: memref<32x1x16xi32, #tpu.memory_space<hbm>>, %arg6: memref<2x5120x128xf32, #tpu.memory_space<hbm>>, %arg7: memref<16xi32, #tpu.memory_space<vmem>>, %arg8: memref<128xi32, #tpu.memory_space<vmem>>, %arg9: memref<128xi32, #tpu.memory_space<vmem>>, %arg10: memref<128xi32, #tpu.memory_space<vmem>>, %arg11: memref<128xi32, #tpu.memory_space<vmem>>, %arg12: memref<128x128xf32, #tpu.memory_space<vmem>>, %arg13: memref<128x128xf32, #tpu.memory_space<vmem>>, %arg14: memref<5120x128xf32, #tpu.memory_space<vmem_shared>>, %arg15: memref<!tpu.dma_semaphore, #tpu.memory_space<semaphore_mem>>, %arg16: memref<!tpu.dma_semaphore, #tpu.memory_space<semaphore_mem>>) attributes {dimension_semantics = [#tpu.dimension_semantics<core_parallel>, #tpu.dimension_semantics<subcore_parallel>], iteration_bounds = array<i64: 2, 16>, scalar_prefetch = 0 : i64, scratch_operands = 10 : i64, tpu.core_type = #tpu.core_type<sc_vector_subcore>, window_params = [{transform_indices = #map}, {transform_indices = #map1}, {transform_indices = #map1}, {transform_indices = #map1}, {transform_indices = #map1}]} {
    %mul3A = arith.constant 16 : i32
    %mul3A_0 = arith.muli %arg0, %mul3A : i32
    %add3A = arith.addi %mul3A_0, %arg1 : i32
    %broadcast_in_dim3A = arith.constant 0.000000e+00 : f32
    %broadcast_in_dim3A_1 = vector.broadcast %broadcast_in_dim3A : f32 to vector<16xf32>
    %scan3A = arith.constant 0 : i32
    %scan3A_2 = arith.constant 0 : i32
    %scan3A_3 = arith.constant 128 : i32
    %scan3A_4 = arith.addi %scan3A_2, %scan3A_3 : i32
    %scan3A_5 = arith.constant 1 : i32
    scf.for %scan3A_41 = %scan3A_2 to %scan3A_4 step %scan3A_5  : i32 {
      %scan3A_42 = arith.constant 0 : i32
      %scan3A_43 = arith.constant 8 : i32
      %scan3A_44 = arith.addi %scan3A_42, %scan3A_43 : i32
      %scan3A_45 = arith.constant 1 : i32
      scf.for %scan3A_47 = %scan3A_42 to %scan3A_44 step %scan3A_45  : i32 {
        %mul3A_48 = arith.constant 16 : i32
        %mul3A_49 = arith.muli %scan3A_47, %mul3A_48 : i32
        %swap3A = arith.index_cast %scan3A_41 : i32 to index
        %swap3A_50 = arith.index_cast %mul3A_49 : i32 to index
        %swap3A_51 = tpu.vector_load %arg12[%swap3A, %swap3A_50] {strides = array<i32>} : memref<128x128xf32, #tpu.memory_space<vmem>>, vector<16xf32>,
        tpu.vector_store %arg12[%swap3A, %swap3A_50], %broadcast_in_dim3A_1 {strides = array<i32>} : memref<128x128xf32, #tpu.memory_space<vmem>>, vector<16xf32>,
      }
      %scan3A_46 = arith.constant 8 : i32
    }
    %scan3A_6 = arith.constant 128 : i32
    %mul3A_7 = arith.constant 320 : i32
    %mul3A_8 = arith.muli %arg1, %mul3A_7 : i32
    "tpu.region"() ({
      %run_scoped3A_41 = tpu.sem_alloc : memref<!tpu.dma_semaphore, #tpu.memory_space<semaphore_mem>>
      %dma_start3A = arith.constant 0 : i32
      %dma_start3A_42 = tpu.memref_slice %arg14[%mul3A_8, %dma_start3A] : memref<5120x128xf32, #tpu.memory_space<vmem_shared>> -> memref<128x128xf32, #tpu.memory_space<vmem_shared>>
      %dma_start3A_43 = arith.constant 0 : i32
      %dma_start3A_44 = tpu.memref_slice %arg14[%mul3A_8, %dma_start3A_43] : memref<5120x128xf32, #tpu.memory_space<vmem_shared>> -> memref<128x128xf32, #tpu.memory_space<vmem_shared>>
      tpu.enqueue_dma source(%arg12 : memref<128x128xf32, #tpu.memory_space<vmem>>) target(%dma_start3A_44 : memref<128x128xf32, #tpu.memory_space<vmem_shared>>) target_semaphore(%run_scoped3A_41 : memref<!tpu.dma_semaphore, #tpu.memory_space<semaphore_mem>>)
      %dma_wait3A = arith.constant 0 : i32
      %dma_wait3A_45 = tpu.memref_slice %arg14[%mul3A_8, %dma_wait3A] : memref<5120x128xf32, #tpu.memory_space<vmem_shared>> -> memref<128x128xf32, #tpu.memory_space<vmem_shared>>
      %dma_wait3A_46 = arith.constant 0 : i32
      %dma_wait3A_47 = tpu.memref_slice %arg14[%mul3A_8, %dma_wait3A_46] : memref<5120x128xf32, #tpu.memory_space<vmem_shared>> -> memref<128x128xf32, #tpu.memory_space<vmem_shared>>
      tpu.wait_dma2 semaphore(%run_scoped3A_41 : memref<!tpu.dma_semaphore, #tpu.memory_space<semaphore_mem>>) src(%arg12 : memref<128x128xf32, #tpu.memory_space<vmem>>) dst(%dma_wait3A_47 : memref<128x128xf32, #tpu.memory_space<vmem_shared>>)
      tpu.yield
    }) : () -> ()
    %mul3A_9 = arith.constant 320 : i32
    %mul3A_10 = arith.muli %arg1, %mul3A_9 : i32
    %add3A_11 = arith.constant 128 : i32
    %add3A_12 = arith.addi %mul3A_10, %add3A_11 : i32
    "tpu.region"() ({
      %run_scoped3A_41 = tpu.sem_alloc : memref<!tpu.dma_semaphore, #tpu.memory_space<semaphore_mem>>
      %dma_start3A = arith.constant 0 : i32
      %dma_start3A_42 = tpu.memref_slice %arg14[%add3A_12, %dma_start3A] : memref<5120x128xf32, #tpu.memory_space<vmem_shared>> -> memref<128x128xf32, #tpu.memory_space<vmem_shared>>
      %dma_start3A_43 = arith.constant 0 : i32
      %dma_start3A_44 = tpu.memref_slice %arg14[%add3A_12, %dma_start3A_43] : memref<5120x128xf32, #tpu.memory_space<vmem_shared>> -> memref<128x128xf32, #tpu.memory_space<vmem_shared>>
      tpu.enqueue_dma source(%arg12 : memref<128x128xf32, #tpu.memory_space<vmem>>) target(%dma_start3A_44 : memref<128x128xf32, #tpu.memory_space<vmem_shared>>) target_semaphore(%run_scoped3A_41 : memref<!tpu.dma_semaphore, #tpu.memory_space<semaphore_mem>>)
      %dma_wait3A = arith.constant 0 : i32
      %dma_wait3A_45 = tpu.memref_slice %arg14[%add3A_12, %dma_wait3A] : memref<5120x128xf32, #tpu.memory_space<vmem_shared>> -> memref<128x128xf32, #tpu.memory_space<vmem_shared>>
      %dma_wait3A_46 = arith.constant 0 : i32
      %dma_wait3A_47 = tpu.memref_slice %arg14[%add3A_12, %dma_wait3A_46] : memref<5120x128xf32, #tpu.memory_space<vmem_shared>> -> memref<128x128xf32, #tpu.memory_space<vmem_shared>>
      tpu.wait_dma2 semaphore(%run_scoped3A_41 : memref<!tpu.dma_semaphore, #tpu.memory_space<semaphore_mem>>) src(%arg12 : memref<128x128xf32, #tpu.memory_space<vmem>>) dst(%dma_wait3A_47 : memref<128x128xf32, #tpu.memory_space<vmem_shared>>)
      tpu.yield
    }) : () -> ()
    %mul3A_13 = arith.constant 320 : i32
    %mul3A_14 = arith.muli %arg1, %mul3A_13 : i32
    %add3A_15 = arith.constant 256 : i32
    %add3A_16 = arith.addi %mul3A_14, %add3A_15 : i32
    "tpu.region"() ({
      %run_scoped3A_41 = tpu.sem_alloc : memref<!tpu.dma_semaphore, #tpu.memory_space<semaphore_mem>>
      %dma_start3A = arith.constant 0 : i32
      %dma_start3A_42 = arith.constant 0 : i32
      %dma_start3A_43 = tpu.memref_slice %arg12[%dma_start3A, %dma_start3A_42] : memref<128x128xf32, #tpu.memory_space<vmem>> -> memref<64x128xf32, #tpu.memory_space<vmem>>
      %dma_start3A_44 = arith.constant 0 : i32
      %dma_start3A_45 = tpu.memref_slice %arg14[%add3A_16, %dma_start3A_44] : memref<5120x128xf32, #tpu.memory_space<vmem_shared>> -> memref<64x128xf32, #tpu.memory_space<vmem_shared>>
      %dma_start3A_46 = arith.constant 0 : i32
      %dma_start3A_47 = tpu.memref_slice %arg14[%add3A_16, %dma_start3A_46] : memref<5120x128xf32, #tpu.memory_space<vmem_shared>> -> memref<64x128xf32, #tpu.memory_space<vmem_shared>>
      %dma_start3A_48 = arith.constant 0 : i32
      %dma_start3A_49 = arith.constant 0 : i32
      %dma_start3A_50 = tpu.memref_slice %arg12[%dma_start3A_48, %dma_start3A_49] : memref<128x128xf32, #tpu.memory_space<vmem>> -> memref<64x128xf32, #tpu.memory_space<vmem>>
      tpu.enqueue_dma source(%dma_start3A_50 : memref<64x128xf32, #tpu.memory_space<vmem>>) target(%dma_start3A_47 : memref<64x128xf32, #tpu.memory_space<vmem_shared>>) target_semaphore(%run_scoped3A_41 : memref<!tpu.dma_semaphore, #tpu.memory_space<semaphore_mem>>)
      %dma_wait3A = arith.constant 0 : i32
      %dma_wait3A_51 = arith.constant 0 : i32
      %dma_wait3A_52 = tpu.memref_slice %arg12[%dma_wait3A, %dma_wait3A_51] : memref<128x128xf32, #tpu.memory_space<vmem>> -> memref<64x128xf32, #tpu.memory_space<vmem>>
      %dma_wait3A_53 = arith.constant 0 : i32
      %dma_wait3A_54 = tpu.memref_slice %arg14[%add3A_16, %dma_wait3A_53] : memref<5120x128xf32, #tpu.memory_space<vmem_shared>> -> memref<64x128xf32, #tpu.memory_space<vmem_shared>>
      %dma_wait3A_55 = arith.constant 0 : i32
      %dma_wait3A_56 = tpu.memref_slice %arg14[%add3A_16, %dma_wait3A_55] : memref<5120x128xf32, #tpu.memory_space<vmem_shared>> -> memref<64x128xf32, #tpu.memory_space<vmem_shared>>
      %dma_wait3A_57 = arith.constant 0 : i32
      %dma_wait3A_58 = arith.constant 0 : i32
      %dma_wait3A_59 = tpu.memref_slice %arg12[%dma_wait3A_57, %dma_wait3A_58] : memref<128x128xf32, #tpu.memory_space<vmem>> -> memref<64x128xf32, #tpu.memory_space<vmem>>
      tpu.wait_dma2 semaphore(%run_scoped3A_41 : memref<!tpu.dma_semaphore, #tpu.memory_space<semaphore_mem>>) src(%dma_wait3A_59 : memref<64x128xf32, #tpu.memory_space<vmem>>) dst(%dma_wait3A_56 : memref<64x128xf32, #tpu.memory_space<vmem_shared>>)
      tpu.yield
    }) : () -> ()
    %barrier3A = arith.constant 0 : index
    tpu.barrier barrier_id(%barrier3A)
    %run_scoped3A = arith.constant 0 : i32
    "tpu.region"() ({
      %run_scoped3A_41 = tpu.sem_alloc : memref<!tpu.dma_semaphore, #tpu.memory_space<semaphore_mem>>
      %dma_start3A = arith.constant 0 : i32
      %dma_start3A_42 = tpu.memref_slice %arg5[%add3A, %run_scoped3A, %dma_start3A] : memref<32x1x16xi32, #tpu.memory_space<hbm>> -> memref<1x1x16xi32, #tpu.memory_space<hbm>>
      %dma_start3A_43 = tpu.memref_squeeze %dma_start3A_42 : memref<1x1x16xi32, #tpu.memory_space<hbm>> -> memref<16xi32, #tpu.memory_space<hbm>>
      %dma_start3A_44 = arith.constant 0 : i32
      %dma_start3A_45 = tpu.memref_slice %arg5[%add3A, %run_scoped3A, %dma_start3A_44] : memref<32x1x16xi32, #tpu.memory_space<hbm>> -> memref<1x1x16xi32, #tpu.memory_space<hbm>>
      %dma_start3A_46 = tpu.memref_squeeze %dma_start3A_45 : memref<1x1x16xi32, #tpu.memory_space<hbm>> -> memref<16xi32, #tpu.memory_space<hbm>>
      tpu.enqueue_dma source(%dma_start3A_46 : memref<16xi32, #tpu.memory_space<hbm>>) target(%arg7 : memref<16xi32, #tpu.memory_space<vmem>>) target_semaphore(%run_scoped3A_41 : memref<!tpu.dma_semaphore, #tpu.memory_space<semaphore_mem>>)
      %dma_wait3A = arith.constant 0 : i32
      %dma_wait3A_47 = tpu.memref_slice %arg5[%add3A, %run_scoped3A, %dma_wait3A] : memref<32x1x16xi32, #tpu.memory_space<hbm>> -> memref<1x1x16xi32, #tpu.memory_space<hbm>>
      %dma_wait3A_48 = tpu.memref_squeeze %dma_wait3A_47 : memref<1x1x16xi32, #tpu.memory_space<hbm>> -> memref<16xi32, #tpu.memory_space<hbm>>
      %dma_wait3A_49 = arith.constant 0 : i32
      %dma_wait3A_50 = tpu.memref_slice %arg5[%add3A, %run_scoped3A, %dma_wait3A_49] : memref<32x1x16xi32, #tpu.memory_space<hbm>> -> memref<1x1x16xi32, #tpu.memory_space<hbm>>
      %dma_wait3A_51 = tpu.memref_squeeze %dma_wait3A_50 : memref<1x1x16xi32, #tpu.memory_space<hbm>> -> memref<16xi32, #tpu.memory_space<hbm>>
      tpu.wait_dma2 semaphore(%run_scoped3A_41 : memref<!tpu.dma_semaphore, #tpu.memory_space<semaphore_mem>>) src(%dma_wait3A_51 : memref<16xi32, #tpu.memory_space<hbm>>) dst(%arg7 : memref<16xi32, #tpu.memory_space<vmem>>)
      tpu.yield
    }) : () -> ()
    %get3A = arith.constant 0 : index
    %get3A_17 = tpu.vector_load %arg7[%get3A] {strides = array<i32>} : memref<16xi32, #tpu.memory_space<vmem>>, vector<16xi32>,
    %reduce_max3A = arith.constant true
    %reduce_max3A_18 = vector.broadcast %reduce_max3A : i1 to vector<16xi1>
    %reduce_max3A_19 = arith.constant -2147483648 : i32
    %reduce_max3A_20 = vector.broadcast %reduce_max3A_19 : i32 to vector<16xi32>
    %reduce_max3A_21 = arith.xori %get3A_17, %reduce_max3A_20 : vector<16xi32>
    %reduce_max3A_22 = tpu.scan <max>, %reduce_max3A_21 masked %reduce_max3A_18 : vector<16xi32>, vector<16xi1> -> vector<16xi32>
    %reduce_max3A_23 = arith.xori %reduce_max3A_22, %reduce_max3A_20 : vector<16xi32>
    %reduce_max3A_24 = vector.extract %reduce_max3A_23[15] : i32 from vector<16xi32>
    %gt3A = arith.constant 0 : i32
    %gt3A_25 = arith.cmpi sgt, %reduce_max3A_24, %gt3A : i32
    %convert_element_type3A = arith.extui %gt3A_25 : i1 to i32
    %cond3A = arith.constant 0 : i32
    %cond3A_26 = arith.cmpi ne, %convert_element_type3A, %cond3A : i32
    scf.if %cond3A_26 {
      %run_scoped3A_41 = arith.constant 0 : i32
      "tpu.region"() ({
        %run_scoped3A_44 = tpu.sem_alloc : memref<!tpu.dma_semaphore, #tpu.memory_space<semaphore_mem>>
        %dma_start3A_45 = arith.constant 0 : i32
        %dma_start3A_46 = tpu.memref_slice %arg3[%add3A, %run_scoped3A_41, %dma_start3A_45] : memref<32x1x320128xi32, #tpu.memory_space<hbm>> -> memref<1x1x128xi32, #tpu.memory_space<hbm>>
        %dma_start3A_47 = tpu.memref_squeeze %dma_start3A_46 : memref<1x1x128xi32, #tpu.memory_space<hbm>> -> memref<128xi32, #tpu.memory_space<hbm>>
        %dma_start3A_48 = arith.constant 0 : i32
        %dma_start3A_49 = tpu.memref_slice %arg3[%add3A, %run_scoped3A_41, %dma_start3A_48] : memref<32x1x320128xi32, #tpu.memory_space<hbm>> -> memref<1x1x128xi32, #tpu.memory_space<hbm>>
        %dma_start3A_50 = tpu.memref_squeeze %dma_start3A_49 : memref<1x1x128xi32, #tpu.memory_space<hbm>> -> memref<128xi32, #tpu.memory_space<hbm>>
        tpu.enqueue_dma source(%dma_start3A_50 : memref<128xi32, #tpu.memory_space<hbm>>) target(%arg8 : memref<128xi32, #tpu.memory_space<vmem>>) target_semaphore(%run_scoped3A_44 : memref<!tpu.dma_semaphore, #tpu.memory_space<semaphore_mem>>)
        %dma_wait3A = arith.constant 0 : i32
        %dma_wait3A_51 = tpu.memref_slice %arg3[%add3A, %run_scoped3A_41, %dma_wait3A] : memref<32x1x320128xi32, #tpu.memory_space<hbm>> -> memref<1x1x128xi32, #tpu.memory_space<hbm>>
        %dma_wait3A_52 = tpu.memref_squeeze %dma_wait3A_51 : memref<1x1x128xi32, #tpu.memory_space<hbm>> -> memref<128xi32, #tpu.memory_space<hbm>>
        %dma_wait3A_53 = arith.constant 0 : i32
        %dma_wait3A_54 = tpu.memref_slice %arg3[%add3A, %run_scoped3A_41, %dma_wait3A_53] : memref<32x1x320128xi32, #tpu.memory_space<hbm>> -> memref<1x1x128xi32, #tpu.memory_space<hbm>>
        %dma_wait3A_55 = tpu.memref_squeeze %dma_wait3A_54 : memref<1x1x128xi32, #tpu.memory_space<hbm>> -> memref<128xi32, #tpu.memory_space<hbm>>
        tpu.wait_dma2 semaphore(%run_scoped3A_44 : memref<!tpu.dma_semaphore, #tpu.memory_space<semaphore_mem>>) src(%dma_wait3A_55 : memref<128xi32, #tpu.memory_space<hbm>>) dst(%arg8 : memref<128xi32, #tpu.memory_space<vmem>>)
        tpu.yield
      }) : () -> ()
      %dma_start3A = arith.constant 0 : i32
      %dma_start3A_42 = arith.constant 0 : i32
      %dma_start3A_43 = tpu.memref_slice %arg2[%dma_start3A, %dma_start3A_42] : memref<10000x128xf32, #tpu.memory_space<hbm>> -> memref<10000x128xf32, #tpu.memory_space<hbm>>
      tpu.enqueue_indirect_dma source(%dma_start3A_43 : memref<10000x128xf32, #tpu.memory_space<hbm>>) target(%arg12 : memref<128x128xf32, #tpu.memory_space<vmem>>) offsets(%arg8 : memref<128xi32, #tpu.memory_space<vmem>>) semaphore(%arg15 : memref<!tpu.dma_semaphore, #tpu.memory_space<semaphore_mem>>)
    } else {
    }
    %while3A = arith.constant 0 : i32
    %while3A_27 = arith.constant 0 : i32
    %while3A_28 = arith.subi %reduce_max3A_24, %while3A_27 : i32
    %while3A_29 = arith.addi %while3A_27, %while3A_28 : i32
    %while3A_30 = arith.constant 1 : i32
    %while3A_31 = arith.divsi %while3A_28, %while3A_30 : i32
    %while3A_32 = arith.muli %while3A_31, %while3A_30 : i32
    %while3A_33 = arith.addi %while3A_27, %while3A_32 : i32
    %while3A_34 = arith.constant 1 : i32
    scf.for %while3A_41 = %while3A_27 to %while3A_33 step %while3A_34  : i32 {
      %rem3A = arith.constant 2 : i32
      %rem3A_42 = arith.remsi %while3A_41, %rem3A : i32
      %eq3A = arith.constant 0 : i32
      %eq3A_43 = arith.cmpi eq, %rem3A_42, %eq3A : i32
      %convert_element_type3A_44 = arith.extui %eq3A_43 : i1 to i32
      %cond3A_45 = arith.constant 0 : i32
      %cond3A_46 = arith.cmpi ne, %convert_element_type3A_44, %cond3A_45 : i32
      scf.if %cond3A_46 {
        %dma_wait3A = arith.constant 0 : i32
        %dma_wait3A_51 = arith.constant 0 : i32
        %dma_wait3A_52 = tpu.memref_slice %arg2[%dma_wait3A, %dma_wait3A_51] : memref<10000x128xf32, #tpu.memory_space<hbm>> -> memref<10000x128xf32, #tpu.memory_space<hbm>>
        tpu.wait_indirect_dma semaphore(%arg15 : memref<!tpu.dma_semaphore, #tpu.memory_space<semaphore_mem>>) src(%dma_wait3A_52 : memref<10000x128xf32, #tpu.memory_space<hbm>>) dst(%arg12 : memref<128x128xf32, #tpu.memory_space<vmem>>)
        %add3A_53 = arith.constant 1 : i32
        %add3A_54 = arith.addi %while3A_41, %add3A_53 : i32
        %lt3A = arith.cmpi slt, %add3A_54, %reduce_max3A_24 : i32
        %convert_element_type3A_55 = arith.extui %lt3A : i1 to i32
        %cond3A_56 = arith.constant 0 : i32
        %cond3A_57 = arith.cmpi ne, %convert_element_type3A_55, %cond3A_56 : i32
        scf.if %cond3A_57 {
          %add3A_61 = arith.constant 1 : i32
          %add3A_62 = arith.addi %while3A_41, %add3A_61 : i32
          %mul3A_63 = arith.constant 128 : i32
          %mul3A_64 = arith.muli %add3A_62, %mul3A_63 : i32
          %run_scoped3A_65 = arith.constant 0 : i32
          "tpu.region"() ({
            %run_scoped3A_68 = tpu.sem_alloc : memref<!tpu.dma_semaphore, #tpu.memory_space<semaphore_mem>>
            %dma_start3A_69 = tpu.memref_slice %arg3[%add3A, %run_scoped3A_65, %mul3A_64] : memref<32x1x320128xi32, #tpu.memory_space<hbm>> -> memref<1x1x128xi32, #tpu.memory_space<hbm>>
            %dma_start3A_70 = tpu.memref_squeeze %dma_start3A_69 : memref<1x1x128xi32, #tpu.memory_space<hbm>> -> memref<128xi32, #tpu.memory_space<hbm>>
            %dma_start3A_71 = tpu.memref_slice %arg3[%add3A, %run_scoped3A_65, %mul3A_64] : memref<32x1x320128xi32, #tpu.memory_space<hbm>> -> memref<1x1x128xi32, #tpu.memory_space<hbm>>
            %dma_start3A_72 = tpu.memref_squeeze %dma_start3A_71 : memref<1x1x128xi32, #tpu.memory_space<hbm>> -> memref<128xi32, #tpu.memory_space<hbm>>
            tpu.enqueue_dma source(%dma_start3A_72 : memref<128xi32, #tpu.memory_space<hbm>>) target(%arg9 : memref<128xi32, #tpu.memory_space<vmem>>) target_semaphore(%run_scoped3A_68 : memref<!tpu.dma_semaphore, #tpu.memory_space<semaphore_mem>>)
            %dma_wait3A_73 = tpu.memref_slice %arg3[%add3A, %run_scoped3A_65, %mul3A_64] : memref<32x1x320128xi32, #tpu.memory_space<hbm>> -> memref<1x1x128xi32, #tpu.memory_space<hbm>>
            %dma_wait3A_74 = tpu.memref_squeeze %dma_wait3A_73 : memref<1x1x128xi32, #tpu.memory_space<hbm>> -> memref<128xi32, #tpu.memory_space<hbm>>
            %dma_wait3A_75 = tpu.memref_slice %arg3[%add3A, %run_scoped3A_65, %mul3A_64] : memref<32x1x320128xi32, #tpu.memory_space<hbm>> -> memref<1x1x128xi32, #tpu.memory_space<hbm>>
            %dma_wait3A_76 = tpu.memref_squeeze %dma_wait3A_75 : memref<1x1x128xi32, #tpu.memory_space<hbm>> -> memref<128xi32, #tpu.memory_space<hbm>>
            tpu.wait_dma2 semaphore(%run_scoped3A_68 : memref<!tpu.dma_semaphore, #tpu.memory_space<semaphore_mem>>) src(%dma_wait3A_76 : memref<128xi32, #tpu.memory_space<hbm>>) dst(%arg9 : memref<128xi32, #tpu.memory_space<vmem>>)
            tpu.yield
          }) : () -> ()
          %dma_start3A = arith.constant 0 : i32
          %dma_start3A_66 = arith.constant 0 : i32
          %dma_start3A_67 = tpu.memref_slice %arg2[%dma_start3A, %dma_start3A_66] : memref<10000x128xf32, #tpu.memory_space<hbm>> -> memref<10000x128xf32, #tpu.memory_space<hbm>>
          tpu.enqueue_indirect_dma source(%dma_start3A_67 : memref<10000x128xf32, #tpu.memory_space<hbm>>) target(%arg13 : memref<128x128xf32, #tpu.memory_space<vmem>>) offsets(%arg9 : memref<128xi32, #tpu.memory_space<vmem>>) semaphore(%arg16 : memref<!tpu.dma_semaphore, #tpu.memory_space<semaphore_mem>>)
        } else {
        }
        %mul3A_58 = arith.constant 128 : i32
        %mul3A_59 = arith.muli %while3A_41, %mul3A_58 : i32
        %run_scoped3A_60 = arith.constant 0 : i32
        "tpu.region"() ({
          %run_scoped3A_61 = tpu.sem_alloc : memref<!tpu.dma_semaphore, #tpu.memory_space<semaphore_mem>>
          %dma_start3A = tpu.memref_slice %arg4[%add3A, %run_scoped3A_60, %mul3A_59] : memref<32x1x320128xi32, #tpu.memory_space<hbm>> -> memref<1x1x128xi32, #tpu.memory_space<hbm>>
          %dma_start3A_62 = tpu.memref_squeeze %dma_start3A : memref<1x1x128xi32, #tpu.memory_space<hbm>> -> memref<128xi32, #tpu.memory_space<hbm>>
          %dma_start3A_63 = tpu.memref_slice %arg4[%add3A, %run_scoped3A_60, %mul3A_59] : memref<32x1x320128xi32, #tpu.memory_space<hbm>> -> memref<1x1x128xi32, #tpu.memory_space<hbm>>
          %dma_start3A_64 = tpu.memref_squeeze %dma_start3A_63 : memref<1x1x128xi32, #tpu.memory_space<hbm>> -> memref<128xi32, #tpu.memory_space<hbm>>
          tpu.enqueue_dma source(%dma_start3A_64 : memref<128xi32, #tpu.memory_space<hbm>>) target(%arg10 : memref<128xi32, #tpu.memory_space<vmem>>) target_semaphore(%run_scoped3A_61 : memref<!tpu.dma_semaphore, #tpu.memory_space<semaphore_mem>>)
          %dma_wait3A_65 = tpu.memref_slice %arg4[%add3A, %run_scoped3A_60, %mul3A_59] : memref<32x1x320128xi32, #tpu.memory_space<hbm>> -> memref<1x1x128xi32, #tpu.memory_space<hbm>>
          %dma_wait3A_66 = tpu.memref_squeeze %dma_wait3A_65 : memref<1x1x128xi32, #tpu.memory_space<hbm>> -> memref<128xi32, #tpu.memory_space<hbm>>
          %dma_wait3A_67 = tpu.memref_slice %arg4[%add3A, %run_scoped3A_60, %mul3A_59] : memref<32x1x320128xi32, #tpu.memory_space<hbm>> -> memref<1x1x128xi32, #tpu.memory_space<hbm>>
          %dma_wait3A_68 = tpu.memref_squeeze %dma_wait3A_67 : memref<1x1x128xi32, #tpu.memory_space<hbm>> -> memref<128xi32, #tpu.memory_space<hbm>>
          tpu.wait_dma2 semaphore(%run_scoped3A_61 : memref<!tpu.dma_semaphore, #tpu.memory_space<semaphore_mem>>) src(%dma_wait3A_68 : memref<128xi32, #tpu.memory_space<hbm>>) dst(%arg10 : memref<128xi32, #tpu.memory_space<vmem>>)
          tpu.yield
        }) : () -> ()
        "tpu.region"() ({
          %run_scoped3A_61 = tpu.sem_alloc : memref<!tpu.dma_semaphore, #tpu.memory_space<semaphore_mem>>
          %dma_start3A = arith.constant 0 : i32
          %dma_start3A_62 = arith.constant 0 : i32
          %dma_start3A_63 = tpu.memref_slice %arg14[%dma_start3A, %dma_start3A_62] : memref<5120x128xf32, #tpu.memory_space<vmem_shared>> -> memref<5120x128xf32, #tpu.memory_space<vmem_shared>>
          tpu.enqueue_indirect_dma source(%arg12 : memref<128x128xf32, #tpu.memory_space<vmem>>) target(%dma_start3A_63 : memref<5120x128xf32, #tpu.memory_space<vmem_shared>>) offsets(%arg10 : memref<128xi32, #tpu.memory_space<vmem>>) semaphore(%run_scoped3A_61 : memref<!tpu.dma_semaphore, #tpu.memory_space<semaphore_mem>>) {add = true}
          %dma_wait3A_64 = arith.constant 0 : i32
          %dma_wait3A_65 = arith.constant 0 : i32
          %dma_wait3A_66 = tpu.memref_slice %arg14[%dma_wait3A_64, %dma_wait3A_65] : memref<5120x128xf32, #tpu.memory_space<vmem_shared>> -> memref<5120x128xf32, #tpu.memory_space<vmem_shared>>
          tpu.wait_indirect_dma semaphore(%run_scoped3A_61 : memref<!tpu.dma_semaphore, #tpu.memory_space<semaphore_mem>>) src(%arg12 : memref<128x128xf32, #tpu.memory_space<vmem>>) dst(%dma_wait3A_66 : memref<5120x128xf32, #tpu.memory_space<vmem_shared>>)
          tpu.yield
        }) : () -> ()
      } else {
      }
      %not3A = arith.constant true
      %not3A_47 = arith.xori %eq3A_43, %not3A : i1
      %convert_element_type3A_48 = arith.extui %not3A_47 : i1 to i32
      %cond3A_49 = arith.constant 0 : i32
      %cond3A_50 = arith.cmpi ne, %convert_element_type3A_48, %cond3A_49 : i32
      scf.if %cond3A_50 {
        %dma_wait3A = arith.constant 0 : i32
        %dma_wait3A_51 = arith.constant 0 : i32
        %dma_wait3A_52 = tpu.memref_slice %arg2[%dma_wait3A, %dma_wait3A_51] : memref<10000x128xf32, #tpu.memory_space<hbm>> -> memref<10000x128xf32, #tpu.memory_space<hbm>>
        tpu.wait_indirect_dma semaphore(%arg16 : memref<!tpu.dma_semaphore, #tpu.memory_space<semaphore_mem>>) src(%dma_wait3A_52 : memref<10000x128xf32, #tpu.memory_space<hbm>>) dst(%arg13 : memref<128x128xf32, #tpu.memory_space<vmem>>)
        %add3A_53 = arith.constant 1 : i32
        %add3A_54 = arith.addi %while3A_41, %add3A_53 : i32
        %lt3A = arith.cmpi slt, %add3A_54, %reduce_max3A_24 : i32
        %convert_element_type3A_55 = arith.extui %lt3A : i1 to i32
        %cond3A_56 = arith.constant 0 : i32
        %cond3A_57 = arith.cmpi ne, %convert_element_type3A_55, %cond3A_56 : i32
        scf.if %cond3A_57 {
          %add3A_61 = arith.constant 1 : i32
          %add3A_62 = arith.addi %while3A_41, %add3A_61 : i32
          %mul3A_63 = arith.constant 128 : i32
          %mul3A_64 = arith.muli %add3A_62, %mul3A_63 : i32
          %run_scoped3A_65 = arith.constant 0 : i32
          "tpu.region"() ({
            %run_scoped3A_68 = tpu.sem_alloc : memref<!tpu.dma_semaphore, #tpu.memory_space<semaphore_mem>>
            %dma_start3A_69 = tpu.memref_slice %arg3[%add3A, %run_scoped3A_65, %mul3A_64] : memref<32x1x320128xi32, #tpu.memory_space<hbm>> -> memref<1x1x128xi32, #tpu.memory_space<hbm>>
            %dma_start3A_70 = tpu.memref_squeeze %dma_start3A_69 : memref<1x1x128xi32, #tpu.memory_space<hbm>> -> memref<128xi32, #tpu.memory_space<hbm>>
            %dma_start3A_71 = tpu.memref_slice %arg3[%add3A, %run_scoped3A_65, %mul3A_64] : memref<32x1x320128xi32, #tpu.memory_space<hbm>> -> memref<1x1x128xi32, #tpu.memory_space<hbm>>
            %dma_start3A_72 = tpu.memref_squeeze %dma_start3A_71 : memref<1x1x128xi32, #tpu.memory_space<hbm>> -> memref<128xi32, #tpu.memory_space<hbm>>
            tpu.enqueue_dma source(%dma_start3A_72 : memref<128xi32, #tpu.memory_space<hbm>>) target(%arg8 : memref<128xi32, #tpu.memory_space<vmem>>) target_semaphore(%run_scoped3A_68 : memref<!tpu.dma_semaphore, #tpu.memory_space<semaphore_mem>>)
            %dma_wait3A_73 = tpu.memref_slice %arg3[%add3A, %run_scoped3A_65, %mul3A_64] : memref<32x1x320128xi32, #tpu.memory_space<hbm>> -> memref<1x1x128xi32, #tpu.memory_space<hbm>>
            %dma_wait3A_74 = tpu.memref_squeeze %dma_wait3A_73 : memref<1x1x128xi32, #tpu.memory_space<hbm>> -> memref<128xi32, #tpu.memory_space<hbm>>
            %dma_wait3A_75 = tpu.memref_slice %arg3[%add3A, %run_scoped3A_65, %mul3A_64] : memref<32x1x320128xi32, #tpu.memory_space<hbm>> -> memref<1x1x128xi32, #tpu.memory_space<hbm>>
            %dma_wait3A_76 = tpu.memref_squeeze %dma_wait3A_75 : memref<1x1x128xi32, #tpu.memory_space<hbm>> -> memref<128xi32, #tpu.memory_space<hbm>>
            tpu.wait_dma2 semaphore(%run_scoped3A_68 : memref<!tpu.dma_semaphore, #tpu.memory_space<semaphore_mem>>) src(%dma_wait3A_76 : memref<128xi32, #tpu.memory_space<hbm>>) dst(%arg8 : memref<128xi32, #tpu.memory_space<vmem>>)
            tpu.yield
          }) : () -> ()
          %dma_start3A = arith.constant 0 : i32
          %dma_start3A_66 = arith.constant 0 : i32
          %dma_start3A_67 = tpu.memref_slice %arg2[%dma_start3A, %dma_start3A_66] : memref<10000x128xf32, #tpu.memory_space<hbm>> -> memref<10000x128xf32, #tpu.memory_space<hbm>>
          tpu.enqueue_indirect_dma source(%dma_start3A_67 : memref<10000x128xf32, #tpu.memory_space<hbm>>) target(%arg12 : memref<128x128xf32, #tpu.memory_space<vmem>>) offsets(%arg8 : memref<128xi32, #tpu.memory_space<vmem>>) semaphore(%arg15 : memref<!tpu.dma_semaphore, #tpu.memory_space<semaphore_mem>>)
        } else {
        }
        %mul3A_58 = arith.constant 128 : i32
        %mul3A_59 = arith.muli %while3A_41, %mul3A_58 : i32
        %run_scoped3A_60 = arith.constant 0 : i32
        "tpu.region"() ({
          %run_scoped3A_61 = tpu.sem_alloc : memref<!tpu.dma_semaphore, #tpu.memory_space<semaphore_mem>>
          %dma_start3A = tpu.memref_slice %arg4[%add3A, %run_scoped3A_60, %mul3A_59] : memref<32x1x320128xi32, #tpu.memory_space<hbm>> -> memref<1x1x128xi32, #tpu.memory_space<hbm>>
          %dma_start3A_62 = tpu.memref_squeeze %dma_start3A : memref<1x1x128xi32, #tpu.memory_space<hbm>> -> memref<128xi32, #tpu.memory_space<hbm>>
          %dma_start3A_63 = tpu.memref_slice %arg4[%add3A, %run_scoped3A_60, %mul3A_59] : memref<32x1x320128xi32, #tpu.memory_space<hbm>> -> memref<1x1x128xi32, #tpu.memory_space<hbm>>
          %dma_start3A_64 = tpu.memref_squeeze %dma_start3A_63 : memref<1x1x128xi32, #tpu.memory_space<hbm>> -> memref<128xi32, #tpu.memory_space<hbm>>
          tpu.enqueue_dma source(%dma_start3A_64 : memref<128xi32, #tpu.memory_space<hbm>>) target(%arg11 : memref<128xi32, #tpu.memory_space<vmem>>) target_semaphore(%run_scoped3A_61 : memref<!tpu.dma_semaphore, #tpu.memory_space<semaphore_mem>>)
          %dma_wait3A_65 = tpu.memref_slice %arg4[%add3A, %run_scoped3A_60, %mul3A_59] : memref<32x1x320128xi32, #tpu.memory_space<hbm>> -> memref<1x1x128xi32, #tpu.memory_space<hbm>>
          %dma_wait3A_66 = tpu.memref_squeeze %dma_wait3A_65 : memref<1x1x128xi32, #tpu.memory_space<hbm>> -> memref<128xi32, #tpu.memory_space<hbm>>
          %dma_wait3A_67 = tpu.memref_slice %arg4[%add3A, %run_scoped3A_60, %mul3A_59] : memref<32x1x320128xi32, #tpu.memory_space<hbm>> -> memref<1x1x128xi32, #tpu.memory_space<hbm>>
          %dma_wait3A_68 = tpu.memref_squeeze %dma_wait3A_67 : memref<1x1x128xi32, #tpu.memory_space<hbm>> -> memref<128xi32, #tpu.memory_space<hbm>>
          tpu.wait_dma2 semaphore(%run_scoped3A_61 : memref<!tpu.dma_semaphore, #tpu.memory_space<semaphore_mem>>) src(%dma_wait3A_68 : memref<128xi32, #tpu.memory_space<hbm>>) dst(%arg11 : memref<128xi32, #tpu.memory_space<vmem>>)
          tpu.yield
        }) : () -> ()
        "tpu.region"() ({
          %run_scoped3A_61 = tpu.sem_alloc : memref<!tpu.dma_semaphore, #tpu.memory_space<semaphore_mem>>
          %dma_start3A = arith.constant 0 : i32
          %dma_start3A_62 = arith.constant 0 : i32
          %dma_start3A_63 = tpu.memref_slice %arg14[%dma_start3A, %dma_start3A_62] : memref<5120x128xf32, #tpu.memory_space<vmem_shared>> -> memref<5120x128xf32, #tpu.memory_space<vmem_shared>>
          tpu.enqueue_indirect_dma source(%arg13 : memref<128x128xf32, #tpu.memory_space<vmem>>) target(%dma_start3A_63 : memref<5120x128xf32, #tpu.memory_space<vmem_shared>>) offsets(%arg11 : memref<128xi32, #tpu.memory_space<vmem>>) semaphore(%run_scoped3A_61 : memref<!tpu.dma_semaphore, #tpu.memory_space<semaphore_mem>>) {add = true}
          %dma_wait3A_64 = arith.constant 0 : i32
          %dma_wait3A_65 = arith.constant 0 : i32
          %dma_wait3A_66 = tpu.memref_slice %arg14[%dma_wait3A_64, %dma_wait3A_65] : memref<5120x128xf32, #tpu.memory_space<vmem_shared>> -> memref<5120x128xf32, #tpu.memory_space<vmem_shared>>
          tpu.wait_indirect_dma semaphore(%run_scoped3A_61 : memref<!tpu.dma_semaphore, #tpu.memory_space<semaphore_mem>>) src(%arg13 : memref<128x128xf32, #tpu.memory_space<vmem>>) dst(%dma_wait3A_66 : memref<5120x128xf32, #tpu.memory_space<vmem_shared>>)
          tpu.yield
        }) : () -> ()
      } else {
      }
    }
    %while3A_35 = arith.constant 1 : i32
    scf.for %while3A_41 = %while3A_33 to %while3A_29 step %while3A_35  : i32 {
      %rem3A = arith.constant 2 : i32
      %rem3A_42 = arith.remsi %while3A_41, %rem3A : i32
      %eq3A = arith.constant 0 : i32
      %eq3A_43 = arith.cmpi eq, %rem3A_42, %eq3A : i32
      %convert_element_type3A_44 = arith.extui %eq3A_43 : i1 to i32
      %cond3A_45 = arith.constant 0 : i32
      %cond3A_46 = arith.cmpi ne, %convert_element_type3A_44, %cond3A_45 : i32
      scf.if %cond3A_46 {
        %dma_wait3A = arith.constant 0 : i32
        %dma_wait3A_51 = arith.constant 0 : i32
        %dma_wait3A_52 = tpu.memref_slice %arg2[%dma_wait3A, %dma_wait3A_51] : memref<10000x128xf32, #tpu.memory_space<hbm>> -> memref<10000x128xf32, #tpu.memory_space<hbm>>
        tpu.wait_indirect_dma semaphore(%arg15 : memref<!tpu.dma_semaphore, #tpu.memory_space<semaphore_mem>>) src(%dma_wait3A_52 : memref<10000x128xf32, #tpu.memory_space<hbm>>) dst(%arg12 : memref<128x128xf32, #tpu.memory_space<vmem>>)
        %add3A_53 = arith.constant 1 : i32
        %add3A_54 = arith.addi %while3A_41, %add3A_53 : i32
        %lt3A = arith.cmpi slt, %add3A_54, %reduce_max3A_24 : i32
        %convert_element_type3A_55 = arith.extui %lt3A : i1 to i32
        %cond3A_56 = arith.constant 0 : i32
        %cond3A_57 = arith.cmpi ne, %convert_element_type3A_55, %cond3A_56 : i32
        scf.if %cond3A_57 {
          %add3A_61 = arith.constant 1 : i32
          %add3A_62 = arith.addi %while3A_41, %add3A_61 : i32
          %mul3A_63 = arith.constant 128 : i32
          %mul3A_64 = arith.muli %add3A_62, %mul3A_63 : i32
          %run_scoped3A_65 = arith.constant 0 : i32
          "tpu.region"() ({
            %run_scoped3A_68 = tpu.sem_alloc : memref<!tpu.dma_semaphore, #tpu.memory_space<semaphore_mem>>
            %dma_start3A_69 = tpu.memref_slice %arg3[%add3A, %run_scoped3A_65, %mul3A_64] : memref<32x1x320128xi32, #tpu.memory_space<hbm>> -> memref<1x1x128xi32, #tpu.memory_space<hbm>>
            %dma_start3A_70 = tpu.memref_squeeze %dma_start3A_69 : memref<1x1x128xi32, #tpu.memory_space<hbm>> -> memref<128xi32, #tpu.memory_space<hbm>>
            %dma_start3A_71 = tpu.memref_slice %arg3[%add3A, %run_scoped3A_65, %mul3A_64] : memref<32x1x320128xi32, #tpu.memory_space<hbm>> -> memref<1x1x128xi32, #tpu.memory_space<hbm>>
            %dma_start3A_72 = tpu.memref_squeeze %dma_start3A_71 : memref<1x1x128xi32, #tpu.memory_space<hbm>> -> memref<128xi32, #tpu.memory_space<hbm>>
            tpu.enqueue_dma source(%dma_start3A_72 : memref<128xi32, #tpu.memory_space<hbm>>) target(%arg9 : memref<128xi32, #tpu.memory_space<vmem>>) target_semaphore(%run_scoped3A_68 : memref<!tpu.dma_semaphore, #tpu.memory_space<semaphore_mem>>)
            %dma_wait3A_73 = tpu.memref_slice %arg3[%add3A, %run_scoped3A_65, %mul3A_64] : memref<32x1x320128xi32, #tpu.memory_space<hbm>> -> memref<1x1x128xi32, #tpu.memory_space<hbm>>
            %dma_wait3A_74 = tpu.memref_squeeze %dma_wait3A_73 : memref<1x1x128xi32, #tpu.memory_space<hbm>> -> memref<128xi32, #tpu.memory_space<hbm>>
            %dma_wait3A_75 = tpu.memref_slice %arg3[%add3A, %run_scoped3A_65, %mul3A_64] : memref<32x1x320128xi32, #tpu.memory_space<hbm>> -> memref<1x1x128xi32, #tpu.memory_space<hbm>>
            %dma_wait3A_76 = tpu.memref_squeeze %dma_wait3A_75 : memref<1x1x128xi32, #tpu.memory_space<hbm>> -> memref<128xi32, #tpu.memory_space<hbm>>
            tpu.wait_dma2 semaphore(%run_scoped3A_68 : memref<!tpu.dma_semaphore, #tpu.memory_space<semaphore_mem>>) src(%dma_wait3A_76 : memref<128xi32, #tpu.memory_space<hbm>>) dst(%arg9 : memref<128xi32, #tpu.memory_space<vmem>>)
            tpu.yield
          }) : () -> ()
          %dma_start3A = arith.constant 0 : i32
          %dma_start3A_66 = arith.constant 0 : i32
          %dma_start3A_67 = tpu.memref_slice %arg2[%dma_start3A, %dma_start3A_66] : memref<10000x128xf32, #tpu.memory_space<hbm>> -> memref<10000x128xf32, #tpu.memory_space<hbm>>
          tpu.enqueue_indirect_dma source(%dma_start3A_67 : memref<10000x128xf32, #tpu.memory_space<hbm>>) target(%arg13 : memref<128x128xf32, #tpu.memory_space<vmem>>) offsets(%arg9 : memref<128xi32, #tpu.memory_space<vmem>>) semaphore(%arg16 : memref<!tpu.dma_semaphore, #tpu.memory_space<semaphore_mem>>)
        } else {
        }
        %mul3A_58 = arith.constant 128 : i32
        %mul3A_59 = arith.muli %while3A_41, %mul3A_58 : i32
        %run_scoped3A_60 = arith.constant 0 : i32
        "tpu.region"() ({
          %run_scoped3A_61 = tpu.sem_alloc : memref<!tpu.dma_semaphore, #tpu.memory_space<semaphore_mem>>
          %dma_start3A = tpu.memref_slice %arg4[%add3A, %run_scoped3A_60, %mul3A_59] : memref<32x1x320128xi32, #tpu.memory_space<hbm>> -> memref<1x1x128xi32, #tpu.memory_space<hbm>>
          %dma_start3A_62 = tpu.memref_squeeze %dma_start3A : memref<1x1x128xi32, #tpu.memory_space<hbm>> -> memref<128xi32, #tpu.memory_space<hbm>>
          %dma_start3A_63 = tpu.memref_slice %arg4[%add3A, %run_scoped3A_60, %mul3A_59] : memref<32x1x320128xi32, #tpu.memory_space<hbm>> -> memref<1x1x128xi32, #tpu.memory_space<hbm>>
          %dma_start3A_64 = tpu.memref_squeeze %dma_start3A_63 : memref<1x1x128xi32, #tpu.memory_space<hbm>> -> memref<128xi32, #tpu.memory_space<hbm>>
          tpu.enqueue_dma source(%dma_start3A_64 : memref<128xi32, #tpu.memory_space<hbm>>) target(%arg10 : memref<128xi32, #tpu.memory_space<vmem>>) target_semaphore(%run_scoped3A_61 : memref<!tpu.dma_semaphore, #tpu.memory_space<semaphore_mem>>)
          %dma_wait3A_65 = tpu.memref_slice %arg4[%add3A, %run_scoped3A_60, %mul3A_59] : memref<32x1x320128xi32, #tpu.memory_space<hbm>> -> memref<1x1x128xi32, #tpu.memory_space<hbm>>
          %dma_wait3A_66 = tpu.memref_squeeze %dma_wait3A_65 : memref<1x1x128xi32, #tpu.memory_space<hbm>> -> memref<128xi32, #tpu.memory_space<hbm>>
          %dma_wait3A_67 = tpu.memref_slice %arg4[%add3A, %run_scoped3A_60, %mul3A_59] : memref<32x1x320128xi32, #tpu.memory_space<hbm>> -> memref<1x1x128xi32, #tpu.memory_space<hbm>>
          %dma_wait3A_68 = tpu.memref_squeeze %dma_wait3A_67 : memref<1x1x128xi32, #tpu.memory_space<hbm>> -> memref<128xi32, #tpu.memory_space<hbm>>
          tpu.wait_dma2 semaphore(%run_scoped3A_61 : memref<!tpu.dma_semaphore, #tpu.memory_space<semaphore_mem>>) src(%dma_wait3A_68 : memref<128xi32, #tpu.memory_space<hbm>>) dst(%arg10 : memref<128xi32, #tpu.memory_space<vmem>>)
          tpu.yield
        }) : () -> ()
        "tpu.region"() ({
          %run_scoped3A_61 = tpu.sem_alloc : memref<!tpu.dma_semaphore, #tpu.memory_space<semaphore_mem>>
          %dma_start3A = arith.constant 0 : i32
          %dma_start3A_62 = arith.constant 0 : i32
          %dma_start3A_63 = tpu.memref_slice %arg14[%dma_start3A, %dma_start3A_62] : memref<5120x128xf32, #tpu.memory_space<vmem_shared>> -> memref<5120x128xf32, #tpu.memory_space<vmem_shared>>
          tpu.enqueue_indirect_dma source(%arg12 : memref<128x128xf32, #tpu.memory_space<vmem>>) target(%dma_start3A_63 : memref<5120x128xf32, #tpu.memory_space<vmem_shared>>) offsets(%arg10 : memref<128xi32, #tpu.memory_space<vmem>>) semaphore(%run_scoped3A_61 : memref<!tpu.dma_semaphore, #tpu.memory_space<semaphore_mem>>) {add = true}
          %dma_wait3A_64 = arith.constant 0 : i32
          %dma_wait3A_65 = arith.constant 0 : i32
          %dma_wait3A_66 = tpu.memref_slice %arg14[%dma_wait3A_64, %dma_wait3A_65] : memref<5120x128xf32, #tpu.memory_space<vmem_shared>> -> memref<5120x128xf32, #tpu.memory_space<vmem_shared>>
          tpu.wait_indirect_dma semaphore(%run_scoped3A_61 : memref<!tpu.dma_semaphore, #tpu.memory_space<semaphore_mem>>) src(%arg12 : memref<128x128xf32, #tpu.memory_space<vmem>>) dst(%dma_wait3A_66 : memref<5120x128xf32, #tpu.memory_space<vmem_shared>>)
          tpu.yield
        }) : () -> ()
      } else {
      }
      %not3A = arith.constant true
      %not3A_47 = arith.xori %eq3A_43, %not3A : i1
      %convert_element_type3A_48 = arith.extui %not3A_47 : i1 to i32
      %cond3A_49 = arith.constant 0 : i32
      %cond3A_50 = arith.cmpi ne, %convert_element_type3A_48, %cond3A_49 : i32
      scf.if %cond3A_50 {
        %dma_wait3A = arith.constant 0 : i32
        %dma_wait3A_51 = arith.constant 0 : i32
        %dma_wait3A_52 = tpu.memref_slice %arg2[%dma_wait3A, %dma_wait3A_51] : memref<10000x128xf32, #tpu.memory_space<hbm>> -> memref<10000x128xf32, #tpu.memory_space<hbm>>
        tpu.wait_indirect_dma semaphore(%arg16 : memref<!tpu.dma_semaphore, #tpu.memory_space<semaphore_mem>>) src(%dma_wait3A_52 : memref<10000x128xf32, #tpu.memory_space<hbm>>) dst(%arg13 : memref<128x128xf32, #tpu.memory_space<vmem>>)
        %add3A_53 = arith.constant 1 : i32
        %add3A_54 = arith.addi %while3A_41, %add3A_53 : i32
        %lt3A = arith.cmpi slt, %add3A_54, %reduce_max3A_24 : i32
        %convert_element_type3A_55 = arith.extui %lt3A : i1 to i32
        %cond3A_56 = arith.constant 0 : i32
        %cond3A_57 = arith.cmpi ne, %convert_element_type3A_55, %cond3A_56 : i32
        scf.if %cond3A_57 {
          %add3A_61 = arith.constant 1 : i32
          %add3A_62 = arith.addi %while3A_41, %add3A_61 : i32
          %mul3A_63 = arith.constant 128 : i32
          %mul3A_64 = arith.muli %add3A_62, %mul3A_63 : i32
          %run_scoped3A_65 = arith.constant 0 : i32
          "tpu.region"() ({
            %run_scoped3A_68 = tpu.sem_alloc : memref<!tpu.dma_semaphore, #tpu.memory_space<semaphore_mem>>
            %dma_start3A_69 = tpu.memref_slice %arg3[%add3A, %run_scoped3A_65, %mul3A_64] : memref<32x1x320128xi32, #tpu.memory_space<hbm>> -> memref<1x1x128xi32, #tpu.memory_space<hbm>>
            %dma_start3A_70 = tpu.memref_squeeze %dma_start3A_69 : memref<1x1x128xi32, #tpu.memory_space<hbm>> -> memref<128xi32, #tpu.memory_space<hbm>>
            %dma_start3A_71 = tpu.memref_slice %arg3[%add3A, %run_scoped3A_65, %mul3A_64] : memref<32x1x320128xi32, #tpu.memory_space<hbm>> -> memref<1x1x128xi32, #tpu.memory_space<hbm>>
            %dma_start3A_72 = tpu.memref_squeeze %dma_start3A_71 : memref<1x1x128xi32, #tpu.memory_space<hbm>> -> memref<128xi32, #tpu.memory_space<hbm>>
            tpu.enqueue_dma source(%dma_start3A_72 : memref<128xi32, #tpu.memory_space<hbm>>) target(%arg8 : memref<128xi32, #tpu.memory_space<vmem>>) target_semaphore(%run_scoped3A_68 : memref<!tpu.dma_semaphore, #tpu.memory_space<semaphore_mem>>)
            %dma_wait3A_73 = tpu.memref_slice %arg3[%add3A, %run_scoped3A_65, %mul3A_64] : memref<32x1x320128xi32, #tpu.memory_space<hbm>> -> memref<1x1x128xi32, #tpu.memory_space<hbm>>
            %dma_wait3A_74 = tpu.memref_squeeze %dma_wait3A_73 : memref<1x1x128xi32, #tpu.memory_space<hbm>> -> memref<128xi32, #tpu.memory_space<hbm>>
            %dma_wait3A_75 = tpu.memref_slice %arg3[%add3A, %run_scoped3A_65, %mul3A_64] : memref<32x1x320128xi32, #tpu.memory_space<hbm>> -> memref<1x1x128xi32, #tpu.memory_space<hbm>>
            %dma_wait3A_76 = tpu.memref_squeeze %dma_wait3A_75 : memref<1x1x128xi32, #tpu.memory_space<hbm>> -> memref<128xi32, #tpu.memory_space<hbm>>
            tpu.wait_dma2 semaphore(%run_scoped3A_68 : memref<!tpu.dma_semaphore, #tpu.memory_space<semaphore_mem>>) src(%dma_wait3A_76 : memref<128xi32, #tpu.memory_space<hbm>>) dst(%arg8 : memref<128xi32, #tpu.memory_space<vmem>>)
            tpu.yield
          }) : () -> ()
          %dma_start3A = arith.constant 0 : i32
          %dma_start3A_66 = arith.constant 0 : i32
          %dma_start3A_67 = tpu.memref_slice %arg2[%dma_start3A, %dma_start3A_66] : memref<10000x128xf32, #tpu.memory_space<hbm>> -> memref<10000x128xf32, #tpu.memory_space<hbm>>
          tpu.enqueue_indirect_dma source(%dma_start3A_67 : memref<10000x128xf32, #tpu.memory_space<hbm>>) target(%arg12 : memref<128x128xf32, #tpu.memory_space<vmem>>) offsets(%arg8 : memref<128xi32, #tpu.memory_space<vmem>>) semaphore(%arg15 : memref<!tpu.dma_semaphore, #tpu.memory_space<semaphore_mem>>)
        } else {
        }
        %mul3A_58 = arith.constant 128 : i32
        %mul3A_59 = arith.muli %while3A_41, %mul3A_58 : i32
        %run_scoped3A_60 = arith.constant 0 : i32
        "tpu.region"() ({
          %run_scoped3A_61 = tpu.sem_alloc : memref<!tpu.dma_semaphore, #tpu.memory_space<semaphore_mem>>
          %dma_start3A = tpu.memref_slice %arg4[%add3A, %run_scoped3A_60, %mul3A_59] : memref<32x1x320128xi32, #tpu.memory_space<hbm>> -> memref<1x1x128xi32, #tpu.memory_space<hbm>>
          %dma_start3A_62 = tpu.memref_squeeze %dma_start3A : memref<1x1x128xi32, #tpu.memory_space<hbm>> -> memref<128xi32, #tpu.memory_space<hbm>>
          %dma_start3A_63 = tpu.memref_slice %arg4[%add3A, %run_scoped3A_60, %mul3A_59] : memref<32x1x320128xi32, #tpu.memory_space<hbm>> -> memref<1x1x128xi32, #tpu.memory_space<hbm>>
          %dma_start3A_64 = tpu.memref_squeeze %dma_start3A_63 : memref<1x1x128xi32, #tpu.memory_space<hbm>> -> memref<128xi32, #tpu.memory_space<hbm>>
          tpu.enqueue_dma source(%dma_start3A_64 : memref<128xi32, #tpu.memory_space<hbm>>) target(%arg11 : memref<128xi32, #tpu.memory_space<vmem>>) target_semaphore(%run_scoped3A_61 : memref<!tpu.dma_semaphore, #tpu.memory_space<semaphore_mem>>)
          %dma_wait3A_65 = tpu.memref_slice %arg4[%add3A, %run_scoped3A_60, %mul3A_59] : memref<32x1x320128xi32, #tpu.memory_space<hbm>> -> memref<1x1x128xi32, #tpu.memory_space<hbm>>
          %dma_wait3A_66 = tpu.memref_squeeze %dma_wait3A_65 : memref<1x1x128xi32, #tpu.memory_space<hbm>> -> memref<128xi32, #tpu.memory_space<hbm>>
          %dma_wait3A_67 = tpu.memref_slice %arg4[%add3A, %run_scoped3A_60, %mul3A_59] : memref<32x1x320128xi32, #tpu.memory_space<hbm>> -> memref<1x1x128xi32, #tpu.memory_space<hbm>>
          %dma_wait3A_68 = tpu.memref_squeeze %dma_wait3A_67 : memref<1x1x128xi32, #tpu.memory_space<hbm>> -> memref<128xi32, #tpu.memory_space<hbm>>
          tpu.wait_dma2 semaphore(%run_scoped3A_61 : memref<!tpu.dma_semaphore, #tpu.memory_space<semaphore_mem>>) src(%dma_wait3A_68 : memref<128xi32, #tpu.memory_space<hbm>>) dst(%arg11 : memref<128xi32, #tpu.memory_space<vmem>>)
          tpu.yield
        }) : () -> ()
        "tpu.region"() ({
          %run_scoped3A_61 = tpu.sem_alloc : memref<!tpu.dma_semaphore, #tpu.memory_space<semaphore_mem>>
          %dma_start3A = arith.constant 0 : i32
          %dma_start3A_62 = arith.constant 0 : i32
          %dma_start3A_63 = tpu.memref_slice %arg14[%dma_start3A, %dma_start3A_62] : memref<5120x128xf32, #tpu.memory_space<vmem_shared>> -> memref<5120x128xf32, #tpu.memory_space<vmem_shared>>
          tpu.enqueue_indirect_dma source(%arg13 : memref<128x128xf32, #tpu.memory_space<vmem>>) target(%dma_start3A_63 : memref<5120x128xf32, #tpu.memory_space<vmem_shared>>) offsets(%arg11 : memref<128xi32, #tpu.memory_space<vmem>>) semaphore(%run_scoped3A_61 : memref<!tpu.dma_semaphore, #tpu.memory_space<semaphore_mem>>) {add = true}
          %dma_wait3A_64 = arith.constant 0 : i32
          %dma_wait3A_65 = arith.constant 0 : i32
          %dma_wait3A_66 = tpu.memref_slice %arg14[%dma_wait3A_64, %dma_wait3A_65] : memref<5120x128xf32, #tpu.memory_space<vmem_shared>> -> memref<5120x128xf32, #tpu.memory_space<vmem_shared>>
          tpu.wait_indirect_dma semaphore(%run_scoped3A_61 : memref<!tpu.dma_semaphore, #tpu.memory_space<semaphore_mem>>) src(%arg13 : memref<128x128xf32, #tpu.memory_space<vmem>>) dst(%dma_wait3A_66 : memref<5120x128xf32, #tpu.memory_space<vmem_shared>>)
          tpu.yield
        }) : () -> ()
      } else {
      }
    }
    %barrier3A_36 = arith.constant 0 : index
    tpu.barrier barrier_id(%barrier3A_36)
    %mul3A_37 = arith.constant 320 : i32
    %mul3A_38 = arith.muli %arg1, %mul3A_37 : i32
    %mul3A_39 = arith.constant 320 : i32
    %mul3A_40 = arith.muli %arg1, %mul3A_39 : i32
    "tpu.region"() ({
      %run_scoped3A_41 = tpu.sem_alloc : memref<!tpu.dma_semaphore, #tpu.memory_space<semaphore_mem>>
      %dma_start3A = arith.constant 0 : i32
      %dma_start3A_42 = tpu.memref_slice %arg6[%arg0, %mul3A_40, %dma_start3A] : memref<2x5120x128xf32, #tpu.memory_space<hbm>> -> memref<1x320x128xf32, #tpu.memory_space<hbm>>
      %dma_start3A_43 = tpu.memref_squeeze %dma_start3A_42 : memref<1x320x128xf32, #tpu.memory_space<hbm>> -> memref<320x128xf32, #tpu.memory_space<hbm>>
      %dma_start3A_44 = arith.constant 0 : i32
      %dma_start3A_45 = tpu.memref_slice %arg14[%mul3A_38, %dma_start3A_44] : memref<5120x128xf32, #tpu.memory_space<vmem_shared>> -> memref<320x128xf32, #tpu.memory_space<vmem_shared>>
      tpu.enqueue_dma source(%dma_start3A_45 : memref<320x128xf32, #tpu.memory_space<vmem_shared>>) target(%dma_start3A_43 : memref<320x128xf32, #tpu.memory_space<hbm>>) target_semaphore(%run_scoped3A_41 : memref<!tpu.dma_semaphore, #tpu.memory_space<semaphore_mem>>)
      %dma_wait3A = arith.constant 0 : i32
      %dma_wait3A_46 = tpu.memref_slice %arg6[%arg0, %mul3A_40, %dma_wait3A] : memref<2x5120x128xf32, #tpu.memory_space<hbm>> -> memref<1x320x128xf32, #tpu.memory_space<hbm>>
      %dma_wait3A_47 = tpu.memref_squeeze %dma_wait3A_46 : memref<1x320x128xf32, #tpu.memory_space<hbm>> -> memref<320x128xf32, #tpu.memory_space<hbm>>
      %dma_wait3A_48 = arith.constant 0 : i32
      %dma_wait3A_49 = tpu.memref_slice %arg14[%mul3A_38, %dma_wait3A_48] : memref<5120x128xf32, #tpu.memory_space<vmem_shared>> -> memref<320x128xf32, #tpu.memory_space<vmem_shared>>
      tpu.wait_dma2 semaphore(%run_scoped3A_41 : memref<!tpu.dma_semaphore, #tpu.memory_space<semaphore_mem>>) src(%dma_wait3A_49 : memref<320x128xf32, #tpu.memory_space<vmem_shared>>) dst(%dma_wait3A_47 : memref<320x128xf32, #tpu.memory_space<hbm>>)
      tpu.yield
    }) : () -> ()
    return
  }
}

module attributes {stable_mosaic.version = 14 : i64} {
  func.func @_conv_body(%arg0: i32, %arg1: memref<1000x128xf32, #tpu.memory_space<vmem>>, %arg2: memref<1x1000x128xf32, #tpu.memory_space<vmem>>, %arg3: memref<1x128xf32, #tpu.memory_space<vmem>>, %arg4: memref<128x128xf32, #tpu.memory_space<vmem>>, %arg5: memref<1x128xf32, #tpu.memory_space<vmem>>, %arg6: memref<128x128xf32, #tpu.memory_space<vmem>>, %arg7: memref<1x128xf32, #tpu.memory_space<vmem>>, %arg8: memref<1000x128xf32, #tpu.memory_space<vmem>>) attributes {dimension_semantics = [#tpu.dimension_semantics<arbitrary>], iteration_bounds = array<i64: 10>, scalar_prefetch = 0 : i64, scratch_operands = 0 : i64, tpu.core_type = #tpu.core_type<tc>, window_params = [{transform_indices = @transform_0, window_bounds = array<i64: 1000, 128>}, {transform_indices = @transform_1, window_bounds = array<i64: 1, 1000, 128>}, {pipeline_mode = #tpu.pipeline_mode<synchronous>, transform_indices = @transform_2, window_bounds = array<i64: 1, 128>}, {pipeline_mode = #tpu.pipeline_mode<synchronous>, transform_indices = @transform_3, window_bounds = array<i64: 128, 128>}, {pipeline_mode = #tpu.pipeline_mode<synchronous>, transform_indices = @transform_4, window_bounds = array<i64: 1, 128>}, {pipeline_mode = #tpu.pipeline_mode<synchronous>, transform_indices = @transform_5, window_bounds = array<i64: 128, 128>}, {pipeline_mode = #tpu.pipeline_mode<synchronous>, transform_indices = @transform_6, window_bounds = array<i64: 1, 128>}, {transform_indices = @transform_7, window_bounds = array<i64: 1000, 128>}]} {
    %get3A = arith.constant 0 : index
    %get3A_0 = arith.constant 0 : index
    %get3A_1 = vector.load %arg3[%get3A, %get3A_0] : memref<1x128xf32, #tpu.memory_space<vmem>>, vector<1x128xf32>
    %get3A_2 = arith.constant 0 : index
    %get3A_3 = arith.constant 0 : index
    %get3A_4 = vector.load %arg1[%get3A_2, %get3A_3] : memref<1000x128xf32, #tpu.memory_space<vmem>>, vector<1000x128xf32>
    %mul3A = vector.broadcast %get3A_1 : vector<1x128xf32> to vector<1000x128xf32>
    %mul3A_5 = arith.mulf %mul3A, %get3A_4 : vector<1000x128xf32>
    %get3A_6 = arith.constant 0 : index
    %get3A_7 = arith.constant 0 : index
    %get3A_8 = arith.constant 0 : index
    %get3A_9 = vector.load %arg2[%get3A_6, %get3A_7, %get3A_8] : memref<1x1000x128xf32, #tpu.memory_space<vmem>>, vector<1x1000x128xf32>
    %get3A_10 = vector.shape_cast %get3A_9 : vector<1x1000x128xf32> to vector<1000x128xf32>
    %add3A = arith.addf %mul3A_5, %get3A_10 : vector<1000x128xf32>
    %get3A_11 = arith.constant 0 : index
    %get3A_12 = arith.constant 0 : index
    %get3A_13 = vector.load %arg4[%get3A_11, %get3A_12] : memref<128x128xf32, #tpu.memory_space<vmem>>, vector<128x128xf32>
    %dot_general3A = arith.constant dense<0.000000e+00> : vector<1000x128xf32>
    %dot_general3A_14 = tpu.matmul %add3A, %get3A_13, %dot_general3A {dimension_numbers = #tpu.dot_dimension_numbers<[1], [0], [0], [1], [0, 0, 1, 1], [], []>, transpose_lhs_hint = false} : vector<1000x128xf32>, vector<128x128xf32>, vector<1000x128xf32> -> vector<1000x128xf32>
    %get3A_15 = arith.constant 0 : index
    %get3A_16 = arith.constant 0 : index
    %get3A_17 = vector.load %arg5[%get3A_15, %get3A_16] : memref<1x128xf32, #tpu.memory_space<vmem>>, vector<1x128xf32>
    %add3A_18 = vector.broadcast %get3A_17 : vector<1x128xf32> to vector<1000x128xf32>
    %add3A_19 = arith.addf %dot_general3A_14, %add3A_18 : vector<1000x128xf32>
    %ge3A = arith.constant 0.000000e+00 : f32
    %ge3A_20 = vector.broadcast %ge3A : f32 to vector<1000x128xf32>
    %ge3A_21 = arith.cmpf oge, %add3A_19, %ge3A_20 : vector<1000x128xf32>
    %mul3A_22 = arith.constant 0.00999999977 : f32
    %mul3A_23 = vector.broadcast %mul3A_22 : f32 to vector<1000x128xf32>
    %mul3A_24 = arith.mulf %mul3A_23, %add3A_19 : vector<1000x128xf32>
    %select_n3A = arith.select %ge3A_21, %add3A_19, %mul3A_24 : vector<1000x128xi1>, vector<1000x128xf32>
    %get3A_25 = arith.constant 0 : index
    %get3A_26 = arith.constant 0 : index
    %get3A_27 = vector.load %arg6[%get3A_25, %get3A_26] : memref<128x128xf32, #tpu.memory_space<vmem>>, vector<128x128xf32>
    %dot_general3A_28 = arith.constant dense<0.000000e+00> : vector<1000x128xf32>
    %dot_general3A_29 = tpu.matmul %select_n3A, %get3A_27, %dot_general3A_28 {dimension_numbers = #tpu.dot_dimension_numbers<[1], [0], [0], [1], [0, 0, 1, 1], [], []>, transpose_lhs_hint = false} : vector<1000x128xf32>, vector<128x128xf32>, vector<1000x128xf32> -> vector<1000x128xf32>
    %get3A_30 = arith.constant 0 : index
    %get3A_31 = arith.constant 0 : index
    %get3A_32 = vector.load %arg7[%get3A_30, %get3A_31] : memref<1x128xf32, #tpu.memory_space<vmem>>, vector<1x128xf32>
    %add3A_33 = vector.broadcast %get3A_32 : vector<1x128xf32> to vector<1000x128xf32>
    %add3A_34 = arith.addf %dot_general3A_29, %add3A_33 : vector<1000x128xf32>
    %ge3A_35 = arith.constant 0.000000e+00 : f32
    %ge3A_36 = vector.broadcast %ge3A_35 : f32 to vector<1000x128xf32>
    %ge3A_37 = arith.cmpf oge, %add3A_34, %ge3A_36 : vector<1000x128xf32>
    %mul3A_38 = arith.constant 0.00999999977 : f32
    %mul3A_39 = vector.broadcast %mul3A_38 : f32 to vector<1000x128xf32>
    %mul3A_40 = arith.mulf %mul3A_39, %add3A_34 : vector<1000x128xf32>
    %select_n3A_41 = arith.select %ge3A_37, %add3A_34, %mul3A_40 : vector<1000x128xi1>, vector<1000x128xf32>
    %ge3A_42 = arith.constant 0.000000e+00 : f32
    %ge3A_43 = vector.broadcast %ge3A_42 : f32 to vector<1000x128xf32>
    %ge3A_44 = arith.cmpf oge, %select_n3A_41, %ge3A_43 : vector<1000x128xf32>
    %mul3A_45 = arith.constant 0.00999999977 : f32
    %mul3A_46 = vector.broadcast %mul3A_45 : f32 to vector<1000x128xf32>
    %mul3A_47 = arith.mulf %mul3A_46, %select_n3A_41 : vector<1000x128xf32>
    %select_n3A_48 = arith.select %ge3A_44, %select_n3A_41, %mul3A_47 : vector<1000x128xi1>, vector<1000x128xf32>
    %swap3A = arith.constant 0 : index
    %swap3A_49 = arith.constant 0 : index
    %swap3A_50 = vector.load %arg8[%swap3A, %swap3A_49] : memref<1000x128xf32, #tpu.memory_space<vmem>>, vector<1000x128xf32>
    tpu.vector_store %arg8[%swap3A, %swap3A_49], %select_n3A_48 {strides = array<i32>} : memref<1000x128xf32, #tpu.memory_space<vmem>>, vector<1000x128xf32>,
    return
  }
  func.func @transform_0(%arg0: i32) -> (i32, i32) {
    %c0_i32 = arith.constant 0 : i32
    %c0_i32_0 = arith.constant 0 : i32
    return %arg0, %c0_i32 : i32, i32
  }
  func.func @transform_1(%arg0: i32) -> (i32, i32, i32) {
    %jit3A = arith.constant 5 : i32
    %div3A = arith.divsi %arg0, %jit3A : i32
    %sign3A = arith.constant 0 : i32
    %sign3A_0 = arith.cmpi sgt, %arg0, %sign3A : i32
    %sign3A_1 = arith.extui %sign3A_0 : i1 to i32
    %sign3A_2 = arith.constant 0 : i32
    %sign3A_3 = arith.cmpi slt, %arg0, %sign3A_2 : i32
    %sign3A_4 = arith.extui %sign3A_3 : i1 to i32
    %sign3A_5 = arith.subi %sign3A_1, %sign3A_4 : i32
    %sign3A_6 = arith.constant 0 : i32
    %sign3A_7 = arith.cmpi sgt, %jit3A, %sign3A_6 : i32
    %sign3A_8 = arith.extui %sign3A_7 : i1 to i32
    %sign3A_9 = arith.constant 0 : i32
    %sign3A_10 = arith.cmpi slt, %jit3A, %sign3A_9 : i32
    %sign3A_11 = arith.extui %sign3A_10 : i1 to i32
    %sign3A_12 = arith.subi %sign3A_8, %sign3A_11 : i32
    %ne3A = arith.cmpi ne, %sign3A_5, %sign3A_12 : i32
    %rem3A = arith.remsi %arg0, %jit3A : i32
    %ne3A_13 = arith.constant 0 : i32
    %ne3A_14 = arith.cmpi ne, %rem3A, %ne3A_13 : i32
    %and3A = arith.andi %ne3A, %ne3A_14 : i1
    %sub3A = arith.constant 1 : i32
    %sub3A_15 = arith.subi %div3A, %sub3A : i32
    %select_n3A = arith.select %and3A, %sub3A_15, %div3A : i32
    %jit3A_16 = arith.constant 5 : i32
    %eq3A = arith.constant 0 : i32
    %eq3A_17 = arith.cmpi eq, %jit3A_16, %eq3A : i32
    %jit3A_18 = arith.constant 1 : i32
    %select_n3A_19 = arith.select %eq3A_17, %jit3A_18, %jit3A_16 : i32
    %rem3A_20 = arith.remsi %arg0, %select_n3A_19 : i32
    %ne3A_21 = arith.constant 0 : i32
    %ne3A_22 = arith.cmpi ne, %rem3A_20, %ne3A_21 : i32
    %lt3A = arith.constant 0 : i32
    %lt3A_23 = arith.cmpi slt, %rem3A_20, %lt3A : i32
    %lt3A_24 = arith.constant 0 : i32
    %lt3A_25 = arith.cmpi slt, %select_n3A_19, %lt3A_24 : i32
    %ne3A_26 = arith.xori %lt3A_23, %lt3A_25 : i1
    %and3A_27 = arith.andi %ne3A_26, %ne3A_22 : i1
    %add3A = arith.addi %rem3A_20, %select_n3A_19 : i32
    %select_n3A_28 = arith.select %and3A_27, %add3A, %rem3A_20 : i32
    %c0_i32 = arith.constant 0 : i32
    %c0_i32_29 = arith.constant 0 : i32
    return %select_n3A, %select_n3A_28, %c0_i32 : i32, i32, i32
  }
  func.func @transform_2(%arg0: i32) -> (i32, i32) {
    %c0_i32 = arith.constant 0 : i32
    %c0_i32_0 = arith.constant 0 : i32
    %c0_i32_1 = arith.constant 0 : i32
    return %c0_i32, %c0_i32_0 : i32, i32
  }
  func.func @transform_3(%arg0: i32) -> (i32, i32) {
    %c0_i32 = arith.constant 0 : i32
    %c0_i32_0 = arith.constant 0 : i32
    %c0_i32_1 = arith.constant 0 : i32
    return %c0_i32, %c0_i32_0 : i32, i32
  }
  func.func @transform_4(%arg0: i32) -> (i32, i32) {
    %c0_i32 = arith.constant 0 : i32
    %c0_i32_0 = arith.constant 0 : i32
    %c0_i32_1 = arith.constant 0 : i32
    return %c0_i32, %c0_i32_0 : i32, i32
  }
  func.func @transform_5(%arg0: i32) -> (i32, i32) {
    %c0_i32 = arith.constant 0 : i32
    %c0_i32_0 = arith.constant 0 : i32
    %c0_i32_1 = arith.constant 0 : i32
    return %c0_i32, %c0_i32_0 : i32, i32
  }
  func.func @transform_6(%arg0: i32) -> (i32, i32) {
    %c0_i32 = arith.constant 0 : i32
    %c0_i32_0 = arith.constant 0 : i32
    %c0_i32_1 = arith.constant 0 : i32
    return %c0_i32, %c0_i32_0 : i32, i32
  }
  func.func @transform_7(%arg0: i32) -> (i32, i32) {
    %c0_i32 = arith.constant 0 : i32
    %c0_i32_0 = arith.constant 0 : i32
    return %arg0, %c0_i32 : i32, i32
  }
}

module attributes {stable_mosaic.version = 14 : i64} {
  func.func @_head_body(%arg0: i32, %arg1: memref<1x1250x128xf32, #tpu.memory_space<vmem>>, %arg2: memref<1x1250x1xi32, #tpu.memory_space<vmem>>, %arg3: memref<128x128xf32, #tpu.memory_space<vmem>>, %arg4: memref<1x128xf32, #tpu.memory_space<vmem>>, %arg5: memref<128x64xf32, #tpu.memory_space<vmem>>, %arg6: memref<1x64xf32, #tpu.memory_space<vmem>>, %arg7: memref<64x1xf32, #tpu.memory_space<vmem>>, %arg8: memref<1x1xf32, #tpu.memory_space<vmem>>, %arg9: memref<1x1250x1xf32, #tpu.memory_space<vmem>>) attributes {dimension_semantics = [#tpu.dimension_semantics<arbitrary>], iteration_bounds = array<i64: 8>, scalar_prefetch = 0 : i64, scratch_operands = 0 : i64, tpu.core_type = #tpu.core_type<tc>, window_params = [{transform_indices = @transform_0, window_bounds = array<i64: 1, 1250, 128>}, {transform_indices = @transform_1, window_bounds = array<i64: 1, 1250, 1>}, {pipeline_mode = #tpu.pipeline_mode<synchronous>, transform_indices = @transform_2, window_bounds = array<i64: 128, 128>}, {pipeline_mode = #tpu.pipeline_mode<synchronous>, transform_indices = @transform_3, window_bounds = array<i64: 1, 128>}, {pipeline_mode = #tpu.pipeline_mode<synchronous>, transform_indices = @transform_4, window_bounds = array<i64: 128, 64>}, {pipeline_mode = #tpu.pipeline_mode<synchronous>, transform_indices = @transform_5, window_bounds = array<i64: 1, 64>}, {pipeline_mode = #tpu.pipeline_mode<synchronous>, transform_indices = @transform_6, window_bounds = array<i64: 64, 1>}, {pipeline_mode = #tpu.pipeline_mode<synchronous>, transform_indices = @transform_7, window_bounds = array<i64: 1, 1>}, {transform_indices = @transform_8, window_bounds = array<i64: 1, 1250, 1>}]} {
    %get3A = arith.constant 0 : index
    %get3A_0 = arith.constant 0 : index
    %get3A_1 = arith.constant 0 : index
    %get3A_2 = vector.load %arg1[%get3A, %get3A_0, %get3A_1] : memref<1x1250x128xf32, #tpu.memory_space<vmem>>, vector<1x1250x128xf32>
    %get3A_3 = vector.shape_cast %get3A_2 : vector<1x1250x128xf32> to vector<1250x128xf32>
    %get3A_4 = arith.constant 0 : index
    %get3A_5 = arith.constant 0 : index
    %get3A_6 = vector.load %arg3[%get3A_4, %get3A_5] : memref<128x128xf32, #tpu.memory_space<vmem>>, vector<128x128xf32>
    %dot_general3A = arith.constant dense<0.000000e+00> : vector<1250x128xf32>
    %dot_general3A_7 = tpu.matmul %get3A_3, %get3A_6, %dot_general3A {dimension_numbers = #tpu.dot_dimension_numbers<[1], [0], [0], [1], [0, 0, 1, 1], [], []>, transpose_lhs_hint = false} : vector<1250x128xf32>, vector<128x128xf32>, vector<1250x128xf32> -> vector<1250x128xf32>
    %get3A_8 = arith.constant 0 : index
    %get3A_9 = arith.constant 0 : index
    %get3A_10 = vector.load %arg4[%get3A_8, %get3A_9] : memref<1x128xf32, #tpu.memory_space<vmem>>, vector<1x128xf32>
    %add3A = vector.broadcast %get3A_10 : vector<1x128xf32> to vector<1250x128xf32>
    %add3A_11 = arith.addf %dot_general3A_7, %add3A : vector<1250x128xf32>
    %ge3A = arith.constant 0.000000e+00 : f32
    %ge3A_12 = vector.broadcast %ge3A : f32 to vector<1250x128xf32>
    %ge3A_13 = arith.cmpf oge, %add3A_11, %ge3A_12 : vector<1250x128xf32>
    %mul3A = arith.constant 0.00999999977 : f32
    %mul3A_14 = vector.broadcast %mul3A : f32 to vector<1250x128xf32>
    %mul3A_15 = arith.mulf %mul3A_14, %add3A_11 : vector<1250x128xf32>
    %select_n3A = arith.select %ge3A_13, %add3A_11, %mul3A_15 : vector<1250x128xi1>, vector<1250x128xf32>
    %get3A_16 = arith.constant 0 : index
    %get3A_17 = arith.constant 0 : index
    %get3A_18 = vector.load %arg5[%get3A_16, %get3A_17] : memref<128x64xf32, #tpu.memory_space<vmem>>, vector<128x64xf32>
    %dot_general3A_19 = arith.constant dense<0.000000e+00> : vector<1250x64xf32>
    %dot_general3A_20 = tpu.matmul %select_n3A, %get3A_18, %dot_general3A_19 {dimension_numbers = #tpu.dot_dimension_numbers<[1], [0], [0], [1], [0, 0, 1, 1], [], []>, transpose_lhs_hint = false} : vector<1250x128xf32>, vector<128x64xf32>, vector<1250x64xf32> -> vector<1250x64xf32>
    %get3A_21 = arith.constant 0 : index
    %get3A_22 = arith.constant 0 : index
    %get3A_23 = vector.load %arg6[%get3A_21, %get3A_22] : memref<1x64xf32, #tpu.memory_space<vmem>>, vector<1x64xf32>
    %add3A_24 = vector.broadcast %get3A_23 : vector<1x64xf32> to vector<1250x64xf32>
    %add3A_25 = arith.addf %dot_general3A_20, %add3A_24 : vector<1250x64xf32>
    %ge3A_26 = arith.constant 0.000000e+00 : f32
    %ge3A_27 = vector.broadcast %ge3A_26 : f32 to vector<1250x64xf32>
    %ge3A_28 = arith.cmpf oge, %add3A_25, %ge3A_27 : vector<1250x64xf32>
    %mul3A_29 = arith.constant 0.00999999977 : f32
    %mul3A_30 = vector.broadcast %mul3A_29 : f32 to vector<1250x64xf32>
    %mul3A_31 = arith.mulf %mul3A_30, %add3A_25 : vector<1250x64xf32>
    %select_n3A_32 = arith.select %ge3A_28, %add3A_25, %mul3A_31 : vector<1250x64xi1>, vector<1250x64xf32>
    %get3A_33 = arith.constant 0 : index
    %get3A_34 = arith.constant 0 : index
    %get3A_35 = vector.load %arg7[%get3A_33, %get3A_34] : memref<64x1xf32, #tpu.memory_space<vmem>>, vector<64x1xf32>
    %dot_general3A_36 = arith.constant dense<0.000000e+00> : vector<1250x1xf32>
    %dot_general3A_37 = tpu.matmul %select_n3A_32, %get3A_35, %dot_general3A_36 {dimension_numbers = #tpu.dot_dimension_numbers<[1], [0], [0], [1], [0, 0, 1, 1], [], []>, transpose_lhs_hint = false} : vector<1250x64xf32>, vector<64x1xf32>, vector<1250x1xf32> -> vector<1250x1xf32>
    %get3A_38 = arith.constant 0 : index
    %get3A_39 = arith.constant 0 : index
    %get3A_40 = vector.load %arg8[%get3A_38, %get3A_39] : memref<1x1xf32, #tpu.memory_space<vmem>>, vector<1x1xf32>
    %add3A_41 = vector.broadcast %get3A_40 : vector<1x1xf32> to vector<1250x1xf32>
    %add3A_42 = arith.addf %dot_general3A_37, %add3A_41 : vector<1250x1xf32>
    %get3A_43 = arith.constant 0 : index
    %get3A_44 = arith.constant 0 : index
    %get3A_45 = arith.constant 0 : index
    %get3A_46 = vector.load %arg2[%get3A_43, %get3A_44, %get3A_45] : memref<1x1250x1xi32, #tpu.memory_space<vmem>>, vector<1x1250x1xi32>
    %get3A_47 = vector.shape_cast %get3A_46 : vector<1x1250x1xi32> to vector<1250x1xi32>
    %ne3A = arith.constant 0 : i32
    %ne3A_48 = vector.broadcast %ne3A : i32 to vector<1250x1xi32>
    %ne3A_49 = arith.cmpi ne, %get3A_47, %ne3A_48 : vector<1250x1xi32>
    %jit3A = arith.constant 0xFF800000 : f32
    %broadcast_in_dim3A = vector.broadcast %jit3A : f32 to vector<1250x1xf32>
    %select_n3A_50 = arith.select %ne3A_49, %add3A_42, %broadcast_in_dim3A : vector<1250x1xi1>, vector<1250x1xf32>
    %reduce_max3A = arith.constant dense<0xFF800000> : vector<1xf32>
    %reduce_max3A_51 = vector.multi_reduction <maximumf>, %select_n3A_50, %reduce_max3A [0] : vector<1250x1xf32> to vector<1xf32>
    %broadcast_in_dim3A_52 = vector.shape_cast %reduce_max3A_51 : vector<1xf32> to vector<1x1xf32>
    %sub3A = vector.broadcast %broadcast_in_dim3A_52 : vector<1x1xf32> to vector<1250x1xf32>
    %sub3A_53 = arith.subf %select_n3A_50, %sub3A : vector<1250x1xf32>
    %exp3A = math.exp %sub3A_53 : vector<1250x1xf32>
    %reduce_sum3A = arith.constant dense<0.000000e+00> : vector<1xf32>
    %reduce_sum3A_54 = vector.multi_reduction <add>, %exp3A, %reduce_sum3A [0] : vector<1250x1xf32> to vector<1xf32>
    %broadcast_in_dim3A_55 = vector.shape_cast %reduce_sum3A_54 : vector<1xf32> to vector<1x1xf32>
    %div3A = vector.broadcast %broadcast_in_dim3A_55 : vector<1x1xf32> to vector<1250x1xf32>
    %div3A_56 = arith.divf %exp3A, %div3A : vector<1250x1xf32>
    %swap3A = arith.constant 0 : index
    %swap3A_57 = arith.constant 0 : index
    %swap3A_58 = arith.constant 0 : index
    %swap3A_59 = vector.load %arg9[%swap3A, %swap3A_57, %swap3A_58] : memref<1x1250x1xf32, #tpu.memory_space<vmem>>, vector<1x1250x1xf32>
    %swap3A_60 = vector.shape_cast %swap3A_59 : vector<1x1250x1xf32> to vector<1250x1xf32>
    %swap3A_61 = vector.shape_cast %div3A_56 : vector<1250x1xf32> to vector<1x1250x1xf32>
    tpu.vector_store %arg9[%swap3A, %swap3A_57, %swap3A_58], %swap3A_61 {strides = array<i32>} : memref<1x1250x1xf32, #tpu.memory_space<vmem>>, vector<1x1250x1xf32>,
    return
  }
  func.func @transform_0(%arg0: i32) -> (i32, i32, i32) {
    %c0_i32 = arith.constant 0 : i32
    %c0_i32_0 = arith.constant 0 : i32
    %c0_i32_1 = arith.constant 0 : i32
    return %arg0, %c0_i32, %c0_i32_0 : i32, i32, i32
  }
  func.func @transform_1(%arg0: i32) -> (i32, i32, i32) {
    %c0_i32 = arith.constant 0 : i32
    %c0_i32_0 = arith.constant 0 : i32
    %c0_i32_1 = arith.constant 0 : i32
    return %arg0, %c0_i32, %c0_i32_0 : i32, i32, i32
  }
  func.func @transform_2(%arg0: i32) -> (i32, i32) {
    %c0_i32 = arith.constant 0 : i32
    %c0_i32_0 = arith.constant 0 : i32
    %c0_i32_1 = arith.constant 0 : i32
    return %c0_i32, %c0_i32_0 : i32, i32
  }
  func.func @transform_3(%arg0: i32) -> (i32, i32) {
    %c0_i32 = arith.constant 0 : i32
    %c0_i32_0 = arith.constant 0 : i32
    %c0_i32_1 = arith.constant 0 : i32
    return %c0_i32, %c0_i32_0 : i32, i32
  }
  func.func @transform_4(%arg0: i32) -> (i32, i32) {
    %c0_i32 = arith.constant 0 : i32
    %c0_i32_0 = arith.constant 0 : i32
    %c0_i32_1 = arith.constant 0 : i32
    return %c0_i32, %c0_i32_0 : i32, i32
  }
  func.func @transform_5(%arg0: i32) -> (i32, i32) {
    %c0_i32 = arith.constant 0 : i32
    %c0_i32_0 = arith.constant 0 : i32
    %c0_i32_1 = arith.constant 0 : i32
    return %c0_i32, %c0_i32_0 : i32, i32
  }
  func.func @transform_6(%arg0: i32) -> (i32, i32) {
    %c0_i32 = arith.constant 0 : i32
    %c0_i32_0 = arith.constant 0 : i32
    %c0_i32_1 = arith.constant 0 : i32
    return %c0_i32, %c0_i32_0 : i32, i32
  }
  func.func @transform_7(%arg0: i32) -> (i32, i32) {
    %c0_i32 = arith.constant 0 : i32
    %c0_i32_0 = arith.constant 0 : i32
    %c0_i32_1 = arith.constant 0 : i32
    return %c0_i32, %c0_i32_0 : i32, i32
  }
  func.func @transform_8(%arg0: i32) -> (i32, i32, i32) {
    %c0_i32 = arith.constant 0 : i32
    %c0_i32_0 = arith.constant 0 : i32
    %c0_i32_1 = arith.constant 0 : i32
    return %arg0, %c0_i32, %c0_i32_0 : i32, i32, i32
  }
}

</mosaic_0001>

<sc_bundles>
// kernel: kernel.12.cloned.1.call-start
scs
__scs_entry_jumppad:
0x0: {  	(pc) =	sbr.rel $0x88, $3  }
0x1: {  	(tag) =	ssettag $0x0;
	lr =	simm.s32 $0x1  }
0x2: {  	[smem:$0x3F84] =	sst lr;
	_ =	strace $0xD0000000  }
0x3: {  	_ = 	snop  }
0x4: {  	_ = 	snop  }
0x5: {  	_ = 	snop  }
0x6: {  	_ = 	snop  }
0x7: {  	_ = 	snop  }
__scs_overlays_trampoline_lowered:
0x8: {  	[smem:$0x3F93] =	sst s0  }
0x9: {  	[smem:$0x3F94] =	sst s1  }
0xa: {  	[smem:$0x3F95] =	sst s2  }
0xb: {  	[smem:$0x3F96] =	sst s3  }
0xc: {  	[smem:$0x3F97] =	sst s4  }
0xd: {  	[smem:$0x3F98] =	sst s5  }
0xe: {  	[smem:$0x3F99] =	sst s6  }
0xf: {  	[smem:$0x3F9A] =	sst s7  }
0x10: {  	[smem:$0x3F9B] =	sst s8  }
0x11: {  	[smem:$0x3F9C] =	sst s9;
	s0 =	simm.s32 @!p0 $0x0  }
0x12: {  	s1 =	sld [smem:$0x3F82];
	s0 =	simm.s32 @p0 $0x1  }
0x13: {  	[smem:$0x3F9D] =	sst s0;
	s0 =	simm.s32 @!p1 $0x0  }
0x14: {  	s2 =	sld [smem:$0x3F81];
	s0 =	simm.s32 @p1 $0x1  }
0x15: {  	[smem:$0x3F9E] =	sst s0;
	s0 =	simm.s32 @!p2 $0x0  }
0x16: {  	s3 =	sld [smem:$0x3FDB];
	s0 =	simm.s32 @p2 $0x1  }
0x17: {  	s4 =	simm.s32 $0x1BF5;
	[smem:$0x3FA0] =	sst s0  }
0x18: {  	s0 =	sld [smem:$0x3F83];
	_ =	swait.ge [sflag:s4], $0x0  }
0x19: {  	s7 =	sld [smem:$0x3F84]  }
0x1a: {  	s8 =	sadd.s32 $0xFFFFE003, lr  }
0x1b: {  	s9 =	sadd.s32 $0xFFFFFEF7, lr;
	s5 =	simm.s32 $0xFFFFFFFF;
	p2 =	slt.u32 s8, $0xFFFFF086  }
0x1c: {  	p1 =	slt.u32 s9, $0xF7A;
	s5 =	simm.s32 @!p2 $0x0  }
0x1d: {  	s5 =	simm.s32 @p1 $0x1;
	p0 =	seq.s32 s7, s2  }
0x1e: {  	s7 =	smul.u32 @!p0 $0xF7A, s2;
	p2 =	seq.s32 @!p0 s5, $0x0  }
0x1f: {  	s9 =	smul.u32 $0xF7A, s1;
	s8 =	simm.s32 @!p0 $0x1BF5;
	p2 =	por !p2, p0  }
0x20: {  	[sflag:s8] =	ssyncset.s32 @!p0 $0xFFFFF086;
	s6 =	sadd.s32 @!p0 s3, s7;
	s7 =	simm.s32 @!p0 $0x108  }
0x21: {  	s3 =	sadd.s32 s3, s9;
	s6 =	sadd.s32 @!p0 $0x88, s6;
	s7 =	simm.s32 @p2 $0x1082  }
0x22: {  	[simem:s7], [sflag:s8] =	dma.local @!p0 [hbm:s6], $0xF7A  }
0x23: {  	s9 =	sor.u32 $0xD0000000, s2;
	s6 =	simm.s32 $0x108;
	_ =	swait.ge @!p0 [sflag:s8], $0x0  }
0x24: {  	s3 =	sadd.s32 $0x88, s3;
	s6 =	simm.s32 @!p1 $0x1082;
	[sflag:s4] =	ssyncset.s32 $0xFFFFF086  }
0x25: {  	[simem:s6], [sflag:s4] =	dma.local [hbm:s3], $0xF7A  }
0x26: {  	[smem:$0x3F84] =	sst s1;
	(tag) =	ssettag s2;
	_ =	strace s9  }
0x27: {  	s1 =	sld [smem:$0x3F94]  }
0x28: {  	s2 =	sld [smem:$0x3F95]  }
0x29: {  	s4 =	sld [smem:$0x3F97]  }
0x2a: {  	p0 =	seq.s32 s5, $0x0;
	s5 =	sld [smem:$0x3F98]  }
0x2b: {  	s6 =	sld [smem:$0x3F99]  }
0x2c: {  	s7 =	sld [smem:$0x3F9A]  }
0x2d: {  	s3 =	simm.s32 $0x108;
	s8 =	sld [smem:$0x3F9B]  }
0x2e: {  	s3 =	simm.s32 @!p0 $0x1082;
	s9 =	sld [smem:$0x3F9C]  }
0x2f: {  	lr =	sadd.s32 s0, s3;
	s0 =	sld [smem:$0x3F93]  }
0x30: {  	s3 =	sld [smem:$0x3F96]  }
0x31: {  	[smem:$0x3F9F] =	sst s10  }
0x32: {  	s10 =	sld [smem:$0x3F9D];
	_ =	sdelay $0x3  }
0x33: {  	p0 =	seq.s32 s10, $0x1;
	s10 =	sld [smem:$0x3F9F];
	_ =	sdelay $0x3  }
0x34: {  	[smem:$0x3F9F] =	sst s10  }
0x35: {  	s10 =	sld [smem:$0x3F9E];
	_ =	sdelay $0x3  }
0x36: {  	p1 =	seq.s32 s10, $0x1;
	s10 =	sld [smem:$0x3F9F];
	_ =	sdelay $0x3  }
0x37: {  	[smem:$0x3F9F] =	sst s10  }
0x38: {  	s10 =	sld [smem:$0x3FA0]  }
0x39: {  	_ = 	snop;
	(pc) =	sbr.ind lr, $3  }
0x3a: {  	_ = 	snop  }
0x3b: {  	_ = 	snop  }
0x3c: {  	p2 =	seq.s32 s10, $0x1;
	s10 =	sld [smem:$0x3F9F]  }
0x3d: {  	_ =	shalt  }
0x3e: {  	_ =	shalt  }
0x3f: {  	_ =	shalt  }
0x40: {  	_ =	shalt  }
0x41: {  	_ =	shalt  }
0x42: {  	_ =	shalt  }
0x43: {  	_ =	shalt  }
0x44: {  	_ =	shalt  }
0x45: {  	_ =	shalt  }
0x46: {  	_ =	shalt  }
0x47: {  	_ =	shalt  }
0x48: {  	_ =	shalt  }
0x49: {  	_ =	shalt  }
0x4a: {  	_ =	shalt  }
0x4b: {  	_ =	shalt  }
0x4c: {  	_ =	shalt  }
0x4d: {  	_ =	shalt  }
0x4e: {  	_ =	shalt  }
0x4f: {  	_ =	shalt  }
0x50: {  	_ =	shalt  }
0x51: {  	_ =	shalt  }
0x52: {  	_ =	shalt  }
0x53: {  	_ =	shalt  }
0x54: {  	_ =	shalt  }
0x55: {  	_ =	shalt  }
0x56: {  	_ =	shalt  }
0x57: {  	_ =	shalt  }
0x58: {  	_ =	shalt  }
0x59: {  	_ =	shalt  }
0x5a: {  	_ =	shalt  }
0x5b: {  	_ =	shalt  }
0x5c: {  	_ =	shalt  }
0x5d: {  	_ =	shalt  }
0x5e: {  	_ =	shalt  }
0x5f: {  	_ =	shalt  }
0x60: {  	_ =	shalt  }
0x61: {  	_ =	shalt  }
0x62: {  	_ =	shalt  }
0x63: {  	_ =	shalt  }
0x64: {  	_ =	shalt  }
0x65: {  	_ =	shalt  }
0x66: {  	_ =	shalt  }
0x67: {  	_ =	shalt  }
0x68: {  	_ =	shalt  }
0x69: {  	_ =	shalt  }
0x6a: {  	_ =	shalt  }
0x6b: {  	_ =	shalt  }
0x6c: {  	_ =	shalt  }
0x6d: {  	_ =	shalt  }
0x6e: {  	_ =	shalt  }
0x6f: {  	_ =	shalt  }
0x70: {  	_ =	shalt  }
0x71: {  	_ =	shalt  }
0x72: {  	_ =	shalt  }
0x73: {  	_ =	shalt  }
0x74: {  	_ =	shalt  }
0x75: {  	_ =	shalt  }
0x76: {  	_ =	shalt  }
0x77: {  	_ =	shalt  }
0x78: {  	_ =	shalt  }
0x79: {  	_ =	shalt  }
0x7a: {  	_ =	shalt  }
0x7b: {  	_ =	shalt  }
0x7c: {  	_ =	shalt  }
0x7d: {  	_ =	shalt  }
0x7e: {  	_ =	shalt  }
0x7f: {  	_ =	shalt  }
0x80: {  	_ =	shalt  }
0x81: {  	_ =	shalt  }
0x82: {  	_ =	shalt  }
0x83: {  	_ =	shalt  }
0x84: {  	_ =	shalt  }
0x85: {  	_ =	shalt  }
0x86: {  	_ =	shalt  }
0x87: {  	_ =	shalt  }
.Lfunc_end0:
.L_simem_size_0:
called_computation_lowered:
.L_overlay_start_0:
0x88: {  	s2 =	sld [smem:$0x3FD9]  }
0x89: {  	s3 =	sld [smem:$0x3FFE];
	_ =	sdelay $0x1  }
0x8a: {  	s1 =	srdreg.scid  }
0x8b: {  	s0 =	sand.u32 $0x1, s1  }
0x8c: {  	s17 =	sshll.u32 s0, $0xA;
	s2 =	sadd.s32 s3, s2  }
0x8d: {  	s2 =	sadd.s32 s2, s17  }
0x8e: {  	[smem:$0x3FAB] =	sst s2  }
0x8f: {  	_ = 	snop  }
0x90: {  	s2 =	sld [smem:$0x3FD0];
	(tm) =	ssettm $0x1  }
0x91: {  	s18 =	sld [smem:$0x3FFB];
	_ =	sdelay $0x3  }
0x92: {  	_ =	strace s18  }
0x93: {  	s3 =	sld [smem:$0x3FFC];
	_ =	sdelay $0x3  }
0x94: {  	_ =	strace s3  }
0x95: {  	s3 =	sld [smem:$0x3FFD];
	_ =	sdelay $0x3  }
0x96: {  	_ =	strace s3  }
0x97: {  	_ =	strace $0x8FFFFFFF  }
0x98: {  	s19 =	sld [smem:$0x3FDB];
	_ =	sdelay $0x1  }
0x99: {  	s4 =	simm.s32 $_scs_section_size  }
0x9a: {  	s5 =	simm.s32 $_size__tile_overlayer_lowered;
	s6 =	simm.s32 $_tile_overlayer_lowered  }
0x9b: {  	s22 =	simm.s32 $0x1BFF;
	s21 =	sshll.u32 s6, $0x1;
	s3 =	sadd.s32 s4, s19  }
0x9c: {  	s7 =	simm.s32 $0x0;
	s20 =	sshll.u32 s5, $0x1;
	s5 =	sadd.s32 s21, s3  }
0x9d: {  	[timem:s7], [sflag:s22] =	dma.local [hbm:s5], s20  }
0x9e: {  	_ =	swait.ge [sflag:s22], s20  }
0x9f: {  	s4 =	ssub.s32 $0x0, s20;
	[sflag:s22] =	ssyncset.done $0x0  }
0xa0: {  	[sflag:s22] =	ssyncadd.s32 s4;
	_ =	sdelay $0x1  }
0xa1: {  	s23 =	simm.s32 $0x1B8B  }
0xa2: {  	_ =	swait.ge [sflag:s23], $0x1  }
0xa3: {  	[sflag:s23] =	ssyncset.done $0x0  }
0xa4: {  	s25 =	simm.s32 $0x1B8E;
	s24 =	sld [smem:$0x3FFE];
	[sflag:s23] =	ssyncadd.s32 $0xFFFFFFFF  }
0xa5: {  	s26 =	simm.s32 $execute0_lowered;
	[smem:$0x3FD2] =	sst s25  }
0xa6: {  	s5 =	sshll.u32 s26, $0x1;
	_ =	strace $0x80000046;
	[dreg:$0x1] =	wrdreg $0xFFFFFFFF  }
0xa7: {  	s28 =	simm.s32 $_size_execute0_lowered;
	s3 =	sadd.s32 s3, s5;
	[dreg:$0x0] =	wrdreg $0x0  }
0xa8: {  	s5 =	sshll.u32 s28, $0x1;
	[dreg:$0x2] =	wrdreg s3  }
0xa9: {  	[dreg:$0x3] =	wrdreg s5  }
0xaa: {  	[dreg:$0x4] =	wrdreg $0xC0  }
0xab: {  	_ =	task [dreg:s7], $0x5FFFF  }
0xac: {  	[dreg:$0x1] =	wrdreg $0xFFFFFFFF  }
0xad: {  	[dreg:$0x0] =	wrdreg $0x60  }
0xae: {  	[dreg:$0x2] =	wrdreg s24  }
0xaf: {  	[dreg:$0x3] =	wrdreg s2  }
0xb0: {  	[dreg:$0x4] =	wrdreg $0x9  }
0xb1: {  	_ =	task.clear_ibuf [dreg:s7], $0x5FFFF;
	_ =	strace $0x90000046  }
0xb2: {  	s29 =	simm.s32 $0x9;
	_ =	strace $0x80000048  }
0xb3: {  	_ =	swait.ge [sflag:s29], $0x1  }
0xb4: {  	[sflag:s29] =	ssyncadd.s32 $0xFFFFFFFF  }
0xb5: {  	_ =	strace $0x90000048  }
0xb6: {  	_ =	sfence  }
0xb7: {  	s30 =	sld [smem:$0x0];
	_ =	sdelay $0x2  }
0xb8: {  	s31 =	sshll.u32 s1, $0xD;
	s1 =	sshrl.u32 s1, $0x2  }
0xb9: {  	s3 =	sand.u32 $0x4000, s31;
	s1 =	sadd.s32 s1, s30  }
0xba: {  	s0 =	sor.u32 s3, s0;
	s1 =	sshll.u32 s1, $0x11  }
0xbb: {  	s0 =	sor.u32 s1, s0  }
0xbc: {  	s0 =	sadd.s32 $0x8F2B, s0  }
0xbd: {  	[sflag:s0] =	ssyncadd.remote.s32 $0x1  }
0xbe: {  	_ =	sfence.sel $0xFFFF  }
0xbf: {  	[dreg:$0x0] =	wrdreg $0xFFFFFFFF;
	(pc) =	sbr.abs _section_cstart, $3  }
0xc0: {  	[dreg:$0x1] =	wrdreg $0xFFFFFFFF  }
0xc1: {  	_ =	task.clear_ibuf [dreg:s7], $0x2FFFF;
	_ =	strace $0x9FFFFFFF  }
0xc2: {  	(tm) =	ssettm $0x7FFFFFFF  }
0xc3: {  	_ =	shalt  }
tec
execute0_lowered:
.L_overlay_start_1:
0x0: {  	(tag) =	ssettag $0x1  }
0x1: {  	s6 =	rddreg [dreg:$0x0]  }
0x2: {  	s9 =	rddreg [dreg:$0x1];
	s1 =	simm.s32 $0x0  }
0x3: {  	[smem:$0x7FF] =	sst s1  }
0x4: {  	s0 =	rddreg [dreg:$0x2];
	v0 =	vimm.s32 $0x1;
	_ =	strace $0x80000047  }
0x5: {  	(xrf0) =	vadd.scan.msk.s32 $0xffff, v0;
	_ =	sdelay $0x5  }
0x6: {  	v0, _, _ =	vpop (xrf0)  }
0x7: {  	(v2sf) =	vpush v0, $0xF;
	_ =	sdelay $0x4  }
0x8: {  	s2 =	srdreg.scid  }
0x9: {  	s7 =	sand.u32 $0x1, s2;
	s2 =	stileid.u32;
	s3 =	sadd.s32 $0x5C00, s6  }
0xa: {  	s4 =	sadd.s32 $0xFA00, s6;
	s5 =	sadd.s32 $0x19800, s6;
	s14 =	smul.u32 $0x1388, s7  }
0xb: {  	s6 =	sadd.s32 $0x152200, s6;
	s8 =	ssub.s32 $0x2, s7;
	s10 =	smul.u32 $0x140, s2  }
0xc: {  	s7 =	sshll.u32 s7, $0x4;
	s16 =	sadd.s32 $0x1388, s2;
	s11 =	sshrl.u32 s8, $0x1  }
0xd: {  	s13 =	sor.u32 s2, s7;
	v4 =	vmov s16;
	s16 =	simm.s32 $0x0;
	s11 =	ssub.s32 s8, s11  }
0xe: {  	s30 =	sadd.s32 s10, s14;
	s12 =	sadd.s32 $0x1388, s14;
	s7 =	smul.u32 $0x4E280, s13  }
0xf: {  	s31 =	sshll.u32 s13, $0x4;
	s13 =	simm.s32 $0x1000;
	v3 =	vmov s14;
	s14 =	simm.s32 $0x1100  }
0x10: {  	s10 =	sadd.s32 $0x140, s30;
	s15 =	sadd.s32 $0xFFFFFFFF, s30;
	s9 =	sadd.s32 s9, s31  }
0x11: {  	s12 =	smin.u32 s10, s12;
	s10 =	smax.u32 s11, $0x1;
	s11 =	simm.s32 $0x1  }
0x12: {  	v5 =	vimm.s32 $0x0;
	v1 =	vmov s15;
	s15 =	simm.s32 $0x1200;
	v2 =	vmov s12;
	s12 =	simm.s32 $0x800;
	s8 =	spop (v2sf)  }
.LBB2_1:
0x13: {  	s17 =	simm.s32 $0x0;
	s18 =	simm.s32 $0x0;
	s19 =	simm.s32 $0x0  }
.LBB2_2:
0x14: {  	s20 =	sshll.u32 s19, $0x8  }
0x15: {  	s22 =	simm.s32 $0x0;
	s21 =	sadd.s32 s3, s20  }
0x16: {  	[tilespmem:s22], [sflag:$0x1] =	stream.linear.gather [hbm4b:s21+s22], $0x800, $0x38;
	[tilespmem:$0x1280] =	vst v63  }
0x17: {  	_ =	swait.ge [sflag:s11], $0x800  }
0x18: {  	[sflag:s11] =	ssyncset.done $0x0  }
0x19: {  	s20 =	sadd.s32 s4, s20;
	[sflag:s11] =	ssyncadd.s32 $0xFFFFF800  }
0x1a: {  	[tilespmem:s12], [sflag:$0x1] =	stream.linear.gather [hbm4b:s20+s22], $0x800, $0x38;
	[tilespmem:$0x1280] =	vst v63  }
0x1b: {  	_ =	swait.ge [sflag:s11], $0x800  }
0x1c: {  	[sflag:s11] =	ssyncset.done $0x0  }
0x1d: {  	s30 =	simm.s32 $0x0;
	[sflag:s11] =	ssyncadd.s32 $0xFFFFF800  }
0x1e: {  	v6 =	vld [tilespmem:s30+$0x800];
	_ =	sdelay $0x4  }
0x1f: {  	v7 =	vsub.s32 v6, v1;
	v8 =	vsub.s32 v2, v6  }
0x20: {  	vm0 =	vlt.s32 v7, v8  }
0x21: {  	v7 =	vsel vm0, v7, v8  }
0x22: {  	vm0 =	vgt.s32 v7, $0x0  }
0x23: {  	v7 =	vsel vm0, $0x1, v5  }
0x24: {  	(xrf0) =	vadd.scan.msk.s32 $0xffff, v7;
	_ =	sdelay $0x5  }
0x25: {  	v7, _, _ =	vpop (xrf0)  }
0x26: {  	(v2sf) =	vpush v7, $0xF;
	_ =	sdelay $0xb  }
0x27: {  	v8 =	vsel vm0, $0xFFFFFFFF, v5  }
0x28: {  	v8 =	vadd.s32 s18, v8  }
0x29: {  	v7 =	vadd.s32 v7, v8  }
0x2a: {  	v8 =	vld [tilespmem:s30+$0x0];
	v7 =	vnsel vm0, $0x90, v7;
	s31 =	spop (v2sf)  }
0x2b: {  	s18 =	sadd.s32 s18, s31  }
0x2c: {  	p1 =	slt.s32 s18, $0x80  }
0x2d: {  	s20 =	sshll.u32 @!p1 s17, $0x7  }
0x2e: {  	s20 =	sadd.s32 @!p1 s7, s20  }
0x2f: {  	v6 =	vsub.s32 v6, v3;
	[tilespmem:v7+s13+$0x0] =	vst.idx.msk $0xffff, v8;
	s21 =	simm.s32 @!p1 $0x1;
	s20 =	sshrl.u32 @!p1 s20, $0x3  }
0x30: {  	[tilespmem:v7+s14+$0x0] =	vst.idx.msk $0xffff, v6;
	s23 =	simm.s32 @!p1 $0x0;
	s24 =	simm.s32 @!p1 $0x1000;
	s22 =	sadd.s32 @!p1 s5, s20  }
0x31: {  	[hbm4b:s22+s23] =	stream.linear.scatter @!p1 [tilespmem:s24], [sflag:$0x1], $0x80, $0x38;
	[tilespmem:$0x1280] =	vst v63  }
0x32: {  	_ =	swait.ge @!p1 [sflag:s21], $0x80  }
0x33: {  	[sflag:s21] =	ssyncset.done @!p1 $0x0  }
0x34: {  	s20 =	sadd.s32 @!p1 s6, s20;
	s22 =	simm.s32 @!p1 $0x1100;
	[sflag:s21] =	ssyncadd.s32 @!p1 $0xFFFFFF80  }
0x35: {  	[hbm4b:s20+s23] =	stream.linear.scatter @!p1 [tilespmem:s22], [sflag:$0x1], $0x80, $0x38;
	[tilespmem:$0x1280] =	vst v63  }
0x36: {  	_ =	swait.ge @!p1 [sflag:s21], $0x80  }
0x37: {  	[sflag:s21] =	ssyncset.done @!p1 $0x0  }
0x38: {  	p0 =	sgt.s32 s18, $0x7F;
	s22 =	simm.s32 $0x1;
	[sflag:s21] =	ssyncadd.s32 @!p1 $0xFFFFFF80  }
0x39: {  	s22 =	simm.s32 @!p0 $0x0;
	s21 =	sadd.s32 $0xFFFFFF80, s18;
	v7 =	vld @!p1 [tilespmem:$0x1080]  }
0x3a: {  	s20 =	simm.s32 $0x40;
	s17 =	sadd.s32 s22, s17;
	s18 =	smov.u32 @p0 s21;
	v6 =	vld @!p1 [tilespmem:$0x1180]  }
.LBB2_3:
0x3b: {  	_ =	sdelay $0x2  }
0x3c: {  	s21 =	smov.u32 s20;
	s20 =	sadd.s32 $0x40, s20;
	[tilespmem:$0x1000] =	vst @!p1 v7  }
0x3d: {  	s21 =	sshra.s32 s21, $0x2;
	p0 =	sne.s32 s20, $0x2000;
	[tilespmem:$0x1100] =	vst @!p1 v6  }
0x3e: {  	v6 =	vld [tilespmem:s21+$0x800];
	_ =	sdelay $0x4  }
0x3f: {  	v7 =	vsub.s32 v6, v1;
	v8 =	vsub.s32 v2, v6  }
0x40: {  	vm0 =	vlt.s32 v7, v8  }
0x41: {  	v7 =	vsel vm0, v7, v8  }
0x42: {  	vm0 =	vgt.s32 v7, $0x0  }
0x43: {  	v7 =	vsel vm0, $0x1, v5  }
0x44: {  	(xrf0) =	vadd.scan.msk.s32 $0xffff, v7;
	_ =	sdelay $0x4  }
0x45: {  	v7 =	vsel vm0, $0xFFFFFFFF, v5  }
0x46: {  	v7 =	vadd.s32 s18, v7;
	v8, _, _ =	vpop (xrf0)  }
0x47: {  	v7 =	vadd.s32 v8, v7;
	(v2sf) =	vpush v8, $0xF  }
0x48: {  	v7 =	vnsel vm0, $0x90, v7;
	_ =	sdelay $0xd  }
0x49: {  	v8 =	vld [tilespmem:s21+$0x0];
	s21 =	spop (v2sf)  }
0x4a: {  	s18 =	sadd.s32 s18, s21  }
0x4b: {  	p2 =	sgt.s32 s18, $0x7F;
	s21 =	sadd.s32 $0xFFFFFF80, s18  }
0x4c: {  	p1 =	slt.s32 s18, $0x80;
	s18 =	smov.u32 @p2 s21;
	s21 =	simm.s32 $0x1  }
0x4d: {  	s22 =	sshll.u32 @!p1 s17, $0x7;
	s21 =	simm.s32 @!p2 $0x0  }
0x4e: {  	s22 =	sadd.s32 @!p1 s7, s22;
	s17 =	sadd.s32 s21, s17  }
0x4f: {  	v6 =	vsub.s32 v6, v3;
	s21 =	sshrl.u32 @!p1 s22, $0x3;
	s22 =	simm.s32 @!p1 $0x1;
	[tilespmem:v7+s13+$0x0] =	vst.idx.msk $0xffff, v8  }
0x50: {  	s24 =	simm.s32 @!p1 $0x0;
	s25 =	simm.s32 @!p1 $0x1000;
	s23 =	sadd.s32 @!p1 s5, s21;
	[tilespmem:v7+s14+$0x0] =	vst.idx.msk $0xffff, v6  }
0x51: {  	[hbm4b:s23+s24] =	stream.linear.scatter @!p1 [tilespmem:s25], [sflag:$0x1], $0x80, $0x38;
	[tilespmem:$0x1280] =	vst v63  }
0x52: {  	s21 =	sadd.s32 @!p1 s6, s21;
	_ =	swait.ge @!p1 [sflag:s22], $0x80  }
0x53: {  	[sflag:s22] =	ssyncset.done @!p1 $0x0  }
0x54: {  	s23 =	simm.s32 @!p1 $0x1100;
	[sflag:s22] =	ssyncadd.s32 @!p1 $0xFFFFFF80  }
0x55: {  	[hbm4b:s21+s24] =	stream.linear.scatter @!p1 [tilespmem:s23], [sflag:$0x1], $0x80, $0x38;
	[tilespmem:$0x1280] =	vst v63  }
.Ltmp0:
0x56: {  	_ =	swait.ge @!p1 [sflag:s22], $0x80;
	(pc) =	sbr.rel @p0 .LBB2_3-.Ltmp0, $4  }
0x57: {  	[sflag:s22] =	ssyncset.done @!p1 $0x0  }
0x58: {  	[sflag:s22] =	ssyncadd.s32 @!p1 $0xFFFFFF80  }
0x59: {  	v7 =	vld @!p1 [tilespmem:$0x1080]  }
0x5a: {  	v6 =	vld @!p1 [tilespmem:$0x1180]  }
0x5b: {  	s19 =	sadd.s32 $0x1, s19  }
0x5c: {  	p0 =	sne.s32 s19, $0x9D  }
.Ltmp1:
0x5d: {  	_ = 	snop;
	(pc) =	sbr.rel @p0 .LBB2_2-.Ltmp1, $3  }
0x5e: {  	_ =	sdelay $0x1  }
0x5f: {  	[tilespmem:$0x1000] =	vst @!p1 v7  }
0x60: {  	[tilespmem:$0x1100] =	vst @!p1 v6  }
0x61: {  	v6 =	vmov s18  }
0x62: {  	v6 =	vadd.s32 $0xFFFFFFFF, v6  }
0x63: {  	v6 =	vbroadcast v6, $0x0;
	_ =	sdelay $0x1  }
0x64: {  	v6 =	vadd.s32 v0, v6  }
0x65: {  	s18 =	sadd.s32 s8, s18  }
0x66: {  	p1 =	slt.s32 s18, $0x80  }
0x67: {  	s19 =	sshll.u32 @!p1 s17, $0x7  }
0x68: {  	s19 =	sadd.s32 @!p1 s7, s19  }
0x69: {  	s19 =	sshrl.u32 @!p1 s19, $0x3;
	[tilespmem:v6+s13+$0x0] =	vst.idx.msk $0xffff, v5  }
0x6a: {  	s21 =	simm.s32 @!p1 $0x0;
	s22 =	simm.s32 @!p1 $0x1000;
	s20 =	sadd.s32 @!p1 s5, s19;
	[tilespmem:v6+s14+$0x0] =	vst.idx.msk $0xffff, v4  }
0x6b: {  	[hbm4b:s20+s21] =	stream.linear.scatter @!p1 [tilespmem:s22], [sflag:$0x1], $0x80, $0x38;
	[tilespmem:$0x1280] =	vst v63  }
0x6c: {  	s20 =	simm.s32 @!p1 $0x1  }
0x6d: {  	_ =	swait.ge @!p1 [sflag:s20], $0x80  }
0x6e: {  	[sflag:s20] =	ssyncset.done @!p1 $0x0  }
0x6f: {  	s19 =	sadd.s32 @!p1 s6, s19;
	s22 =	simm.s32 @!p1 $0x1100;
	[sflag:s20] =	ssyncadd.s32 @!p1 $0xFFFFFF80  }
0x70: {  	[hbm4b:s19+s21] =	stream.linear.scatter @!p1 [tilespmem:s22], [sflag:$0x1], $0x80, $0x38;
	[tilespmem:$0x1280] =	vst v63  }
0x71: {  	p0 =	sgt.s32 s18, $0x7F;
	s19 =	sadd.s32 $0xFFFFFF80, s18  }
0x72: {  	_ =	swait.ge @!p1 [sflag:s20], $0x80;
	s18 =	smov.u32 @p0 s19  }
0x73: {  	[sflag:s20] =	ssyncset.done @!p1 $0x0;
	v6 =	vmov s18  }
0x74: {  	[sflag:s20] =	ssyncadd.s32 @!p1 $0xFFFFFF80;
	v6 =	vadd.s32 $0xFFFFFFFF, v6  }
0x75: {  	v7 =	vld @!p1 [tilespmem:$0x1080];
	v6 =	vbroadcast v6, $0x0  }
0x76: {  	v8 =	vld @!p1 [tilespmem:$0x1180]  }
0x77: {  	s19 =	simm.s32 $0x1;
	v6 =	vadd.s32 v0, v6  }
0x78: {  	s19 =	simm.s32 @!p0 $0x0;
	s18 =	sadd.s32 s8, s18  }
0x79: {  	s17 =	sadd.s32 s19, s17;
	p0 =	slt.s32 s18, $0x80  }
0x7a: {  	s19 =	sshll.u32 @!p0 s17, $0x7;
	[tilespmem:$0x1000] =	vst @!p1 v7  }
0x7b: {  	s19 =	sadd.s32 @!p0 s7, s19;
	[tilespmem:$0x1100] =	vst @!p1 v8  }
0x7c: {  	s19 =	sshrl.u32 @!p0 s19, $0x3;
	[tilespmem:v6+s13+$0x0] =	vst.idx.msk $0xffff, v5  }
0x7d: {  	s21 =	simm.s32 @!p0 $0x0;
	s22 =	simm.s32 @!p0 $0x1000;
	s20 =	sadd.s32 @!p0 s5, s19;
	[tilespmem:v6+s14+$0x0] =	vst.idx.msk $0xffff, v4  }
0x7e: {  	[hbm4b:s20+s21] =	stream.linear.scatter @!p0 [tilespmem:s22], [sflag:$0x1], $0x80, $0x38;
	[tilespmem:$0x1280] =	vst v63  }
0x7f: {  	s20 =	simm.s32 @!p0 $0x1  }
0x80: {  	_ =	swait.ge @!p0 [sflag:s20], $0x80  }
0x81: {  	[sflag:s20] =	ssyncset.done @!p0 $0x0  }
0x82: {  	s19 =	sadd.s32 @!p0 s6, s19;
	s22 =	simm.s32 @!p0 $0x1100;
	[sflag:s20] =	ssyncadd.s32 @!p0 $0xFFFFFF80  }
0x83: {  	[hbm4b:s19+s21] =	stream.linear.scatter @!p0 [tilespmem:s22], [sflag:$0x1], $0x80, $0x38;
	[tilespmem:$0x1280] =	vst v63  }
0x84: {  	p1 =	sgt.s32 s18, $0x7F;
	s19 =	sadd.s32 $0xFFFFFF80, s18  }
0x85: {  	_ =	swait.ge @!p0 [sflag:s20], $0x80;
	s18 =	smov.u32 @p1 s19  }
0x86: {  	[sflag:s20] =	ssyncset.done @!p0 $0x0;
	v6 =	vmov s18  }
0x87: {  	[sflag:s20] =	ssyncadd.s32 @!p0 $0xFFFFFF80;
	v6 =	vadd.s32 $0xFFFFFFFF, v6  }
0x88: {  	v7 =	vld @!p0 [tilespmem:$0x1080];
	v6 =	vbroadcast v6, $0x0  }
0x89: {  	v8 =	vld @!p0 [tilespmem:$0x1180]  }
0x8a: {  	s19 =	simm.s32 $0x1;
	v6 =	vadd.s32 v0, v6  }
0x8b: {  	s19 =	simm.s32 @!p1 $0x0;
	s18 =	sadd.s32 s8, s18  }
0x8c: {  	s17 =	sadd.s32 s19, s17;
	p1 =	slt.s32 s18, $0x80  }
0x8d: {  	s19 =	sshll.u32 @!p1 s17, $0x7;
	[tilespmem:$0x1000] =	vst @!p0 v7  }
0x8e: {  	s19 =	sadd.s32 @!p1 s7, s19;
	[tilespmem:$0x1100] =	vst @!p0 v8  }
0x8f: {  	s19 =	sshrl.u32 @!p1 s19, $0x3;
	[tilespmem:v6+s13+$0x0] =	vst.idx.msk $0xffff, v5  }
0x90: {  	s21 =	simm.s32 @!p1 $0x0;
	s22 =	simm.s32 @!p1 $0x1000;
	s20 =	sadd.s32 @!p1 s5, s19;
	[tilespmem:v6+s14+$0x0] =	vst.idx.msk $0xffff, v4  }
0x91: {  	[hbm4b:s20+s21] =	stream.linear.scatter @!p1 [tilespmem:s22], [sflag:$0x1], $0x80, $0x38;
	[tilespmem:$0x1280] =	vst v63  }
0x92: {  	s20 =	simm.s32 @!p1 $0x1  }
0x93: {  	_ =	swait.ge @!p1 [sflag:s20], $0x80  }
0x94: {  	[sflag:s20] =	ssyncset.done @!p1 $0x0  }
0x95: {  	s19 =	sadd.s32 @!p1 s6, s19;
	s22 =	simm.s32 @!p1 $0x1100;
	[sflag:s20] =	ssyncadd.s32 @!p1 $0xFFFFFF80  }
0x96: {  	[hbm4b:s19+s21] =	stream.linear.scatter @!p1 [tilespmem:s22], [sflag:$0x1], $0x80, $0x38;
	[tilespmem:$0x1280] =	vst v63  }
0x97: {  	p0 =	sgt.s32 s18, $0x7F;
	s19 =	sadd.s32 $0xFFFFFF80, s18  }
0x98: {  	_ =	swait.ge @!p1 [sflag:s20], $0x80;
	s18 =	smov.u32 @p0 s19  }
0x99: {  	[sflag:s20] =	ssyncset.done @!p1 $0x0;
	v6 =	vmov s18  }
0x9a: {  	[sflag:s20] =	ssyncadd.s32 @!p1 $0xFFFFFF80;
	v6 =	vadd.s32 $0xFFFFFFFF, v6  }
0x9b: {  	v7 =	vld @!p1 [tilespmem:$0x1080];
	v6 =	vbroadcast v6, $0x0  }
0x9c: {  	v8 =	vld @!p1 [tilespmem:$0x1180]  }
0x9d: {  	s19 =	simm.s32 $0x1;
	v6 =	vadd.s32 v0, v6  }
0x9e: {  	s19 =	simm.s32 @!p0 $0x0;
	s18 =	sadd.s32 s8, s18  }
0x9f: {  	s17 =	sadd.s32 s19, s17;
	p0 =	slt.s32 s18, $0x80  }
0xa0: {  	s19 =	sshll.u32 @!p0 s17, $0x7;
	[tilespmem:$0x1000] =	vst @!p1 v7  }
0xa1: {  	s19 =	sadd.s32 @!p0 s7, s19;
	[tilespmem:$0x1100] =	vst @!p1 v8  }
0xa2: {  	s19 =	sshrl.u32 @!p0 s19, $0x3;
	[tilespmem:v6+s13+$0x0] =	vst.idx.msk $0xffff, v5  }
0xa3: {  	s21 =	simm.s32 @!p0 $0x0;
	s22 =	simm.s32 @!p0 $0x1000;
	s20 =	sadd.s32 @!p0 s5, s19;
	[tilespmem:v6+s14+$0x0] =	vst.idx.msk $0xffff, v4  }
0xa4: {  	[hbm4b:s20+s21] =	stream.linear.scatter @!p0 [tilespmem:s22], [sflag:$0x1], $0x80, $0x38;
	[tilespmem:$0x1280] =	vst v63  }
0xa5: {  	s20 =	simm.s32 @!p0 $0x1  }
0xa6: {  	_ =	swait.ge @!p0 [sflag:s20], $0x80  }
0xa7: {  	[sflag:s20] =	ssyncset.done @!p0 $0x0  }
0xa8: {  	s19 =	sadd.s32 @!p0 s6, s19;
	s22 =	simm.s32 @!p0 $0x1100;
	[sflag:s20] =	ssyncadd.s32 @!p0 $0xFFFFFF80  }
0xa9: {  	[hbm4b:s19+s21] =	stream.linear.scatter @!p0 [tilespmem:s22], [sflag:$0x1], $0x80, $0x38;
	[tilespmem:$0x1280] =	vst v63  }
0xaa: {  	p1 =	sgt.s32 s18, $0x7F;
	s19 =	sadd.s32 $0xFFFFFF80, s18  }
0xab: {  	_ =	swait.ge @!p0 [sflag:s20], $0x80;
	s18 =	smov.u32 @p1 s19  }
0xac: {  	[sflag:s20] =	ssyncset.done @!p0 $0x0;
	v6 =	vmov s18  }
0xad: {  	[sflag:s20] =	ssyncadd.s32 @!p0 $0xFFFFFF80;
	v6 =	vadd.s32 $0xFFFFFFFF, v6  }
0xae: {  	v7 =	vld @!p0 [tilespmem:$0x1080];
	v6 =	vbroadcast v6, $0x0  }
0xaf: {  	v8 =	vld @!p0 [tilespmem:$0x1180]  }
0xb0: {  	s19 =	simm.s32 $0x1;
	v6 =	vadd.s32 v0, v6  }
0xb1: {  	s19 =	simm.s32 @!p1 $0x0;
	s18 =	sadd.s32 s8, s18  }
0xb2: {  	s17 =	sadd.s32 s19, s17;
	p1 =	slt.s32 s18, $0x80  }
0xb3: {  	s19 =	sshll.u32 @!p1 s17, $0x7;
	[tilespmem:$0x1000] =	vst @!p0 v7  }
0xb4: {  	s19 =	sadd.s32 @!p1 s7, s19;
	[tilespmem:$0x1100] =	vst @!p0 v8  }
0xb5: {  	s19 =	sshrl.u32 @!p1 s19, $0x3;
	[tilespmem:v6+s13+$0x0] =	vst.idx.msk $0xffff, v5  }
0xb6: {  	s21 =	simm.s32 @!p1 $0x0;
	s22 =	simm.s32 @!p1 $0x1000;
	s20 =	sadd.s32 @!p1 s5, s19;
	[tilespmem:v6+s14+$0x0] =	vst.idx.msk $0xffff, v4  }
0xb7: {  	[hbm4b:s20+s21] =	stream.linear.scatter @!p1 [tilespmem:s22], [sflag:$0x1], $0x80, $0x38;
	[tilespmem:$0x1280] =	vst v63  }
0xb8: {  	s20 =	simm.s32 @!p1 $0x1  }
0xb9: {  	_ =	swait.ge @!p1 [sflag:s20], $0x80  }
0xba: {  	[sflag:s20] =	ssyncset.done @!p1 $0x0  }
0xbb: {  	s19 =	sadd.s32 @!p1 s6, s19;
	s22 =	simm.s32 @!p1 $0x1100;
	[sflag:s20] =	ssyncadd.s32 @!p1 $0xFFFFFF80  }
0xbc: {  	[hbm4b:s19+s21] =	stream.linear.scatter @!p1 [tilespmem:s22], [sflag:$0x1], $0x80, $0x38;
	[tilespmem:$0x1280] =	vst v63  }
0xbd: {  	p0 =	sgt.s32 s18, $0x7F;
	s19 =	sadd.s32 $0xFFFFFF80, s18  }
0xbe: {  	_ =	swait.ge @!p1 [sflag:s20], $0x80;
	s18 =	smov.u32 @p0 s19  }
0xbf: {  	[sflag:s20] =	ssyncset.done @!p1 $0x0;
	v6 =	vmov s18  }
0xc0: {  	[sflag:s20] =	ssyncadd.s32 @!p1 $0xFFFFFF80;
	v6 =	vadd.s32 $0xFFFFFFFF, v6  }
0xc1: {  	v7 =	vld @!p1 [tilespmem:$0x1080];
	v6 =	vbroadcast v6, $0x0  }
0xc2: {  	v8 =	vld @!p1 [tilespmem:$0x1180]  }
0xc3: {  	s19 =	simm.s32 $0x1;
	v6 =	vadd.s32 v0, v6  }
0xc4: {  	s19 =	simm.s32 @!p0 $0x0;
	s18 =	sadd.s32 s8, s18  }
0xc5: {  	s17 =	sadd.s32 s19, s17;
	p0 =	slt.s32 s18, $0x80  }
0xc6: {  	s19 =	sshll.u32 @!p0 s17, $0x7;
	[tilespmem:$0x1000] =	vst @!p1 v7  }
0xc7: {  	s19 =	sadd.s32 @!p0 s7, s19;
	[tilespmem:$0x1100] =	vst @!p1 v8  }
0xc8: {  	s19 =	sshrl.u32 @!p0 s19, $0x3;
	[tilespmem:v6+s13+$0x0] =	vst.idx.msk $0xffff, v5  }
0xc9: {  	s21 =	simm.s32 @!p0 $0x0;
	s22 =	simm.s32 @!p0 $0x1000;
	s20 =	sadd.s32 @!p0 s5, s19;
	[tilespmem:v6+s14+$0x0] =	vst.idx.msk $0xffff, v4  }
0xca: {  	[hbm4b:s20+s21] =	stream.linear.scatter @!p0 [tilespmem:s22], [sflag:$0x1], $0x80, $0x38;
	[tilespmem:$0x1280] =	vst v63  }
0xcb: {  	s20 =	simm.s32 @!p0 $0x1  }
0xcc: {  	_ =	swait.ge @!p0 [sflag:s20], $0x80  }
0xcd: {  	[sflag:s20] =	ssyncset.done @!p0 $0x0  }
0xce: {  	s19 =	sadd.s32 @!p0 s6, s19;
	s22 =	simm.s32 @!p0 $0x1100;
	[sflag:s20] =	ssyncadd.s32 @!p0 $0xFFFFFF80  }
0xcf: {  	[hbm4b:s19+s21] =	stream.linear.scatter @!p0 [tilespmem:s22], [sflag:$0x1], $0x80, $0x38;
	[tilespmem:$0x1280] =	vst v63  }
0xd0: {  	p1 =	sgt.s32 s18, $0x7F;
	s19 =	sadd.s32 $0xFFFFFF80, s18  }
0xd1: {  	_ =	swait.ge @!p0 [sflag:s20], $0x80;
	s18 =	smov.u32 @p1 s19  }
0xd2: {  	[sflag:s20] =	ssyncset.done @!p0 $0x0;
	v6 =	vmov s18  }
0xd3: {  	[sflag:s20] =	ssyncadd.s32 @!p0 $0xFFFFFF80;
	v6 =	vadd.s32 $0xFFFFFFFF, v6  }
0xd4: {  	v7 =	vld @!p0 [tilespmem:$0x1080];
	v6 =	vbroadcast v6, $0x0  }
0xd5: {  	v8 =	vld @!p0 [tilespmem:$0x1180]  }
0xd6: {  	s19 =	simm.s32 $0x1;
	v6 =	vadd.s32 v0, v6  }
0xd7: {  	s19 =	simm.s32 @!p1 $0x0;
	s18 =	sadd.s32 s8, s18  }
0xd8: {  	s17 =	sadd.s32 s19, s17;
	p1 =	slt.s32 s18, $0x80  }
0xd9: {  	s19 =	sshll.u32 @!p1 s17, $0x7;
	[tilespmem:$0x1000] =	vst @!p0 v7  }
0xda: {  	s19 =	sadd.s32 @!p1 s7, s19;
	[tilespmem:$0x1100] =	vst @!p0 v8  }
0xdb: {  	s19 =	sshrl.u32 @!p1 s19, $0x3;
	[tilespmem:v6+s13+$0x0] =	vst.idx.msk $0xffff, v5  }
0xdc: {  	s21 =	simm.s32 @!p1 $0x0;
	s22 =	simm.s32 @!p1 $0x1000;
	s20 =	sadd.s32 @!p1 s5, s19;
	[tilespmem:v6+s14+$0x0] =	vst.idx.msk $0xffff, v4  }
0xdd: {  	[hbm4b:s20+s21] =	stream.linear.scatter @!p1 [tilespmem:s22], [sflag:$0x1], $0x80, $0x38;
	[tilespmem:$0x1280] =	vst v63  }
0xde: {  	s20 =	simm.s32 @!p1 $0x1  }
0xdf: {  	_ =	swait.ge @!p1 [sflag:s20], $0x80  }
0xe0: {  	[sflag:s20] =	ssyncset.done @!p1 $0x0  }
0xe1: {  	s19 =	sadd.s32 @!p1 s6, s19;
	s22 =	simm.s32 @!p1 $0x1100;
	[sflag:s20] =	ssyncadd.s32 @!p1 $0xFFFFFF80  }
0xe2: {  	[hbm4b:s19+s21] =	stream.linear.scatter @!p1 [tilespmem:s22], [sflag:$0x1], $0x80, $0x38;
	[tilespmem:$0x1280] =	vst v63  }
0xe3: {  	p0 =	sgt.s32 s18, $0x7F;
	s19 =	sadd.s32 $0xFFFFFF80, s18  }
0xe4: {  	_ =	swait.ge @!p1 [sflag:s20], $0x80;
	s18 =	smov.u32 @p0 s19  }
0xe5: {  	[sflag:s20] =	ssyncset.done @!p1 $0x0;
	v6 =	vmov s18  }
0xe6: {  	[sflag:s20] =	ssyncadd.s32 @!p1 $0xFFFFFF80;
	v6 =	vadd.s32 $0xFFFFFFFF, v6  }
0xe7: {  	v7 =	vld @!p1 [tilespmem:$0x1080];
	v6 =	vbroadcast v6, $0x0  }
0xe8: {  	v8 =	vld @!p1 [tilespmem:$0x1180]  }
0xe9: {  	s19 =	simm.s32 $0x1;
	v6 =	vadd.s32 v0, v6  }
0xea: {  	s19 =	simm.s32 @!p0 $0x0;
	s18 =	sadd.s32 s8, s18  }
0xeb: {  	s17 =	sadd.s32 s19, s17;
	p0 =	slt.s32 s18, $0x80  }
0xec: {  	s19 =	sshll.u32 @!p0 s17, $0x7;
	[tilespmem:$0x1000] =	vst @!p1 v7  }
0xed: {  	s19 =	sadd.s32 @!p0 s7, s19;
	[tilespmem:$0x1100] =	vst @!p1 v8  }
0xee: {  	s19 =	sshrl.u32 @!p0 s19, $0x3;
	[tilespmem:v6+s13+$0x0] =	vst.idx.msk $0xffff, v5  }
0xef: {  	s21 =	simm.s32 @!p0 $0x0;
	s22 =	simm.s32 @!p0 $0x1000;
	s20 =	sadd.s32 @!p0 s5, s19;
	[tilespmem:v6+s14+$0x0] =	vst.idx.msk $0xffff, v4  }
0xf0: {  	[hbm4b:s20+s21] =	stream.linear.scatter @!p0 [tilespmem:s22], [sflag:$0x1], $0x80, $0x38;
	[tilespmem:$0x1280] =	vst v63  }
0xf1: {  	s20 =	simm.s32 @!p0 $0x1  }
0xf2: {  	_ =	swait.ge @!p0 [sflag:s20], $0x80  }
0xf3: {  	[sflag:s20] =	ssyncset.done @!p0 $0x0  }
0xf4: {  	s19 =	sadd.s32 @!p0 s6, s19;
	s22 =	simm.s32 @!p0 $0x1100;
	[sflag:s20] =	ssyncadd.s32 @!p0 $0xFFFFFF80  }
0xf5: {  	[hbm4b:s19+s21] =	stream.linear.scatter @!p0 [tilespmem:s22], [sflag:$0x1], $0x80, $0x38;
	[tilespmem:$0x1280] =	vst v63  }
0xf6: {  	_ =	swait.ge @!p0 [sflag:s20], $0x80  }
0xf7: {  	[sflag:s20] =	ssyncset.done @!p0 $0x0  }
0xf8: {  	[sflag:s20] =	ssyncadd.s32 @!p0 $0xFFFFFF80  }
0xf9: {  	v6 =	vld @!p0 [tilespmem:$0x1080]  }
0xfa: {  	v7 =	vld @!p0 [tilespmem:$0x1180];
	_ =	sdelay $0x1  }
0xfb: {  	p1 =	sgt.s32 s18, $0x7F;
	s18 =	simm.s32 $0x1  }
0xfc: {  	s18 =	simm.s32 @!p1 $0x0  }
0xfd: {  	s16 =	sadd.s32 $0x1, s16;
	s17 =	sadd.s32 s18, s17;
	[tilespmem:$0x1000] =	vst @!p0 v6  }
0xfe: {  	[tilespmem:$0x1100] =	vst @!p0 v7;
	v6 =	vmov s17;
	p0 =	sne.s32 s16, s10  }
.Ltmp2:
0xff: {  	[tilespmem:$0x1200] =	vst v6;
	(pc) =	sbr.rel @p0 .LBB2_1-.Ltmp2, $4  }
0x100: {  	[hbm4b:s9+s1] =	stream.linear.scatter [tilespmem:s15], [sflag:$0x1], $0x80, $0x38;
	[tilespmem:$0x1280] =	vst v63  }
0x101: {  	_ =	swait.ge [sflag:s11], $0x80  }
0x102: {  	[sflag:s11] =	ssyncset.done $0x0  }
0x103: {  	[sflag:s11] =	ssyncadd.s32 $0xFFFFFF80  }
0x104: {  	_ =	sfence.sel $0x180000  }
0x105: {  	[bflag:$0x0] =	sbarrier.arrive $0xFFFF  }
0x106: {  	p0 =	sne.s32 s2, $0x0;
	_ =	strace $0x90000047  }
0x107: {  	s0 =	sadd.s32 @!p0 $0x100000, s0;
	[bflag:$0x2] =	sbarrier.arrive $0xFFFF  }
0x108: {  	[sflag:s0] =	ssyncadd.tile.s32 @!p0 $0x1;
	_ =	shalt  }
.Lfunc_end2:
_tile_overlayer_lowered:
.L_overlay_start_2:
0x109: {  	(tag) =	ssettag $0x2  }
0x10a: {  	s0 =	rddreg [dreg:$0x0];
	s2 =	stileid.u32  }
0x10b: {  	s1 =	rddreg [dreg:$0x1];
	p0 =	sne.s32 s2, $0x0  }
0x10c: {  	s3 =	rddreg [dreg:$0x2];
	[bflag:$0x3] =	sbarrier.arrive $0xFFFF;
	s2 =	simm.s32 @!p0 $0x1C01  }
0x10d: {  	[timem:s3], [sflag:s2] =	dma.local @!p0 [hbm:s0], s1  }
0x10e: {  	s0 =	simm.s32 @!p0 $0x1  }
0x10f: {  	_ =	swait.ge @!p0 [sflag:s0], s1  }
0x110: {  	s1 =	ssub.s32 @!p0 $0x0, s1;
	[sflag:s0] =	ssyncset.done @!p0 $0x0  }
0x111: {  	[sflag:s0] =	ssyncadd.s32 @!p0 s1  }
0x112: {  	[bflag:$0x3] =	sbarrier.arrive $0xFFFF  }
0x113: {  	_ =	shalt  }

// kernel: kernel.15.cloned.1.call-start
scs
__scs_entry_jumppad:
0x0: {  	(pc) =	sbr.rel $0x88, $3  }
0x1: {  	(tag) =	ssettag $0x0;
	lr =	simm.s32 $0x1  }
0x2: {  	[smem:$0x3F84] =	sst lr;
	_ =	strace $0xD0000000  }
0x3: {  	_ = 	snop  }
0x4: {  	_ = 	snop  }
0x5: {  	_ = 	snop  }
0x6: {  	_ = 	snop  }
0x7: {  	_ = 	snop  }
__scs_overlays_trampoline_lowered:
0x8: {  	[smem:$0x3F93] =	sst s0  }
0x9: {  	[smem:$0x3F94] =	sst s1  }
0xa: {  	[smem:$0x3F95] =	sst s2  }
0xb: {  	[smem:$0x3F96] =	sst s3  }
0xc: {  	[smem:$0x3F97] =	sst s4  }
0xd: {  	[smem:$0x3F98] =	sst s5  }
0xe: {  	[smem:$0x3F99] =	sst s6  }
0xf: {  	[smem:$0x3F9A] =	sst s7  }
0x10: {  	[smem:$0x3F9B] =	sst s8  }
0x11: {  	[smem:$0x3F9C] =	sst s9;
	s0 =	simm.s32 @!p0 $0x0  }
0x12: {  	s1 =	sld [smem:$0x3F82];
	s0 =	simm.s32 @p0 $0x1  }
0x13: {  	[smem:$0x3F9D] =	sst s0;
	s0 =	simm.s32 @!p1 $0x0  }
0x14: {  	s2 =	sld [smem:$0x3F81];
	s0 =	simm.s32 @p1 $0x1  }
0x15: {  	[smem:$0x3F9E] =	sst s0;
	s0 =	simm.s32 @!p2 $0x0  }
0x16: {  	s3 =	sld [smem:$0x3FDB];
	s0 =	simm.s32 @p2 $0x1  }
0x17: {  	s4 =	simm.s32 $0x1BF5;
	[smem:$0x3FA0] =	sst s0  }
0x18: {  	s0 =	sld [smem:$0x3F83];
	_ =	swait.ge [sflag:s4], $0x0  }
0x19: {  	s7 =	sld [smem:$0x3F84]  }
0x1a: {  	s8 =	sadd.s32 $0xFFFFE003, lr  }
0x1b: {  	s9 =	sadd.s32 $0xFFFFFEF7, lr;
	s5 =	simm.s32 $0xFFFFFFFF;
	p2 =	slt.u32 s8, $0xFFFFF086  }
0x1c: {  	p1 =	slt.u32 s9, $0xF7A;
	s5 =	simm.s32 @!p2 $0x0  }
0x1d: {  	s5 =	simm.s32 @p1 $0x1;
	p0 =	seq.s32 s7, s2  }
0x1e: {  	s7 =	smul.u32 @!p0 $0xF7A, s2;
	p2 =	seq.s32 @!p0 s5, $0x0  }
0x1f: {  	s9 =	smul.u32 $0xF7A, s1;
	s8 =	simm.s32 @!p0 $0x1BF5;
	p2 =	por !p2, p0  }
0x20: {  	[sflag:s8] =	ssyncset.s32 @!p0 $0xFFFFF086;
	s6 =	sadd.s32 @!p0 s3, s7;
	s7 =	simm.s32 @!p0 $0x108  }
0x21: {  	s3 =	sadd.s32 s3, s9;
	s6 =	sadd.s32 @!p0 $0x88, s6;
	s7 =	simm.s32 @p2 $0x1082  }
0x22: {  	[simem:s7], [sflag:s8] =	dma.local @!p0 [hbm:s6], $0xF7A  }
0x23: {  	s9 =	sor.u32 $0xD0000000, s2;
	s6 =	simm.s32 $0x108;
	_ =	swait.ge @!p0 [sflag:s8], $0x0  }
0x24: {  	s3 =	sadd.s32 $0x88, s3;
	s6 =	simm.s32 @!p1 $0x1082;
	[sflag:s4] =	ssyncset.s32 $0xFFFFF086  }
0x25: {  	[simem:s6], [sflag:s4] =	dma.local [hbm:s3], $0xF7A  }
0x26: {  	[smem:$0x3F84] =	sst s1;
	(tag) =	ssettag s2;
	_ =	strace s9  }
0x27: {  	s1 =	sld [smem:$0x3F94]  }
0x28: {  	s2 =	sld [smem:$0x3F95]  }
0x29: {  	s4 =	sld [smem:$0x3F97]  }
0x2a: {  	p0 =	seq.s32 s5, $0x0;
	s5 =	sld [smem:$0x3F98]  }
0x2b: {  	s6 =	sld [smem:$0x3F99]  }
0x2c: {  	s7 =	sld [smem:$0x3F9A]  }
0x2d: {  	s3 =	simm.s32 $0x108;
	s8 =	sld [smem:$0x3F9B]  }
0x2e: {  	s3 =	simm.s32 @!p0 $0x1082;
	s9 =	sld [smem:$0x3F9C]  }
0x2f: {  	lr =	sadd.s32 s0, s3;
	s0 =	sld [smem:$0x3F93]  }
0x30: {  	s3 =	sld [smem:$0x3F96]  }
0x31: {  	[smem:$0x3F9F] =	sst s10  }
0x32: {  	s10 =	sld [smem:$0x3F9D];
	_ =	sdelay $0x3  }
0x33: {  	p0 =	seq.s32 s10, $0x1;
	s10 =	sld [smem:$0x3F9F];
	_ =	sdelay $0x3  }
0x34: {  	[smem:$0x3F9F] =	sst s10  }
0x35: {  	s10 =	sld [smem:$0x3F9E];
	_ =	sdelay $0x3  }
0x36: {  	p1 =	seq.s32 s10, $0x1;
	s10 =	sld [smem:$0x3F9F];
	_ =	sdelay $0x3  }
0x37: {  	[smem:$0x3F9F] =	sst s10  }
0x38: {  	s10 =	sld [smem:$0x3FA0]  }
0x39: {  	_ = 	snop;
	(pc) =	sbr.ind lr, $3  }
0x3a: {  	_ = 	snop  }
0x3b: {  	_ = 	snop  }
0x3c: {  	p2 =	seq.s32 s10, $0x1;
	s10 =	sld [smem:$0x3F9F]  }
0x3d: {  	_ =	shalt  }
0x3e: {  	_ =	shalt  }
0x3f: {  	_ =	shalt  }
0x40: {  	_ =	shalt  }
0x41: {  	_ =	shalt  }
0x42: {  	_ =	shalt  }
0x43: {  	_ =	shalt  }
0x44: {  	_ =	shalt  }
0x45: {  	_ =	shalt  }
0x46: {  	_ =	shalt  }
0x47: {  	_ =	shalt  }
0x48: {  	_ =	shalt  }
0x49: {  	_ =	shalt  }
0x4a: {  	_ =	shalt  }
0x4b: {  	_ =	shalt  }
0x4c: {  	_ =	shalt  }
0x4d: {  	_ =	shalt  }
0x4e: {  	_ =	shalt  }
0x4f: {  	_ =	shalt  }
0x50: {  	_ =	shalt  }
0x51: {  	_ =	shalt  }
0x52: {  	_ =	shalt  }
0x53: {  	_ =	shalt  }
0x54: {  	_ =	shalt  }
0x55: {  	_ =	shalt  }
0x56: {  	_ =	shalt  }
0x57: {  	_ =	shalt  }
0x58: {  	_ =	shalt  }
0x59: {  	_ =	shalt  }
0x5a: {  	_ =	shalt  }
0x5b: {  	_ =	shalt  }
0x5c: {  	_ =	shalt  }
0x5d: {  	_ =	shalt  }
0x5e: {  	_ =	shalt  }
0x5f: {  	_ =	shalt  }
0x60: {  	_ =	shalt  }
0x61: {  	_ =	shalt  }
0x62: {  	_ =	shalt  }
0x63: {  	_ =	shalt  }
0x64: {  	_ =	shalt  }
0x65: {  	_ =	shalt  }
0x66: {  	_ =	shalt  }
0x67: {  	_ =	shalt  }
0x68: {  	_ =	shalt  }
0x69: {  	_ =	shalt  }
0x6a: {  	_ =	shalt  }
0x6b: {  	_ =	shalt  }
0x6c: {  	_ =	shalt  }
0x6d: {  	_ =	shalt  }
0x6e: {  	_ =	shalt  }
0x6f: {  	_ =	shalt  }
0x70: {  	_ =	shalt  }
0x71: {  	_ =	shalt  }
0x72: {  	_ =	shalt  }
0x73: {  	_ =	shalt  }
0x74: {  	_ =	shalt  }
0x75: {  	_ =	shalt  }
0x76: {  	_ =	shalt  }
0x77: {  	_ =	shalt  }
0x78: {  	_ =	shalt  }
0x79: {  	_ =	shalt  }
0x7a: {  	_ =	shalt  }
0x7b: {  	_ =	shalt  }
0x7c: {  	_ =	shalt  }
0x7d: {  	_ =	shalt  }
0x7e: {  	_ =	shalt  }
0x7f: {  	_ =	shalt  }
0x80: {  	_ =	shalt  }
0x81: {  	_ =	shalt  }
0x82: {  	_ =	shalt  }
0x83: {  	_ =	shalt  }
0x84: {  	_ =	shalt  }
0x85: {  	_ =	shalt  }
0x86: {  	_ =	shalt  }
0x87: {  	_ =	shalt  }
.Lfunc_end0:
.L_simem_size_0:
called_computation.1_lowered:
.L_overlay_start_0:
0x88: {  	s2 =	sld [smem:$0x3FD9]  }
0x89: {  	s3 =	sld [smem:$0x3FFE];
	_ =	sdelay $0x1  }
0x8a: {  	s1 =	srdreg.scid  }
0x8b: {  	s0 =	sand.u32 $0x1, s1  }
0x8c: {  	s17 =	sshll.u32 s0, $0xA;
	s2 =	sadd.s32 s3, s2  }
0x8d: {  	s2 =	sadd.s32 s2, s17  }
0x8e: {  	[smem:$0x3FAB] =	sst s2  }
0x8f: {  	_ = 	snop  }
0x90: {  	s2 =	sld [smem:$0x3FD0];
	(tm) =	ssettm $0x1  }
0x91: {  	s18 =	sld [smem:$0x3FFB];
	_ =	sdelay $0x3  }
0x92: {  	_ =	strace s18  }
0x93: {  	s3 =	sld [smem:$0x3FFC];
	_ =	sdelay $0x3  }
0x94: {  	_ =	strace s3  }
0x95: {  	s3 =	sld [smem:$0x3FFD];
	_ =	sdelay $0x3  }
0x96: {  	_ =	strace s3  }
0x97: {  	_ =	strace $0x8FFFFFFF  }
0x98: {  	s19 =	sld [smem:$0x3FDB];
	_ =	sdelay $0x1  }
0x99: {  	s4 =	simm.s32 $_scs_section_size  }
0x9a: {  	s5 =	simm.s32 $_size__tile_overlayer_lowered;
	s6 =	simm.s32 $_tile_overlayer_lowered  }
0x9b: {  	s22 =	simm.s32 $0x1BFF;
	s21 =	sshll.u32 s6, $0x1;
	s3 =	sadd.s32 s4, s19  }
0x9c: {  	s7 =	simm.s32 $0x0;
	s20 =	sshll.u32 s5, $0x1;
	s5 =	sadd.s32 s21, s3  }
0x9d: {  	[timem:s7], [sflag:s22] =	dma.local [hbm:s5], s20  }
0x9e: {  	_ =	swait.ge [sflag:s22], s20  }
0x9f: {  	s4 =	ssub.s32 $0x0, s20;
	[sflag:s22] =	ssyncset.done $0x0  }
0xa0: {  	[sflag:s22] =	ssyncadd.s32 s4;
	_ =	sdelay $0x1  }
0xa1: {  	s23 =	simm.s32 $0x1B8B  }
0xa2: {  	_ =	swait.ge [sflag:s23], $0x1  }
0xa3: {  	[sflag:s23] =	ssyncset.done $0x0  }
0xa4: {  	s25 =	simm.s32 $0x1B8E;
	s24 =	sld [smem:$0x3FFE];
	[sflag:s23] =	ssyncadd.s32 $0xFFFFFFFF  }
0xa5: {  	s26 =	simm.s32 $execute0_lowered;
	[smem:$0x3FD2] =	sst s25  }
0xa6: {  	s5 =	sshll.u32 s26, $0x1;
	_ =	strace $0x80000049;
	[dreg:$0x1] =	wrdreg $0xFFFFFFFF  }
0xa7: {  	s28 =	simm.s32 $_size_execute0_lowered;
	s3 =	sadd.s32 s3, s5;
	[dreg:$0x0] =	wrdreg $0x0  }
0xa8: {  	s5 =	sshll.u32 s28, $0x1;
	[dreg:$0x2] =	wrdreg s3  }
0xa9: {  	[dreg:$0x3] =	wrdreg s5  }
0xaa: {  	[dreg:$0x4] =	wrdreg $0xC0  }
0xab: {  	_ =	task [dreg:s7], $0x5FFFF  }
0xac: {  	[dreg:$0x1] =	wrdreg $0xFFFFFFFF  }
0xad: {  	[dreg:$0x0] =	wrdreg $0x60  }
0xae: {  	[dreg:$0x2] =	wrdreg s24  }
0xaf: {  	[dreg:$0x3] =	wrdreg s2  }
0xb0: {  	[dreg:$0x4] =	wrdreg $0x82800  }
0xb1: {  	[dreg:$0x5] =	wrdreg $0x9  }
0xb2: {  	_ =	task.clear_ibuf [dreg:s7], $0x6FFFF;
	_ =	strace $0x90000049  }
0xb3: {  	s29 =	simm.s32 $0x9;
	_ =	strace $0x8000004B  }
0xb4: {  	_ =	swait.ge [sflag:s29], $0x1  }
0xb5: {  	[sflag:s29] =	ssyncadd.s32 $0xFFFFFFFF  }
0xb6: {  	_ =	strace $0x9000004B  }
0xb7: {  	_ =	sfence  }
0xb8: {  	s30 =	sld [smem:$0x0];
	_ =	sdelay $0x2  }
0xb9: {  	s31 =	sshll.u32 s1, $0xD;
	s1 =	sshrl.u32 s1, $0x2  }
0xba: {  	s3 =	sand.u32 $0x4000, s31;
	s1 =	sadd.s32 s1, s30  }
0xbb: {  	s0 =	sor.u32 s3, s0;
	s1 =	sshll.u32 s1, $0x11  }
0xbc: {  	s0 =	sor.u32 s1, s0  }
0xbd: {  	s0 =	sadd.s32 $0x8F2B, s0  }
0xbe: {  	[sflag:s0] =	ssyncadd.remote.s32 $0x1  }
0xbf: {  	_ =	sfence.sel $0xFFFF  }
0xc0: {  	[dreg:$0x0] =	wrdreg $0xFFFFFFFF;
	(pc) =	sbr.abs _section_cstart, $3  }
0xc1: {  	[dreg:$0x1] =	wrdreg $0xFFFFFFFF  }
0xc2: {  	_ =	task.clear_ibuf [dreg:s7], $0x2FFFF;
	_ =	strace $0x9FFFFFFF  }
0xc3: {  	(tm) =	ssettm $0x7FFFFFFF  }
tec
execute0_lowered:
.L_overlay_start_1:
0x0: {  	(tag) =	ssettag $0x1  }
0x1: {  	s7 =	rddreg [dreg:$0x0]  }
0x2: {  	s10 =	rddreg [dreg:$0x1]  }
0x3: {  	s1 =	rddreg [dreg:$0x2];
	s2 =	srdreg.scid  }
0x4: {  	s0 =	rddreg [dreg:$0x3];
	s3 =	simm.s32 $0x0;
	s16 =	simm.s32 $0x3  }
0x5: {  	s17 =	simm.s32 $0x80;
	s8 =	sand.u32 $0x1, s2;
	s2 =	stileid.u32  }
0x6: {  	s18 =	simm.s32 $0x0;
	[smem:$0x7FF] =	sst s3;
	s6 =	smul.u32 $0xA0000, s8  }
0x7: {  	s4 =	sadd.s32 $0x28AC00, s7;
	s5 =	sadd.s32 $0x19800, s7;
	s9 =	smul.u32 $0xA000, s2  }
0x8: {  	_ =	strace $0x8000004A;
	s28 =	ssub.s32 $0x2, s8;
	s8 =	sshll.u32 s8, $0x4  }
0x9: {  	s11 =	smul.u32 $0x28000, s2;
	s29 =	sshrl.u32 s28, $0x1;
	s12 =	sor.u32 s2, s8  }
0xa: {  	s9 =	sadd.s32 s9, s6;
	s6 =	sadd.s32 $0x152200, s7;
	s31 =	smul.u32 $0x9C50, s12  }
.Ltmp0:
0xb: {  	s30 =	sshrl.u32 s11, $0x2;
	s14 =	ssub.s32 s28, s29;
	(pc) =	sbr.rel .LBB2_1-.Ltmp0, $4  }
0xc: {  	s15 =	sshll.u32 s12, $0x4;
	s12 =	smul.u32 $0x4E280, s12;
	s9 =	sshrl.u32 s9, $0x3  }
0xd: {  	s10 =	sadd.s32 s10, s15;
	s14 =	smax.u32 s14, $0x1;
	s15 =	simm.s32 $0x280  }
0xe: {  	s13 =	sadd.s32 s9, s7;
	s7 =	sadd.s32 s30, s1;
	s11 =	sadd.s32 s5, s31  }
0xf: {  	v0 =	vimm.f32 $0.0e+00;
	s8 =	sadd.s32 $0x4000, s7;
	s9 =	sadd.s32 $0x8000, s7;
	s13 =	sadd.s32 $0x2B1E00, s13  }
.LBB2_6:
0x10: {  	s18 =	sadd.s32 $0x1, s18  }
0x11: {  	s19 =	sshll.u32 s2, $0x6;
	[bflag:$0x0] =	sbarrier.arrive $0xFFFF;
	p0 =	sne.s32 s18, s14  }
.Ltmp1:
0x12: {  	s20 =	sshrl.u32 s7, $0x3;
	s19 =	sor.u32 $0x1C03, s19;
	(pc) =	sbr.rel @!p0 .LBB2_7-.Ltmp1, $4  }
0x13: {  	[hbm:s13], [sflag:s19] =	dma.local [spmem:s20], $0x1400  }
0x14: {  	_ =	swait.ge [sflag:s16], $0x1400  }
0x15: {  	[sflag:s16] =	ssyncset.done $0x0  }
0x16: {  	[sflag:s16] =	ssyncadd.s32 $0xFFFFEC00  }
.LBB2_1:
0x17: {  	s19 =	simm.s32 $0x0;
	s20 =	simm.s32 $0x200  }
.LBB2_2:
0x18: {  	p0 =	sne.s32 s20, $0xFE00;
	[tilespmem:s19+$0x2F0] =	vst v0  }
0x19: {  	[tilespmem:s19+$0x280] =	vst v0  }
0x1a: {  	[tilespmem:s19+$0x290] =	vst v0  }
.Ltmp2:
0x1b: {  	[tilespmem:s19+$0x2A0] =	vst v0;
	(pc) =	sbr.rel @p0 .LBB2_2-.Ltmp2, $4  }
0x1c: {  	[tilespmem:s19+$0x2B0] =	vst v0  }
0x1d: {  	[tilespmem:s19+$0x2C0] =	vst v0  }
0x1e: {  	[tilespmem:s19+$0x2D0] =	vst v0  }
0x1f: {  	[tilespmem:s19+$0x2E0] =	vst v0;
	s19 =	sshra.s32 s20, $0x2;
	s20 =	sadd.s32 $0x200, s20  }
0x20: {  	[tilespmem:s19+$0x2F0] =	vst v0  }
0x21: {  	[tilespmem:s19+$0x280] =	vst v0  }
0x22: {  	[tilespmem:s19+$0x290] =	vst v0  }
0x23: {  	[tilespmem:s19+$0x2A0] =	vst v0  }
0x24: {  	[tilespmem:s19+$0x2B0] =	vst v0  }
0x25: {  	[tilespmem:s19+$0x2C0] =	vst v0  }
0x26: {  	[tilespmem:s19+$0x2D0] =	vst v0  }
0x27: {  	[tilespmem:s19+$0x2E0] =	vst v0  }
0x28: {  	[spmem:s7] =	stream.linear.scatter [tilespmem:s15], [sflag:$0x3], $0x4000, $0x38;
	[tilespmem:$0x12280] =	vst v63  }
0x29: {  	_ =	swait.ge [sflag:s16], $0x4000  }
0x2a: {  	[sflag:s16] =	ssyncset.done $0x0  }
0x2b: {  	[sflag:s16] =	ssyncadd.s32 $0xFFFFC000  }
0x2c: {  	[spmem:s8] =	stream.linear.scatter [tilespmem:s15], [sflag:$0x3], $0x4000, $0x38;
	[tilespmem:$0x12280] =	vst v63  }
0x2d: {  	_ =	swait.ge [sflag:s16], $0x4000  }
0x2e: {  	[sflag:s16] =	ssyncset.done $0x0  }
0x2f: {  	[sflag:s16] =	ssyncadd.s32 $0xFFFFC000  }
0x30: {  	[spmem:s9] =	stream.linear.scatter [tilespmem:s15], [sflag:$0x3], $0x2000, $0x38;
	[tilespmem:$0x12280] =	vst v63  }
0x31: {  	_ =	swait.ge [sflag:s16], $0x2000  }
0x32: {  	[sflag:s16] =	ssyncset.done $0x0  }
0x33: {  	[sflag:s16] =	ssyncadd.s32 $0xFFFFE000  }
0x34: {  	[bflag:$0x0] =	sbarrier.arrive $0xFFFF  }
0x35: {  	[tilespmem:s3], [sflag:$0x3] =	stream.linear.gather [hbm4b:s10+s3], $0x80, $0x38;
	[tilespmem:$0x12280] =	vst v63  }
0x36: {  	_ =	swait.ge [sflag:s16], $0x80  }
0x37: {  	[sflag:s16] =	ssyncset.done $0x0  }
0x38: {  	[sflag:s16] =	ssyncadd.s32 $0xFFFFFF80  }
0x39: {  	v1 =	vld [tilespmem:$0x0];
	_ =	sdelay $0x4  }
0x3a: {  	v1 =	vxor.u32 $0x80000000, v1  }
0x3b: {  	(xrf0) =	vmax.scan.msk.u32 $0xffff, v1;
	_ =	sdelay $0x5  }
0x3c: {  	v1, _, _ =	vpop (xrf0)  }
0x3d: {  	(v2sf) =	vpush v1, $0xF;
	_ =	sdelay $0xe  }
0x3e: {  	s31 =	spop (v2sf)  }
0x3f: {  	s19 =	sxor.u32 $0x80000000, s31  }
0x40: {  	p0 =	slt.s32 s19, $0x1  }
.Ltmp3:
0x41: {  	_ = 	snop;
	(pc) =	sbr.rel @p0 .LBB2_6-.Ltmp3, $1  }
0x42: {  	_ =	sdelay $0x3  }
0x43: {  	s21 =	simm.s32 $0x0  }
0x44: {  	[tilespmem:s17], [sflag:$0x3] =	stream.linear.gather [hbm4b:s11+s21], $0x80, $0x38;
	[tilespmem:$0x12280] =	vst v63  }
0x45: {  	_ =	swait.ge [sflag:s16], $0x80  }
0x46: {  	[sflag:s16] =	ssyncset.done $0x0  }
0x47: {  	[sflag:s16] =	ssyncadd.s32 $0xFFFFFF80  }
0x48: {  	[tilespmem:s15], [sflag:$0x1] =	stream.indirect.gather [hbm4b:s4+s17], $0x80, s17, s17, $0xb8;
	[tilespmem:$0x12280] =	vst v63  }
.LBB2_5:
0x49: {  	s20 =	sand.u32 $0x1, s21  }
0x4a: {  	p0 =	seq.s32 s20, $0x1  }
0x4b: {  	s20 =	sadd.s32 @p0 $0x1, s21  }
0x4c: {  	p1 =	sge.s32 @p0 s20, s19  }
0x4d: {  	s22 =	simm.s32 @p0 $0x2;
	p1 =	por p1, !p0  }
0x4e: {  	_ =	swait.ge @p0 [sflag:s22], $0x4000;
	s23 =	sshll.u32 @!p1 s20, $0x7  }
0x4f: {  	[sflag:s22] =	ssyncset.done @p0 $0x0;
	s23 =	sadd.s32 @!p1 s12, s23  }
0x50: {  	[sflag:s22] =	ssyncadd.s32 @p0 $0xFFFFC000;
	s22 =	sshrl.u32 @!p1 s23, $0x3  }
0x51: {  	s24 =	simm.s32 @!p1 $0x80;
	s23 =	simm.s32 @!p1 $0x0;
	s22 =	sadd.s32 @!p1 s5, s22  }
0x52: {  	[tilespmem:s24], [sflag:$0x4] =	stream.linear.gather @!p1 [hbm4b:s22+s23], $0x80, $0x38;
	[tilespmem:$0x12280] =	vst v63  }
0x53: {  	s22 =	simm.s32 @!p1 $0x4  }
0x54: {  	_ =	swait.ge @!p1 [sflag:s22], $0x80  }
0x55: {  	[sflag:s22] =	ssyncset.done @!p1 $0x0  }
0x56: {  	[sflag:s22] =	ssyncadd.s32 @!p1 $0xFFFFFF80;
	s22 =	simm.s32 @!p1 $0x280  }
0x57: {  	[tilespmem:s22], [sflag:$0x1] =	stream.indirect.gather @!p1 [hbm4b:s4+s24], $0x80, s24, s24, $0xb8;
	[tilespmem:$0x12280] =	vst v63  }
0x58: {  	s22 =	sshll.u32 @p0 s21, $0x7  }
0x59: {  	s22 =	sadd.s32 @p0 s12, s22  }
0x5a: {  	s22 =	sshrl.u32 @p0 s22, $0x3  }
0x5b: {  	s23 =	simm.s32 @p0 $0x0;
	s24 =	simm.s32 @p0 $0x200;
	s22 =	sadd.s32 @p0 s6, s22  }
0x5c: {  	[tilespmem:s24], [sflag:$0x4] =	stream.linear.gather @p0 [hbm4b:s22+s23], $0x80, $0x38;
	[tilespmem:$0x12280] =	vst v63  }
0x5d: {  	s22 =	simm.s32 @p0 $0x4  }
0x5e: {  	_ =	swait.ge @p0 [sflag:s22], $0x80  }
0x5f: {  	[sflag:s22] =	ssyncset.done @p0 $0x0  }
0x60: {  	s23 =	simm.s32 @p0 $0x4280;
	[sflag:s22] =	ssyncadd.s32 @p0 $0xFFFFFF80;
	s22 =	simm.s32 @p0 $0x80  }
0x61: {  	[spmem:s1] =	stream.indirect.scatter.add.f32 @p0 [tilespmem:s23], [sflag:$0x3], $0x80, s24, s22, $0xb8;
	[tilespmem:$0x12280] =	vst v63  }
0x62: {  	s22 =	simm.s32 @p0 $0x3  }
0x63: {  	s23 =	sor.u32 @!p0 $0x1, s21;
	_ =	swait.ge @p0 [sflag:s22], $0x4000  }
0x64: {  	p1 =	sge.s32 @!p0 s23, s19;
	[sflag:s22] =	ssyncset.done @p0 $0x0  }
0x65: {  	p1 =	por p1, p0;
	[sflag:s22] =	ssyncadd.s32 @p0 $0xFFFFC000;
	s22 =	simm.s32 @!p0 $0x1  }
0x66: {  	s24 =	sshll.u32 @!p1 s23, $0x7;
	_ =	swait.ge @!p0 [sflag:s22], $0x4000  }
0x67: {  	s24 =	sadd.s32 @!p1 s12, s24;
	[sflag:s22] =	ssyncset.done @!p0 $0x0  }
0x68: {  	[sflag:s22] =	ssyncadd.s32 @!p0 $0xFFFFC000;
	s22 =	sshrl.u32 @!p1 s24, $0x3  }
0x69: {  	s25 =	simm.s32 @!p1 $0x100;
	s24 =	simm.s32 @!p1 $0x0;
	s22 =	sadd.s32 @!p1 s5, s22  }
0x6a: {  	[tilespmem:s25], [sflag:$0x4] =	stream.linear.gather @!p1 [hbm4b:s22+s24], $0x80, $0x38;
	[tilespmem:$0x12280] =	vst v63  }
0x6b: {  	s21 =	sshll.u32 @!p0 s21, $0x7;
	s22 =	simm.s32 @!p1 $0x4  }
0x6c: {  	s21 =	sadd.s32 @!p0 s12, s21;
	_ =	swait.ge @!p1 [sflag:s22], $0x80  }
0x6d: {  	s21 =	sshrl.u32 @!p0 s21, $0x3;
	[sflag:s22] =	ssyncset.done @!p1 $0x0  }
0x6e: {  	s24 =	simm.s32 @!p1 $0x4280;
	[sflag:s22] =	ssyncadd.s32 @!p1 $0xFFFFFF80;
	s22 =	simm.s32 @!p1 $0x80  }
0x6f: {  	[tilespmem:s24], [sflag:$0x2] =	stream.indirect.gather @!p1 [hbm4b:s4+s22], $0x80, s25, s22, $0xb8;
	[tilespmem:$0x12280] =	vst v63  }
0x70: {  	s21 =	sadd.s32 @!p0 s6, s21;
	s22 =	simm.s32 @!p0 $0x0;
	s24 =	simm.s32 @!p0 $0x180  }
0x71: {  	[tilespmem:s24], [sflag:$0x4] =	stream.linear.gather @!p0 [hbm4b:s21+s22], $0x80, $0x38;
	[tilespmem:$0x12280] =	vst v63  }
0x72: {  	s21 =	simm.s32 @!p0 $0x4  }
0x73: {  	s23 =	smov.u32 @p0 s20;
	_ =	swait.ge @!p0 [sflag:s21], $0x80  }
0x74: {  	s25 =	simm.s32 @!p0 $0x280;
	p1 =	sne.s32 s23, s19;
	[sflag:s21] =	ssyncset.done @!p0 $0x0  }
.Ltmp4:
0x75: {  	s22 =	simm.s32 @!p0 $0x80;
	[sflag:s21] =	ssyncadd.s32 @!p0 $0xFFFFFF80;
	(pc) =	sbr.rel @p1 .LBB2_5-.Ltmp4, $4  }
0x76: {  	[spmem:s1] =	stream.indirect.scatter.add.f32 @!p0 [tilespmem:s25], [sflag:$0x4], $0x80, s24, s22, $0xb8;
	[tilespmem:$0x12280] =	vst v63  }
0x77: {  	_ =	swait.ge @!p0 [sflag:s21], $0x4000  }
0x78: {  	[sflag:s21] =	ssyncset.done @!p0 $0x0  }
0x79: {  	[sflag:s21] =	ssyncadd.s32 @!p0 $0xFFFFC000;
	s21 =	smov.u32 s23  }
.Ltmp5:
0x7a: {  	_ = 	snop;
	(pc) =	sbr.rel .LBB2_6-.Ltmp5, $1  }
0x7b: {  	_ =	sdelay $0x3  }
.LBB2_7:
0x7c: {  	_ =	sfence.sel $0x180000  }
0x7d: {  	[bflag:$0x0] =	sbarrier.arrive $0xFFFF  }
0x7e: {  	p0 =	sne.s32 s2, $0x0;
	_ =	strace $0x9000004A  }
0x7f: {  	s0 =	sadd.s32 @!p0 $0x100000, s0;
	[bflag:$0x2] =	sbarrier.arrive $0xFFFF  }
0x80: {  	[sflag:s0] =	ssyncadd.tile.s32 @!p0 $0x1;
	_ =	shalt  }
.Lfunc_end2:
_tile_overlayer_lowered:
.L_overlay_start_2:
0x81: {  	(tag) =	ssettag $0x2  }
0x82: {  	s0 =	rddreg [dreg:$0x0];
	s2 =	stileid.u32  }
0x83: {  	s1 =	rddreg [dreg:$0x1];
	p0 =	sne.s32 s2, $0x0  }
0x84: {  	s3 =	rddreg [dreg:$0x2];
	[bflag:$0x3] =	sbarrier.arrive $0xFFFF;
	s2 =	simm.s32 @!p0 $0x1C03  }
0x85: {  	[timem:s3], [sflag:s2] =	dma.local @!p0 [hbm:s0], s1  }
0x86: {  	s0 =	simm.s32 @!p0 $0x3  }
0x87: {  	_ =	swait.ge @!p0 [sflag:s0], s1  }
0x88: {  	s1 =	ssub.s32 @!p0 $0x0, s1;
	[sflag:s0] =	ssyncset.done @!p0 $0x0  }
0x89: {  	[sflag:s0] =	ssyncadd.s32 @!p0 s1  }
0x8a: {  	[bflag:$0x3] =	sbarrier.arrive $0xFFFF  }
0x8b: {  	_ =	shalt  }

// kernel: kernel.18.cloned.1.call-start
scs
__scs_entry_jumppad:
0x0: {  	(pc) =	sbr.rel $0x88, $3  }
0x1: {  	(tag) =	ssettag $0x0;
	lr =	simm.s32 $0x1  }
0x2: {  	[smem:$0x3F84] =	sst lr;
	_ =	strace $0xD0000000  }
0x3: {  	_ = 	snop  }
0x4: {  	_ = 	snop  }
0x5: {  	_ = 	snop  }
0x6: {  	_ = 	snop  }
0x7: {  	_ = 	snop  }
__scs_overlays_trampoline_lowered:
0x8: {  	[smem:$0x3F93] =	sst s0  }
0x9: {  	[smem:$0x3F94] =	sst s1  }
0xa: {  	[smem:$0x3F95] =	sst s2  }
0xb: {  	[smem:$0x3F96] =	sst s3  }
0xc: {  	[smem:$0x3F97] =	sst s4  }
0xd: {  	[smem:$0x3F98] =	sst s5  }
0xe: {  	[smem:$0x3F99] =	sst s6  }
0xf: {  	[smem:$0x3F9A] =	sst s7  }
0x10: {  	[smem:$0x3F9B] =	sst s8  }
0x11: {  	[smem:$0x3F9C] =	sst s9;
	s0 =	simm.s32 @!p0 $0x0  }
0x12: {  	s1 =	sld [smem:$0x3F82];
	s0 =	simm.s32 @p0 $0x1  }
0x13: {  	[smem:$0x3F9D] =	sst s0;
	s0 =	simm.s32 @!p1 $0x0  }
0x14: {  	s2 =	sld [smem:$0x3F81];
	s0 =	simm.s32 @p1 $0x1  }
0x15: {  	[smem:$0x3F9E] =	sst s0;
	s0 =	simm.s32 @!p2 $0x0  }
0x16: {  	s3 =	sld [smem:$0x3FDB];
	s0 =	simm.s32 @p2 $0x1  }
0x17: {  	s4 =	simm.s32 $0x1BF5;
	[smem:$0x3FA0] =	sst s0  }
0x18: {  	s0 =	sld [smem:$0x3F83];
	_ =	swait.ge [sflag:s4], $0x0  }
0x19: {  	s7 =	sld [smem:$0x3F84]  }
0x1a: {  	s8 =	sadd.s32 $0xFFFFE003, lr  }
0x1b: {  	s9 =	sadd.s32 $0xFFFFFEF7, lr;
	s5 =	simm.s32 $0xFFFFFFFF;
	p2 =	slt.u32 s8, $0xFFFFF086  }
0x1c: {  	p1 =	slt.u32 s9, $0xF7A;
	s5 =	simm.s32 @!p2 $0x0  }
0x1d: {  	s5 =	simm.s32 @p1 $0x1;
	p0 =	seq.s32 s7, s2  }
0x1e: {  	s7 =	smul.u32 @!p0 $0xF7A, s2;
	p2 =	seq.s32 @!p0 s5, $0x0  }
0x1f: {  	s9 =	smul.u32 $0xF7A, s1;
	s8 =	simm.s32 @!p0 $0x1BF5;
	p2 =	por !p2, p0  }
0x20: {  	[sflag:s8] =	ssyncset.s32 @!p0 $0xFFFFF086;
	s6 =	sadd.s32 @!p0 s3, s7;
	s7 =	simm.s32 @!p0 $0x108  }
0x21: {  	s3 =	sadd.s32 s3, s9;
	s6 =	sadd.s32 @!p0 $0x88, s6;
	s7 =	simm.s32 @p2 $0x1082  }
0x22: {  	[simem:s7], [sflag:s8] =	dma.local @!p0 [hbm:s6], $0xF7A  }
0x23: {  	s9 =	sor.u32 $0xD0000000, s2;
	s6 =	simm.s32 $0x108;
	_ =	swait.ge @!p0 [sflag:s8], $0x0  }
0x24: {  	s3 =	sadd.s32 $0x88, s3;
	s6 =	simm.s32 @!p1 $0x1082;
	[sflag:s4] =	ssyncset.s32 $0xFFFFF086  }
0x25: {  	[simem:s6], [sflag:s4] =	dma.local [hbm:s3], $0xF7A  }
0x26: {  	[smem:$0x3F84] =	sst s1;
	(tag) =	ssettag s2;
	_ =	strace s9  }
0x27: {  	s1 =	sld [smem:$0x3F94]  }
0x28: {  	s2 =	sld [smem:$0x3F95]  }
0x29: {  	s4 =	sld [smem:$0x3F97]  }
0x2a: {  	p0 =	seq.s32 s5, $0x0;
	s5 =	sld [smem:$0x3F98]  }
0x2b: {  	s6 =	sld [smem:$0x3F99]  }
0x2c: {  	s7 =	sld [smem:$0x3F9A]  }
0x2d: {  	s3 =	simm.s32 $0x108;
	s8 =	sld [smem:$0x3F9B]  }
0x2e: {  	s3 =	simm.s32 @!p0 $0x1082;
	s9 =	sld [smem:$0x3F9C]  }
0x2f: {  	lr =	sadd.s32 s0, s3;
	s0 =	sld [smem:$0x3F93]  }
0x30: {  	s3 =	sld [smem:$0x3F96]  }
0x31: {  	[smem:$0x3F9F] =	sst s10  }
0x32: {  	s10 =	sld [smem:$0x3F9D];
	_ =	sdelay $0x3  }
0x33: {  	p0 =	seq.s32 s10, $0x1;
	s10 =	sld [smem:$0x3F9F];
	_ =	sdelay $0x3  }
0x34: {  	[smem:$0x3F9F] =	sst s10  }
0x35: {  	s10 =	sld [smem:$0x3F9E];
	_ =	sdelay $0x3  }
0x36: {  	p1 =	seq.s32 s10, $0x1;
	s10 =	sld [smem:$0x3F9F];
	_ =	sdelay $0x3  }
0x37: {  	[smem:$0x3F9F] =	sst s10  }
0x38: {  	s10 =	sld [smem:$0x3FA0]  }
0x39: {  	_ = 	snop;
	(pc) =	sbr.ind lr, $3  }
0x3a: {  	_ = 	snop  }
0x3b: {  	_ = 	snop  }
0x3c: {  	p2 =	seq.s32 s10, $0x1;
	s10 =	sld [smem:$0x3F9F]  }
0x3d: {  	_ =	shalt  }
0x3e: {  	_ =	shalt  }
0x3f: {  	_ =	shalt  }
0x40: {  	_ =	shalt  }
0x41: {  	_ =	shalt  }
0x42: {  	_ =	shalt  }
0x43: {  	_ =	shalt  }
0x44: {  	_ =	shalt  }
0x45: {  	_ =	shalt  }
0x46: {  	_ =	shalt  }
0x47: {  	_ =	shalt  }
0x48: {  	_ =	shalt  }
0x49: {  	_ =	shalt  }
0x4a: {  	_ =	shalt  }
0x4b: {  	_ =	shalt  }
0x4c: {  	_ =	shalt  }
0x4d: {  	_ =	shalt  }
0x4e: {  	_ =	shalt  }
0x4f: {  	_ =	shalt  }
0x50: {  	_ =	shalt  }
0x51: {  	_ =	shalt  }
0x52: {  	_ =	shalt  }
0x53: {  	_ =	shalt  }
0x54: {  	_ =	shalt  }
0x55: {  	_ =	shalt  }
0x56: {  	_ =	shalt  }
0x57: {  	_ =	shalt  }
0x58: {  	_ =	shalt  }
0x59: {  	_ =	shalt  }
0x5a: {  	_ =	shalt  }
0x5b: {  	_ =	shalt  }
0x5c: {  	_ =	shalt  }
0x5d: {  	_ =	shalt  }
0x5e: {  	_ =	shalt  }
0x5f: {  	_ =	shalt  }
0x60: {  	_ =	shalt  }
0x61: {  	_ =	shalt  }
0x62: {  	_ =	shalt  }
0x63: {  	_ =	shalt  }
0x64: {  	_ =	shalt  }
0x65: {  	_ =	shalt  }
0x66: {  	_ =	shalt  }
0x67: {  	_ =	shalt  }
0x68: {  	_ =	shalt  }
0x69: {  	_ =	shalt  }
0x6a: {  	_ =	shalt  }
0x6b: {  	_ =	shalt  }
0x6c: {  	_ =	shalt  }
0x6d: {  	_ =	shalt  }
0x6e: {  	_ =	shalt  }
0x6f: {  	_ =	shalt  }
0x70: {  	_ =	shalt  }
0x71: {  	_ =	shalt  }
0x72: {  	_ =	shalt  }
0x73: {  	_ =	shalt  }
0x74: {  	_ =	shalt  }
0x75: {  	_ =	shalt  }
0x76: {  	_ =	shalt  }
0x77: {  	_ =	shalt  }
0x78: {  	_ =	shalt  }
0x79: {  	_ =	shalt  }
0x7a: {  	_ =	shalt  }
0x7b: {  	_ =	shalt  }
0x7c: {  	_ =	shalt  }
0x7d: {  	_ =	shalt  }
0x7e: {  	_ =	shalt  }
0x7f: {  	_ =	shalt  }
0x80: {  	_ =	shalt  }
0x81: {  	_ =	shalt  }
0x82: {  	_ =	shalt  }
0x83: {  	_ =	shalt  }
0x84: {  	_ =	shalt  }
0x85: {  	_ =	shalt  }
0x86: {  	_ =	shalt  }
0x87: {  	_ =	shalt  }
.Lfunc_end0:
.L_simem_size_0:
called_computation.2_lowered:
.L_overlay_start_0:
0x88: {  	s2 =	sld [smem:$0x3FD9]  }
0x89: {  	s3 =	sld [smem:$0x3FFE];
	_ =	sdelay $0x1  }
0x8a: {  	s1 =	srdreg.scid  }
0x8b: {  	s0 =	sand.u32 $0x1, s1  }
0x8c: {  	s17 =	sshll.u32 s0, $0xA;
	s2 =	sadd.s32 s3, s2  }
0x8d: {  	s2 =	sadd.s32 s2, s17  }
0x8e: {  	[smem:$0x3FAB] =	sst s2  }
0x8f: {  	_ = 	snop  }
0x90: {  	s2 =	sld [smem:$0x3FD0];
	(tm) =	ssettm $0x1  }
0x91: {  	s18 =	sld [smem:$0x3FFB];
	_ =	sdelay $0x3  }
0x92: {  	_ =	strace s18  }
0x93: {  	s3 =	sld [smem:$0x3FFC];
	_ =	sdelay $0x3  }
0x94: {  	_ =	strace s3  }
0x95: {  	s3 =	sld [smem:$0x3FFD];
	_ =	sdelay $0x3  }
0x96: {  	_ =	strace s3  }
0x97: {  	_ =	strace $0x8FFFFFFF  }
0x98: {  	s19 =	sld [smem:$0x3FDB];
	_ =	sdelay $0x1  }
0x99: {  	s4 =	simm.s32 $_scs_section_size  }
0x9a: {  	s5 =	simm.s32 $_size__tile_overlayer_lowered;
	s6 =	simm.s32 $_tile_overlayer_lowered  }
0x9b: {  	s22 =	simm.s32 $0x1BFF;
	s21 =	sshll.u32 s6, $0x1;
	s3 =	sadd.s32 s4, s19  }
0x9c: {  	s7 =	simm.s32 $0x0;
	s20 =	sshll.u32 s5, $0x1;
	s5 =	sadd.s32 s21, s3  }
0x9d: {  	[timem:s7], [sflag:s22] =	dma.local [hbm:s5], s20  }
0x9e: {  	_ =	swait.ge [sflag:s22], s20  }
0x9f: {  	s4 =	ssub.s32 $0x0, s20;
	[sflag:s22] =	ssyncset.done $0x0  }
0xa0: {  	[sflag:s22] =	ssyncadd.s32 s4;
	_ =	sdelay $0x1  }
0xa1: {  	s23 =	simm.s32 $0x1B8B  }
0xa2: {  	_ =	swait.ge [sflag:s23], $0x1  }
0xa3: {  	[sflag:s23] =	ssyncset.done $0x0  }
0xa4: {  	s25 =	simm.s32 $0x1B8E;
	s24 =	sld [smem:$0x3FFE];
	[sflag:s23] =	ssyncadd.s32 $0xFFFFFFFF  }
0xa5: {  	s26 =	simm.s32 $execute0_lowered;
	[smem:$0x3FD2] =	sst s25  }
0xa6: {  	s5 =	sshll.u32 s26, $0x1;
	_ =	strace $0x8000004C;
	[dreg:$0x1] =	wrdreg $0xFFFFFFFF  }
0xa7: {  	s28 =	simm.s32 $_size_execute0_lowered;
	s3 =	sadd.s32 s3, s5;
	[dreg:$0x0] =	wrdreg $0x0  }
0xa8: {  	s5 =	sshll.u32 s28, $0x1;
	[dreg:$0x2] =	wrdreg s3  }
0xa9: {  	[dreg:$0x3] =	wrdreg s5  }
0xaa: {  	[dreg:$0x4] =	wrdreg $0xC0  }
0xab: {  	_ =	task [dreg:s7], $0x5FFFF  }
0xac: {  	[dreg:$0x1] =	wrdreg $0xFFFFFFFF  }
0xad: {  	[dreg:$0x0] =	wrdreg $0x60  }
0xae: {  	[dreg:$0x2] =	wrdreg s24  }
0xaf: {  	[dreg:$0x3] =	wrdreg s2  }
0xb0: {  	[dreg:$0x4] =	wrdreg $0x82800  }
0xb1: {  	[dreg:$0x5] =	wrdreg $0x9  }
0xb2: {  	_ =	task.clear_ibuf [dreg:s7], $0x6FFFF;
	_ =	strace $0x9000004C  }
0xb3: {  	s29 =	simm.s32 $0x9;
	_ =	strace $0x8000004E  }
0xb4: {  	_ =	swait.ge [sflag:s29], $0x1  }
0xb5: {  	[sflag:s29] =	ssyncadd.s32 $0xFFFFFFFF  }
0xb6: {  	_ =	strace $0x9000004E  }
0xb7: {  	_ =	sfence  }
0xb8: {  	s30 =	sld [smem:$0x0];
	_ =	sdelay $0x2  }
0xb9: {  	s31 =	sshll.u32 s1, $0xD;
	s1 =	sshrl.u32 s1, $0x2  }
0xba: {  	s3 =	sand.u32 $0x4000, s31;
	s1 =	sadd.s32 s1, s30  }
0xbb: {  	s0 =	sor.u32 s3, s0;
	s1 =	sshll.u32 s1, $0x11  }
0xbc: {  	s0 =	sor.u32 s1, s0  }
0xbd: {  	s0 =	sadd.s32 $0x8F2B, s0  }
0xbe: {  	[sflag:s0] =	ssyncadd.remote.s32 $0x1  }
0xbf: {  	_ =	sfence.sel $0xFFFF  }
0xc0: {  	[dreg:$0x0] =	wrdreg $0xFFFFFFFF;
	(pc) =	sbr.abs _section_cstart, $3  }
0xc1: {  	[dreg:$0x1] =	wrdreg $0xFFFFFFFF  }
0xc2: {  	_ =	task.clear_ibuf [dreg:s7], $0x2FFFF;
	_ =	strace $0x9FFFFFFF  }
0xc3: {  	(tm) =	ssettm $0x7FFFFFFF  }
tec
execute0_lowered:
.L_overlay_start_1:
0x0: {  	(tag) =	ssettag $0x1  }
0x1: {  	s7 =	rddreg [dreg:$0x0]  }
0x2: {  	s10 =	rddreg [dreg:$0x1]  }
0x3: {  	s1 =	rddreg [dreg:$0x2];
	s2 =	srdreg.scid  }
0x4: {  	s0 =	rddreg [dreg:$0x3];
	s3 =	simm.s32 $0x0;
	s16 =	simm.s32 $0x3  }
0x5: {  	s17 =	simm.s32 $0x80;
	s8 =	sand.u32 $0x1, s2;
	s2 =	stileid.u32  }
0x6: {  	s18 =	simm.s32 $0x0;
	[smem:$0x7FF] =	sst s3;
	s6 =	smul.u32 $0xA0000, s8  }
0x7: {  	s4 =	sadd.s32 $0x28AC00, s7;
	s5 =	sadd.s32 $0x19800, s7;
	s9 =	smul.u32 $0xA000, s2  }
0x8: {  	_ =	strace $0x8000004D;
	s28 =	ssub.s32 $0x2, s8;
	s8 =	sshll.u32 s8, $0x4  }
0x9: {  	s11 =	smul.u32 $0x28000, s2;
	s29 =	sshrl.u32 s28, $0x1;
	s12 =	sor.u32 s2, s8  }
0xa: {  	s9 =	sadd.s32 s9, s6;
	s6 =	sadd.s32 $0x152200, s7;
	s31 =	smul.u32 $0x9C50, s12  }
.Ltmp0:
0xb: {  	s30 =	sshrl.u32 s11, $0x2;
	s14 =	ssub.s32 s28, s29;
	(pc) =	sbr.rel .LBB2_1-.Ltmp0, $4  }
0xc: {  	s15 =	sshll.u32 s12, $0x4;
	s12 =	smul.u32 $0x4E280, s12;
	s9 =	sshrl.u32 s9, $0x3  }
0xd: {  	s10 =	sadd.s32 s10, s15;
	s14 =	smax.u32 s14, $0x1;
	s15 =	simm.s32 $0x280  }
0xe: {  	s13 =	sadd.s32 s9, s7;
	s7 =	sadd.s32 s30, s1;
	s11 =	sadd.s32 s5, s31  }
0xf: {  	v0 =	vimm.f32 $0.0e+00;
	s8 =	sadd.s32 $0x4000, s7;
	s9 =	sadd.s32 $0x8000, s7;
	s13 =	sadd.s32 $0x2B1E00, s13  }
.LBB2_6:
0x10: {  	s18 =	sadd.s32 $0x1, s18  }
0x11: {  	s19 =	sshll.u32 s2, $0x6;
	[bflag:$0x0] =	sbarrier.arrive $0xFFFF;
	p0 =	sne.s32 s18, s14  }
.Ltmp1:
0x12: {  	s20 =	sshrl.u32 s7, $0x3;
	s19 =	sor.u32 $0x1C03, s19;
	(pc) =	sbr.rel @!p0 .LBB2_7-.Ltmp1, $4  }
0x13: {  	[hbm:s13], [sflag:s19] =	dma.local [spmem:s20], $0x1400  }
0x14: {  	_ =	swait.ge [sflag:s16], $0x1400  }
0x15: {  	[sflag:s16] =	ssyncset.done $0x0  }
0x16: {  	[sflag:s16] =	ssyncadd.s32 $0xFFFFEC00  }
.LBB2_1:
0x17: {  	s19 =	simm.s32 $0x0;
	s20 =	simm.s32 $0x200  }
.LBB2_2:
0x18: {  	p0 =	sne.s32 s20, $0xFE00;
	[tilespmem:s19+$0x2F0] =	vst v0  }
0x19: {  	[tilespmem:s19+$0x280] =	vst v0  }
0x1a: {  	[tilespmem:s19+$0x290] =	vst v0  }
.Ltmp2:
0x1b: {  	[tilespmem:s19+$0x2A0] =	vst v0;
	(pc) =	sbr.rel @p0 .LBB2_2-.Ltmp2, $4  }
0x1c: {  	[tilespmem:s19+$0x2B0] =	vst v0  }
0x1d: {  	[tilespmem:s19+$0x2C0] =	vst v0  }
0x1e: {  	[tilespmem:s19+$0x2D0] =	vst v0  }
0x1f: {  	[tilespmem:s19+$0x2E0] =	vst v0;
	s19 =	sshra.s32 s20, $0x2;
	s20 =	sadd.s32 $0x200, s20  }
0x20: {  	[tilespmem:s19+$0x2F0] =	vst v0  }
0x21: {  	[tilespmem:s19+$0x280] =	vst v0  }
0x22: {  	[tilespmem:s19+$0x290] =	vst v0  }
0x23: {  	[tilespmem:s19+$0x2A0] =	vst v0  }
0x24: {  	[tilespmem:s19+$0x2B0] =	vst v0  }
0x25: {  	[tilespmem:s19+$0x2C0] =	vst v0  }
0x26: {  	[tilespmem:s19+$0x2D0] =	vst v0  }
0x27: {  	[tilespmem:s19+$0x2E0] =	vst v0  }
0x28: {  	[spmem:s7] =	stream.linear.scatter [tilespmem:s15], [sflag:$0x3], $0x4000, $0x38;
	[tilespmem:$0x12280] =	vst v63  }
0x29: {  	_ =	swait.ge [sflag:s16], $0x4000  }
0x2a: {  	[sflag:s16] =	ssyncset.done $0x0  }
0x2b: {  	[sflag:s16] =	ssyncadd.s32 $0xFFFFC000  }
0x2c: {  	[spmem:s8] =	stream.linear.scatter [tilespmem:s15], [sflag:$0x3], $0x4000, $0x38;
	[tilespmem:$0x12280] =	vst v63  }
0x2d: {  	_ =	swait.ge [sflag:s16], $0x4000  }
0x2e: {  	[sflag:s16] =	ssyncset.done $0x0  }
0x2f: {  	[sflag:s16] =	ssyncadd.s32 $0xFFFFC000  }
0x30: {  	[spmem:s9] =	stream.linear.scatter [tilespmem:s15], [sflag:$0x3], $0x2000, $0x38;
	[tilespmem:$0x12280] =	vst v63  }
0x31: {  	_ =	swait.ge [sflag:s16], $0x2000  }
0x32: {  	[sflag:s16] =	ssyncset.done $0x0  }
0x33: {  	[sflag:s16] =	ssyncadd.s32 $0xFFFFE000  }
0x34: {  	[bflag:$0x0] =	sbarrier.arrive $0xFFFF  }
0x35: {  	[tilespmem:s3], [sflag:$0x3] =	stream.linear.gather [hbm4b:s10+s3], $0x80, $0x38;
	[tilespmem:$0x12280] =	vst v63  }
0x36: {  	_ =	swait.ge [sflag:s16], $0x80  }
0x37: {  	[sflag:s16] =	ssyncset.done $0x0  }
0x38: {  	[sflag:s16] =	ssyncadd.s32 $0xFFFFFF80  }
0x39: {  	v1 =	vld [tilespmem:$0x0];
	_ =	sdelay $0x4  }
0x3a: {  	v1 =	vxor.u32 $0x80000000, v1  }
0x3b: {  	(xrf0) =	vmax.scan.msk.u32 $0xffff, v1;
	_ =	sdelay $0x5  }
0x3c: {  	v1, _, _ =	vpop (xrf0)  }
0x3d: {  	(v2sf) =	vpush v1, $0xF;
	_ =	sdelay $0xe  }
0x3e: {  	s31 =	spop (v2sf)  }
0x3f: {  	s19 =	sxor.u32 $0x80000000, s31  }
0x40: {  	p0 =	slt.s32 s19, $0x1  }
.Ltmp3:
0x41: {  	_ = 	snop;
	(pc) =	sbr.rel @p0 .LBB2_6-.Ltmp3, $1  }
0x42: {  	_ =	sdelay $0x3  }
0x43: {  	s21 =	simm.s32 $0x0  }
0x44: {  	[tilespmem:s17], [sflag:$0x3] =	stream.linear.gather [hbm4b:s11+s21], $0x80, $0x38;
	[tilespmem:$0x12280] =	vst v63  }
0x45: {  	_ =	swait.ge [sflag:s16], $0x80  }
0x46: {  	[sflag:s16] =	ssyncset.done $0x0  }
0x47: {  	[sflag:s16] =	ssyncadd.s32 $0xFFFFFF80  }
0x48: {  	[tilespmem:s15], [sflag:$0x1] =	stream.indirect.gather [hbm4b:s4+s17], $0x80, s17, s17, $0xb8;
	[tilespmem:$0x12280] =	vst v63  }
.LBB2_5:
0x49: {  	s20 =	sand.u32 $0x1, s21  }
0x4a: {  	p0 =	seq.s32 s20, $0x1  }
0x4b: {  	s20 =	sadd.s32 @p0 $0x1, s21  }
0x4c: {  	p1 =	sge.s32 @p0 s20, s19  }
0x4d: {  	s22 =	simm.s32 @p0 $0x2;
	p1 =	por p1, !p0  }
0x4e: {  	_ =	swait.ge @p0 [sflag:s22], $0x4000;
	s23 =	sshll.u32 @!p1 s20, $0x7  }
0x4f: {  	[sflag:s22] =	ssyncset.done @p0 $0x0;
	s23 =	sadd.s32 @!p1 s12, s23  }
0x50: {  	[sflag:s22] =	ssyncadd.s32 @p0 $0xFFFFC000;
	s22 =	sshrl.u32 @!p1 s23, $0x3  }
0x51: {  	s24 =	simm.s32 @!p1 $0x80;
	s23 =	simm.s32 @!p1 $0x0;
	s22 =	sadd.s32 @!p1 s5, s22  }
0x52: {  	[tilespmem:s24], [sflag:$0x4] =	stream.linear.gather @!p1 [hbm4b:s22+s23], $0x80, $0x38;
	[tilespmem:$0x12280] =	vst v63  }
0x53: {  	s22 =	simm.s32 @!p1 $0x4  }
0x54: {  	_ =	swait.ge @!p1 [sflag:s22], $0x80  }
0x55: {  	[sflag:s22] =	ssyncset.done @!p1 $0x0  }
0x56: {  	[sflag:s22] =	ssyncadd.s32 @!p1 $0xFFFFFF80;
	s22 =	simm.s32 @!p1 $0x280  }
0x57: {  	[tilespmem:s22], [sflag:$0x1] =	stream.indirect.gather @!p1 [hbm4b:s4+s24], $0x80, s24, s24, $0xb8;
	[tilespmem:$0x12280] =	vst v63  }
0x58: {  	s22 =	sshll.u32 @p0 s21, $0x7  }
0x59: {  	s22 =	sadd.s32 @p0 s12, s22  }
0x5a: {  	s22 =	sshrl.u32 @p0 s22, $0x3  }
0x5b: {  	s23 =	simm.s32 @p0 $0x0;
	s24 =	simm.s32 @p0 $0x200;
	s22 =	sadd.s32 @p0 s6, s22  }
0x5c: {  	[tilespmem:s24], [sflag:$0x4] =	stream.linear.gather @p0 [hbm4b:s22+s23], $0x80, $0x38;
	[tilespmem:$0x12280] =	vst v63  }
0x5d: {  	s22 =	simm.s32 @p0 $0x4  }
0x5e: {  	_ =	swait.ge @p0 [sflag:s22], $0x80  }
0x5f: {  	[sflag:s22] =	ssyncset.done @p0 $0x0  }
0x60: {  	s23 =	simm.s32 @p0 $0x4280;
	[sflag:s22] =	ssyncadd.s32 @p0 $0xFFFFFF80;
	s22 =	simm.s32 @p0 $0x80  }
0x61: {  	[spmem:s1] =	stream.indirect.scatter.add.f32 @p0 [tilespmem:s23], [sflag:$0x3], $0x80, s24, s22, $0xb8;
	[tilespmem:$0x12280] =	vst v63  }
0x62: {  	s22 =	simm.s32 @p0 $0x3  }
0x63: {  	s23 =	sor.u32 @!p0 $0x1, s21;
	_ =	swait.ge @p0 [sflag:s22], $0x4000  }
0x64: {  	p1 =	sge.s32 @!p0 s23, s19;
	[sflag:s22] =	ssyncset.done @p0 $0x0  }
0x65: {  	p1 =	por p1, p0;
	[sflag:s22] =	ssyncadd.s32 @p0 $0xFFFFC000;
	s22 =	simm.s32 @!p0 $0x1  }
0x66: {  	s24 =	sshll.u32 @!p1 s23, $0x7;
	_ =	swait.ge @!p0 [sflag:s22], $0x4000  }
0x67: {  	s24 =	sadd.s32 @!p1 s12, s24;
	[sflag:s22] =	ssyncset.done @!p0 $0x0  }
0x68: {  	[sflag:s22] =	ssyncadd.s32 @!p0 $0xFFFFC000;
	s22 =	sshrl.u32 @!p1 s24, $0x3  }
0x69: {  	s25 =	simm.s32 @!p1 $0x100;
	s24 =	simm.s32 @!p1 $0x0;
	s22 =	sadd.s32 @!p1 s5, s22  }
0x6a: {  	[tilespmem:s25], [sflag:$0x4] =	stream.linear.gather @!p1 [hbm4b:s22+s24], $0x80, $0x38;
	[tilespmem:$0x12280] =	vst v63  }
0x6b: {  	s21 =	sshll.u32 @!p0 s21, $0x7;
	s22 =	simm.s32 @!p1 $0x4  }
0x6c: {  	s21 =	sadd.s32 @!p0 s12, s21;
	_ =	swait.ge @!p1 [sflag:s22], $0x80  }
0x6d: {  	s21 =	sshrl.u32 @!p0 s21, $0x3;
	[sflag:s22] =	ssyncset.done @!p1 $0x0  }
0x6e: {  	s24 =	simm.s32 @!p1 $0x4280;
	[sflag:s22] =	ssyncadd.s32 @!p1 $0xFFFFFF80;
	s22 =	simm.s32 @!p1 $0x80  }
0x6f: {  	[tilespmem:s24], [sflag:$0x2] =	stream.indirect.gather @!p1 [hbm4b:s4+s22], $0x80, s25, s22, $0xb8;
	[tilespmem:$0x12280] =	vst v63  }
0x70: {  	s21 =	sadd.s32 @!p0 s6, s21;
	s22 =	simm.s32 @!p0 $0x0;
	s24 =	simm.s32 @!p0 $0x180  }
0x71: {  	[tilespmem:s24], [sflag:$0x4] =	stream.linear.gather @!p0 [hbm4b:s21+s22], $0x80, $0x38;
	[tilespmem:$0x12280] =	vst v63  }
0x72: {  	s21 =	simm.s32 @!p0 $0x4  }
0x73: {  	s23 =	smov.u32 @p0 s20;
	_ =	swait.ge @!p0 [sflag:s21], $0x80  }
0x74: {  	s25 =	simm.s32 @!p0 $0x280;
	p1 =	sne.s32 s23, s19;
	[sflag:s21] =	ssyncset.done @!p0 $0x0  }
.Ltmp4:
0x75: {  	s22 =	simm.s32 @!p0 $0x80;
	[sflag:s21] =	ssyncadd.s32 @!p0 $0xFFFFFF80;
	(pc) =	sbr.rel @p1 .LBB2_5-.Ltmp4, $4  }
0x76: {  	[spmem:s1] =	stream.indirect.scatter.add.f32 @!p0 [tilespmem:s25], [sflag:$0x4], $0x80, s24, s22, $0xb8;
	[tilespmem:$0x12280] =	vst v63  }
0x77: {  	_ =	swait.ge @!p0 [sflag:s21], $0x4000  }
0x78: {  	[sflag:s21] =	ssyncset.done @!p0 $0x0  }
0x79: {  	[sflag:s21] =	ssyncadd.s32 @!p0 $0xFFFFC000;
	s21 =	smov.u32 s23  }
.Ltmp5:
0x7a: {  	_ = 	snop;
	(pc) =	sbr.rel .LBB2_6-.Ltmp5, $1  }
0x7b: {  	_ =	sdelay $0x3  }
.LBB2_7:
0x7c: {  	_ =	sfence.sel $0x180000  }
0x7d: {  	[bflag:$0x0] =	sbarrier.arrive $0xFFFF  }
0x7e: {  	p0 =	sne.s32 s2, $0x0;
	_ =	strace $0x9000004D  }
0x7f: {  	s0 =	sadd.s32 @!p0 $0x100000, s0;
	[bflag:$0x2] =	sbarrier.arrive $0xFFFF  }
0x80: {  	[sflag:s0] =	ssyncadd.tile.s32 @!p0 $0x1;
	_ =	shalt  }
.Lfunc_end2:
_tile_overlayer_lowered:
.L_overlay_start_2:
0x81: {  	(tag) =	ssettag $0x2  }
0x82: {  	s0 =	rddreg [dreg:$0x0];
	s2 =	stileid.u32  }
0x83: {  	s1 =	rddreg [dreg:$0x1];
	p0 =	sne.s32 s2, $0x0  }
0x84: {  	s3 =	rddreg [dreg:$0x2];
	[bflag:$0x3] =	sbarrier.arrive $0xFFFF;
	s2 =	simm.s32 @!p0 $0x1C03  }
0x85: {  	[timem:s3], [sflag:s2] =	dma.local @!p0 [hbm:s0], s1  }
0x86: {  	s0 =	simm.s32 @!p0 $0x3  }
0x87: {  	_ =	swait.ge @!p0 [sflag:s0], s1  }
0x88: {  	s1 =	ssub.s32 @!p0 $0x0, s1;
	[sflag:s0] =	ssyncset.done @!p0 $0x0  }
0x89: {  	[sflag:s0] =	ssyncadd.s32 @!p0 s1  }
0x8a: {  	[bflag:$0x3] =	sbarrier.arrive $0xFFFF  }
0x8b: {  	_ =	shalt  }

// kernel: kernel.21.cloned.1.call-start
scs
__scs_entry_jumppad:
0x0: {  	(pc) =	sbr.rel $0x88, $3  }
0x1: {  	(tag) =	ssettag $0x0;
	lr =	simm.s32 $0x1  }
0x2: {  	[smem:$0x3F84] =	sst lr;
	_ =	strace $0xD0000000  }
0x3: {  	_ = 	snop  }
0x4: {  	_ = 	snop  }
0x5: {  	_ = 	snop  }
0x6: {  	_ = 	snop  }
0x7: {  	_ = 	snop  }
__scs_overlays_trampoline_lowered:
0x8: {  	[smem:$0x3F93] =	sst s0  }
0x9: {  	[smem:$0x3F94] =	sst s1  }
0xa: {  	[smem:$0x3F95] =	sst s2  }
0xb: {  	[smem:$0x3F96] =	sst s3  }
0xc: {  	[smem:$0x3F97] =	sst s4  }
0xd: {  	[smem:$0x3F98] =	sst s5  }
0xe: {  	[smem:$0x3F99] =	sst s6  }
0xf: {  	[smem:$0x3F9A] =	sst s7  }
0x10: {  	[smem:$0x3F9B] =	sst s8  }
0x11: {  	[smem:$0x3F9C] =	sst s9;
	s0 =	simm.s32 @!p0 $0x0  }
0x12: {  	s1 =	sld [smem:$0x3F82];
	s0 =	simm.s32 @p0 $0x1  }
0x13: {  	[smem:$0x3F9D] =	sst s0;
	s0 =	simm.s32 @!p1 $0x0  }
0x14: {  	s2 =	sld [smem:$0x3F81];
	s0 =	simm.s32 @p1 $0x1  }
0x15: {  	[smem:$0x3F9E] =	sst s0;
	s0 =	simm.s32 @!p2 $0x0  }
0x16: {  	s3 =	sld [smem:$0x3FDB];
	s0 =	simm.s32 @p2 $0x1  }
0x17: {  	s4 =	simm.s32 $0x1BF5;
	[smem:$0x3FA0] =	sst s0  }
0x18: {  	s0 =	sld [smem:$0x3F83];
	_ =	swait.ge [sflag:s4], $0x0  }
0x19: {  	s7 =	sld [smem:$0x3F84]  }
0x1a: {  	s8 =	sadd.s32 $0xFFFFE003, lr  }
0x1b: {  	s9 =	sadd.s32 $0xFFFFFEF7, lr;
	s5 =	simm.s32 $0xFFFFFFFF;
	p2 =	slt.u32 s8, $0xFFFFF086  }
0x1c: {  	p1 =	slt.u32 s9, $0xF7A;
	s5 =	simm.s32 @!p2 $0x0  }
0x1d: {  	s5 =	simm.s32 @p1 $0x1;
	p0 =	seq.s32 s7, s2  }
0x1e: {  	s7 =	smul.u32 @!p0 $0xF7A, s2;
	p2 =	seq.s32 @!p0 s5, $0x0  }
0x1f: {  	s9 =	smul.u32 $0xF7A, s1;
	s8 =	simm.s32 @!p0 $0x1BF5;
	p2 =	por !p2, p0  }
0x20: {  	[sflag:s8] =	ssyncset.s32 @!p0 $0xFFFFF086;
	s6 =	sadd.s32 @!p0 s3, s7;
	s7 =	simm.s32 @!p0 $0x108  }
0x21: {  	s3 =	sadd.s32 s3, s9;
	s6 =	sadd.s32 @!p0 $0x88, s6;
	s7 =	simm.s32 @p2 $0x1082  }
0x22: {  	[simem:s7], [sflag:s8] =	dma.local @!p0 [hbm:s6], $0xF7A  }
0x23: {  	s9 =	sor.u32 $0xD0000000, s2;
	s6 =	simm.s32 $0x108;
	_ =	swait.ge @!p0 [sflag:s8], $0x0  }
0x24: {  	s3 =	sadd.s32 $0x88, s3;
	s6 =	simm.s32 @!p1 $0x1082;
	[sflag:s4] =	ssyncset.s32 $0xFFFFF086  }
0x25: {  	[simem:s6], [sflag:s4] =	dma.local [hbm:s3], $0xF7A  }
0x26: {  	[smem:$0x3F84] =	sst s1;
	(tag) =	ssettag s2;
	_ =	strace s9  }
0x27: {  	s1 =	sld [smem:$0x3F94]  }
0x28: {  	s2 =	sld [smem:$0x3F95]  }
0x29: {  	s4 =	sld [smem:$0x3F97]  }
0x2a: {  	p0 =	seq.s32 s5, $0x0;
	s5 =	sld [smem:$0x3F98]  }
0x2b: {  	s6 =	sld [smem:$0x3F99]  }
0x2c: {  	s7 =	sld [smem:$0x3F9A]  }
0x2d: {  	s3 =	simm.s32 $0x108;
	s8 =	sld [smem:$0x3F9B]  }
0x2e: {  	s3 =	simm.s32 @!p0 $0x1082;
	s9 =	sld [smem:$0x3F9C]  }
0x2f: {  	lr =	sadd.s32 s0, s3;
	s0 =	sld [smem:$0x3F93]  }
0x30: {  	s3 =	sld [smem:$0x3F96]  }
0x31: {  	[smem:$0x3F9F] =	sst s10  }
0x32: {  	s10 =	sld [smem:$0x3F9D];
	_ =	sdelay $0x3  }
0x33: {  	p0 =	seq.s32 s10, $0x1;
	s10 =	sld [smem:$0x3F9F];
	_ =	sdelay $0x3  }
0x34: {  	[smem:$0x3F9F] =	sst s10  }
0x35: {  	s10 =	sld [smem:$0x3F9E];
	_ =	sdelay $0x3  }
0x36: {  	p1 =	seq.s32 s10, $0x1;
	s10 =	sld [smem:$0x3F9F];
	_ =	sdelay $0x3  }
0x37: {  	[smem:$0x3F9F] =	sst s10  }
0x38: {  	s10 =	sld [smem:$0x3FA0]  }
0x39: {  	_ = 	snop;
	(pc) =	sbr.ind lr, $3  }
0x3a: {  	_ = 	snop  }
0x3b: {  	_ = 	snop  }
0x3c: {  	p2 =	seq.s32 s10, $0x1;
	s10 =	sld [smem:$0x3F9F]  }
0x3d: {  	_ =	shalt  }
0x3e: {  	_ =	shalt  }
0x3f: {  	_ =	shalt  }
0x40: {  	_ =	shalt  }
0x41: {  	_ =	shalt  }
0x42: {  	_ =	shalt  }
0x43: {  	_ =	shalt  }
0x44: {  	_ =	shalt  }
0x45: {  	_ =	shalt  }
0x46: {  	_ =	shalt  }
0x47: {  	_ =	shalt  }
0x48: {  	_ =	shalt  }
0x49: {  	_ =	shalt  }
0x4a: {  	_ =	shalt  }
0x4b: {  	_ =	shalt  }
0x4c: {  	_ =	shalt  }
0x4d: {  	_ =	shalt  }
0x4e: {  	_ =	shalt  }
0x4f: {  	_ =	shalt  }
0x50: {  	_ =	shalt  }
0x51: {  	_ =	shalt  }
0x52: {  	_ =	shalt  }
0x53: {  	_ =	shalt  }
0x54: {  	_ =	shalt  }
0x55: {  	_ =	shalt  }
0x56: {  	_ =	shalt  }
0x57: {  	_ =	shalt  }
0x58: {  	_ =	shalt  }
0x59: {  	_ =	shalt  }
0x5a: {  	_ =	shalt  }
0x5b: {  	_ =	shalt  }
0x5c: {  	_ =	shalt  }
0x5d: {  	_ =	shalt  }
0x5e: {  	_ =	shalt  }
0x5f: {  	_ =	shalt  }
0x60: {  	_ =	shalt  }
0x61: {  	_ =	shalt  }
0x62: {  	_ =	shalt  }
0x63: {  	_ =	shalt  }
0x64: {  	_ =	shalt  }
0x65: {  	_ =	shalt  }
0x66: {  	_ =	shalt  }
0x67: {  	_ =	shalt  }
0x68: {  	_ =	shalt  }
0x69: {  	_ =	shalt  }
0x6a: {  	_ =	shalt  }
0x6b: {  	_ =	shalt  }
0x6c: {  	_ =	shalt  }
0x6d: {  	_ =	shalt  }
0x6e: {  	_ =	shalt  }
0x6f: {  	_ =	shalt  }
0x70: {  	_ =	shalt  }
0x71: {  	_ =	shalt  }
0x72: {  	_ =	shalt  }
0x73: {  	_ =	shalt  }
0x74: {  	_ =	shalt  }
0x75: {  	_ =	shalt  }
0x76: {  	_ =	shalt  }
0x77: {  	_ =	shalt  }
0x78: {  	_ =	shalt  }
0x79: {  	_ =	shalt  }
0x7a: {  	_ =	shalt  }
0x7b: {  	_ =	shalt  }
0x7c: {  	_ =	shalt  }
0x7d: {  	_ =	shalt  }
0x7e: {  	_ =	shalt  }
0x7f: {  	_ =	shalt  }
0x80: {  	_ =	shalt  }
0x81: {  	_ =	shalt  }
0x82: {  	_ =	shalt  }
0x83: {  	_ =	shalt  }
0x84: {  	_ =	shalt  }
0x85: {  	_ =	shalt  }
0x86: {  	_ =	shalt  }
0x87: {  	_ =	shalt  }
.Lfunc_end0:
.L_simem_size_0:
called_computation.3_lowered:
.L_overlay_start_0:
0x88: {  	s2 =	sld [smem:$0x3FD9]  }
0x89: {  	s3 =	sld [smem:$0x3FFE];
	_ =	sdelay $0x1  }
0x8a: {  	s1 =	srdreg.scid  }
0x8b: {  	s0 =	sand.u32 $0x1, s1  }
0x8c: {  	s17 =	sshll.u32 s0, $0xA;
	s2 =	sadd.s32 s3, s2  }
0x8d: {  	s2 =	sadd.s32 s2, s17  }
0x8e: {  	[smem:$0x3FAB] =	sst s2  }
0x8f: {  	_ = 	snop  }
0x90: {  	s2 =	sld [smem:$0x3FD0];
	(tm) =	ssettm $0x1  }
0x91: {  	s18 =	sld [smem:$0x3FFB];
	_ =	sdelay $0x3  }
0x92: {  	_ =	strace s18  }
0x93: {  	s3 =	sld [smem:$0x3FFC];
	_ =	sdelay $0x3  }
0x94: {  	_ =	strace s3  }
0x95: {  	s3 =	sld [smem:$0x3FFD];
	_ =	sdelay $0x3  }
0x96: {  	_ =	strace s3  }
0x97: {  	_ =	strace $0x8FFFFFFF  }
0x98: {  	s19 =	sld [smem:$0x3FDB];
	_ =	sdelay $0x1  }
0x99: {  	s4 =	simm.s32 $_scs_section_size  }
0x9a: {  	s5 =	simm.s32 $_size__tile_overlayer_lowered;
	s6 =	simm.s32 $_tile_overlayer_lowered  }
0x9b: {  	s22 =	simm.s32 $0x1BFF;
	s21 =	sshll.u32 s6, $0x1;
	s3 =	sadd.s32 s4, s19  }
0x9c: {  	s7 =	simm.s32 $0x0;
	s20 =	sshll.u32 s5, $0x1;
	s5 =	sadd.s32 s21, s3  }
0x9d: {  	[timem:s7], [sflag:s22] =	dma.local [hbm:s5], s20  }
0x9e: {  	_ =	swait.ge [sflag:s22], s20  }
0x9f: {  	s4 =	ssub.s32 $0x0, s20;
	[sflag:s22] =	ssyncset.done $0x0  }
0xa0: {  	[sflag:s22] =	ssyncadd.s32 s4;
	_ =	sdelay $0x1  }
0xa1: {  	s23 =	simm.s32 $0x1B8B  }
0xa2: {  	_ =	swait.ge [sflag:s23], $0x1  }
0xa3: {  	[sflag:s23] =	ssyncset.done $0x0  }
0xa4: {  	s25 =	simm.s32 $0x1B8E;
	s24 =	sld [smem:$0x3FFE];
	[sflag:s23] =	ssyncadd.s32 $0xFFFFFFFF  }
0xa5: {  	s26 =	simm.s32 $execute0_lowered;
	[smem:$0x3FD2] =	sst s25  }
0xa6: {  	s5 =	sshll.u32 s26, $0x1;
	_ =	strace $0x8000004F;
	[dreg:$0x1] =	wrdreg $0xFFFFFFFF  }
0xa7: {  	s28 =	simm.s32 $_size_execute0_lowered;
	s3 =	sadd.s32 s3, s5;
	[dreg:$0x0] =	wrdreg $0x0  }
0xa8: {  	s5 =	sshll.u32 s28, $0x1;
	[dreg:$0x2] =	wrdreg s3  }
0xa9: {  	[dreg:$0x3] =	wrdreg s5  }
0xaa: {  	[dreg:$0x4] =	wrdreg $0xC0  }
0xab: {  	_ =	task [dreg:s7], $0x5FFFF  }
0xac: {  	[dreg:$0x1] =	wrdreg $0xFFFFFFFF  }
0xad: {  	[dreg:$0x0] =	wrdreg $0x60  }
0xae: {  	[dreg:$0x2] =	wrdreg s24  }
0xaf: {  	[dreg:$0x3] =	wrdreg s2  }
0xb0: {  	[dreg:$0x4] =	wrdreg $0x82800  }
0xb1: {  	[dreg:$0x5] =	wrdreg $0x9  }
0xb2: {  	_ =	task.clear_ibuf [dreg:s7], $0x6FFFF;
	_ =	strace $0x9000004F  }
0xb3: {  	s29 =	simm.s32 $0x9;
	_ =	strace $0x80000051  }
0xb4: {  	_ =	swait.ge [sflag:s29], $0x1  }
0xb5: {  	[sflag:s29] =	ssyncadd.s32 $0xFFFFFFFF  }
0xb6: {  	_ =	strace $0x90000051  }
0xb7: {  	_ =	sfence  }
0xb8: {  	s30 =	sld [smem:$0x0];
	_ =	sdelay $0x2  }
0xb9: {  	s31 =	sshll.u32 s1, $0xD;
	s1 =	sshrl.u32 s1, $0x2  }
0xba: {  	s3 =	sand.u32 $0x4000, s31;
	s1 =	sadd.s32 s1, s30  }
0xbb: {  	s0 =	sor.u32 s3, s0;
	s1 =	sshll.u32 s1, $0x11  }
0xbc: {  	s0 =	sor.u32 s1, s0  }
0xbd: {  	s0 =	sadd.s32 $0x8F2B, s0  }
0xbe: {  	[sflag:s0] =	ssyncadd.remote.s32 $0x1  }
0xbf: {  	_ =	sfence.sel $0xFFFF  }
0xc0: {  	[dreg:$0x0] =	wrdreg $0xFFFFFFFF;
	(pc) =	sbr.abs _section_cstart, $3  }
0xc1: {  	[dreg:$0x1] =	wrdreg $0xFFFFFFFF  }
0xc2: {  	_ =	task.clear_ibuf [dreg:s7], $0x2FFFF;
	_ =	strace $0x9FFFFFFF  }
0xc3: {  	(tm) =	ssettm $0x7FFFFFFF  }
tec
execute0_lowered:
.L_overlay_start_1:
0x0: {  	(tag) =	ssettag $0x1  }
0x1: {  	s7 =	rddreg [dreg:$0x0]  }
0x2: {  	s10 =	rddreg [dreg:$0x1]  }
0x3: {  	s1 =	rddreg [dreg:$0x2];
	s2 =	srdreg.scid  }
0x4: {  	s0 =	rddreg [dreg:$0x3];
	s3 =	simm.s32 $0x0;
	s16 =	simm.s32 $0x3  }
0x5: {  	s17 =	simm.s32 $0x80;
	s8 =	sand.u32 $0x1, s2;
	s2 =	stileid.u32  }
0x6: {  	s18 =	simm.s32 $0x0;
	[smem:$0x7FF] =	sst s3;
	s6 =	smul.u32 $0xA0000, s8  }
0x7: {  	s4 =	sadd.s32 $0x28AC00, s7;
	s5 =	sadd.s32 $0x19800, s7;
	s9 =	smul.u32 $0xA000, s2  }
0x8: {  	_ =	strace $0x80000050;
	s28 =	ssub.s32 $0x2, s8;
	s8 =	sshll.u32 s8, $0x4  }
0x9: {  	s11 =	smul.u32 $0x28000, s2;
	s29 =	sshrl.u32 s28, $0x1;
	s12 =	sor.u32 s2, s8  }
0xa: {  	s9 =	sadd.s32 s9, s6;
	s6 =	sadd.s32 $0x152200, s7;
	s31 =	smul.u32 $0x9C50, s12  }
.Ltmp0:
0xb: {  	s30 =	sshrl.u32 s11, $0x2;
	s14 =	ssub.s32 s28, s29;
	(pc) =	sbr.rel .LBB2_1-.Ltmp0, $4  }
0xc: {  	s15 =	sshll.u32 s12, $0x4;
	s12 =	smul.u32 $0x4E280, s12;
	s9 =	sshrl.u32 s9, $0x3  }
0xd: {  	s10 =	sadd.s32 s10, s15;
	s14 =	smax.u32 s14, $0x1;
	s15 =	simm.s32 $0x280  }
0xe: {  	s13 =	sadd.s32 s9, s7;
	s7 =	sadd.s32 s30, s1;
	s11 =	sadd.s32 s5, s31  }
0xf: {  	v0 =	vimm.f32 $0.0e+00;
	s8 =	sadd.s32 $0x4000, s7;
	s9 =	sadd.s32 $0x8000, s7;
	s13 =	sadd.s32 $0x2B1E00, s13  }
.LBB2_6:
0x10: {  	s18 =	sadd.s32 $0x1, s18  }
0x11: {  	s19 =	sshll.u32 s2, $0x6;
	[bflag:$0x0] =	sbarrier.arrive $0xFFFF;
	p0 =	sne.s32 s18, s14  }
.Ltmp1:
0x12: {  	s20 =	sshrl.u32 s7, $0x3;
	s19 =	sor.u32 $0x1C03, s19;
	(pc) =	sbr.rel @!p0 .LBB2_7-.Ltmp1, $4  }
0x13: {  	[hbm:s13], [sflag:s19] =	dma.local [spmem:s20], $0x1400  }
0x14: {  	_ =	swait.ge [sflag:s16], $0x1400  }
0x15: {  	[sflag:s16] =	ssyncset.done $0x0  }
0x16: {  	[sflag:s16] =	ssyncadd.s32 $0xFFFFEC00  }
.LBB2_1:
0x17: {  	s19 =	simm.s32 $0x0;
	s20 =	simm.s32 $0x200  }
.LBB2_2:
0x18: {  	p0 =	sne.s32 s20, $0xFE00;
	[tilespmem:s19+$0x2F0] =	vst v0  }
0x19: {  	[tilespmem:s19+$0x280] =	vst v0  }
0x1a: {  	[tilespmem:s19+$0x290] =	vst v0  }
.Ltmp2:
0x1b: {  	[tilespmem:s19+$0x2A0] =	vst v0;
	(pc) =	sbr.rel @p0 .LBB2_2-.Ltmp2, $4  }
0x1c: {  	[tilespmem:s19+$0x2B0] =	vst v0  }
0x1d: {  	[tilespmem:s19+$0x2C0] =	vst v0  }
0x1e: {  	[tilespmem:s19+$0x2D0] =	vst v0  }
0x1f: {  	[tilespmem:s19+$0x2E0] =	vst v0;
	s19 =	sshra.s32 s20, $0x2;
	s20 =	sadd.s32 $0x200, s20  }
0x20: {  	[tilespmem:s19+$0x2F0] =	vst v0  }
0x21: {  	[tilespmem:s19+$0x280] =	vst v0  }
0x22: {  	[tilespmem:s19+$0x290] =	vst v0  }
0x23: {  	[tilespmem:s19+$0x2A0] =	vst v0  }
0x24: {  	[tilespmem:s19+$0x2B0] =	vst v0  }
0x25: {  	[tilespmem:s19+$0x2C0] =	vst v0  }
0x26: {  	[tilespmem:s19+$0x2D0] =	vst v0  }
0x27: {  	[tilespmem:s19+$0x2E0] =	vst v0  }
0x28: {  	[spmem:s7] =	stream.linear.scatter [tilespmem:s15], [sflag:$0x3], $0x4000, $0x38;
	[tilespmem:$0x12280] =	vst v63  }
0x29: {  	_ =	swait.ge [sflag:s16], $0x4000  }
0x2a: {  	[sflag:s16] =	ssyncset.done $0x0  }
0x2b: {  	[sflag:s16] =	ssyncadd.s32 $0xFFFFC000  }
0x2c: {  	[spmem:s8] =	stream.linear.scatter [tilespmem:s15], [sflag:$0x3], $0x4000, $0x38;
	[tilespmem:$0x12280] =	vst v63  }
0x2d: {  	_ =	swait.ge [sflag:s16], $0x4000  }
0x2e: {  	[sflag:s16] =	ssyncset.done $0x0  }
0x2f: {  	[sflag:s16] =	ssyncadd.s32 $0xFFFFC000  }
0x30: {  	[spmem:s9] =	stream.linear.scatter [tilespmem:s15], [sflag:$0x3], $0x2000, $0x38;
	[tilespmem:$0x12280] =	vst v63  }
0x31: {  	_ =	swait.ge [sflag:s16], $0x2000  }
0x32: {  	[sflag:s16] =	ssyncset.done $0x0  }
0x33: {  	[sflag:s16] =	ssyncadd.s32 $0xFFFFE000  }
0x34: {  	[bflag:$0x0] =	sbarrier.arrive $0xFFFF  }
0x35: {  	[tilespmem:s3], [sflag:$0x3] =	stream.linear.gather [hbm4b:s10+s3], $0x80, $0x38;
	[tilespmem:$0x12280] =	vst v63  }
0x36: {  	_ =	swait.ge [sflag:s16], $0x80  }
0x37: {  	[sflag:s16] =	ssyncset.done $0x0  }
0x38: {  	[sflag:s16] =	ssyncadd.s32 $0xFFFFFF80  }
0x39: {  	v1 =	vld [tilespmem:$0x0];
	_ =	sdelay $0x4  }
0x3a: {  	v1 =	vxor.u32 $0x80000000, v1  }
0x3b: {  	(xrf0) =	vmax.scan.msk.u32 $0xffff, v1;
	_ =	sdelay $0x5  }
0x3c: {  	v1, _, _ =	vpop (xrf0)  }
0x3d: {  	(v2sf) =	vpush v1, $0xF;
	_ =	sdelay $0xe  }
0x3e: {  	s31 =	spop (v2sf)  }
0x3f: {  	s19 =	sxor.u32 $0x80000000, s31  }
0x40: {  	p0 =	slt.s32 s19, $0x1  }
.Ltmp3:
0x41: {  	_ = 	snop;
	(pc) =	sbr.rel @p0 .LBB2_6-.Ltmp3, $1  }
0x42: {  	_ =	sdelay $0x3  }
0x43: {  	s21 =	simm.s32 $0x0  }
0x44: {  	[tilespmem:s17], [sflag:$0x3] =	stream.linear.gather [hbm4b:s11+s21], $0x80, $0x38;
	[tilespmem:$0x12280] =	vst v63  }
0x45: {  	_ =	swait.ge [sflag:s16], $0x80  }
0x46: {  	[sflag:s16] =	ssyncset.done $0x0  }
0x47: {  	[sflag:s16] =	ssyncadd.s32 $0xFFFFFF80  }
0x48: {  	[tilespmem:s15], [sflag:$0x1] =	stream.indirect.gather [hbm4b:s4+s17], $0x80, s17, s17, $0xb8;
	[tilespmem:$0x12280] =	vst v63  }
.LBB2_5:
0x49: {  	s20 =	sand.u32 $0x1, s21  }
0x4a: {  	p0 =	seq.s32 s20, $0x1  }
0x4b: {  	s20 =	sadd.s32 @p0 $0x1, s21  }
0x4c: {  	p1 =	sge.s32 @p0 s20, s19  }
0x4d: {  	s22 =	simm.s32 @p0 $0x2;
	p1 =	por p1, !p0  }
0x4e: {  	_ =	swait.ge @p0 [sflag:s22], $0x4000;
	s23 =	sshll.u32 @!p1 s20, $0x7  }
0x4f: {  	[sflag:s22] =	ssyncset.done @p0 $0x0;
	s23 =	sadd.s32 @!p1 s12, s23  }
0x50: {  	[sflag:s22] =	ssyncadd.s32 @p0 $0xFFFFC000;
	s22 =	sshrl.u32 @!p1 s23, $0x3  }
0x51: {  	s24 =	simm.s32 @!p1 $0x80;
	s23 =	simm.s32 @!p1 $0x0;
	s22 =	sadd.s32 @!p1 s5, s22  }
0x52: {  	[tilespmem:s24], [sflag:$0x4] =	stream.linear.gather @!p1 [hbm4b:s22+s23], $0x80, $0x38;
	[tilespmem:$0x12280] =	vst v63  }
0x53: {  	s22 =	simm.s32 @!p1 $0x4  }
0x54: {  	_ =	swait.ge @!p1 [sflag:s22], $0x80  }
0x55: {  	[sflag:s22] =	ssyncset.done @!p1 $0x0  }
0x56: {  	[sflag:s22] =	ssyncadd.s32 @!p1 $0xFFFFFF80;
	s22 =	simm.s32 @!p1 $0x280  }
0x57: {  	[tilespmem:s22], [sflag:$0x1] =	stream.indirect.gather @!p1 [hbm4b:s4+s24], $0x80, s24, s24, $0xb8;
	[tilespmem:$0x12280] =	vst v63  }
0x58: {  	s22 =	sshll.u32 @p0 s21, $0x7  }
0x59: {  	s22 =	sadd.s32 @p0 s12, s22  }
0x5a: {  	s22 =	sshrl.u32 @p0 s22, $0x3  }
0x5b: {  	s23 =	simm.s32 @p0 $0x0;
	s24 =	simm.s32 @p0 $0x200;
	s22 =	sadd.s32 @p0 s6, s22  }
0x5c: {  	[tilespmem:s24], [sflag:$0x4] =	stream.linear.gather @p0 [hbm4b:s22+s23], $0x80, $0x38;
	[tilespmem:$0x12280] =	vst v63  }
0x5d: {  	s22 =	simm.s32 @p0 $0x4  }
0x5e: {  	_ =	swait.ge @p0 [sflag:s22], $0x80  }
0x5f: {  	[sflag:s22] =	ssyncset.done @p0 $0x0  }
0x60: {  	s23 =	simm.s32 @p0 $0x4280;
	[sflag:s22] =	ssyncadd.s32 @p0 $0xFFFFFF80;
	s22 =	simm.s32 @p0 $0x80  }
0x61: {  	[spmem:s1] =	stream.indirect.scatter.add.f32 @p0 [tilespmem:s23], [sflag:$0x3], $0x80, s24, s22, $0xb8;
	[tilespmem:$0x12280] =	vst v63  }
0x62: {  	s22 =	simm.s32 @p0 $0x3  }
0x63: {  	s23 =	sor.u32 @!p0 $0x1, s21;
	_ =	swait.ge @p0 [sflag:s22], $0x4000  }
0x64: {  	p1 =	sge.s32 @!p0 s23, s19;
	[sflag:s22] =	ssyncset.done @p0 $0x0  }
0x65: {  	p1 =	por p1, p0;
	[sflag:s22] =	ssyncadd.s32 @p0 $0xFFFFC000;
	s22 =	simm.s32 @!p0 $0x1  }
0x66: {  	s24 =	sshll.u32 @!p1 s23, $0x7;
	_ =	swait.ge @!p0 [sflag:s22], $0x4000  }
0x67: {  	s24 =	sadd.s32 @!p1 s12, s24;
	[sflag:s22] =	ssyncset.done @!p0 $0x0  }
0x68: {  	[sflag:s22] =	ssyncadd.s32 @!p0 $0xFFFFC000;
	s22 =	sshrl.u32 @!p1 s24, $0x3  }
0x69: {  	s25 =	simm.s32 @!p1 $0x100;
	s24 =	simm.s32 @!p1 $0x0;
	s22 =	sadd.s32 @!p1 s5, s22  }
0x6a: {  	[tilespmem:s25], [sflag:$0x4] =	stream.linear.gather @!p1 [hbm4b:s22+s24], $0x80, $0x38;
	[tilespmem:$0x12280] =	vst v63  }
0x6b: {  	s21 =	sshll.u32 @!p0 s21, $0x7;
	s22 =	simm.s32 @!p1 $0x4  }
0x6c: {  	s21 =	sadd.s32 @!p0 s12, s21;
	_ =	swait.ge @!p1 [sflag:s22], $0x80  }
0x6d: {  	s21 =	sshrl.u32 @!p0 s21, $0x3;
	[sflag:s22] =	ssyncset.done @!p1 $0x0  }
0x6e: {  	s24 =	simm.s32 @!p1 $0x4280;
	[sflag:s22] =	ssyncadd.s32 @!p1 $0xFFFFFF80;
	s22 =	simm.s32 @!p1 $0x80  }
0x6f: {  	[tilespmem:s24], [sflag:$0x2] =	stream.indirect.gather @!p1 [hbm4b:s4+s22], $0x80, s25, s22, $0xb8;
	[tilespmem:$0x12280] =	vst v63  }
0x70: {  	s21 =	sadd.s32 @!p0 s6, s21;
	s22 =	simm.s32 @!p0 $0x0;
	s24 =	simm.s32 @!p0 $0x180  }
0x71: {  	[tilespmem:s24], [sflag:$0x4] =	stream.linear.gather @!p0 [hbm4b:s21+s22], $0x80, $0x38;
	[tilespmem:$0x12280] =	vst v63  }
0x72: {  	s21 =	simm.s32 @!p0 $0x4  }
0x73: {  	s23 =	smov.u32 @p0 s20;
	_ =	swait.ge @!p0 [sflag:s21], $0x80  }
0x74: {  	s25 =	simm.s32 @!p0 $0x280;
	p1 =	sne.s32 s23, s19;
	[sflag:s21] =	ssyncset.done @!p0 $0x0  }
.Ltmp4:
0x75: {  	s22 =	simm.s32 @!p0 $0x80;
	[sflag:s21] =	ssyncadd.s32 @!p0 $0xFFFFFF80;
	(pc) =	sbr.rel @p1 .LBB2_5-.Ltmp4, $4  }
0x76: {  	[spmem:s1] =	stream.indirect.scatter.add.f32 @!p0 [tilespmem:s25], [sflag:$0x4], $0x80, s24, s22, $0xb8;
	[tilespmem:$0x12280] =	vst v63  }
0x77: {  	_ =	swait.ge @!p0 [sflag:s21], $0x4000  }
0x78: {  	[sflag:s21] =	ssyncset.done @!p0 $0x0  }
0x79: {  	[sflag:s21] =	ssyncadd.s32 @!p0 $0xFFFFC000;
	s21 =	smov.u32 s23  }
.Ltmp5:
0x7a: {  	_ = 	snop;
	(pc) =	sbr.rel .LBB2_6-.Ltmp5, $1  }
0x7b: {  	_ =	sdelay $0x3  }
.LBB2_7:
0x7c: {  	_ =	sfence.sel $0x180000  }
0x7d: {  	[bflag:$0x0] =	sbarrier.arrive $0xFFFF  }
0x7e: {  	p0 =	sne.s32 s2, $0x0;
	_ =	strace $0x90000050  }
0x7f: {  	s0 =	sadd.s32 @!p0 $0x100000, s0;
	[bflag:$0x2] =	sbarrier.arrive $0xFFFF  }
0x80: {  	[sflag:s0] =	ssyncadd.tile.s32 @!p0 $0x1;
	_ =	shalt  }
.Lfunc_end2:
_tile_overlayer_lowered:
.L_overlay_start_2:
0x81: {  	(tag) =	ssettag $0x2  }
0x82: {  	s0 =	rddreg [dreg:$0x0];
	s2 =	stileid.u32  }
0x83: {  	s1 =	rddreg [dreg:$0x1];
	p0 =	sne.s32 s2, $0x0  }
0x84: {  	s3 =	rddreg [dreg:$0x2];
	[bflag:$0x3] =	sbarrier.arrive $0xFFFF;
	s2 =	simm.s32 @!p0 $0x1C03  }
0x85: {  	[timem:s3], [sflag:s2] =	dma.local @!p0 [hbm:s0], s1  }
0x86: {  	s0 =	simm.s32 @!p0 $0x3  }
0x87: {  	_ =	swait.ge @!p0 [sflag:s0], s1  }
0x88: {  	s1 =	ssub.s32 @!p0 $0x0, s1;
	[sflag:s0] =	ssyncset.done @!p0 $0x0  }
0x89: {  	[sflag:s0] =	ssyncadd.s32 @!p0 s1  }
0x8a: {  	[bflag:$0x3] =	sbarrier.arrive $0xFFFF  }
0x8b: {  	_ =	shalt  }

// kernel: kernel.24.cloned.1.call-start
scs
__scs_entry_jumppad:
0x0: {  	(pc) =	sbr.rel $0x88, $3  }
0x1: {  	(tag) =	ssettag $0x0;
	lr =	simm.s32 $0x1  }
0x2: {  	[smem:$0x3F84] =	sst lr;
	_ =	strace $0xD0000000  }
0x3: {  	_ = 	snop  }
0x4: {  	_ = 	snop  }
0x5: {  	_ = 	snop  }
0x6: {  	_ = 	snop  }
0x7: {  	_ = 	snop  }
__scs_overlays_trampoline_lowered:
0x8: {  	[smem:$0x3F93] =	sst s0  }
0x9: {  	[smem:$0x3F94] =	sst s1  }
0xa: {  	[smem:$0x3F95] =	sst s2  }
0xb: {  	[smem:$0x3F96] =	sst s3  }
0xc: {  	[smem:$0x3F97] =	sst s4  }
0xd: {  	[smem:$0x3F98] =	sst s5  }
0xe: {  	[smem:$0x3F99] =	sst s6  }
0xf: {  	[smem:$0x3F9A] =	sst s7  }
0x10: {  	[smem:$0x3F9B] =	sst s8  }
0x11: {  	[smem:$0x3F9C] =	sst s9;
	s0 =	simm.s32 @!p0 $0x0  }
0x12: {  	s1 =	sld [smem:$0x3F82];
	s0 =	simm.s32 @p0 $0x1  }
0x13: {  	[smem:$0x3F9D] =	sst s0;
	s0 =	simm.s32 @!p1 $0x0  }
0x14: {  	s2 =	sld [smem:$0x3F81];
	s0 =	simm.s32 @p1 $0x1  }
0x15: {  	[smem:$0x3F9E] =	sst s0;
	s0 =	simm.s32 @!p2 $0x0  }
0x16: {  	s3 =	sld [smem:$0x3FDB];
	s0 =	simm.s32 @p2 $0x1  }
0x17: {  	s4 =	simm.s32 $0x1BF5;
	[smem:$0x3FA0] =	sst s0  }
0x18: {  	s0 =	sld [smem:$0x3F83];
	_ =	swait.ge [sflag:s4], $0x0  }
0x19: {  	s7 =	sld [smem:$0x3F84]  }
0x1a: {  	s8 =	sadd.s32 $0xFFFFE003, lr  }
0x1b: {  	s9 =	sadd.s32 $0xFFFFFEF7, lr;
	s5 =	simm.s32 $0xFFFFFFFF;
	p2 =	slt.u32 s8, $0xFFFFF086  }
0x1c: {  	p1 =	slt.u32 s9, $0xF7A;
	s5 =	simm.s32 @!p2 $0x0  }
0x1d: {  	s5 =	simm.s32 @p1 $0x1;
	p0 =	seq.s32 s7, s2  }
0x1e: {  	s7 =	smul.u32 @!p0 $0xF7A, s2;
	p2 =	seq.s32 @!p0 s5, $0x0  }
0x1f: {  	s9 =	smul.u32 $0xF7A, s1;
	s8 =	simm.s32 @!p0 $0x1BF5;
	p2 =	por !p2, p0  }
0x20: {  	[sflag:s8] =	ssyncset.s32 @!p0 $0xFFFFF086;
	s6 =	sadd.s32 @!p0 s3, s7;
	s7 =	simm.s32 @!p0 $0x108  }
0x21: {  	s3 =	sadd.s32 s3, s9;
	s6 =	sadd.s32 @!p0 $0x88, s6;
	s7 =	simm.s32 @p2 $0x1082  }
0x22: {  	[simem:s7], [sflag:s8] =	dma.local @!p0 [hbm:s6], $0xF7A  }
0x23: {  	s9 =	sor.u32 $0xD0000000, s2;
	s6 =	simm.s32 $0x108;
	_ =	swait.ge @!p0 [sflag:s8], $0x0  }
0x24: {  	s3 =	sadd.s32 $0x88, s3;
	s6 =	simm.s32 @!p1 $0x1082;
	[sflag:s4] =	ssyncset.s32 $0xFFFFF086  }
0x25: {  	[simem:s6], [sflag:s4] =	dma.local [hbm:s3], $0xF7A  }
0x26: {  	[smem:$0x3F84] =	sst s1;
	(tag) =	ssettag s2;
	_ =	strace s9  }
0x27: {  	s1 =	sld [smem:$0x3F94]  }
0x28: {  	s2 =	sld [smem:$0x3F95]  }
0x29: {  	s4 =	sld [smem:$0x3F97]  }
0x2a: {  	p0 =	seq.s32 s5, $0x0;
	s5 =	sld [smem:$0x3F98]  }
0x2b: {  	s6 =	sld [smem:$0x3F99]  }
0x2c: {  	s7 =	sld [smem:$0x3F9A]  }
0x2d: {  	s3 =	simm.s32 $0x108;
	s8 =	sld [smem:$0x3F9B]  }
0x2e: {  	s3 =	simm.s32 @!p0 $0x1082;
	s9 =	sld [smem:$0x3F9C]  }
0x2f: {  	lr =	sadd.s32 s0, s3;
	s0 =	sld [smem:$0x3F93]  }
0x30: {  	s3 =	sld [smem:$0x3F96]  }
0x31: {  	[smem:$0x3F9F] =	sst s10  }
0x32: {  	s10 =	sld [smem:$0x3F9D];
	_ =	sdelay $0x3  }
0x33: {  	p0 =	seq.s32 s10, $0x1;
	s10 =	sld [smem:$0x3F9F];
	_ =	sdelay $0x3  }
0x34: {  	[smem:$0x3F9F] =	sst s10  }
0x35: {  	s10 =	sld [smem:$0x3F9E];
	_ =	sdelay $0x3  }
0x36: {  	p1 =	seq.s32 s10, $0x1;
	s10 =	sld [smem:$0x3F9F];
	_ =	sdelay $0x3  }
0x37: {  	[smem:$0x3F9F] =	sst s10  }
0x38: {  	s10 =	sld [smem:$0x3FA0]  }
0x39: {  	_ = 	snop;
	(pc) =	sbr.ind lr, $3  }
0x3a: {  	_ = 	snop  }
0x3b: {  	_ = 	snop  }
0x3c: {  	p2 =	seq.s32 s10, $0x1;
	s10 =	sld [smem:$0x3F9F]  }
0x3d: {  	_ =	shalt  }
0x3e: {  	_ =	shalt  }
0x3f: {  	_ =	shalt  }
0x40: {  	_ =	shalt  }
0x41: {  	_ =	shalt  }
0x42: {  	_ =	shalt  }
0x43: {  	_ =	shalt  }
0x44: {  	_ =	shalt  }
0x45: {  	_ =	shalt  }
0x46: {  	_ =	shalt  }
0x47: {  	_ =	shalt  }
0x48: {  	_ =	shalt  }
0x49: {  	_ =	shalt  }
0x4a: {  	_ =	shalt  }
0x4b: {  	_ =	shalt  }
0x4c: {  	_ =	shalt  }
0x4d: {  	_ =	shalt  }
0x4e: {  	_ =	shalt  }
0x4f: {  	_ =	shalt  }
0x50: {  	_ =	shalt  }
0x51: {  	_ =	shalt  }
0x52: {  	_ =	shalt  }
0x53: {  	_ =	shalt  }
0x54: {  	_ =	shalt  }
0x55: {  	_ =	shalt  }
0x56: {  	_ =	shalt  }
0x57: {  	_ =	shalt  }
0x58: {  	_ =	shalt  }
0x59: {  	_ =	shalt  }
0x5a: {  	_ =	shalt  }
0x5b: {  	_ =	shalt  }
0x5c: {  	_ =	shalt  }
0x5d: {  	_ =	shalt  }
0x5e: {  	_ =	shalt  }
0x5f: {  	_ =	shalt  }
0x60: {  	_ =	shalt  }
0x61: {  	_ =	shalt  }
0x62: {  	_ =	shalt  }
0x63: {  	_ =	shalt  }
0x64: {  	_ =	shalt  }
0x65: {  	_ =	shalt  }
0x66: {  	_ =	shalt  }
0x67: {  	_ =	shalt  }
0x68: {  	_ =	shalt  }
0x69: {  	_ =	shalt  }
0x6a: {  	_ =	shalt  }
0x6b: {  	_ =	shalt  }
0x6c: {  	_ =	shalt  }
0x6d: {  	_ =	shalt  }
0x6e: {  	_ =	shalt  }
0x6f: {  	_ =	shalt  }
0x70: {  	_ =	shalt  }
0x71: {  	_ =	shalt  }
0x72: {  	_ =	shalt  }
0x73: {  	_ =	shalt  }
0x74: {  	_ =	shalt  }
0x75: {  	_ =	shalt  }
0x76: {  	_ =	shalt  }
0x77: {  	_ =	shalt  }
0x78: {  	_ =	shalt  }
0x79: {  	_ =	shalt  }
0x7a: {  	_ =	shalt  }
0x7b: {  	_ =	shalt  }
0x7c: {  	_ =	shalt  }
0x7d: {  	_ =	shalt  }
0x7e: {  	_ =	shalt  }
0x7f: {  	_ =	shalt  }
0x80: {  	_ =	shalt  }
0x81: {  	_ =	shalt  }
0x82: {  	_ =	shalt  }
0x83: {  	_ =	shalt  }
0x84: {  	_ =	shalt  }
0x85: {  	_ =	shalt  }
0x86: {  	_ =	shalt  }
0x87: {  	_ =	shalt  }
.Lfunc_end0:
.L_simem_size_0:
called_computation.4_lowered:
.L_overlay_start_0:
0x88: {  	s2 =	sld [smem:$0x3FD9]  }
0x89: {  	s3 =	sld [smem:$0x3FFE];
	_ =	sdelay $0x1  }
0x8a: {  	s1 =	srdreg.scid  }
0x8b: {  	s0 =	sand.u32 $0x1, s1  }
0x8c: {  	s17 =	sshll.u32 s0, $0xA;
	s2 =	sadd.s32 s3, s2  }
0x8d: {  	s2 =	sadd.s32 s2, s17  }
0x8e: {  	[smem:$0x3FAB] =	sst s2  }
0x8f: {  	_ = 	snop  }
0x90: {  	s2 =	sld [smem:$0x3FD0];
	(tm) =	ssettm $0x1  }
0x91: {  	s18 =	sld [smem:$0x3FFB];
	_ =	sdelay $0x3  }
0x92: {  	_ =	strace s18  }
0x93: {  	s3 =	sld [smem:$0x3FFC];
	_ =	sdelay $0x3  }
0x94: {  	_ =	strace s3  }
0x95: {  	s3 =	sld [smem:$0x3FFD];
	_ =	sdelay $0x3  }
0x96: {  	_ =	strace s3  }
0x97: {  	_ =	strace $0x8FFFFFFF  }
0x98: {  	s19 =	sld [smem:$0x3FDB];
	_ =	sdelay $0x1  }
0x99: {  	s4 =	simm.s32 $_scs_section_size  }
0x9a: {  	s5 =	simm.s32 $_size__tile_overlayer_lowered;
	s6 =	simm.s32 $_tile_overlayer_lowered  }
0x9b: {  	s22 =	simm.s32 $0x1BFF;
	s21 =	sshll.u32 s6, $0x1;
	s3 =	sadd.s32 s4, s19  }
0x9c: {  	s7 =	simm.s32 $0x0;
	s20 =	sshll.u32 s5, $0x1;
	s5 =	sadd.s32 s21, s3  }
0x9d: {  	[timem:s7], [sflag:s22] =	dma.local [hbm:s5], s20  }
0x9e: {  	_ =	swait.ge [sflag:s22], s20  }
0x9f: {  	s4 =	ssub.s32 $0x0, s20;
	[sflag:s22] =	ssyncset.done $0x0  }
0xa0: {  	[sflag:s22] =	ssyncadd.s32 s4;
	_ =	sdelay $0x1  }
0xa1: {  	s23 =	simm.s32 $0x1B8B  }
0xa2: {  	_ =	swait.ge [sflag:s23], $0x1  }
0xa3: {  	[sflag:s23] =	ssyncset.done $0x0  }
0xa4: {  	s25 =	simm.s32 $0x1B8E;
	s24 =	sld [smem:$0x3FFE];
	[sflag:s23] =	ssyncadd.s32 $0xFFFFFFFF  }
0xa5: {  	s26 =	simm.s32 $execute0_lowered;
	[smem:$0x3FD2] =	sst s25  }
0xa6: {  	s5 =	sshll.u32 s26, $0x1;
	_ =	strace $0x80000052;
	[dreg:$0x1] =	wrdreg $0xFFFFFFFF  }
0xa7: {  	s28 =	simm.s32 $_size_execute0_lowered;
	s3 =	sadd.s32 s3, s5;
	[dreg:$0x0] =	wrdreg $0x0  }
0xa8: {  	s5 =	sshll.u32 s28, $0x1;
	[dreg:$0x2] =	wrdreg s3  }
0xa9: {  	[dreg:$0x3] =	wrdreg s5  }
0xaa: {  	[dreg:$0x4] =	wrdreg $0xC0  }
0xab: {  	_ =	task [dreg:s7], $0x5FFFF  }
0xac: {  	[dreg:$0x1] =	wrdreg $0xFFFFFFFF  }
0xad: {  	[dreg:$0x0] =	wrdreg $0x60  }
0xae: {  	[dreg:$0x2] =	wrdreg s24  }
0xaf: {  	[dreg:$0x3] =	wrdreg s2  }
0xb0: {  	[dreg:$0x4] =	wrdreg $0x82800  }
0xb1: {  	[dreg:$0x5] =	wrdreg $0x9  }
0xb2: {  	_ =	task.clear_ibuf [dreg:s7], $0x6FFFF;
	_ =	strace $0x90000052  }
0xb3: {  	s29 =	simm.s32 $0x9;
	_ =	strace $0x80000054  }
0xb4: {  	_ =	swait.ge [sflag:s29], $0x1  }
0xb5: {  	[sflag:s29] =	ssyncadd.s32 $0xFFFFFFFF  }
0xb6: {  	_ =	strace $0x90000054  }
0xb7: {  	_ =	sfence  }
0xb8: {  	s30 =	sld [smem:$0x0];
	_ =	sdelay $0x2  }
0xb9: {  	s31 =	sshll.u32 s1, $0xD;
	s1 =	sshrl.u32 s1, $0x2  }
0xba: {  	s3 =	sand.u32 $0x4000, s31;
	s1 =	sadd.s32 s1, s30  }
0xbb: {  	s0 =	sor.u32 s3, s0;
	s1 =	sshll.u32 s1, $0x11  }
0xbc: {  	s0 =	sor.u32 s1, s0  }
0xbd: {  	s0 =	sadd.s32 $0x8F2B, s0  }
0xbe: {  	[sflag:s0] =	ssyncadd.remote.s32 $0x1  }
0xbf: {  	_ =	sfence.sel $0xFFFF  }
0xc0: {  	[dreg:$0x0] =	wrdreg $0xFFFFFFFF;
	(pc) =	sbr.abs _section_cstart, $3  }
0xc1: {  	[dreg:$0x1] =	wrdreg $0xFFFFFFFF  }
0xc2: {  	_ =	task.clear_ibuf [dreg:s7], $0x2FFFF;
	_ =	strace $0x9FFFFFFF  }
0xc3: {  	(tm) =	ssettm $0x7FFFFFFF  }
tec
execute0_lowered:
.L_overlay_start_1:
0x0: {  	(tag) =	ssettag $0x1  }
0x1: {  	s7 =	rddreg [dreg:$0x0]  }
0x2: {  	s10 =	rddreg [dreg:$0x1]  }
0x3: {  	s1 =	rddreg [dreg:$0x2];
	s2 =	srdreg.scid  }
0x4: {  	s0 =	rddreg [dreg:$0x3];
	s3 =	simm.s32 $0x0;
	s16 =	simm.s32 $0x3  }
0x5: {  	s17 =	simm.s32 $0x80;
	s8 =	sand.u32 $0x1, s2;
	s2 =	stileid.u32  }
0x6: {  	s18 =	simm.s32 $0x0;
	[smem:$0x7FF] =	sst s3;
	s6 =	smul.u32 $0xA0000, s8  }
0x7: {  	s4 =	sadd.s32 $0x28AC00, s7;
	s5 =	sadd.s32 $0x19800, s7;
	s9 =	smul.u32 $0xA000, s2  }
0x8: {  	_ =	strace $0x80000053;
	s28 =	ssub.s32 $0x2, s8;
	s8 =	sshll.u32 s8, $0x4  }
0x9: {  	s11 =	smul.u32 $0x28000, s2;
	s29 =	sshrl.u32 s28, $0x1;
	s12 =	sor.u32 s2, s8  }
0xa: {  	s9 =	sadd.s32 s9, s6;
	s6 =	sadd.s32 $0x152200, s7;
	s31 =	smul.u32 $0x9C50, s12  }
.Ltmp0:
0xb: {  	s30 =	sshrl.u32 s11, $0x2;
	s14 =	ssub.s32 s28, s29;
	(pc) =	sbr.rel .LBB2_1-.Ltmp0, $4  }
0xc: {  	s15 =	sshll.u32 s12, $0x4;
	s12 =	smul.u32 $0x4E280, s12;
	s9 =	sshrl.u32 s9, $0x3  }
0xd: {  	s10 =	sadd.s32 s10, s15;
	s14 =	smax.u32 s14, $0x1;
	s15 =	simm.s32 $0x280  }
0xe: {  	s13 =	sadd.s32 s9, s7;
	s7 =	sadd.s32 s30, s1;
	s11 =	sadd.s32 s5, s31  }
0xf: {  	v0 =	vimm.f32 $0.0e+00;
	s8 =	sadd.s32 $0x4000, s7;
	s9 =	sadd.s32 $0x8000, s7;
	s13 =	sadd.s32 $0x2B1E00, s13  }
.LBB2_6:
0x10: {  	s18 =	sadd.s32 $0x1, s18  }
0x11: {  	s19 =	sshll.u32 s2, $0x6;
	[bflag:$0x0] =	sbarrier.arrive $0xFFFF;
	p0 =	sne.s32 s18, s14  }
.Ltmp1:
0x12: {  	s20 =	sshrl.u32 s7, $0x3;
	s19 =	sor.u32 $0x1C03, s19;
	(pc) =	sbr.rel @!p0 .LBB2_7-.Ltmp1, $4  }
0x13: {  	[hbm:s13], [sflag:s19] =	dma.local [spmem:s20], $0x1400  }
0x14: {  	_ =	swait.ge [sflag:s16], $0x1400  }
0x15: {  	[sflag:s16] =	ssyncset.done $0x0  }
0x16: {  	[sflag:s16] =	ssyncadd.s32 $0xFFFFEC00  }
.LBB2_1:
0x17: {  	s19 =	simm.s32 $0x0;
	s20 =	simm.s32 $0x200  }
.LBB2_2:
0x18: {  	p0 =	sne.s32 s20, $0xFE00;
	[tilespmem:s19+$0x2F0] =	vst v0  }
0x19: {  	[tilespmem:s19+$0x280] =	vst v0  }
0x1a: {  	[tilespmem:s19+$0x290] =	vst v0  }
.Ltmp2:
0x1b: {  	[tilespmem:s19+$0x2A0] =	vst v0;
	(pc) =	sbr.rel @p0 .LBB2_2-.Ltmp2, $4  }
0x1c: {  	[tilespmem:s19+$0x2B0] =	vst v0  }
0x1d: {  	[tilespmem:s19+$0x2C0] =	vst v0  }
0x1e: {  	[tilespmem:s19+$0x2D0] =	vst v0  }
0x1f: {  	[tilespmem:s19+$0x2E0] =	vst v0;
	s19 =	sshra.s32 s20, $0x2;
	s20 =	sadd.s32 $0x200, s20  }
0x20: {  	[tilespmem:s19+$0x2F0] =	vst v0  }
0x21: {  	[tilespmem:s19+$0x280] =	vst v0  }
0x22: {  	[tilespmem:s19+$0x290] =	vst v0  }
0x23: {  	[tilespmem:s19+$0x2A0] =	vst v0  }
0x24: {  	[tilespmem:s19+$0x2B0] =	vst v0  }
0x25: {  	[tilespmem:s19+$0x2C0] =	vst v0  }
0x26: {  	[tilespmem:s19+$0x2D0] =	vst v0  }
0x27: {  	[tilespmem:s19+$0x2E0] =	vst v0  }
0x28: {  	[spmem:s7] =	stream.linear.scatter [tilespmem:s15], [sflag:$0x3], $0x4000, $0x38;
	[tilespmem:$0x12280] =	vst v63  }
0x29: {  	_ =	swait.ge [sflag:s16], $0x4000  }
0x2a: {  	[sflag:s16] =	ssyncset.done $0x0  }
0x2b: {  	[sflag:s16] =	ssyncadd.s32 $0xFFFFC000  }
0x2c: {  	[spmem:s8] =	stream.linear.scatter [tilespmem:s15], [sflag:$0x3], $0x4000, $0x38;
	[tilespmem:$0x12280] =	vst v63  }
0x2d: {  	_ =	swait.ge [sflag:s16], $0x4000  }
0x2e: {  	[sflag:s16] =	ssyncset.done $0x0  }
0x2f: {  	[sflag:s16] =	ssyncadd.s32 $0xFFFFC000  }
0x30: {  	[spmem:s9] =	stream.linear.scatter [tilespmem:s15], [sflag:$0x3], $0x2000, $0x38;
	[tilespmem:$0x12280] =	vst v63  }
0x31: {  	_ =	swait.ge [sflag:s16], $0x2000  }
0x32: {  	[sflag:s16] =	ssyncset.done $0x0  }
0x33: {  	[sflag:s16] =	ssyncadd.s32 $0xFFFFE000  }
0x34: {  	[bflag:$0x0] =	sbarrier.arrive $0xFFFF  }
0x35: {  	[tilespmem:s3], [sflag:$0x3] =	stream.linear.gather [hbm4b:s10+s3], $0x80, $0x38;
	[tilespmem:$0x12280] =	vst v63  }
0x36: {  	_ =	swait.ge [sflag:s16], $0x80  }
0x37: {  	[sflag:s16] =	ssyncset.done $0x0  }
0x38: {  	[sflag:s16] =	ssyncadd.s32 $0xFFFFFF80  }
0x39: {  	v1 =	vld [tilespmem:$0x0];
	_ =	sdelay $0x4  }
0x3a: {  	v1 =	vxor.u32 $0x80000000, v1  }
0x3b: {  	(xrf0) =	vmax.scan.msk.u32 $0xffff, v1;
	_ =	sdelay $0x5  }
0x3c: {  	v1, _, _ =	vpop (xrf0)  }
0x3d: {  	(v2sf) =	vpush v1, $0xF;
	_ =	sdelay $0xe  }
0x3e: {  	s31 =	spop (v2sf)  }
0x3f: {  	s19 =	sxor.u32 $0x80000000, s31  }
0x40: {  	p0 =	slt.s32 s19, $0x1  }
.Ltmp3:
0x41: {  	_ = 	snop;
	(pc) =	sbr.rel @p0 .LBB2_6-.Ltmp3, $1  }
0x42: {  	_ =	sdelay $0x3  }
0x43: {  	s21 =	simm.s32 $0x0  }
0x44: {  	[tilespmem:s17], [sflag:$0x3] =	stream.linear.gather [hbm4b:s11+s21], $0x80, $0x38;
	[tilespmem:$0x12280] =	vst v63  }
0x45: {  	_ =	swait.ge [sflag:s16], $0x80  }
0x46: {  	[sflag:s16] =	ssyncset.done $0x0  }
0x47: {  	[sflag:s16] =	ssyncadd.s32 $0xFFFFFF80  }
0x48: {  	[tilespmem:s15], [sflag:$0x1] =	stream.indirect.gather [hbm4b:s4+s17], $0x80, s17, s17, $0xb8;
	[tilespmem:$0x12280] =	vst v63  }
.LBB2_5:
0x49: {  	s20 =	sand.u32 $0x1, s21  }
0x4a: {  	p0 =	seq.s32 s20, $0x1  }
0x4b: {  	s20 =	sadd.s32 @p0 $0x1, s21  }
0x4c: {  	p1 =	sge.s32 @p0 s20, s19  }
0x4d: {  	s22 =	simm.s32 @p0 $0x2;
	p1 =	por p1, !p0  }
0x4e: {  	_ =	swait.ge @p0 [sflag:s22], $0x4000;
	s23 =	sshll.u32 @!p1 s20, $0x7  }
0x4f: {  	[sflag:s22] =	ssyncset.done @p0 $0x0;
	s23 =	sadd.s32 @!p1 s12, s23  }
0x50: {  	[sflag:s22] =	ssyncadd.s32 @p0 $0xFFFFC000;
	s22 =	sshrl.u32 @!p1 s23, $0x3  }
0x51: {  	s24 =	simm.s32 @!p1 $0x80;
	s23 =	simm.s32 @!p1 $0x0;
	s22 =	sadd.s32 @!p1 s5, s22  }
0x52: {  	[tilespmem:s24], [sflag:$0x4] =	stream.linear.gather @!p1 [hbm4b:s22+s23], $0x80, $0x38;
	[tilespmem:$0x12280] =	vst v63  }
0x53: {  	s22 =	simm.s32 @!p1 $0x4  }
0x54: {  	_ =	swait.ge @!p1 [sflag:s22], $0x80  }
0x55: {  	[sflag:s22] =	ssyncset.done @!p1 $0x0  }
0x56: {  	[sflag:s22] =	ssyncadd.s32 @!p1 $0xFFFFFF80;
	s22 =	simm.s32 @!p1 $0x280  }
0x57: {  	[tilespmem:s22], [sflag:$0x1] =	stream.indirect.gather @!p1 [hbm4b:s4+s24], $0x80, s24, s24, $0xb8;
	[tilespmem:$0x12280] =	vst v63  }
0x58: {  	s22 =	sshll.u32 @p0 s21, $0x7  }
0x59: {  	s22 =	sadd.s32 @p0 s12, s22  }
0x5a: {  	s22 =	sshrl.u32 @p0 s22, $0x3  }
0x5b: {  	s23 =	simm.s32 @p0 $0x0;
	s24 =	simm.s32 @p0 $0x200;
	s22 =	sadd.s32 @p0 s6, s22  }
0x5c: {  	[tilespmem:s24], [sflag:$0x4] =	stream.linear.gather @p0 [hbm4b:s22+s23], $0x80, $0x38;
	[tilespmem:$0x12280] =	vst v63  }
0x5d: {  	s22 =	simm.s32 @p0 $0x4  }
0x5e: {  	_ =	swait.ge @p0 [sflag:s22], $0x80  }
0x5f: {  	[sflag:s22] =	ssyncset.done @p0 $0x0  }
0x60: {  	s23 =	simm.s32 @p0 $0x4280;
	[sflag:s22] =	ssyncadd.s32 @p0 $0xFFFFFF80;
	s22 =	simm.s32 @p0 $0x80  }
0x61: {  	[spmem:s1] =	stream.indirect.scatter.add.f32 @p0 [tilespmem:s23], [sflag:$0x3], $0x80, s24, s22, $0xb8;
	[tilespmem:$0x12280] =	vst v63  }
0x62: {  	s22 =	simm.s32 @p0 $0x3  }
0x63: {  	s23 =	sor.u32 @!p0 $0x1, s21;
	_ =	swait.ge @p0 [sflag:s22], $0x4000  }
0x64: {  	p1 =	sge.s32 @!p0 s23, s19;
	[sflag:s22] =	ssyncset.done @p0 $0x0  }
0x65: {  	p1 =	por p1, p0;
	[sflag:s22] =	ssyncadd.s32 @p0 $0xFFFFC000;
	s22 =	simm.s32 @!p0 $0x1  }
0x66: {  	s24 =	sshll.u32 @!p1 s23, $0x7;
	_ =	swait.ge @!p0 [sflag:s22], $0x4000  }
0x67: {  	s24 =	sadd.s32 @!p1 s12, s24;
	[sflag:s22] =	ssyncset.done @!p0 $0x0  }
0x68: {  	[sflag:s22] =	ssyncadd.s32 @!p0 $0xFFFFC000;
	s22 =	sshrl.u32 @!p1 s24, $0x3  }
0x69: {  	s25 =	simm.s32 @!p1 $0x100;
	s24 =	simm.s32 @!p1 $0x0;
	s22 =	sadd.s32 @!p1 s5, s22  }
0x6a: {  	[tilespmem:s25], [sflag:$0x4] =	stream.linear.gather @!p1 [hbm4b:s22+s24], $0x80, $0x38;
	[tilespmem:$0x12280] =	vst v63  }
0x6b: {  	s21 =	sshll.u32 @!p0 s21, $0x7;
	s22 =	simm.s32 @!p1 $0x4  }
0x6c: {  	s21 =	sadd.s32 @!p0 s12, s21;
	_ =	swait.ge @!p1 [sflag:s22], $0x80  }
0x6d: {  	s21 =	sshrl.u32 @!p0 s21, $0x3;
	[sflag:s22] =	ssyncset.done @!p1 $0x0  }
0x6e: {  	s24 =	simm.s32 @!p1 $0x4280;
	[sflag:s22] =	ssyncadd.s32 @!p1 $0xFFFFFF80;
	s22 =	simm.s32 @!p1 $0x80  }
0x6f: {  	[tilespmem:s24], [sflag:$0x2] =	stream.indirect.gather @!p1 [hbm4b:s4+s22], $0x80, s25, s22, $0xb8;
	[tilespmem:$0x12280] =	vst v63  }
0x70: {  	s21 =	sadd.s32 @!p0 s6, s21;
	s22 =	simm.s32 @!p0 $0x0;
	s24 =	simm.s32 @!p0 $0x180  }
0x71: {  	[tilespmem:s24], [sflag:$0x4] =	stream.linear.gather @!p0 [hbm4b:s21+s22], $0x80, $0x38;
	[tilespmem:$0x12280] =	vst v63  }
0x72: {  	s21 =	simm.s32 @!p0 $0x4  }
0x73: {  	s23 =	smov.u32 @p0 s20;
	_ =	swait.ge @!p0 [sflag:s21], $0x80  }
0x74: {  	s25 =	simm.s32 @!p0 $0x280;
	p1 =	sne.s32 s23, s19;
	[sflag:s21] =	ssyncset.done @!p0 $0x0  }
.Ltmp4:
0x75: {  	s22 =	simm.s32 @!p0 $0x80;
	[sflag:s21] =	ssyncadd.s32 @!p0 $0xFFFFFF80;
	(pc) =	sbr.rel @p1 .LBB2_5-.Ltmp4, $4  }
0x76: {  	[spmem:s1] =	stream.indirect.scatter.add.f32 @!p0 [tilespmem:s25], [sflag:$0x4], $0x80, s24, s22, $0xb8;
	[tilespmem:$0x12280] =	vst v63  }
0x77: {  	_ =	swait.ge @!p0 [sflag:s21], $0x4000  }
0x78: {  	[sflag:s21] =	ssyncset.done @!p0 $0x0  }
0x79: {  	[sflag:s21] =	ssyncadd.s32 @!p0 $0xFFFFC000;
	s21 =	smov.u32 s23  }
.Ltmp5:
0x7a: {  	_ = 	snop;
	(pc) =	sbr.rel .LBB2_6-.Ltmp5, $1  }
0x7b: {  	_ =	sdelay $0x3  }
.LBB2_7:
0x7c: {  	_ =	sfence.sel $0x180000  }
0x7d: {  	[bflag:$0x0] =	sbarrier.arrive $0xFFFF  }
0x7e: {  	p0 =	sne.s32 s2, $0x0;
	_ =	strace $0x90000053  }
0x7f: {  	s0 =	sadd.s32 @!p0 $0x100000, s0;
	[bflag:$0x2] =	sbarrier.arrive $0xFFFF  }
0x80: {  	[sflag:s0] =	ssyncadd.tile.s32 @!p0 $0x1;
	_ =	shalt  }
.Lfunc_end2:
_tile_overlayer_lowered:
.L_overlay_start_2:
0x81: {  	(tag) =	ssettag $0x2  }
0x82: {  	s0 =	rddreg [dreg:$0x0];
	s2 =	stileid.u32  }
0x83: {  	s1 =	rddreg [dreg:$0x1];
	p0 =	sne.s32 s2, $0x0  }
0x84: {  	s3 =	rddreg [dreg:$0x2];
	[bflag:$0x3] =	sbarrier.arrive $0xFFFF;
	s2 =	simm.s32 @!p0 $0x1C03  }
0x85: {  	[timem:s3], [sflag:s2] =	dma.local @!p0 [hbm:s0], s1  }
0x86: {  	s0 =	simm.s32 @!p0 $0x3  }
0x87: {  	_ =	swait.ge @!p0 [sflag:s0], s1  }
0x88: {  	s1 =	ssub.s32 @!p0 $0x0, s1;
	[sflag:s0] =	ssyncset.done @!p0 $0x0  }
0x89: {  	[sflag:s0] =	ssyncadd.s32 @!p0 s1  }
0x8a: {  	[bflag:$0x3] =	sbarrier.arrive $0xFFFF  }
0x8b: {  	_ =	shalt  }

</sc_bundles>
